<compile_context>
chip_gen: v7x
topology: tpu7x:2x2x1
jax: 0.10.2.dev20260603
libtpu: 0.0.44.dev20260713+nightly
codegen_flags: <defaults>
</compile_context>

<pallas_src>
import functools

import jax
import jax.numpy as jnp
from jax import lax
from jax.experimental import pallas as pl
from jax.experimental.pallas import tpu as pltpu
from jax.experimental.pallas import tpu_sc as plsc

F32 = jnp.float32


def _dot(a, b, precision=None):
    return jax.lax.dot_general(a, b, (((1,), (0,)), ((), ())),
                               preferred_element_type=F32, precision=precision)


HI = jax.lax.Precision.HIGHEST


def _conv_body(wref, bref, xref, maps_ref, m0_ref, m1_ref):
    acc = _dot(wref[...], xref[0])
    dpz = acc + bref[...]
    maps_ref[0, :, 0] = dpz[:6]
    d0, d1, d2 = dpz[0:1], dpz[1:2], dpz[2:3]
    m0_ref[0] = jnp.maximum(jnp.maximum(d0, d1), d2)
    m1_ref[0] = jnp.maximum(jnp.minimum(d0, d1),
                            jnp.minimum(jnp.maximum(d0, d1), d2))


def _usamp_body(m0_hbm, m1_hbm, tapi_hbm, tapw_hbm, u_hbm,
                m0_v, m1_v, ti_v, tw_v, ub_v):
    wid = lax.axis_index("s") * 2 + lax.axis_index("c")
    b = wid // 8
    chunk = wid % 8
    pltpu.sync_copy(m0_hbm.at[b, 0], m0_v)
    pltpu.sync_copy(m1_hbm.at[b, 0], m1_v)
    pltpu.sync_copy(tapi_hbm.at[b, chunk], ti_v)
    pltpu.sync_copy(tapw_hbm.at[b, chunk], tw_v)
    for g in range(11):
        sl = pl.ds(g * 16, 16)
        i0, i1 = ti_v[0, sl], ti_v[1, sl]
        i2, i3 = ti_v[2, sl], ti_v[3, sl]
        w0, w1 = tw_v[0, sl], tw_v[1, sl]
        w2, w3 = tw_v[2, sl], tw_v[3, sl]
        og0 = ((plsc.load_gather(m0_v, [i0]) * w0
                + plsc.load_gather(m0_v, [i1]) * w1)
               + plsc.load_gather(m0_v, [i2]) * w2) \
            + plsc.load_gather(m0_v, [i3]) * w3
        og1 = ((plsc.load_gather(m1_v, [i0]) * w0
                + plsc.load_gather(m1_v, [i1]) * w1)
               + plsc.load_gather(m1_v, [i2]) * w2) \
            + plsc.load_gather(m1_v, [i3]) * w3
        ub_v[sl] = -1.0 * (og0 - og1)
    for g in range(11, 16):
        ub_v[pl.ds(g * 16, 16)] = jnp.zeros((16,), F32)
    pltpu.sync_copy(ub_v, u_hbm.at[pl.ds(wid * 256, 256)])


def _rank_body(n_og, n_imp, n_cov, u4_ref, idx_ref):
    P = u4_ref.shape[0]
    bsel = (jax.lax.broadcasted_iota(jnp.int32, (P, 4), 1)
            == pl.program_id(0)).astype(F32)
    u_col = jnp.sum(u4_ref[...] * bsel, axis=1, keepdims=True)
    rowi = jax.lax.broadcasted_iota(jnp.int32, (P, 1), 0)
    u_col = jnp.where(rowi < n_og, u_col, -1e30)
    ones_col = jnp.ones((P, 1), F32)
    u_j = jnp.broadcast_to(u_col, (P, P))
    u_i = jax.lax.dot_general(ones_col, u_col, (((1,), (1,)), ((), ())),
                              preferred_element_type=F32,
                              precision=HI)
    jj = jax.lax.broadcasted_iota(jnp.int32, (P, P), 0)
    ii = jax.lax.broadcasted_iota(jnp.int32, (P, P), 1)
    g = (u_j > u_i) | ((u_j == u_i) & (jj < ii))
    rank = jnp.sum(g.astype(F32), axis=0, keepdims=True).astype(jnp.int32)
    pio = jax.lax.broadcasted_iota(jnp.int32, (n_imp, P), 0)
    sel = (jnp.broadcast_to(rank, (n_imp, P)) == pio).astype(F32)
    lane = jax.lax.broadcasted_iota(jnp.int32, (n_imp, P), 1).astype(F32)
    idx_dyn = jnp.sum(sel * lane, axis=1, keepdims=True)
    cov_idx = (jax.lax.broadcasted_iota(jnp.int32, (n_cov, 1), 0)
               + P).astype(F32)
    idx_ref[0] = jnp.concatenate([idx_dyn, cov_idx], axis=0).astype(jnp.int32)


def _fgather_body(maps_hbm, ti_hbm, tw_hbm, co_hbm, idx_hbm, vals_hbm, pts_hbm,
                  map_v, ti_v, tw_v, co_v, idx_v, vb_v, pb_v):
    wid = lax.axis_index("s") * 2 + lax.axis_index("c")
    b = wid // 8
    c = wid % 8
    zeros = jnp.zeros((16,), F32)
    for g in range(32):
        vb_v[pl.ds(g * 16, 16)] = zeros

    @pl.when(c < 6)
    def _():
        pltpu.sync_copy(maps_hbm.at[b, c, 0], map_v)
        pltpu.sync_copy(ti_hbm.at[b], ti_v)
        pltpu.sync_copy(tw_hbm.at[b], tw_v)
        pltpu.sync_copy(idx_hbm.at[b], idx_v)
        zc = jnp.zeros((16,), jnp.int32)
        for g in range(28):
            sl = pl.ds(g * 16, 16)
            iv = plsc.load_gather(
                idx_v, [g * 16 + jax.lax.iota(jnp.int32, 16), zc])
            acc = None
            for t in range(4):
                ts = jnp.full((16,), t, jnp.int32)
                tap = plsc.load_gather(ti_v, [ts, iv])
                w = plsc.load_gather(tw_v, [ts, iv])
                term = plsc.load_gather(map_v, [tap]) * w
                acc = term if acc is None else acc + term
            vb_v[sl] = acc
    pltpu.sync_copy(vb_v, vals_hbm.at[pl.ds(wid * 512, 512)])

    @pl.when(c == 0)
    def _():
        pltpu.sync_copy(co_hbm.at[b], co_v)
        for g in range(64):
            pb_v[pl.ds(g * 16, 16)] = zeros
        zc2 = jnp.zeros((16,), jnp.int32)
        for g in range(28):
            iv = plsc.load_gather(
                idx_v, [g * 16 + jax.lax.iota(jnp.int32, 16), zc2])
            for d in range(2):
                ds_ = jnp.full((16,), d, jnp.int32)
                pb_v[pl.ds(d * 512 + g * 16, 16)] = plsc.load_gather(
                    co_v, [ds_, iv])
        pltpu.sync_copy(pb_v, pts_hbm.at[pl.ds(b * 1024, 1024)])


def _fine_body(wref, bref, vals_ref, fine_ref):
    fine_ref[0] = _dot(wref[...], vals_ref[0], HI) + bref[...]


def _coord_math(coords, H, W):
    gx = 2.0 * coords[..., 0] - 1.0
    gy = 2.0 * coords[..., 1] - 1.0
    xf = ((gx + 1.0) * W - 1.0) / 2.0
    yf = ((gy + 1.0) * H - 1.0) / 2.0
    x0 = jnp.floor(xf)
    y0 = jnp.floor(yf)
    wx1 = xf - x0
    wx0 = 1.0 - wx1
    wy1 = yf - y0
    wy0 = 1.0 - wy1
    return x0, y0, wx0, wx1, wy0, wy1


def _flat_taps(coords, H, W):
    x0, y0, wx0, wx1, wy0, wy1 = _coord_math(coords, H, W)
    idxs, wts = [], []
    for (yy, wy), (xx, wx) in (((y0, wy0), (x0, wx0)), ((y0, wy0), (x0 + 1.0, wx1)),
                               ((y0 + 1.0, wy1), (x0, wx0)),
                               ((y0 + 1.0, wy1), (x0 + 1.0, wx1))):
        yi = yy.astype(jnp.int32)
        xi = xx.astype(jnp.int32)
        valid = (yi >= 0) & (yi < H) & (xi >= 0) & (xi < W)
        flat = jnp.clip(yi, 0, H - 1) * W + jnp.clip(xi, 0, W - 1)
        idxs.append(flat)
        wts.append(jnp.where(valid, wy * wx, 0.0))
    return jnp.stack(idxs, axis=1), jnp.stack(wts, axis=1)


@jax.jit
def kernel(x, W_down, b_down, W_samp, b_samp):
    B, C_in, H, W = x.shape
    HW = H * W
    NC = W_down.shape[0]
    up_ratio, k_over, beta = 2, 3, 0.75
    n_sample = H * up_ratio
    n_og = k_over * n_sample
    n_imp = int(beta * n_sample)
    n_cov = n_sample - n_imp
    P = 1408

    k1, k2 = jax.random.split(jax.random.key(42))
    og = jax.random.uniform(k1, (B, n_og, 2), dtype=x.dtype)
    cov = jax.random.uniform(k2, (B, n_cov, 2), dtype=x.dtype)
    ti_og, tw_og = _flat_taps(og, H, W)
    ti_cov, tw_cov = _flat_taps(cov, H, W)

    def padlast(a, n):
        return jnp.pad(a, ((0, 0), (0, 0), (0, n - a.shape[2])))

    ti_p, tw_p = padlast(ti_og, P), padlast(tw_og, P)
    tapi = ti_p.reshape(B, 4, 8, 176).transpose(0, 2, 1, 3)
    tapw = tw_p.reshape(B, 4, 8, 176).transpose(0, 2, 1, 3)
    ti_ext = jnp.concatenate([ti_p, padlast(ti_cov, 128)], axis=2)
    tw_ext = jnp.concatenate([tw_p, padlast(tw_cov, 128)], axis=2)
    co_ext = jnp.concatenate([padlast(og.transpose(0, 2, 1), P),
                              padlast(cov.transpose(0, 2, 1), 128)],
                             axis=2)

    w_cat = jnp.concatenate([W_down, W_samp[:, NC:]], axis=0)
    w_pad = jnp.pad(w_cat, ((0, 2), (0, 0)))
    b_pad = jnp.pad(b_down, (0, 5)).reshape(8, 1)
    xr = x.reshape(B, C_in, HW)
    NS = 4
    S = HW // NS
    dpz = pl.pallas_call(
        _conv_body,
        grid=(B, NS),
        in_specs=[
            pl.BlockSpec((8, C_in), lambda b, s: (0, 0)),
            pl.BlockSpec((8, 1), lambda b, s: (0, 0)),
            pl.BlockSpec((1, C_in, S), lambda b, s: (b, 0, s)),
        ],
        out_specs=[
            pl.BlockSpec((1, 6, 1, S), lambda b, s: (b, 0, 0, s)),
            pl.BlockSpec((1, 1, S), lambda b, s: (b, 0, s)),
            pl.BlockSpec((1, 1, S), lambda b, s: (b, 0, s)),
        ],
        out_shape=[
            jax.ShapeDtypeStruct((B, 6, 1, HW), F32),
            jax.ShapeDtypeStruct((B, 1, HW), F32),
            jax.ShapeDtypeStruct((B, 1, HW), F32),
        ],
    )(w_pad, b_pad, xr)
    maps6, m0m, m1m = dpz

    usamp = functools.partial(
        pl.kernel,
        out_type=jax.ShapeDtypeStruct((32 * 256,), F32),
        scratch_types=[
            pltpu.VMEM((HW,), F32),
            pltpu.VMEM((HW,), F32),
            pltpu.VMEM((4, 176), jnp.int32),
            pltpu.VMEM((4, 176), F32),
            pltpu.VMEM((256,), F32),
        ],
        mesh=plsc.VectorSubcoreMesh(core_axis_name="c", subcore_axis_name="s"),
        compiler_params=pltpu.CompilerParams(needs_layout_passes=False),
    )(_usamp_body)
    uflat = usamp(m0m, m1m, tapi, tapw)
    u4 = uflat.reshape(B, 8, 256)[:, :, :176].reshape(B, P).T

    body = functools.partial(_rank_body, n_og, n_imp, n_cov)
    idxo = pl.pallas_call(
        body,
        grid=(B,),
        in_specs=[pl.BlockSpec((P, 4), lambda b: (0, 0))],
        out_specs=pl.BlockSpec((1, n_sample, 1), lambda b: (b, 0, 0)),
        out_shape=jax.ShapeDtypeStruct((B, n_sample, 1), jnp.int32),
    )(u4)

    fgather = functools.partial(
        pl.kernel,
        out_type=[
            jax.ShapeDtypeStruct((32 * 512,), F32),
            jax.ShapeDtypeStruct((B * 1024,), F32),
        ],
        scratch_types=[
            pltpu.VMEM((HW,), F32),
            pltpu.VMEM((4, 1536), jnp.int32),
            pltpu.VMEM((4, 1536), F32),
            pltpu.VMEM((2, 1536), F32),
            pltpu.VMEM((n_sample, 1), jnp.int32),
            pltpu.VMEM((512,), F32),
            pltpu.VMEM((1024,), F32),
        ],
        mesh=plsc.VectorSubcoreMesh(core_axis_name="c", subcore_axis_name="s"),
        compiler_params=pltpu.CompilerParams(needs_layout_passes=False),
    )(_fgather_body)
    vals_flat, pts_flat = fgather(maps6, ti_ext, tw_ext, co_ext, idxo)

    w_t = jnp.concatenate([W_samp[:, :NC], jnp.eye(NC, dtype=F32)], axis=1)
    w_t = jnp.pad(w_t, ((0, 5), (0, 2)))
    bs = jnp.pad(b_samp, (0, 5)).reshape(8, 1)
    vals8 = vals_flat.reshape(B, 8, 512)[:, :, :n_sample]
    fine8 = pl.pallas_call(
        _fine_body,
        grid=(B,),
        in_specs=[
            pl.BlockSpec((8, 8), lambda b: (0, 0)),
            pl.BlockSpec((8, 1), lambda b: (0, 0)),
            pl.BlockSpec((1, 8, n_sample), lambda b: (b, 0, 0)),
        ],
        out_specs=pl.BlockSpec((1, 8, n_sample), lambda b: (b, 0, 0)),
        out_shape=jax.ShapeDtypeStruct((B, 8, n_sample), F32),
    )(w_t, bs, vals8)

    down_pred = maps6[:, :NC, 0, :].reshape(B, NC, H, W)
    pts2 = pts_flat.reshape(B, 2, 512)[:, :, :n_sample]
    points = jnp.transpose(pts2, (0, 2, 1))
    fine_pred = fine8[:, :NC, :]
    return down_pred, fine_pred, points

# --- scband reference (transcript-rebuilt; emitter-appended) ---
"""Pipeline reference for scband-render-head-39771397160984 (READ-ONLY COPY).

The authoritative reference and input builder live on the scoring server;
editing this copy changes nothing except your own understanding.
"""

import jax, jax.numpy as jnp
import numpy as np


def _point_sample(inputs, coords):
    # inputs: [B, C, H, W]; coords: [B, N, 2] in [0,1] (x=W-axis, y=H-axis)
    # Replicates F.grid_sample(inputs, 2*coords-1, mode='bilinear', padding_mode='zeros', align_corners=False)
    B, C, H, W = inputs.shape
    g = 2.0 * coords - 1.0
    gx = g[..., 0]
    gy = g[..., 1]
    x = ((gx + 1.0) * W - 1.0) / 2.0
    y = ((gy + 1.0) * H - 1.0) / 2.0
    x0 = jnp.floor(x)
    y0 = jnp.floor(y)
    x1 = x0 + 1.0
    y1 = y0 + 1.0
    wx1 = x - x0
    wx0 = 1.0 - wx1
    wy1 = y - y0
    wy0 = 1.0 - wy1
    flat = inputs.reshape(B, C, H * W)

    def gather(yy, xx):
        yi = yy.astype(jnp.int32)
        xi = xx.astype(jnp.int32)
        valid = ((yi >= 0) & (yi < H) & (xi >= 0) & (xi < W)).astype(inputs.dtype)
        yc = jnp.clip(yi, 0, H - 1)
        xc = jnp.clip(xi, 0, W - 1)
        idx = yc * W + xc
        idx_b = jnp.broadcast_to(idx[:, None, :], (B, C, idx.shape[1]))
        vals = jnp.take_along_axis(flat, idx_b, axis=2)
        return vals * valid[:, None, :]

    out = (gather(y0, x0) * (wy0 * wx0)[:, None, :]
           + gather(y0, x1) * (wy0 * wx1)[:, None, :]
           + gather(y1, x0) * (wy1 * wx0)[:, None, :]
           + gather(y1, x1) * (wy1 * wx1)[:, None, :])
    return out  # [B, C, N]


def _sampling_points(mask, n_sample, k, beta, key):
    # training branch of sampling_points (torch.no_grad -> stop_gradient)
    B, C, H, W = mask.shape
    ms = jnp.sort(mask, axis=1)[:, ::-1]  # sort descending along channel dim
    k1, k2 = jax.random.split(key)
    over_generation = jax.random.uniform(k1, (B, k * n_sample, 2), dtype=mask.dtype)
    og_map = _point_sample(ms, over_generation)  # [B, C, k*n_sample]
    uncertainty = -1.0 * (og_map[:, 0] - og_map[:, 1])  # [B, k*n_sample]
    n_imp = int(beta * n_sample)
    _, idx = jax.lax.top_k(uncertainty, n_imp)
    importance = jnp.take_along_axis(over_generation, idx[..., None], axis=1)  # [B, n_imp, 2]
    coverage = jax.random.uniform(k2, (B, n_sample - n_imp, 2), dtype=mask.dtype)
    return jax.lax.stop_gradient(jnp.concatenate([importance, coverage], axis=1))


def setup_inputs(seed: int = 0) -> dict:
    key = jax.random.key(seed)
    ks = jax.random.split(key, 5)
    B, C_in, H, W = 4, 192, 224, 224
    num_classes = 3
    x = jax.random.normal(ks[0], (B, C_in, H, W), dtype=jnp.float32)
    W_down = jax.random.normal(ks[1], (num_classes, C_in), dtype=jnp.float32) * 0.05
    b_down = jax.random.normal(ks[2], (num_classes,), dtype=jnp.float32) * 0.05
    W_samp = jax.random.normal(ks[3], (num_classes, C_in + num_classes), dtype=jnp.float32) * 0.05
    b_samp = jax.random.normal(ks[4], (num_classes,), dtype=jnp.float32) * 0.05
    return {"x": x, "W_down": W_down, "b_down": b_down, "W_samp": W_samp, "b_samp": b_samp}


def reference(x, W_down, b_down, W_samp, b_samp):
    up_ratio = 2
    over_sampling_rate = 3
    ratio_importance = 0.75
    # downhead: 1x1 Conv2d
    down_pred = jnp.einsum('bchw,oc->bohw', x, W_down) + b_down[None, :, None, None]
    B, C, H, W = down_pred.shape
    points = _sampling_points(down_pred, H * up_ratio, over_sampling_rate,
                              ratio_importance, jax.random.key(42))  # [B, n_sample, 2]
    coarse_pred_feature = _point_sample(down_pred, points)  # [B, num_classes, n]
    sampled_features = _point_sample(x, points)  # [B, C_in, n]
    feature_representation = jnp.concatenate([coarse_pred_feature, sampled_features], axis=1)
    # sample_head: 1x1 Conv1d
    fine_pred = jnp.einsum('bcn,oc->bon', feature_representation, W_samp) + b_samp[None, :, None]
    return down_pred, fine_pred, points

if __name__ == "__main__":
    import jax
    _d = setup_inputs()
    print(jax.jit(kernel)(*tuple(_d.values())))

</pallas_src>

<mosaic_0001>
#map = affine_map<(d0, d1) -> (0, 0, 0, 0)>
#map1 = affine_map<(d0, d1) -> (0, 0, 0)>
#map2 = affine_map<(d0, d1) -> (0)>
module attributes {stable_mosaic.version = 14 : i64} {
  func.func @_fgather_body(%arg0: i32, %arg1: i32, %arg2: memref<4x6x1x50176xf32, #tpu.memory_space<hbm>>, %arg3: memref<4x4x1536xi32, #tpu.memory_space<hbm>>, %arg4: memref<4x4x1536xf32, #tpu.memory_space<hbm>>, %arg5: memref<4x2x1536xf32, #tpu.memory_space<hbm>>, %arg6: memref<4x448x1xi32, #tpu.memory_space<hbm>>, %arg7: memref<16384xf32, #tpu.memory_space<hbm>>, %arg8: memref<4096xf32, #tpu.memory_space<hbm>>, %arg9: memref<50176xf32, #tpu.memory_space<vmem>>, %arg10: memref<4x1536xi32, #tpu.memory_space<vmem>>, %arg11: memref<4x1536xf32, #tpu.memory_space<vmem>>, %arg12: memref<2x1536xf32, #tpu.memory_space<vmem>>, %arg13: memref<448x1xi32, #tpu.memory_space<vmem>>, %arg14: memref<512xf32, #tpu.memory_space<vmem>>, %arg15: memref<1024xf32, #tpu.memory_space<vmem>>) attributes {dimension_semantics = [#tpu.dimension_semantics<core_parallel>, #tpu.dimension_semantics<subcore_parallel>], iteration_bounds = array<i64: 2, 16>, scalar_prefetch = 0 : i64, scratch_operands = 7 : i64, tpu.core_type = #tpu.core_type<sc_vector_subcore>, window_params = [{transform_indices = #map}, {transform_indices = #map1}, {transform_indices = #map1}, {transform_indices = #map1}, {transform_indices = #map1}, {transform_indices = #map2}, {transform_indices = #map2}]} {
    %mul3A = arith.constant 2 : i32
    %mul3A_0 = arith.muli %arg1, %mul3A : i32
    %add3A = arith.addi %mul3A_0, %arg0 : i32
    %jit3A = arith.constant 8 : i32
    %div3A = arith.divsi %add3A, %jit3A : i32
    %sign3A = arith.constant 0 : i32
    %sign3A_1 = arith.cmpi sgt, %add3A, %sign3A : i32
    %sign3A_2 = arith.extui %sign3A_1 : i1 to i32
    %sign3A_3 = arith.constant 0 : i32
    %sign3A_4 = arith.cmpi slt, %add3A, %sign3A_3 : i32
    %sign3A_5 = arith.extui %sign3A_4 : i1 to i32
    %sign3A_6 = arith.subi %sign3A_2, %sign3A_5 : i32
    %sign3A_7 = arith.constant 0 : i32
    %sign3A_8 = arith.cmpi sgt, %jit3A, %sign3A_7 : i32
    %sign3A_9 = arith.extui %sign3A_8 : i1 to i32
    %sign3A_10 = arith.constant 0 : i32
    %sign3A_11 = arith.cmpi slt, %jit3A, %sign3A_10 : i32
    %sign3A_12 = arith.extui %sign3A_11 : i1 to i32
    %sign3A_13 = arith.subi %sign3A_9, %sign3A_12 : i32
    %ne3A = arith.cmpi ne, %sign3A_6, %sign3A_13 : i32
    %rem3A = arith.remsi %add3A, %jit3A : i32
    %ne3A_14 = arith.constant 0 : i32
    %ne3A_15 = arith.cmpi ne, %rem3A, %ne3A_14 : i32
    %and3A = arith.andi %ne3A, %ne3A_15 : i1
    %sub3A = arith.constant 1 : i32
    %sub3A_16 = arith.subi %div3A, %sub3A : i32
    %select_n3A = arith.select %and3A, %sub3A_16, %div3A : i32
    %jit3A_17 = arith.constant 8 : i32
    %eq3A = arith.constant 0 : i32
    %eq3A_18 = arith.cmpi eq, %jit3A_17, %eq3A : i32
    %jit3A_19 = arith.constant 1 : i32
    %select_n3A_20 = arith.select %eq3A_18, %jit3A_19, %jit3A_17 : i32
    %rem3A_21 = arith.remsi %add3A, %select_n3A_20 : i32
    %ne3A_22 = arith.constant 0 : i32
    %ne3A_23 = arith.cmpi ne, %rem3A_21, %ne3A_22 : i32
    %lt3A = arith.constant 0 : i32
    %lt3A_24 = arith.cmpi slt, %rem3A_21, %lt3A : i32
    %lt3A_25 = arith.constant 0 : i32
    %lt3A_26 = arith.cmpi slt, %select_n3A_20, %lt3A_25 : i32
    %ne3A_27 = arith.xori %lt3A_24, %lt3A_26 : i1
    %and3A_28 = arith.andi %ne3A_27, %ne3A_23 : i1
    %add3A_29 = arith.addi %rem3A_21, %select_n3A_20 : i32
    %select_n3A_30 = arith.select %and3A_28, %add3A_29, %rem3A_21 : i32
    %broadcast_in_dim3A = arith.constant 0.000000e+00 : f32
    %broadcast_in_dim3A_31 = vector.broadcast %broadcast_in_dim3A : f32 to vector<16xf32>
    %swap3A = arith.constant 0 : index
    %swap3A_32 = tpu.vector_load %arg14[%swap3A] {strides = array<i32>} : memref<512xf32, #tpu.memory_space<vmem>>, vector<16xf32>,
    tpu.vector_store %arg14[%swap3A], %broadcast_in_dim3A_31 {strides = array<i32>} : memref<512xf32, #tpu.memory_space<vmem>>, vector<16xf32>,
    %swap3A_33 = arith.constant 16 : index
    %swap3A_34 = tpu.vector_load %arg14[%swap3A_33] {strides = array<i32>} : memref<512xf32, #tpu.memory_space<vmem>>, vector<16xf32>,
    tpu.vector_store %arg14[%swap3A_33], %broadcast_in_dim3A_31 {strides = array<i32>} : memref<512xf32, #tpu.memory_space<vmem>>, vector<16xf32>,
    %swap3A_35 = arith.constant 32 : index
    %swap3A_36 = tpu.vector_load %arg14[%swap3A_35] {strides = array<i32>} : memref<512xf32, #tpu.memory_space<vmem>>, vector<16xf32>,
    tpu.vector_store %arg14[%swap3A_35], %broadcast_in_dim3A_31 {strides = array<i32>} : memref<512xf32, #tpu.memory_space<vmem>>, vector<16xf32>,
    %swap3A_37 = arith.constant 48 : index
    %swap3A_38 = tpu.vector_load %arg14[%swap3A_37] {strides = array<i32>} : memref<512xf32, #tpu.memory_space<vmem>>, vector<16xf32>,
    tpu.vector_store %arg14[%swap3A_37], %broadcast_in_dim3A_31 {strides = array<i32>} : memref<512xf32, #tpu.memory_space<vmem>>, vector<16xf32>,
    %swap3A_39 = arith.constant 64 : index
    %swap3A_40 = tpu.vector_load %arg14[%swap3A_39] {strides = array<i32>} : memref<512xf32, #tpu.memory_space<vmem>>, vector<16xf32>,
    tpu.vector_store %arg14[%swap3A_39], %broadcast_in_dim3A_31 {strides = array<i32>} : memref<512xf32, #tpu.memory_space<vmem>>, vector<16xf32>,
    %swap3A_41 = arith.constant 80 : index
    %swap3A_42 = tpu.vector_load %arg14[%swap3A_41] {strides = array<i32>} : memref<512xf32, #tpu.memory_space<vmem>>, vector<16xf32>,
    tpu.vector_store %arg14[%swap3A_41], %broadcast_in_dim3A_31 {strides = array<i32>} : memref<512xf32, #tpu.memory_space<vmem>>, vector<16xf32>,
    %swap3A_43 = arith.constant 96 : index
    %swap3A_44 = tpu.vector_load %arg14[%swap3A_43] {strides = array<i32>} : memref<512xf32, #tpu.memory_space<vmem>>, vector<16xf32>,
    tpu.vector_store %arg14[%swap3A_43], %broadcast_in_dim3A_31 {strides = array<i32>} : memref<512xf32, #tpu.memory_space<vmem>>, vector<16xf32>,
    %swap3A_45 = arith.constant 112 : index
    %swap3A_46 = tpu.vector_load %arg14[%swap3A_45] {strides = array<i32>} : memref<512xf32, #tpu.memory_space<vmem>>, vector<16xf32>,
    tpu.vector_store %arg14[%swap3A_45], %broadcast_in_dim3A_31 {strides = array<i32>} : memref<512xf32, #tpu.memory_space<vmem>>, vector<16xf32>,
    %swap3A_47 = arith.constant 128 : index
    %swap3A_48 = tpu.vector_load %arg14[%swap3A_47] {strides = array<i32>} : memref<512xf32, #tpu.memory_space<vmem>>, vector<16xf32>,
    tpu.vector_store %arg14[%swap3A_47], %broadcast_in_dim3A_31 {strides = array<i32>} : memref<512xf32, #tpu.memory_space<vmem>>, vector<16xf32>,
    %swap3A_49 = arith.constant 144 : index
    %swap3A_50 = tpu.vector_load %arg14[%swap3A_49] {strides = array<i32>} : memref<512xf32, #tpu.memory_space<vmem>>, vector<16xf32>,
    tpu.vector_store %arg14[%swap3A_49], %broadcast_in_dim3A_31 {strides = array<i32>} : memref<512xf32, #tpu.memory_space<vmem>>, vector<16xf32>,
    %swap3A_51 = arith.constant 160 : index
    %swap3A_52 = tpu.vector_load %arg14[%swap3A_51] {strides = array<i32>} : memref<512xf32, #tpu.memory_space<vmem>>, vector<16xf32>,
    tpu.vector_store %arg14[%swap3A_51], %broadcast_in_dim3A_31 {strides = array<i32>} : memref<512xf32, #tpu.memory_space<vmem>>, vector<16xf32>,
    %swap3A_53 = arith.constant 176 : index
    %swap3A_54 = tpu.vector_load %arg14[%swap3A_53] {strides = array<i32>} : memref<512xf32, #tpu.memory_space<vmem>>, vector<16xf32>,
    tpu.vector_store %arg14[%swap3A_53], %broadcast_in_dim3A_31 {strides = array<i32>} : memref<512xf32, #tpu.memory_space<vmem>>, vector<16xf32>,
    %swap3A_55 = arith.constant 192 : index
    %swap3A_56 = tpu.vector_load %arg14[%swap3A_55] {strides = array<i32>} : memref<512xf32, #tpu.memory_space<vmem>>, vector<16xf32>,
    tpu.vector_store %arg14[%swap3A_55], %broadcast_in_dim3A_31 {strides = array<i32>} : memref<512xf32, #tpu.memory_space<vmem>>, vector<16xf32>,
    %swap3A_57 = arith.constant 208 : index
    %swap3A_58 = tpu.vector_load %arg14[%swap3A_57] {strides = array<i32>} : memref<512xf32, #tpu.memory_space<vmem>>, vector<16xf32>,
    tpu.vector_store %arg14[%swap3A_57], %broadcast_in_dim3A_31 {strides = array<i32>} : memref<512xf32, #tpu.memory_space<vmem>>, vector<16xf32>,
    %swap3A_59 = arith.constant 224 : index
    %swap3A_60 = tpu.vector_load %arg14[%swap3A_59] {strides = array<i32>} : memref<512xf32, #tpu.memory_space<vmem>>, vector<16xf32>,
    tpu.vector_store %arg14[%swap3A_59], %broadcast_in_dim3A_31 {strides = array<i32>} : memref<512xf32, #tpu.memory_space<vmem>>, vector<16xf32>,
    %swap3A_61 = arith.constant 240 : index
    %swap3A_62 = tpu.vector_load %arg14[%swap3A_61] {strides = array<i32>} : memref<512xf32, #tpu.memory_space<vmem>>, vector<16xf32>,
    tpu.vector_store %arg14[%swap3A_61], %broadcast_in_dim3A_31 {strides = array<i32>} : memref<512xf32, #tpu.memory_space<vmem>>, vector<16xf32>,
    %swap3A_63 = arith.constant 256 : index
    %swap3A_64 = tpu.vector_load %arg14[%swap3A_63] {strides = array<i32>} : memref<512xf32, #tpu.memory_space<vmem>>, vector<16xf32>,
    tpu.vector_store %arg14[%swap3A_63], %broadcast_in_dim3A_31 {strides = array<i32>} : memref<512xf32, #tpu.memory_space<vmem>>, vector<16xf32>,
    %swap3A_65 = arith.constant 272 : index
    %swap3A_66 = tpu.vector_load %arg14[%swap3A_65] {strides = array<i32>} : memref<512xf32, #tpu.memory_space<vmem>>, vector<16xf32>,
    tpu.vector_store %arg14[%swap3A_65], %broadcast_in_dim3A_31 {strides = array<i32>} : memref<512xf32, #tpu.memory_space<vmem>>, vector<16xf32>,
    %swap3A_67 = arith.constant 288 : index
    %swap3A_68 = tpu.vector_load %arg14[%swap3A_67] {strides = array<i32>} : memref<512xf32, #tpu.memory_space<vmem>>, vector<16xf32>,
    tpu.vector_store %arg14[%swap3A_67], %broadcast_in_dim3A_31 {strides = array<i32>} : memref<512xf32, #tpu.memory_space<vmem>>, vector<16xf32>,
    %swap3A_69 = arith.constant 304 : index
    %swap3A_70 = tpu.vector_load %arg14[%swap3A_69] {strides = array<i32>} : memref<512xf32, #tpu.memory_space<vmem>>, vector<16xf32>,
    tpu.vector_store %arg14[%swap3A_69], %broadcast_in_dim3A_31 {strides = array<i32>} : memref<512xf32, #tpu.memory_space<vmem>>, vector<16xf32>,
    %swap3A_71 = arith.constant 320 : index
    %swap3A_72 = tpu.vector_load %arg14[%swap3A_71] {strides = array<i32>} : memref<512xf32, #tpu.memory_space<vmem>>, vector<16xf32>,
    tpu.vector_store %arg14[%swap3A_71], %broadcast_in_dim3A_31 {strides = array<i32>} : memref<512xf32, #tpu.memory_space<vmem>>, vector<16xf32>,
    %swap3A_73 = arith.constant 336 : index
    %swap3A_74 = tpu.vector_load %arg14[%swap3A_73] {strides = array<i32>} : memref<512xf32, #tpu.memory_space<vmem>>, vector<16xf32>,
    tpu.vector_store %arg14[%swap3A_73], %broadcast_in_dim3A_31 {strides = array<i32>} : memref<512xf32, #tpu.memory_space<vmem>>, vector<16xf32>,
    %swap3A_75 = arith.constant 352 : index
    %swap3A_76 = tpu.vector_load %arg14[%swap3A_75] {strides = array<i32>} : memref<512xf32, #tpu.memory_space<vmem>>, vector<16xf32>,
    tpu.vector_store %arg14[%swap3A_75], %broadcast_in_dim3A_31 {strides = array<i32>} : memref<512xf32, #tpu.memory_space<vmem>>, vector<16xf32>,
    %swap3A_77 = arith.constant 368 : index
    %swap3A_78 = tpu.vector_load %arg14[%swap3A_77] {strides = array<i32>} : memref<512xf32, #tpu.memory_space<vmem>>, vector<16xf32>,
    tpu.vector_store %arg14[%swap3A_77], %broadcast_in_dim3A_31 {strides = array<i32>} : memref<512xf32, #tpu.memory_space<vmem>>, vector<16xf32>,
    %swap3A_79 = arith.constant 384 : index
    %swap3A_80 = tpu.vector_load %arg14[%swap3A_79] {strides = array<i32>} : memref<512xf32, #tpu.memory_space<vmem>>, vector<16xf32>,
    tpu.vector_store %arg14[%swap3A_79], %broadcast_in_dim3A_31 {strides = array<i32>} : memref<512xf32, #tpu.memory_space<vmem>>, vector<16xf32>,
    %swap3A_81 = arith.constant 400 : index
    %swap3A_82 = tpu.vector_load %arg14[%swap3A_81] {strides = array<i32>} : memref<512xf32, #tpu.memory_space<vmem>>, vector<16xf32>,
    tpu.vector_store %arg14[%swap3A_81], %broadcast_in_dim3A_31 {strides = array<i32>} : memref<512xf32, #tpu.memory_space<vmem>>, vector<16xf32>,
    %swap3A_83 = arith.constant 416 : index
    %swap3A_84 = tpu.vector_load %arg14[%swap3A_83] {strides = array<i32>} : memref<512xf32, #tpu.memory_space<vmem>>, vector<16xf32>,
    tpu.vector_store %arg14[%swap3A_83], %broadcast_in_dim3A_31 {strides = array<i32>} : memref<512xf32, #tpu.memory_space<vmem>>, vector<16xf32>,
    %swap3A_85 = arith.constant 432 : index
    %swap3A_86 = tpu.vector_load %arg14[%swap3A_85] {strides = array<i32>} : memref<512xf32, #tpu.memory_space<vmem>>, vector<16xf32>,
    tpu.vector_store %arg14[%swap3A_85], %broadcast_in_dim3A_31 {strides = array<i32>} : memref<512xf32, #tpu.memory_space<vmem>>, vector<16xf32>,
    %swap3A_87 = arith.constant 448 : index
    %swap3A_88 = tpu.vector_load %arg14[%swap3A_87] {strides = array<i32>} : memref<512xf32, #tpu.memory_space<vmem>>, vector<16xf32>,
    tpu.vector_store %arg14[%swap3A_87], %broadcast_in_dim3A_31 {strides = array<i32>} : memref<512xf32, #tpu.memory_space<vmem>>, vector<16xf32>,
    %swap3A_89 = arith.constant 464 : index
    %swap3A_90 = tpu.vector_load %arg14[%swap3A_89] {strides = array<i32>} : memref<512xf32, #tpu.memory_space<vmem>>, vector<16xf32>,
    tpu.vector_store %arg14[%swap3A_89], %broadcast_in_dim3A_31 {strides = array<i32>} : memref<512xf32, #tpu.memory_space<vmem>>, vector<16xf32>,
    %swap3A_91 = arith.constant 480 : index
    %swap3A_92 = tpu.vector_load %arg14[%swap3A_91] {strides = array<i32>} : memref<512xf32, #tpu.memory_space<vmem>>, vector<16xf32>,
    tpu.vector_store %arg14[%swap3A_91], %broadcast_in_dim3A_31 {strides = array<i32>} : memref<512xf32, #tpu.memory_space<vmem>>, vector<16xf32>,
    %swap3A_93 = arith.constant 496 : index
    %swap3A_94 = tpu.vector_load %arg14[%swap3A_93] {strides = array<i32>} : memref<512xf32, #tpu.memory_space<vmem>>, vector<16xf32>,
    tpu.vector_store %arg14[%swap3A_93], %broadcast_in_dim3A_31 {strides = array<i32>} : memref<512xf32, #tpu.memory_space<vmem>>, vector<16xf32>,
    %lt3A_95 = arith.constant 6 : i32
    %lt3A_96 = arith.cmpi slt, %select_n3A_30, %lt3A_95 : i32
    %convert_element_type3A = arith.extui %lt3A_96 : i1 to i32
    %cond3A = arith.constant 0 : i32
    %cond3A_97 = arith.cmpi ne, %convert_element_type3A, %cond3A : i32
    scf.if %cond3A_97 {
      %run_scoped3A = arith.constant 0 : i32
      "tpu.region"() ({
        %run_scoped3A_1057 = tpu.sem_alloc : memref<!tpu.dma_semaphore, #tpu.memory_space<semaphore_mem>>
        %dma_start3A = arith.constant 0 : i32
        %dma_start3A_1058 = tpu.memref_slice %arg2[%select_n3A, %select_n3A_30, %run_scoped3A, %dma_start3A] : memref<4x6x1x50176xf32, #tpu.memory_space<hbm>> -> memref<1x1x1x50176xf32, #tpu.memory_space<hbm>>
        %dma_start3A_1059 = tpu.memref_squeeze %dma_start3A_1058 : memref<1x1x1x50176xf32, #tpu.memory_space<hbm>> -> memref<50176xf32, #tpu.memory_space<hbm>>
        %dma_start3A_1060 = arith.constant 0 : i32
        %dma_start3A_1061 = tpu.memref_slice %arg2[%select_n3A, %select_n3A_30, %run_scoped3A, %dma_start3A_1060] : memref<4x6x1x50176xf32, #tpu.memory_space<hbm>> -> memref<1x1x1x50176xf32, #tpu.memory_space<hbm>>
        %dma_start3A_1062 = tpu.memref_squeeze %dma_start3A_1061 : memref<1x1x1x50176xf32, #tpu.memory_space<hbm>> -> memref<50176xf32, #tpu.memory_space<hbm>>
        tpu.enqueue_dma source(%dma_start3A_1062 : memref<50176xf32, #tpu.memory_space<hbm>>) target(%arg9 : memref<50176xf32, #tpu.memory_space<vmem>>) target_semaphore(%run_scoped3A_1057 : memref<!tpu.dma_semaphore, #tpu.memory_space<semaphore_mem>>)
        %dma_wait3A = arith.constant 0 : i32
        %dma_wait3A_1063 = tpu.memref_slice %arg2[%select_n3A, %select_n3A_30, %run_scoped3A, %dma_wait3A] : memref<4x6x1x50176xf32, #tpu.memory_space<hbm>> -> memref<1x1x1x50176xf32, #tpu.memory_space<hbm>>
        %dma_wait3A_1064 = tpu.memref_squeeze %dma_wait3A_1063 : memref<1x1x1x50176xf32, #tpu.memory_space<hbm>> -> memref<50176xf32, #tpu.memory_space<hbm>>
        %dma_wait3A_1065 = arith.constant 0 : i32
        %dma_wait3A_1066 = tpu.memref_slice %arg2[%select_n3A, %select_n3A_30, %run_scoped3A, %dma_wait3A_1065] : memref<4x6x1x50176xf32, #tpu.memory_space<hbm>> -> memref<1x1x1x50176xf32, #tpu.memory_space<hbm>>
        %dma_wait3A_1067 = tpu.memref_squeeze %dma_wait3A_1066 : memref<1x1x1x50176xf32, #tpu.memory_space<hbm>> -> memref<50176xf32, #tpu.memory_space<hbm>>
        tpu.wait_dma2 semaphore(%run_scoped3A_1057 : memref<!tpu.dma_semaphore, #tpu.memory_space<semaphore_mem>>) src(%dma_wait3A_1067 : memref<50176xf32, #tpu.memory_space<hbm>>) dst(%arg9 : memref<50176xf32, #tpu.memory_space<vmem>>)
        tpu.yield
      }) : () -> ()
      "tpu.region"() ({
        %run_scoped3A_1057 = tpu.sem_alloc : memref<!tpu.dma_semaphore, #tpu.memory_space<semaphore_mem>>
        %dma_start3A = arith.constant 0 : i32
        %dma_start3A_1058 = arith.constant 0 : i32
        %dma_start3A_1059 = tpu.memref_slice %arg3[%select_n3A, %dma_start3A, %dma_start3A_1058] : memref<4x4x1536xi32, #tpu.memory_space<hbm>> -> memref<1x4x1536xi32, #tpu.memory_space<hbm>>
        %dma_start3A_1060 = tpu.memref_squeeze %dma_start3A_1059 : memref<1x4x1536xi32, #tpu.memory_space<hbm>> -> memref<4x1536xi32, #tpu.memory_space<hbm>>
        %dma_start3A_1061 = arith.constant 0 : i32
        %dma_start3A_1062 = arith.constant 0 : i32
        %dma_start3A_1063 = tpu.memref_slice %arg3[%select_n3A, %dma_start3A_1061, %dma_start3A_1062] : memref<4x4x1536xi32, #tpu.memory_space<hbm>> -> memref<1x4x1536xi32, #tpu.memory_space<hbm>>
        %dma_start3A_1064 = tpu.memref_squeeze %dma_start3A_1063 : memref<1x4x1536xi32, #tpu.memory_space<hbm>> -> memref<4x1536xi32, #tpu.memory_space<hbm>>
        tpu.enqueue_dma source(%dma_start3A_1064 : memref<4x1536xi32, #tpu.memory_space<hbm>>) target(%arg10 : memref<4x1536xi32, #tpu.memory_space<vmem>>) target_semaphore(%run_scoped3A_1057 : memref<!tpu.dma_semaphore, #tpu.memory_space<semaphore_mem>>)
        %dma_wait3A = arith.constant 0 : i32
        %dma_wait3A_1065 = arith.constant 0 : i32
        %dma_wait3A_1066 = tpu.memref_slice %arg3[%select_n3A, %dma_wait3A, %dma_wait3A_1065] : memref<4x4x1536xi32, #tpu.memory_space<hbm>> -> memref<1x4x1536xi32, #tpu.memory_space<hbm>>
        %dma_wait3A_1067 = tpu.memref_squeeze %dma_wait3A_1066 : memref<1x4x1536xi32, #tpu.memory_space<hbm>> -> memref<4x1536xi32, #tpu.memory_space<hbm>>
        %dma_wait3A_1068 = arith.constant 0 : i32
        %dma_wait3A_1069 = arith.constant 0 : i32
        %dma_wait3A_1070 = tpu.memref_slice %arg3[%select_n3A, %dma_wait3A_1068, %dma_wait3A_1069] : memref<4x4x1536xi32, #tpu.memory_space<hbm>> -> memref<1x4x1536xi32, #tpu.memory_space<hbm>>
        %dma_wait3A_1071 = tpu.memref_squeeze %dma_wait3A_1070 : memref<1x4x1536xi32, #tpu.memory_space<hbm>> -> memref<4x1536xi32, #tpu.memory_space<hbm>>
        tpu.wait_dma2 semaphore(%run_scoped3A_1057 : memref<!tpu.dma_semaphore, #tpu.memory_space<semaphore_mem>>) src(%dma_wait3A_1071 : memref<4x1536xi32, #tpu.memory_space<hbm>>) dst(%arg10 : memref<4x1536xi32, #tpu.memory_space<vmem>>)
        tpu.yield
      }) : () -> ()
      "tpu.region"() ({
        %run_scoped3A_1057 = tpu.sem_alloc : memref<!tpu.dma_semaphore, #tpu.memory_space<semaphore_mem>>
        %dma_start3A = arith.constant 0 : i32
        %dma_start3A_1058 = arith.constant 0 : i32
        %dma_start3A_1059 = tpu.memref_slice %arg4[%select_n3A, %dma_start3A, %dma_start3A_1058] : memref<4x4x1536xf32, #tpu.memory_space<hbm>> -> memref<1x4x1536xf32, #tpu.memory_space<hbm>>
        %dma_start3A_1060 = tpu.memref_squeeze %dma_start3A_1059 : memref<1x4x1536xf32, #tpu.memory_space<hbm>> -> memref<4x1536xf32, #tpu.memory_space<hbm>>
        %dma_start3A_1061 = arith.constant 0 : i32
        %dma_start3A_1062 = arith.constant 0 : i32
        %dma_start3A_1063 = tpu.memref_slice %arg4[%select_n3A, %dma_start3A_1061, %dma_start3A_1062] : memref<4x4x1536xf32, #tpu.memory_space<hbm>> -> memref<1x4x1536xf32, #tpu.memory_space<hbm>>
        %dma_start3A_1064 = tpu.memref_squeeze %dma_start3A_1063 : memref<1x4x1536xf32, #tpu.memory_space<hbm>> -> memref<4x1536xf32, #tpu.memory_space<hbm>>
        tpu.enqueue_dma source(%dma_start3A_1064 : memref<4x1536xf32, #tpu.memory_space<hbm>>) target(%arg11 : memref<4x1536xf32, #tpu.memory_space<vmem>>) target_semaphore(%run_scoped3A_1057 : memref<!tpu.dma_semaphore, #tpu.memory_space<semaphore_mem>>)
        %dma_wait3A = arith.constant 0 : i32
        %dma_wait3A_1065 = arith.constant 0 : i32
        %dma_wait3A_1066 = tpu.memref_slice %arg4[%select_n3A, %dma_wait3A, %dma_wait3A_1065] : memref<4x4x1536xf32, #tpu.memory_space<hbm>> -> memref<1x4x1536xf32, #tpu.memory_space<hbm>>
        %dma_wait3A_1067 = tpu.memref_squeeze %dma_wait3A_1066 : memref<1x4x1536xf32, #tpu.memory_space<hbm>> -> memref<4x1536xf32, #tpu.memory_space<hbm>>
        %dma_wait3A_1068 = arith.constant 0 : i32
        %dma_wait3A_1069 = arith.constant 0 : i32
        %dma_wait3A_1070 = tpu.memref_slice %arg4[%select_n3A, %dma_wait3A_1068, %dma_wait3A_1069] : memref<4x4x1536xf32, #tpu.memory_space<hbm>> -> memref<1x4x1536xf32, #tpu.memory_space<hbm>>
        %dma_wait3A_1071 = tpu.memref_squeeze %dma_wait3A_1070 : memref<1x4x1536xf32, #tpu.memory_space<hbm>> -> memref<4x1536xf32, #tpu.memory_space<hbm>>
        tpu.wait_dma2 semaphore(%run_scoped3A_1057 : memref<!tpu.dma_semaphore, #tpu.memory_space<semaphore_mem>>) src(%dma_wait3A_1071 : memref<4x1536xf32, #tpu.memory_space<hbm>>) dst(%arg11 : memref<4x1536xf32, #tpu.memory_space<vmem>>)
        tpu.yield
      }) : () -> ()
      "tpu.region"() ({
        %run_scoped3A_1057 = tpu.sem_alloc : memref<!tpu.dma_semaphore, #tpu.memory_space<semaphore_mem>>
        %dma_start3A = arith.constant 0 : i32
        %dma_start3A_1058 = arith.constant 0 : i32
        %dma_start3A_1059 = tpu.memref_slice %arg6[%select_n3A, %dma_start3A, %dma_start3A_1058] : memref<4x448x1xi32, #tpu.memory_space<hbm>> -> memref<1x448x1xi32, #tpu.memory_space<hbm>>
        %dma_start3A_1060 = tpu.memref_squeeze %dma_start3A_1059 : memref<1x448x1xi32, #tpu.memory_space<hbm>> -> memref<448x1xi32, #tpu.memory_space<hbm>>
        %dma_start3A_1061 = arith.constant 0 : i32
        %dma_start3A_1062 = arith.constant 0 : i32
        %dma_start3A_1063 = tpu.memref_slice %arg6[%select_n3A, %dma_start3A_1061, %dma_start3A_1062] : memref<4x448x1xi32, #tpu.memory_space<hbm>> -> memref<1x448x1xi32, #tpu.memory_space<hbm>>
        %dma_start3A_1064 = tpu.memref_squeeze %dma_start3A_1063 : memref<1x448x1xi32, #tpu.memory_space<hbm>> -> memref<448x1xi32, #tpu.memory_space<hbm>>
        tpu.enqueue_dma source(%dma_start3A_1064 : memref<448x1xi32, #tpu.memory_space<hbm>>) target(%arg13 : memref<448x1xi32, #tpu.memory_space<vmem>>) target_semaphore(%run_scoped3A_1057 : memref<!tpu.dma_semaphore, #tpu.memory_space<semaphore_mem>>)
        %dma_wait3A = arith.constant 0 : i32
        %dma_wait3A_1065 = arith.constant 0 : i32
        %dma_wait3A_1066 = tpu.memref_slice %arg6[%select_n3A, %dma_wait3A, %dma_wait3A_1065] : memref<4x448x1xi32, #tpu.memory_space<hbm>> -> memref<1x448x1xi32, #tpu.memory_space<hbm>>
        %dma_wait3A_1067 = tpu.memref_squeeze %dma_wait3A_1066 : memref<1x448x1xi32, #tpu.memory_space<hbm>> -> memref<448x1xi32, #tpu.memory_space<hbm>>
        %dma_wait3A_1068 = arith.constant 0 : i32
        %dma_wait3A_1069 = arith.constant 0 : i32
        %dma_wait3A_1070 = tpu.memref_slice %arg6[%select_n3A, %dma_wait3A_1068, %dma_wait3A_1069] : memref<4x448x1xi32, #tpu.memory_space<hbm>> -> memref<1x448x1xi32, #tpu.memory_space<hbm>>
        %dma_wait3A_1071 = tpu.memref_squeeze %dma_wait3A_1070 : memref<1x448x1xi32, #tpu.memory_space<hbm>> -> memref<448x1xi32, #tpu.memory_space<hbm>>
        tpu.wait_dma2 semaphore(%run_scoped3A_1057 : memref<!tpu.dma_semaphore, #tpu.memory_space<semaphore_mem>>) src(%dma_wait3A_1071 : memref<448x1xi32, #tpu.memory_space<hbm>>) dst(%arg13 : memref<448x1xi32, #tpu.memory_space<vmem>>)
        tpu.yield
      }) : () -> ()
      %broadcast_in_dim3A_105 = arith.constant 0 : i32
      %broadcast_in_dim3A_106 = vector.broadcast %broadcast_in_dim3A_105 : i32 to vector<16xi32>
      %iota3A = tpu.iota {dimensions = array<i32: 0>} : vector<16xi32>
      %add3A_107 = arith.constant 0 : i32
      %add3A_108 = vector.broadcast %add3A_107 : i32 to vector<16xi32>
      %add3A_109 = arith.addi %add3A_108, %iota3A : vector<16xi32>
      %gather3A = tpu.vector_load_idx %arg13[%add3A_109, %broadcast_in_dim3A_106] : memref<448x1xi32, #tpu.memory_space<vmem>>[vector<16xi32>, vector<16xi32>], vector<16xi32>,
      %broadcast_in_dim3A_110 = arith.constant 0 : i32
      %broadcast_in_dim3A_111 = vector.broadcast %broadcast_in_dim3A_110 : i32 to vector<16xi32>
      %gather3A_112 = tpu.vector_load_idx %arg10[%broadcast_in_dim3A_111, %gather3A] : memref<4x1536xi32, #tpu.memory_space<vmem>>[vector<16xi32>, vector<16xi32>], vector<16xi32>,
      %gather3A_113 = tpu.vector_load_idx %arg11[%broadcast_in_dim3A_111, %gather3A] : memref<4x1536xf32, #tpu.memory_space<vmem>>[vector<16xi32>, vector<16xi32>], vector<16xf32>,
      %gather3A_114 = tpu.vector_load_idx %arg9[%gather3A_112] : memref<50176xf32, #tpu.memory_space<vmem>>[vector<16xi32>], vector<16xf32>,
      %mul3A_115 = arith.mulf %gather3A_114, %gather3A_113 : vector<16xf32>
      %broadcast_in_dim3A_116 = arith.constant 1 : i32
      %broadcast_in_dim3A_117 = vector.broadcast %broadcast_in_dim3A_116 : i32 to vector<16xi32>
      %gather3A_118 = tpu.vector_load_idx %arg10[%broadcast_in_dim3A_117, %gather3A] : memref<4x1536xi32, #tpu.memory_space<vmem>>[vector<16xi32>, vector<16xi32>], vector<16xi32>,
      %gather3A_119 = tpu.vector_load_idx %arg11[%broadcast_in_dim3A_117, %gather3A] : memref<4x1536xf32, #tpu.memory_space<vmem>>[vector<16xi32>, vector<16xi32>], vector<16xf32>,
      %gather3A_120 = tpu.vector_load_idx %arg9[%gather3A_118] : memref<50176xf32, #tpu.memory_space<vmem>>[vector<16xi32>], vector<16xf32>,
      %mul3A_121 = arith.mulf %gather3A_120, %gather3A_119 : vector<16xf32>
      %add3A_122 = arith.addf %mul3A_115, %mul3A_121 : vector<16xf32>
      %broadcast_in_dim3A_123 = arith.constant 2 : i32
      %broadcast_in_dim3A_124 = vector.broadcast %broadcast_in_dim3A_123 : i32 to vector<16xi32>
      %gather3A_125 = tpu.vector_load_idx %arg10[%broadcast_in_dim3A_124, %gather3A] : memref<4x1536xi32, #tpu.memory_space<vmem>>[vector<16xi32>, vector<16xi32>], vector<16xi32>,
      %gather3A_126 = tpu.vector_load_idx %arg11[%broadcast_in_dim3A_124, %gather3A] : memref<4x1536xf32, #tpu.memory_space<vmem>>[vector<16xi32>, vector<16xi32>], vector<16xf32>,
      %gather3A_127 = tpu.vector_load_idx %arg9[%gather3A_125] : memref<50176xf32, #tpu.memory_space<vmem>>[vector<16xi32>], vector<16xf32>,
      %mul3A_128 = arith.mulf %gather3A_127, %gather3A_126 : vector<16xf32>
      %add3A_129 = arith.addf %add3A_122, %mul3A_128 : vector<16xf32>
      %broadcast_in_dim3A_130 = arith.constant 3 : i32
      %broadcast_in_dim3A_131 = vector.broadcast %broadcast_in_dim3A_130 : i32 to vector<16xi32>
      %gather3A_132 = tpu.vector_load_idx %arg10[%broadcast_in_dim3A_131, %gather3A] : memref<4x1536xi32, #tpu.memory_space<vmem>>[vector<16xi32>, vector<16xi32>], vector<16xi32>,
      %gather3A_133 = tpu.vector_load_idx %arg11[%broadcast_in_dim3A_131, %gather3A] : memref<4x1536xf32, #tpu.memory_space<vmem>>[vector<16xi32>, vector<16xi32>], vector<16xf32>,
      %gather3A_134 = tpu.vector_load_idx %arg9[%gather3A_132] : memref<50176xf32, #tpu.memory_space<vmem>>[vector<16xi32>], vector<16xf32>,
      %mul3A_135 = arith.mulf %gather3A_134, %gather3A_133 : vector<16xf32>
      %add3A_136 = arith.addf %add3A_129, %mul3A_135 : vector<16xf32>
      %swap3A_137 = arith.constant 0 : index
      %swap3A_138 = tpu.vector_load %arg14[%swap3A_137] {strides = array<i32>} : memref<512xf32, #tpu.memory_space<vmem>>, vector<16xf32>,
      tpu.vector_store %arg14[%swap3A_137], %add3A_136 {strides = array<i32>} : memref<512xf32, #tpu.memory_space<vmem>>, vector<16xf32>,
      %iota3A_139 = tpu.iota {dimensions = array<i32: 0>} : vector<16xi32>
      %add3A_140 = arith.constant 16 : i32
      %add3A_141 = vector.broadcast %add3A_140 : i32 to vector<16xi32>
      %add3A_142 = arith.addi %add3A_141, %iota3A_139 : vector<16xi32>
      %gather3A_143 = tpu.vector_load_idx %arg13[%add3A_142, %broadcast_in_dim3A_106] : memref<448x1xi32, #tpu.memory_space<vmem>>[vector<16xi32>, vector<16xi32>], vector<16xi32>,
      %broadcast_in_dim3A_144 = arith.constant 0 : i32
      %broadcast_in_dim3A_145 = vector.broadcast %broadcast_in_dim3A_144 : i32 to vector<16xi32>
      %gather3A_146 = tpu.vector_load_idx %arg10[%broadcast_in_dim3A_145, %gather3A_143] : memref<4x1536xi32, #tpu.memory_space<vmem>>[vector<16xi32>, vector<16xi32>], vector<16xi32>,
      %gather3A_147 = tpu.vector_load_idx %arg11[%broadcast_in_dim3A_145, %gather3A_143] : memref<4x1536xf32, #tpu.memory_space<vmem>>[vector<16xi32>, vector<16xi32>], vector<16xf32>,
      %gather3A_148 = tpu.vector_load_idx %arg9[%gather3A_146] : memref<50176xf32, #tpu.memory_space<vmem>>[vector<16xi32>], vector<16xf32>,
      %mul3A_149 = arith.mulf %gather3A_148, %gather3A_147 : vector<16xf32>
      %broadcast_in_dim3A_150 = arith.constant 1 : i32
      %broadcast_in_dim3A_151 = vector.broadcast %broadcast_in_dim3A_150 : i32 to vector<16xi32>
      %gather3A_152 = tpu.vector_load_idx %arg10[%broadcast_in_dim3A_151, %gather3A_143] : memref<4x1536xi32, #tpu.memory_space<vmem>>[vector<16xi32>, vector<16xi32>], vector<16xi32>,
      %gather3A_153 = tpu.vector_load_idx %arg11[%broadcast_in_dim3A_151, %gather3A_143] : memref<4x1536xf32, #tpu.memory_space<vmem>>[vector<16xi32>, vector<16xi32>], vector<16xf32>,
      %gather3A_154 = tpu.vector_load_idx %arg9[%gather3A_152] : memref<50176xf32, #tpu.memory_space<vmem>>[vector<16xi32>], vector<16xf32>,
      %mul3A_155 = arith.mulf %gather3A_154, %gather3A_153 : vector<16xf32>
      %add3A_156 = arith.addf %mul3A_149, %mul3A_155 : vector<16xf32>
      %broadcast_in_dim3A_157 = arith.constant 2 : i32
      %broadcast_in_dim3A_158 = vector.broadcast %broadcast_in_dim3A_157 : i32 to vector<16xi32>
      %gather3A_159 = tpu.vector_load_idx %arg10[%broadcast_in_dim3A_158, %gather3A_143] : memref<4x1536xi32, #tpu.memory_space<vmem>>[vector<16xi32>, vector<16xi32>], vector<16xi32>,
      %gather3A_160 = tpu.vector_load_idx %arg11[%broadcast_in_dim3A_158, %gather3A_143] : memref<4x1536xf32, #tpu.memory_space<vmem>>[vector<16xi32>, vector<16xi32>], vector<16xf32>,
      %gather3A_161 = tpu.vector_load_idx %arg9[%gather3A_159] : memref<50176xf32, #tpu.memory_space<vmem>>[vector<16xi32>], vector<16xf32>,
      %mul3A_162 = arith.mulf %gather3A_161, %gather3A_160 : vector<16xf32>
      %add3A_163 = arith.addf %add3A_156, %mul3A_162 : vector<16xf32>
      %broadcast_in_dim3A_164 = arith.constant 3 : i32
      %broadcast_in_dim3A_165 = vector.broadcast %broadcast_in_dim3A_164 : i32 to vector<16xi32>
      %gather3A_166 = tpu.vector_load_idx %arg10[%broadcast_in_dim3A_165, %gather3A_143] : memref<4x1536xi32, #tpu.memory_space<vmem>>[vector<16xi32>, vector<16xi32>], vector<16xi32>,
      %gather3A_167 = tpu.vector_load_idx %arg11[%broadcast_in_dim3A_165, %gather3A_143] : memref<4x1536xf32, #tpu.memory_space<vmem>>[vector<16xi32>, vector<16xi32>], vector<16xf32>,
      %gather3A_168 = tpu.vector_load_idx %arg9[%gather3A_166] : memref<50176xf32, #tpu.memory_space<vmem>>[vector<16xi32>], vector<16xf32>,
      %mul3A_169 = arith.mulf %gather3A_168, %gather3A_167 : vector<16xf32>
      %add3A_170 = arith.addf %add3A_163, %mul3A_169 : vector<16xf32>
      %swap3A_171 = arith.constant 16 : index
      %swap3A_172 = tpu.vector_load %arg14[%swap3A_171] {strides = array<i32>} : memref<512xf32, #tpu.memory_space<vmem>>, vector<16xf32>,
      tpu.vector_store %arg14[%swap3A_171], %add3A_170 {strides = array<i32>} : memref<512xf32, #tpu.memory_space<vmem>>, vector<16xf32>,
      %iota3A_173 = tpu.iota {dimensions = array<i32: 0>} : vector<16xi32>
      %add3A_174 = arith.constant 32 : i32
      %add3A_175 = vector.broadcast %add3A_174 : i32 to vector<16xi32>
      %add3A_176 = arith.addi %add3A_175, %iota3A_173 : vector<16xi32>
      %gather3A_177 = tpu.vector_load_idx %arg13[%add3A_176, %broadcast_in_dim3A_106] : memref<448x1xi32, #tpu.memory_space<vmem>>[vector<16xi32>, vector<16xi32>], vector<16xi32>,
      %broadcast_in_dim3A_178 = arith.constant 0 : i32
      %broadcast_in_dim3A_179 = vector.broadcast %broadcast_in_dim3A_178 : i32 to vector<16xi32>
      %gather3A_180 = tpu.vector_load_idx %arg10[%broadcast_in_dim3A_179, %gather3A_177] : memref<4x1536xi32, #tpu.memory_space<vmem>>[vector<16xi32>, vector<16xi32>], vector<16xi32>,
      %gather3A_181 = tpu.vector_load_idx %arg11[%broadcast_in_dim3A_179, %gather3A_177] : memref<4x1536xf32, #tpu.memory_space<vmem>>[vector<16xi32>, vector<16xi32>], vector<16xf32>,
      %gather3A_182 = tpu.vector_load_idx %arg9[%gather3A_180] : memref<50176xf32, #tpu.memory_space<vmem>>[vector<16xi32>], vector<16xf32>,
      %mul3A_183 = arith.mulf %gather3A_182, %gather3A_181 : vector<16xf32>
      %broadcast_in_dim3A_184 = arith.constant 1 : i32
      %broadcast_in_dim3A_185 = vector.broadcast %broadcast_in_dim3A_184 : i32 to vector<16xi32>
      %gather3A_186 = tpu.vector_load_idx %arg10[%broadcast_in_dim3A_185, %gather3A_177] : memref<4x1536xi32, #tpu.memory_space<vmem>>[vector<16xi32>, vector<16xi32>], vector<16xi32>,
      %gather3A_187 = tpu.vector_load_idx %arg11[%broadcast_in_dim3A_185, %gather3A_177] : memref<4x1536xf32, #tpu.memory_space<vmem>>[vector<16xi32>, vector<16xi32>], vector<16xf32>,
      %gather3A_188 = tpu.vector_load_idx %arg9[%gather3A_186] : memref<50176xf32, #tpu.memory_space<vmem>>[vector<16xi32>], vector<16xf32>,
      %mul3A_189 = arith.mulf %gather3A_188, %gather3A_187 : vector<16xf32>
      %add3A_190 = arith.addf %mul3A_183, %mul3A_189 : vector<16xf32>
      %broadcast_in_dim3A_191 = arith.constant 2 : i32
      %broadcast_in_dim3A_192 = vector.broadcast %broadcast_in_dim3A_191 : i32 to vector<16xi32>
      %gather3A_193 = tpu.vector_load_idx %arg10[%broadcast_in_dim3A_192, %gather3A_177] : memref<4x1536xi32, #tpu.memory_space<vmem>>[vector<16xi32>, vector<16xi32>], vector<16xi32>,
      %gather3A_194 = tpu.vector_load_idx %arg11[%broadcast_in_dim3A_192, %gather3A_177] : memref<4x1536xf32, #tpu.memory_space<vmem>>[vector<16xi32>, vector<16xi32>], vector<16xf32>,
      %gather3A_195 = tpu.vector_load_idx %arg9[%gather3A_193] : memref<50176xf32, #tpu.memory_space<vmem>>[vector<16xi32>], vector<16xf32>,
      %mul3A_196 = arith.mulf %gather3A_195, %gather3A_194 : vector<16xf32>
      %add3A_197 = arith.addf %add3A_190, %mul3A_196 : vector<16xf32>
      %broadcast_in_dim3A_198 = arith.constant 3 : i32
      %broadcast_in_dim3A_199 = vector.broadcast %broadcast_in_dim3A_198 : i32 to vector<16xi32>
      %gather3A_200 = tpu.vector_load_idx %arg10[%broadcast_in_dim3A_199, %gather3A_177] : memref<4x1536xi32, #tpu.memory_space<vmem>>[vector<16xi32>, vector<16xi32>], vector<16xi32>,
      %gather3A_201 = tpu.vector_load_idx %arg11[%broadcast_in_dim3A_199, %gather3A_177] : memref<4x1536xf32, #tpu.memory_space<vmem>>[vector<16xi32>, vector<16xi32>], vector<16xf32>,
      %gather3A_202 = tpu.vector_load_idx %arg9[%gather3A_200] : memref<50176xf32, #tpu.memory_space<vmem>>[vector<16xi32>], vector<16xf32>,
      %mul3A_203 = arith.mulf %gather3A_202, %gather3A_201 : vector<16xf32>
      %add3A_204 = arith.addf %add3A_197, %mul3A_203 : vector<16xf32>
      %swap3A_205 = arith.constant 32 : index
      %swap3A_206 = tpu.vector_load %arg14[%swap3A_205] {strides = array<i32>} : memref<512xf32, #tpu.memory_space<vmem>>, vector<16xf32>,
      tpu.vector_store %arg14[%swap3A_205], %add3A_204 {strides = array<i32>} : memref<512xf32, #tpu.memory_space<vmem>>, vector<16xf32>,
      %iota3A_207 = tpu.iota {dimensions = array<i32: 0>} : vector<16xi32>
      %add3A_208 = arith.constant 48 : i32
      %add3A_209 = vector.broadcast %add3A_208 : i32 to vector<16xi32>
      %add3A_210 = arith.addi %add3A_209, %iota3A_207 : vector<16xi32>
      %gather3A_211 = tpu.vector_load_idx %arg13[%add3A_210, %broadcast_in_dim3A_106] : memref<448x1xi32, #tpu.memory_space<vmem>>[vector<16xi32>, vector<16xi32>], vector<16xi32>,
      %broadcast_in_dim3A_212 = arith.constant 0 : i32
      %broadcast_in_dim3A_213 = vector.broadcast %broadcast_in_dim3A_212 : i32 to vector<16xi32>
      %gather3A_214 = tpu.vector_load_idx %arg10[%broadcast_in_dim3A_213, %gather3A_211] : memref<4x1536xi32, #tpu.memory_space<vmem>>[vector<16xi32>, vector<16xi32>], vector<16xi32>,
      %gather3A_215 = tpu.vector_load_idx %arg11[%broadcast_in_dim3A_213, %gather3A_211] : memref<4x1536xf32, #tpu.memory_space<vmem>>[vector<16xi32>, vector<16xi32>], vector<16xf32>,
      %gather3A_216 = tpu.vector_load_idx %arg9[%gather3A_214] : memref<50176xf32, #tpu.memory_space<vmem>>[vector<16xi32>], vector<16xf32>,
      %mul3A_217 = arith.mulf %gather3A_216, %gather3A_215 : vector<16xf32>
      %broadcast_in_dim3A_218 = arith.constant 1 : i32
      %broadcast_in_dim3A_219 = vector.broadcast %broadcast_in_dim3A_218 : i32 to vector<16xi32>
      %gather3A_220 = tpu.vector_load_idx %arg10[%broadcast_in_dim3A_219, %gather3A_211] : memref<4x1536xi32, #tpu.memory_space<vmem>>[vector<16xi32>, vector<16xi32>], vector<16xi32>,
      %gather3A_221 = tpu.vector_load_idx %arg11[%broadcast_in_dim3A_219, %gather3A_211] : memref<4x1536xf32, #tpu.memory_space<vmem>>[vector<16xi32>, vector<16xi32>], vector<16xf32>,
      %gather3A_222 = tpu.vector_load_idx %arg9[%gather3A_220] : memref<50176xf32, #tpu.memory_space<vmem>>[vector<16xi32>], vector<16xf32>,
      %mul3A_223 = arith.mulf %gather3A_222, %gather3A_221 : vector<16xf32>
      %add3A_224 = arith.addf %mul3A_217, %mul3A_223 : vector<16xf32>
      %broadcast_in_dim3A_225 = arith.constant 2 : i32
      %broadcast_in_dim3A_226 = vector.broadcast %broadcast_in_dim3A_225 : i32 to vector<16xi32>
      %gather3A_227 = tpu.vector_load_idx %arg10[%broadcast_in_dim3A_226, %gather3A_211] : memref<4x1536xi32, #tpu.memory_space<vmem>>[vector<16xi32>, vector<16xi32>], vector<16xi32>,
      %gather3A_228 = tpu.vector_load_idx %arg11[%broadcast_in_dim3A_226, %gather3A_211] : memref<4x1536xf32, #tpu.memory_space<vmem>>[vector<16xi32>, vector<16xi32>], vector<16xf32>,
      %gather3A_229 = tpu.vector_load_idx %arg9[%gather3A_227] : memref<50176xf32, #tpu.memory_space<vmem>>[vector<16xi32>], vector<16xf32>,
      %mul3A_230 = arith.mulf %gather3A_229, %gather3A_228 : vector<16xf32>
      %add3A_231 = arith.addf %add3A_224, %mul3A_230 : vector<16xf32>
      %broadcast_in_dim3A_232 = arith.constant 3 : i32
      %broadcast_in_dim3A_233 = vector.broadcast %broadcast_in_dim3A_232 : i32 to vector<16xi32>
      %gather3A_234 = tpu.vector_load_idx %arg10[%broadcast_in_dim3A_233, %gather3A_211] : memref<4x1536xi32, #tpu.memory_space<vmem>>[vector<16xi32>, vector<16xi32>], vector<16xi32>,
      %gather3A_235 = tpu.vector_load_idx %arg11[%broadcast_in_dim3A_233, %gather3A_211] : memref<4x1536xf32, #tpu.memory_space<vmem>>[vector<16xi32>, vector<16xi32>], vector<16xf32>,
      %gather3A_236 = tpu.vector_load_idx %arg9[%gather3A_234] : memref<50176xf32, #tpu.memory_space<vmem>>[vector<16xi32>], vector<16xf32>,
      %mul3A_237 = arith.mulf %gather3A_236, %gather3A_235 : vector<16xf32>
      %add3A_238 = arith.addf %add3A_231, %mul3A_237 : vector<16xf32>
      %swap3A_239 = arith.constant 48 : index
      %swap3A_240 = tpu.vector_load %arg14[%swap3A_239] {strides = array<i32>} : memref<512xf32, #tpu.memory_space<vmem>>, vector<16xf32>,
      tpu.vector_store %arg14[%swap3A_239], %add3A_238 {strides = array<i32>} : memref<512xf32, #tpu.memory_space<vmem>>, vector<16xf32>,
      %iota3A_241 = tpu.iota {dimensions = array<i32: 0>} : vector<16xi32>
      %add3A_242 = arith.constant 64 : i32
      %add3A_243 = vector.broadcast %add3A_242 : i32 to vector<16xi32>
      %add3A_244 = arith.addi %add3A_243, %iota3A_241 : vector<16xi32>
      %gather3A_245 = tpu.vector_load_idx %arg13[%add3A_244, %broadcast_in_dim3A_106] : memref<448x1xi32, #tpu.memory_space<vmem>>[vector<16xi32>, vector<16xi32>], vector<16xi32>,
      %broadcast_in_dim3A_246 = arith.constant 0 : i32
      %broadcast_in_dim3A_247 = vector.broadcast %broadcast_in_dim3A_246 : i32 to vector<16xi32>
      %gather3A_248 = tpu.vector_load_idx %arg10[%broadcast_in_dim3A_247, %gather3A_245] : memref<4x1536xi32, #tpu.memory_space<vmem>>[vector<16xi32>, vector<16xi32>], vector<16xi32>,
      %gather3A_249 = tpu.vector_load_idx %arg11[%broadcast_in_dim3A_247, %gather3A_245] : memref<4x1536xf32, #tpu.memory_space<vmem>>[vector<16xi32>, vector<16xi32>], vector<16xf32>,
      %gather3A_250 = tpu.vector_load_idx %arg9[%gather3A_248] : memref<50176xf32, #tpu.memory_space<vmem>>[vector<16xi32>], vector<16xf32>,
      %mul3A_251 = arith.mulf %gather3A_250, %gather3A_249 : vector<16xf32>
      %broadcast_in_dim3A_252 = arith.constant 1 : i32
      %broadcast_in_dim3A_253 = vector.broadcast %broadcast_in_dim3A_252 : i32 to vector<16xi32>
      %gather3A_254 = tpu.vector_load_idx %arg10[%broadcast_in_dim3A_253, %gather3A_245] : memref<4x1536xi32, #tpu.memory_space<vmem>>[vector<16xi32>, vector<16xi32>], vector<16xi32>,
      %gather3A_255 = tpu.vector_load_idx %arg11[%broadcast_in_dim3A_253, %gather3A_245] : memref<4x1536xf32, #tpu.memory_space<vmem>>[vector<16xi32>, vector<16xi32>], vector<16xf32>,
      %gather3A_256 = tpu.vector_load_idx %arg9[%gather3A_254] : memref<50176xf32, #tpu.memory_space<vmem>>[vector<16xi32>], vector<16xf32>,
      %mul3A_257 = arith.mulf %gather3A_256, %gather3A_255 : vector<16xf32>
      %add3A_258 = arith.addf %mul3A_251, %mul3A_257 : vector<16xf32>
      %broadcast_in_dim3A_259 = arith.constant 2 : i32
      %broadcast_in_dim3A_260 = vector.broadcast %broadcast_in_dim3A_259 : i32 to vector<16xi32>
      %gather3A_261 = tpu.vector_load_idx %arg10[%broadcast_in_dim3A_260, %gather3A_245] : memref<4x1536xi32, #tpu.memory_space<vmem>>[vector<16xi32>, vector<16xi32>], vector<16xi32>,
      %gather3A_262 = tpu.vector_load_idx %arg11[%broadcast_in_dim3A_260, %gather3A_245] : memref<4x1536xf32, #tpu.memory_space<vmem>>[vector<16xi32>, vector<16xi32>], vector<16xf32>,
      %gather3A_263 = tpu.vector_load_idx %arg9[%gather3A_261] : memref<50176xf32, #tpu.memory_space<vmem>>[vector<16xi32>], vector<16xf32>,
      %mul3A_264 = arith.mulf %gather3A_263, %gather3A_262 : vector<16xf32>
      %add3A_265 = arith.addf %add3A_258, %mul3A_264 : vector<16xf32>
      %broadcast_in_dim3A_266 = arith.constant 3 : i32
      %broadcast_in_dim3A_267 = vector.broadcast %broadcast_in_dim3A_266 : i32 to vector<16xi32>
      %gather3A_268 = tpu.vector_load_idx %arg10[%broadcast_in_dim3A_267, %gather3A_245] : memref<4x1536xi32, #tpu.memory_space<vmem>>[vector<16xi32>, vector<16xi32>], vector<16xi32>,
      %gather3A_269 = tpu.vector_load_idx %arg11[%broadcast_in_dim3A_267, %gather3A_245] : memref<4x1536xf32, #tpu.memory_space<vmem>>[vector<16xi32>, vector<16xi32>], vector<16xf32>,
      %gather3A_270 = tpu.vector_load_idx %arg9[%gather3A_268] : memref<50176xf32, #tpu.memory_space<vmem>>[vector<16xi32>], vector<16xf32>,
      %mul3A_271 = arith.mulf %gather3A_270, %gather3A_269 : vector<16xf32>
      %add3A_272 = arith.addf %add3A_265, %mul3A_271 : vector<16xf32>
      %swap3A_273 = arith.constant 64 : index
      %swap3A_274 = tpu.vector_load %arg14[%swap3A_273] {strides = array<i32>} : memref<512xf32, #tpu.memory_space<vmem>>, vector<16xf32>,
      tpu.vector_store %arg14[%swap3A_273], %add3A_272 {strides = array<i32>} : memref<512xf32, #tpu.memory_space<vmem>>, vector<16xf32>,
      %iota3A_275 = tpu.iota {dimensions = array<i32: 0>} : vector<16xi32>
      %add3A_276 = arith.constant 80 : i32
      %add3A_277 = vector.broadcast %add3A_276 : i32 to vector<16xi32>
      %add3A_278 = arith.addi %add3A_277, %iota3A_275 : vector<16xi32>
      %gather3A_279 = tpu.vector_load_idx %arg13[%add3A_278, %broadcast_in_dim3A_106] : memref<448x1xi32, #tpu.memory_space<vmem>>[vector<16xi32>, vector<16xi32>], vector<16xi32>,
      %broadcast_in_dim3A_280 = arith.constant 0 : i32
      %broadcast_in_dim3A_281 = vector.broadcast %broadcast_in_dim3A_280 : i32 to vector<16xi32>
      %gather3A_282 = tpu.vector_load_idx %arg10[%broadcast_in_dim3A_281, %gather3A_279] : memref<4x1536xi32, #tpu.memory_space<vmem>>[vector<16xi32>, vector<16xi32>], vector<16xi32>,
      %gather3A_283 = tpu.vector_load_idx %arg11[%broadcast_in_dim3A_281, %gather3A_279] : memref<4x1536xf32, #tpu.memory_space<vmem>>[vector<16xi32>, vector<16xi32>], vector<16xf32>,
      %gather3A_284 = tpu.vector_load_idx %arg9[%gather3A_282] : memref<50176xf32, #tpu.memory_space<vmem>>[vector<16xi32>], vector<16xf32>,
      %mul3A_285 = arith.mulf %gather3A_284, %gather3A_283 : vector<16xf32>
      %broadcast_in_dim3A_286 = arith.constant 1 : i32
      %broadcast_in_dim3A_287 = vector.broadcast %broadcast_in_dim3A_286 : i32 to vector<16xi32>
      %gather3A_288 = tpu.vector_load_idx %arg10[%broadcast_in_dim3A_287, %gather3A_279] : memref<4x1536xi32, #tpu.memory_space<vmem>>[vector<16xi32>, vector<16xi32>], vector<16xi32>,
      %gather3A_289 = tpu.vector_load_idx %arg11[%broadcast_in_dim3A_287, %gather3A_279] : memref<4x1536xf32, #tpu.memory_space<vmem>>[vector<16xi32>, vector<16xi32>], vector<16xf32>,
      %gather3A_290 = tpu.vector_load_idx %arg9[%gather3A_288] : memref<50176xf32, #tpu.memory_space<vmem>>[vector<16xi32>], vector<16xf32>,
      %mul3A_291 = arith.mulf %gather3A_290, %gather3A_289 : vector<16xf32>
      %add3A_292 = arith.addf %mul3A_285, %mul3A_291 : vector<16xf32>
      %broadcast_in_dim3A_293 = arith.constant 2 : i32
      %broadcast_in_dim3A_294 = vector.broadcast %broadcast_in_dim3A_293 : i32 to vector<16xi32>
      %gather3A_295 = tpu.vector_load_idx %arg10[%broadcast_in_dim3A_294, %gather3A_279] : memref<4x1536xi32, #tpu.memory_space<vmem>>[vector<16xi32>, vector<16xi32>], vector<16xi32>,
      %gather3A_296 = tpu.vector_load_idx %arg11[%broadcast_in_dim3A_294, %gather3A_279] : memref<4x1536xf32, #tpu.memory_space<vmem>>[vector<16xi32>, vector<16xi32>], vector<16xf32>,
      %gather3A_297 = tpu.vector_load_idx %arg9[%gather3A_295] : memref<50176xf32, #tpu.memory_space<vmem>>[vector<16xi32>], vector<16xf32>,
      %mul3A_298 = arith.mulf %gather3A_297, %gather3A_296 : vector<16xf32>
      %add3A_299 = arith.addf %add3A_292, %mul3A_298 : vector<16xf32>
      %broadcast_in_dim3A_300 = arith.constant 3 : i32
      %broadcast_in_dim3A_301 = vector.broadcast %broadcast_in_dim3A_300 : i32 to vector<16xi32>
      %gather3A_302 = tpu.vector_load_idx %arg10[%broadcast_in_dim3A_301, %gather3A_279] : memref<4x1536xi32, #tpu.memory_space<vmem>>[vector<16xi32>, vector<16xi32>], vector<16xi32>,
      %gather3A_303 = tpu.vector_load_idx %arg11[%broadcast_in_dim3A_301, %gather3A_279] : memref<4x1536xf32, #tpu.memory_space<vmem>>[vector<16xi32>, vector<16xi32>], vector<16xf32>,
      %gather3A_304 = tpu.vector_load_idx %arg9[%gather3A_302] : memref<50176xf32, #tpu.memory_space<vmem>>[vector<16xi32>], vector<16xf32>,
      %mul3A_305 = arith.mulf %gather3A_304, %gather3A_303 : vector<16xf32>
      %add3A_306 = arith.addf %add3A_299, %mul3A_305 : vector<16xf32>
      %swap3A_307 = arith.constant 80 : index
      %swap3A_308 = tpu.vector_load %arg14[%swap3A_307] {strides = array<i32>} : memref<512xf32, #tpu.memory_space<vmem>>, vector<16xf32>,
      tpu.vector_store %arg14[%swap3A_307], %add3A_306 {strides = array<i32>} : memref<512xf32, #tpu.memory_space<vmem>>, vector<16xf32>,
      %iota3A_309 = tpu.iota {dimensions = array<i32: 0>} : vector<16xi32>
      %add3A_310 = arith.constant 96 : i32
      %add3A_311 = vector.broadcast %add3A_310 : i32 to vector<16xi32>
      %add3A_312 = arith.addi %add3A_311, %iota3A_309 : vector<16xi32>
      %gather3A_313 = tpu.vector_load_idx %arg13[%add3A_312, %broadcast_in_dim3A_106] : memref<448x1xi32, #tpu.memory_space<vmem>>[vector<16xi32>, vector<16xi32>], vector<16xi32>,
      %broadcast_in_dim3A_314 = arith.constant 0 : i32
      %broadcast_in_dim3A_315 = vector.broadcast %broadcast_in_dim3A_314 : i32 to vector<16xi32>
      %gather3A_316 = tpu.vector_load_idx %arg10[%broadcast_in_dim3A_315, %gather3A_313] : memref<4x1536xi32, #tpu.memory_space<vmem>>[vector<16xi32>, vector<16xi32>], vector<16xi32>,
      %gather3A_317 = tpu.vector_load_idx %arg11[%broadcast_in_dim3A_315, %gather3A_313] : memref<4x1536xf32, #tpu.memory_space<vmem>>[vector<16xi32>, vector<16xi32>], vector<16xf32>,
      %gather3A_318 = tpu.vector_load_idx %arg9[%gather3A_316] : memref<50176xf32, #tpu.memory_space<vmem>>[vector<16xi32>], vector<16xf32>,
      %mul3A_319 = arith.mulf %gather3A_318, %gather3A_317 : vector<16xf32>
      %broadcast_in_dim3A_320 = arith.constant 1 : i32
      %broadcast_in_dim3A_321 = vector.broadcast %broadcast_in_dim3A_320 : i32 to vector<16xi32>
      %gather3A_322 = tpu.vector_load_idx %arg10[%broadcast_in_dim3A_321, %gather3A_313] : memref<4x1536xi32, #tpu.memory_space<vmem>>[vector<16xi32>, vector<16xi32>], vector<16xi32>,
      %gather3A_323 = tpu.vector_load_idx %arg11[%broadcast_in_dim3A_321, %gather3A_313] : memref<4x1536xf32, #tpu.memory_space<vmem>>[vector<16xi32>, vector<16xi32>], vector<16xf32>,
      %gather3A_324 = tpu.vector_load_idx %arg9[%gather3A_322] : memref<50176xf32, #tpu.memory_space<vmem>>[vector<16xi32>], vector<16xf32>,
      %mul3A_325 = arith.mulf %gather3A_324, %gather3A_323 : vector<16xf32>
      %add3A_326 = arith.addf %mul3A_319, %mul3A_325 : vector<16xf32>
      %broadcast_in_dim3A_327 = arith.constant 2 : i32
      %broadcast_in_dim3A_328 = vector.broadcast %broadcast_in_dim3A_327 : i32 to vector<16xi32>
      %gather3A_329 = tpu.vector_load_idx %arg10[%broadcast_in_dim3A_328, %gather3A_313] : memref<4x1536xi32, #tpu.memory_space<vmem>>[vector<16xi32>, vector<16xi32>], vector<16xi32>,
      %gather3A_330 = tpu.vector_load_idx %arg11[%broadcast_in_dim3A_328, %gather3A_313] : memref<4x1536xf32, #tpu.memory_space<vmem>>[vector<16xi32>, vector<16xi32>], vector<16xf32>,
      %gather3A_331 = tpu.vector_load_idx %arg9[%gather3A_329] : memref<50176xf32, #tpu.memory_space<vmem>>[vector<16xi32>], vector<16xf32>,
      %mul3A_332 = arith.mulf %gather3A_331, %gather3A_330 : vector<16xf32>
      %add3A_333 = arith.addf %add3A_326, %mul3A_332 : vector<16xf32>
      %broadcast_in_dim3A_334 = arith.constant 3 : i32
      %broadcast_in_dim3A_335 = vector.broadcast %broadcast_in_dim3A_334 : i32 to vector<16xi32>
      %gather3A_336 = tpu.vector_load_idx %arg10[%broadcast_in_dim3A_335, %gather3A_313] : memref<4x1536xi32, #tpu.memory_space<vmem>>[vector<16xi32>, vector<16xi32>], vector<16xi32>,
      %gather3A_337 = tpu.vector_load_idx %arg11[%broadcast_in_dim3A_335, %gather3A_313] : memref<4x1536xf32, #tpu.memory_space<vmem>>[vector<16xi32>, vector<16xi32>], vector<16xf32>,
      %gather3A_338 = tpu.vector_load_idx %arg9[%gather3A_336] : memref<50176xf32, #tpu.memory_space<vmem>>[vector<16xi32>], vector<16xf32>,
      %mul3A_339 = arith.mulf %gather3A_338, %gather3A_337 : vector<16xf32>
      %add3A_340 = arith.addf %add3A_333, %mul3A_339 : vector<16xf32>
      %swap3A_341 = arith.constant 96 : index
      %swap3A_342 = tpu.vector_load %arg14[%swap3A_341] {strides = array<i32>} : memref<512xf32, #tpu.memory_space<vmem>>, vector<16xf32>,
      tpu.vector_store %arg14[%swap3A_341], %add3A_340 {strides = array<i32>} : memref<512xf32, #tpu.memory_space<vmem>>, vector<16xf32>,
      %iota3A_343 = tpu.iota {dimensions = array<i32: 0>} : vector<16xi32>
      %add3A_344 = arith.constant 112 : i32
      %add3A_345 = vector.broadcast %add3A_344 : i32 to vector<16xi32>
      %add3A_346 = arith.addi %add3A_345, %iota3A_343 : vector<16xi32>
      %gather3A_347 = tpu.vector_load_idx %arg13[%add3A_346, %broadcast_in_dim3A_106] : memref<448x1xi32, #tpu.memory_space<vmem>>[vector<16xi32>, vector<16xi32>], vector<16xi32>,
      %broadcast_in_dim3A_348 = arith.constant 0 : i32
      %broadcast_in_dim3A_349 = vector.broadcast %broadcast_in_dim3A_348 : i32 to vector<16xi32>
      %gather3A_350 = tpu.vector_load_idx %arg10[%broadcast_in_dim3A_349, %gather3A_347] : memref<4x1536xi32, #tpu.memory_space<vmem>>[vector<16xi32>, vector<16xi32>], vector<16xi32>,
      %gather3A_351 = tpu.vector_load_idx %arg11[%broadcast_in_dim3A_349, %gather3A_347] : memref<4x1536xf32, #tpu.memory_space<vmem>>[vector<16xi32>, vector<16xi32>], vector<16xf32>,
      %gather3A_352 = tpu.vector_load_idx %arg9[%gather3A_350] : memref<50176xf32, #tpu.memory_space<vmem>>[vector<16xi32>], vector<16xf32>,
      %mul3A_353 = arith.mulf %gather3A_352, %gather3A_351 : vector<16xf32>
      %broadcast_in_dim3A_354 = arith.constant 1 : i32
      %broadcast_in_dim3A_355 = vector.broadcast %broadcast_in_dim3A_354 : i32 to vector<16xi32>
      %gather3A_356 = tpu.vector_load_idx %arg10[%broadcast_in_dim3A_355, %gather3A_347] : memref<4x1536xi32, #tpu.memory_space<vmem>>[vector<16xi32>, vector<16xi32>], vector<16xi32>,
      %gather3A_357 = tpu.vector_load_idx %arg11[%broadcast_in_dim3A_355, %gather3A_347] : memref<4x1536xf32, #tpu.memory_space<vmem>>[vector<16xi32>, vector<16xi32>], vector<16xf32>,
      %gather3A_358 = tpu.vector_load_idx %arg9[%gather3A_356] : memref<50176xf32, #tpu.memory_space<vmem>>[vector<16xi32>], vector<16xf32>,
      %mul3A_359 = arith.mulf %gather3A_358, %gather3A_357 : vector<16xf32>
      %add3A_360 = arith.addf %mul3A_353, %mul3A_359 : vector<16xf32>
      %broadcast_in_dim3A_361 = arith.constant 2 : i32
      %broadcast_in_dim3A_362 = vector.broadcast %broadcast_in_dim3A_361 : i32 to vector<16xi32>
      %gather3A_363 = tpu.vector_load_idx %arg10[%broadcast_in_dim3A_362, %gather3A_347] : memref<4x1536xi32, #tpu.memory_space<vmem>>[vector<16xi32>, vector<16xi32>], vector<16xi32>,
      %gather3A_364 = tpu.vector_load_idx %arg11[%broadcast_in_dim3A_362, %gather3A_347] : memref<4x1536xf32, #tpu.memory_space<vmem>>[vector<16xi32>, vector<16xi32>], vector<16xf32>,
      %gather3A_365 = tpu.vector_load_idx %arg9[%gather3A_363] : memref<50176xf32, #tpu.memory_space<vmem>>[vector<16xi32>], vector<16xf32>,
      %mul3A_366 = arith.mulf %gather3A_365, %gather3A_364 : vector<16xf32>
      %add3A_367 = arith.addf %add3A_360, %mul3A_366 : vector<16xf32>
      %broadcast_in_dim3A_368 = arith.constant 3 : i32
      %broadcast_in_dim3A_369 = vector.broadcast %broadcast_in_dim3A_368 : i32 to vector<16xi32>
      %gather3A_370 = tpu.vector_load_idx %arg10[%broadcast_in_dim3A_369, %gather3A_347] : memref<4x1536xi32, #tpu.memory_space<vmem>>[vector<16xi32>, vector<16xi32>], vector<16xi32>,
      %gather3A_371 = tpu.vector_load_idx %arg11[%broadcast_in_dim3A_369, %gather3A_347] : memref<4x1536xf32, #tpu.memory_space<vmem>>[vector<16xi32>, vector<16xi32>], vector<16xf32>,
      %gather3A_372 = tpu.vector_load_idx %arg9[%gather3A_370] : memref<50176xf32, #tpu.memory_space<vmem>>[vector<16xi32>], vector<16xf32>,
      %mul3A_373 = arith.mulf %gather3A_372, %gather3A_371 : vector<16xf32>
      %add3A_374 = arith.addf %add3A_367, %mul3A_373 : vector<16xf32>
      %swap3A_375 = arith.constant 112 : index
      %swap3A_376 = tpu.vector_load %arg14[%swap3A_375] {strides = array<i32>} : memref<512xf32, #tpu.memory_space<vmem>>, vector<16xf32>,
      tpu.vector_store %arg14[%swap3A_375], %add3A_374 {strides = array<i32>} : memref<512xf32, #tpu.memory_space<vmem>>, vector<16xf32>,
      %iota3A_377 = tpu.iota {dimensions = array<i32: 0>} : vector<16xi32>
      %add3A_378 = arith.constant 128 : i32
      %add3A_379 = vector.broadcast %add3A_378 : i32 to vector<16xi32>
      %add3A_380 = arith.addi %add3A_379, %iota3A_377 : vector<16xi32>
      %gather3A_381 = tpu.vector_load_idx %arg13[%add3A_380, %broadcast_in_dim3A_106] : memref<448x1xi32, #tpu.memory_space<vmem>>[vector<16xi32>, vector<16xi32>], vector<16xi32>,
      %broadcast_in_dim3A_382 = arith.constant 0 : i32
      %broadcast_in_dim3A_383 = vector.broadcast %broadcast_in_dim3A_382 : i32 to vector<16xi32>
      %gather3A_384 = tpu.vector_load_idx %arg10[%broadcast_in_dim3A_383, %gather3A_381] : memref<4x1536xi32, #tpu.memory_space<vmem>>[vector<16xi32>, vector<16xi32>], vector<16xi32>,
      %gather3A_385 = tpu.vector_load_idx %arg11[%broadcast_in_dim3A_383, %gather3A_381] : memref<4x1536xf32, #tpu.memory_space<vmem>>[vector<16xi32>, vector<16xi32>], vector<16xf32>,
      %gather3A_386 = tpu.vector_load_idx %arg9[%gather3A_384] : memref<50176xf32, #tpu.memory_space<vmem>>[vector<16xi32>], vector<16xf32>,
      %mul3A_387 = arith.mulf %gather3A_386, %gather3A_385 : vector<16xf32>
      %broadcast_in_dim3A_388 = arith.constant 1 : i32
      %broadcast_in_dim3A_389 = vector.broadcast %broadcast_in_dim3A_388 : i32 to vector<16xi32>
      %gather3A_390 = tpu.vector_load_idx %arg10[%broadcast_in_dim3A_389, %gather3A_381] : memref<4x1536xi32, #tpu.memory_space<vmem>>[vector<16xi32>, vector<16xi32>], vector<16xi32>,
      %gather3A_391 = tpu.vector_load_idx %arg11[%broadcast_in_dim3A_389, %gather3A_381] : memref<4x1536xf32, #tpu.memory_space<vmem>>[vector<16xi32>, vector<16xi32>], vector<16xf32>,
      %gather3A_392 = tpu.vector_load_idx %arg9[%gather3A_390] : memref<50176xf32, #tpu.memory_space<vmem>>[vector<16xi32>], vector<16xf32>,
      %mul3A_393 = arith.mulf %gather3A_392, %gather3A_391 : vector<16xf32>
      %add3A_394 = arith.addf %mul3A_387, %mul3A_393 : vector<16xf32>
      %broadcast_in_dim3A_395 = arith.constant 2 : i32
      %broadcast_in_dim3A_396 = vector.broadcast %broadcast_in_dim3A_395 : i32 to vector<16xi32>
      %gather3A_397 = tpu.vector_load_idx %arg10[%broadcast_in_dim3A_396, %gather3A_381] : memref<4x1536xi32, #tpu.memory_space<vmem>>[vector<16xi32>, vector<16xi32>], vector<16xi32>,
      %gather3A_398 = tpu.vector_load_idx %arg11[%broadcast_in_dim3A_396, %gather3A_381] : memref<4x1536xf32, #tpu.memory_space<vmem>>[vector<16xi32>, vector<16xi32>], vector<16xf32>,
      %gather3A_399 = tpu.vector_load_idx %arg9[%gather3A_397] : memref<50176xf32, #tpu.memory_space<vmem>>[vector<16xi32>], vector<16xf32>,
      %mul3A_400 = arith.mulf %gather3A_399, %gather3A_398 : vector<16xf32>
      %add3A_401 = arith.addf %add3A_394, %mul3A_400 : vector<16xf32>
      %broadcast_in_dim3A_402 = arith.constant 3 : i32
      %broadcast_in_dim3A_403 = vector.broadcast %broadcast_in_dim3A_402 : i32 to vector<16xi32>
      %gather3A_404 = tpu.vector_load_idx %arg10[%broadcast_in_dim3A_403, %gather3A_381] : memref<4x1536xi32, #tpu.memory_space<vmem>>[vector<16xi32>, vector<16xi32>], vector<16xi32>,
      %gather3A_405 = tpu.vector_load_idx %arg11[%broadcast_in_dim3A_403, %gather3A_381] : memref<4x1536xf32, #tpu.memory_space<vmem>>[vector<16xi32>, vector<16xi32>], vector<16xf32>,
      %gather3A_406 = tpu.vector_load_idx %arg9[%gather3A_404] : memref<50176xf32, #tpu.memory_space<vmem>>[vector<16xi32>], vector<16xf32>,
      %mul3A_407 = arith.mulf %gather3A_406, %gather3A_405 : vector<16xf32>
      %add3A_408 = arith.addf %add3A_401, %mul3A_407 : vector<16xf32>
      %swap3A_409 = arith.constant 128 : index
      %swap3A_410 = tpu.vector_load %arg14[%swap3A_409] {strides = array<i32>} : memref<512xf32, #tpu.memory_space<vmem>>, vector<16xf32>,
      tpu.vector_store %arg14[%swap3A_409], %add3A_408 {strides = array<i32>} : memref<512xf32, #tpu.memory_space<vmem>>, vector<16xf32>,
      %iota3A_411 = tpu.iota {dimensions = array<i32: 0>} : vector<16xi32>
      %add3A_412 = arith.constant 144 : i32
      %add3A_413 = vector.broadcast %add3A_412 : i32 to vector<16xi32>
      %add3A_414 = arith.addi %add3A_413, %iota3A_411 : vector<16xi32>
      %gather3A_415 = tpu.vector_load_idx %arg13[%add3A_414, %broadcast_in_dim3A_106] : memref<448x1xi32, #tpu.memory_space<vmem>>[vector<16xi32>, vector<16xi32>], vector<16xi32>,
      %broadcast_in_dim3A_416 = arith.constant 0 : i32
      %broadcast_in_dim3A_417 = vector.broadcast %broadcast_in_dim3A_416 : i32 to vector<16xi32>
      %gather3A_418 = tpu.vector_load_idx %arg10[%broadcast_in_dim3A_417, %gather3A_415] : memref<4x1536xi32, #tpu.memory_space<vmem>>[vector<16xi32>, vector<16xi32>], vector<16xi32>,
      %gather3A_419 = tpu.vector_load_idx %arg11[%broadcast_in_dim3A_417, %gather3A_415] : memref<4x1536xf32, #tpu.memory_space<vmem>>[vector<16xi32>, vector<16xi32>], vector<16xf32>,
      %gather3A_420 = tpu.vector_load_idx %arg9[%gather3A_418] : memref<50176xf32, #tpu.memory_space<vmem>>[vector<16xi32>], vector<16xf32>,
      %mul3A_421 = arith.mulf %gather3A_420, %gather3A_419 : vector<16xf32>
      %broadcast_in_dim3A_422 = arith.constant 1 : i32
      %broadcast_in_dim3A_423 = vector.broadcast %broadcast_in_dim3A_422 : i32 to vector<16xi32>
      %gather3A_424 = tpu.vector_load_idx %arg10[%broadcast_in_dim3A_423, %gather3A_415] : memref<4x1536xi32, #tpu.memory_space<vmem>>[vector<16xi32>, vector<16xi32>], vector<16xi32>,
      %gather3A_425 = tpu.vector_load_idx %arg11[%broadcast_in_dim3A_423, %gather3A_415] : memref<4x1536xf32, #tpu.memory_space<vmem>>[vector<16xi32>, vector<16xi32>], vector<16xf32>,
      %gather3A_426 = tpu.vector_load_idx %arg9[%gather3A_424] : memref<50176xf32, #tpu.memory_space<vmem>>[vector<16xi32>], vector<16xf32>,
      %mul3A_427 = arith.mulf %gather3A_426, %gather3A_425 : vector<16xf32>
      %add3A_428 = arith.addf %mul3A_421, %mul3A_427 : vector<16xf32>
      %broadcast_in_dim3A_429 = arith.constant 2 : i32
      %broadcast_in_dim3A_430 = vector.broadcast %broadcast_in_dim3A_429 : i32 to vector<16xi32>
      %gather3A_431 = tpu.vector_load_idx %arg10[%broadcast_in_dim3A_430, %gather3A_415] : memref<4x1536xi32, #tpu.memory_space<vmem>>[vector<16xi32>, vector<16xi32>], vector<16xi32>,
      %gather3A_432 = tpu.vector_load_idx %arg11[%broadcast_in_dim3A_430, %gather3A_415] : memref<4x1536xf32, #tpu.memory_space<vmem>>[vector<16xi32>, vector<16xi32>], vector<16xf32>,
      %gather3A_433 = tpu.vector_load_idx %arg9[%gather3A_431] : memref<50176xf32, #tpu.memory_space<vmem>>[vector<16xi32>], vector<16xf32>,
      %mul3A_434 = arith.mulf %gather3A_433, %gather3A_432 : vector<16xf32>
      %add3A_435 = arith.addf %add3A_428, %mul3A_434 : vector<16xf32>
      %broadcast_in_dim3A_436 = arith.constant 3 : i32
      %broadcast_in_dim3A_437 = vector.broadcast %broadcast_in_dim3A_436 : i32 to vector<16xi32>
      %gather3A_438 = tpu.vector_load_idx %arg10[%broadcast_in_dim3A_437, %gather3A_415] : memref<4x1536xi32, #tpu.memory_space<vmem>>[vector<16xi32>, vector<16xi32>], vector<16xi32>,
      %gather3A_439 = tpu.vector_load_idx %arg11[%broadcast_in_dim3A_437, %gather3A_415] : memref<4x1536xf32, #tpu.memory_space<vmem>>[vector<16xi32>, vector<16xi32>], vector<16xf32>,
      %gather3A_440 = tpu.vector_load_idx %arg9[%gather3A_438] : memref<50176xf32, #tpu.memory_space<vmem>>[vector<16xi32>], vector<16xf32>,
      %mul3A_441 = arith.mulf %gather3A_440, %gather3A_439 : vector<16xf32>
      %add3A_442 = arith.addf %add3A_435, %mul3A_441 : vector<16xf32>
      %swap3A_443 = arith.constant 144 : index
      %swap3A_444 = tpu.vector_load %arg14[%swap3A_443] {strides = array<i32>} : memref<512xf32, #tpu.memory_space<vmem>>, vector<16xf32>,
      tpu.vector_store %arg14[%swap3A_443], %add3A_442 {strides = array<i32>} : memref<512xf32, #tpu.memory_space<vmem>>, vector<16xf32>,
      %iota3A_445 = tpu.iota {dimensions = array<i32: 0>} : vector<16xi32>
      %add3A_446 = arith.constant 160 : i32
      %add3A_447 = vector.broadcast %add3A_446 : i32 to vector<16xi32>
      %add3A_448 = arith.addi %add3A_447, %iota3A_445 : vector<16xi32>
      %gather3A_449 = tpu.vector_load_idx %arg13[%add3A_448, %broadcast_in_dim3A_106] : memref<448x1xi32, #tpu.memory_space<vmem>>[vector<16xi32>, vector<16xi32>], vector<16xi32>,
      %broadcast_in_dim3A_450 = arith.constant 0 : i32
      %broadcast_in_dim3A_451 = vector.broadcast %broadcast_in_dim3A_450 : i32 to vector<16xi32>
      %gather3A_452 = tpu.vector_load_idx %arg10[%broadcast_in_dim3A_451, %gather3A_449] : memref<4x1536xi32, #tpu.memory_space<vmem>>[vector<16xi32>, vector<16xi32>], vector<16xi32>,
      %gather3A_453 = tpu.vector_load_idx %arg11[%broadcast_in_dim3A_451, %gather3A_449] : memref<4x1536xf32, #tpu.memory_space<vmem>>[vector<16xi32>, vector<16xi32>], vector<16xf32>,
      %gather3A_454 = tpu.vector_load_idx %arg9[%gather3A_452] : memref<50176xf32, #tpu.memory_space<vmem>>[vector<16xi32>], vector<16xf32>,
      %mul3A_455 = arith.mulf %gather3A_454, %gather3A_453 : vector<16xf32>
      %broadcast_in_dim3A_456 = arith.constant 1 : i32
      %broadcast_in_dim3A_457 = vector.broadcast %broadcast_in_dim3A_456 : i32 to vector<16xi32>
      %gather3A_458 = tpu.vector_load_idx %arg10[%broadcast_in_dim3A_457, %gather3A_449] : memref<4x1536xi32, #tpu.memory_space<vmem>>[vector<16xi32>, vector<16xi32>], vector<16xi32>,
      %gather3A_459 = tpu.vector_load_idx %arg11[%broadcast_in_dim3A_457, %gather3A_449] : memref<4x1536xf32, #tpu.memory_space<vmem>>[vector<16xi32>, vector<16xi32>], vector<16xf32>,
      %gather3A_460 = tpu.vector_load_idx %arg9[%gather3A_458] : memref<50176xf32, #tpu.memory_space<vmem>>[vector<16xi32>], vector<16xf32>,
      %mul3A_461 = arith.mulf %gather3A_460, %gather3A_459 : vector<16xf32>
      %add3A_462 = arith.addf %mul3A_455, %mul3A_461 : vector<16xf32>
      %broadcast_in_dim3A_463 = arith.constant 2 : i32
      %broadcast_in_dim3A_464 = vector.broadcast %broadcast_in_dim3A_463 : i32 to vector<16xi32>
      %gather3A_465 = tpu.vector_load_idx %arg10[%broadcast_in_dim3A_464, %gather3A_449] : memref<4x1536xi32, #tpu.memory_space<vmem>>[vector<16xi32>, vector<16xi32>], vector<16xi32>,
      %gather3A_466 = tpu.vector_load_idx %arg11[%broadcast_in_dim3A_464, %gather3A_449] : memref<4x1536xf32, #tpu.memory_space<vmem>>[vector<16xi32>, vector<16xi32>], vector<16xf32>,
      %gather3A_467 = tpu.vector_load_idx %arg9[%gather3A_465] : memref<50176xf32, #tpu.memory_space<vmem>>[vector<16xi32>], vector<16xf32>,
      %mul3A_468 = arith.mulf %gather3A_467, %gather3A_466 : vector<16xf32>
      %add3A_469 = arith.addf %add3A_462, %mul3A_468 : vector<16xf32>
      %broadcast_in_dim3A_470 = arith.constant 3 : i32
      %broadcast_in_dim3A_471 = vector.broadcast %broadcast_in_dim3A_470 : i32 to vector<16xi32>
      %gather3A_472 = tpu.vector_load_idx %arg10[%broadcast_in_dim3A_471, %gather3A_449] : memref<4x1536xi32, #tpu.memory_space<vmem>>[vector<16xi32>, vector<16xi32>], vector<16xi32>,
      %gather3A_473 = tpu.vector_load_idx %arg11[%broadcast_in_dim3A_471, %gather3A_449] : memref<4x1536xf32, #tpu.memory_space<vmem>>[vector<16xi32>, vector<16xi32>], vector<16xf32>,
      %gather3A_474 = tpu.vector_load_idx %arg9[%gather3A_472] : memref<50176xf32, #tpu.memory_space<vmem>>[vector<16xi32>], vector<16xf32>,
      %mul3A_475 = arith.mulf %gather3A_474, %gather3A_473 : vector<16xf32>
      %add3A_476 = arith.addf %add3A_469, %mul3A_475 : vector<16xf32>
      %swap3A_477 = arith.constant 160 : index
      %swap3A_478 = tpu.vector_load %arg14[%swap3A_477] {strides = array<i32>} : memref<512xf32, #tpu.memory_space<vmem>>, vector<16xf32>,
      tpu.vector_store %arg14[%swap3A_477], %add3A_476 {strides = array<i32>} : memref<512xf32, #tpu.memory_space<vmem>>, vector<16xf32>,
      %iota3A_479 = tpu.iota {dimensions = array<i32: 0>} : vector<16xi32>
      %add3A_480 = arith.constant 176 : i32
      %add3A_481 = vector.broadcast %add3A_480 : i32 to vector<16xi32>
      %add3A_482 = arith.addi %add3A_481, %iota3A_479 : vector<16xi32>
      %gather3A_483 = tpu.vector_load_idx %arg13[%add3A_482, %broadcast_in_dim3A_106] : memref<448x1xi32, #tpu.memory_space<vmem>>[vector<16xi32>, vector<16xi32>], vector<16xi32>,
      %broadcast_in_dim3A_484 = arith.constant 0 : i32
      %broadcast_in_dim3A_485 = vector.broadcast %broadcast_in_dim3A_484 : i32 to vector<16xi32>
      %gather3A_486 = tpu.vector_load_idx %arg10[%broadcast_in_dim3A_485, %gather3A_483] : memref<4x1536xi32, #tpu.memory_space<vmem>>[vector<16xi32>, vector<16xi32>], vector<16xi32>,
      %gather3A_487 = tpu.vector_load_idx %arg11[%broadcast_in_dim3A_485, %gather3A_483] : memref<4x1536xf32, #tpu.memory_space<vmem>>[vector<16xi32>, vector<16xi32>], vector<16xf32>,
      %gather3A_488 = tpu.vector_load_idx %arg9[%gather3A_486] : memref<50176xf32, #tpu.memory_space<vmem>>[vector<16xi32>], vector<16xf32>,
      %mul3A_489 = arith.mulf %gather3A_488, %gather3A_487 : vector<16xf32>
      %broadcast_in_dim3A_490 = arith.constant 1 : i32
      %broadcast_in_dim3A_491 = vector.broadcast %broadcast_in_dim3A_490 : i32 to vector<16xi32>
      %gather3A_492 = tpu.vector_load_idx %arg10[%broadcast_in_dim3A_491, %gather3A_483] : memref<4x1536xi32, #tpu.memory_space<vmem>>[vector<16xi32>, vector<16xi32>], vector<16xi32>,
      %gather3A_493 = tpu.vector_load_idx %arg11[%broadcast_in_dim3A_491, %gather3A_483] : memref<4x1536xf32, #tpu.memory_space<vmem>>[vector<16xi32>, vector<16xi32>], vector<16xf32>,
      %gather3A_494 = tpu.vector_load_idx %arg9[%gather3A_492] : memref<50176xf32, #tpu.memory_space<vmem>>[vector<16xi32>], vector<16xf32>,
      %mul3A_495 = arith.mulf %gather3A_494, %gather3A_493 : vector<16xf32>
      %add3A_496 = arith.addf %mul3A_489, %mul3A_495 : vector<16xf32>
      %broadcast_in_dim3A_497 = arith.constant 2 : i32
      %broadcast_in_dim3A_498 = vector.broadcast %broadcast_in_dim3A_497 : i32 to vector<16xi32>
      %gather3A_499 = tpu.vector_load_idx %arg10[%broadcast_in_dim3A_498, %gather3A_483] : memref<4x1536xi32, #tpu.memory_space<vmem>>[vector<16xi32>, vector<16xi32>], vector<16xi32>,
      %gather3A_500 = tpu.vector_load_idx %arg11[%broadcast_in_dim3A_498, %gather3A_483] : memref<4x1536xf32, #tpu.memory_space<vmem>>[vector<16xi32>, vector<16xi32>], vector<16xf32>,
      %gather3A_501 = tpu.vector_load_idx %arg9[%gather3A_499] : memref<50176xf32, #tpu.memory_space<vmem>>[vector<16xi32>], vector<16xf32>,
      %mul3A_502 = arith.mulf %gather3A_501, %gather3A_500 : vector<16xf32>
      %add3A_503 = arith.addf %add3A_496, %mul3A_502 : vector<16xf32>
      %broadcast_in_dim3A_504 = arith.constant 3 : i32
      %broadcast_in_dim3A_505 = vector.broadcast %broadcast_in_dim3A_504 : i32 to vector<16xi32>
      %gather3A_506 = tpu.vector_load_idx %arg10[%broadcast_in_dim3A_505, %gather3A_483] : memref<4x1536xi32, #tpu.memory_space<vmem>>[vector<16xi32>, vector<16xi32>], vector<16xi32>,
      %gather3A_507 = tpu.vector_load_idx %arg11[%broadcast_in_dim3A_505, %gather3A_483] : memref<4x1536xf32, #tpu.memory_space<vmem>>[vector<16xi32>, vector<16xi32>], vector<16xf32>,
      %gather3A_508 = tpu.vector_load_idx %arg9[%gather3A_506] : memref<50176xf32, #tpu.memory_space<vmem>>[vector<16xi32>], vector<16xf32>,
      %mul3A_509 = arith.mulf %gather3A_508, %gather3A_507 : vector<16xf32>
      %add3A_510 = arith.addf %add3A_503, %mul3A_509 : vector<16xf32>
      %swap3A_511 = arith.constant 176 : index
      %swap3A_512 = tpu.vector_load %arg14[%swap3A_511] {strides = array<i32>} : memref<512xf32, #tpu.memory_space<vmem>>, vector<16xf32>,
      tpu.vector_store %arg14[%swap3A_511], %add3A_510 {strides = array<i32>} : memref<512xf32, #tpu.memory_space<vmem>>, vector<16xf32>,
      %iota3A_513 = tpu.iota {dimensions = array<i32: 0>} : vector<16xi32>
      %add3A_514 = arith.constant 192 : i32
      %add3A_515 = vector.broadcast %add3A_514 : i32 to vector<16xi32>
      %add3A_516 = arith.addi %add3A_515, %iota3A_513 : vector<16xi32>
      %gather3A_517 = tpu.vector_load_idx %arg13[%add3A_516, %broadcast_in_dim3A_106] : memref<448x1xi32, #tpu.memory_space<vmem>>[vector<16xi32>, vector<16xi32>], vector<16xi32>,
      %broadcast_in_dim3A_518 = arith.constant 0 : i32
      %broadcast_in_dim3A_519 = vector.broadcast %broadcast_in_dim3A_518 : i32 to vector<16xi32>
      %gather3A_520 = tpu.vector_load_idx %arg10[%broadcast_in_dim3A_519, %gather3A_517] : memref<4x1536xi32, #tpu.memory_space<vmem>>[vector<16xi32>, vector<16xi32>], vector<16xi32>,
      %gather3A_521 = tpu.vector_load_idx %arg11[%broadcast_in_dim3A_519, %gather3A_517] : memref<4x1536xf32, #tpu.memory_space<vmem>>[vector<16xi32>, vector<16xi32>], vector<16xf32>,
      %gather3A_522 = tpu.vector_load_idx %arg9[%gather3A_520] : memref<50176xf32, #tpu.memory_space<vmem>>[vector<16xi32>], vector<16xf32>,
      %mul3A_523 = arith.mulf %gather3A_522, %gather3A_521 : vector<16xf32>
      %broadcast_in_dim3A_524 = arith.constant 1 : i32
      %broadcast_in_dim3A_525 = vector.broadcast %broadcast_in_dim3A_524 : i32 to vector<16xi32>
      %gather3A_526 = tpu.vector_load_idx %arg10[%broadcast_in_dim3A_525, %gather3A_517] : memref<4x1536xi32, #tpu.memory_space<vmem>>[vector<16xi32>, vector<16xi32>], vector<16xi32>,
      %gather3A_527 = tpu.vector_load_idx %arg11[%broadcast_in_dim3A_525, %gather3A_517] : memref<4x1536xf32, #tpu.memory_space<vmem>>[vector<16xi32>, vector<16xi32>], vector<16xf32>,
      %gather3A_528 = tpu.vector_load_idx %arg9[%gather3A_526] : memref<50176xf32, #tpu.memory_space<vmem>>[vector<16xi32>], vector<16xf32>,
      %mul3A_529 = arith.mulf %gather3A_528, %gather3A_527 : vector<16xf32>
      %add3A_530 = arith.addf %mul3A_523, %mul3A_529 : vector<16xf32>
      %broadcast_in_dim3A_531 = arith.constant 2 : i32
      %broadcast_in_dim3A_532 = vector.broadcast %broadcast_in_dim3A_531 : i32 to vector<16xi32>
      %gather3A_533 = tpu.vector_load_idx %arg10[%broadcast_in_dim3A_532, %gather3A_517] : memref<4x1536xi32, #tpu.memory_space<vmem>>[vector<16xi32>, vector<16xi32>], vector<16xi32>,
      %gather3A_534 = tpu.vector_load_idx %arg11[%broadcast_in_dim3A_532, %gather3A_517] : memref<4x1536xf32, #tpu.memory_space<vmem>>[vector<16xi32>, vector<16xi32>], vector<16xf32>,
      %gather3A_535 = tpu.vector_load_idx %arg9[%gather3A_533] : memref<50176xf32, #tpu.memory_space<vmem>>[vector<16xi32>], vector<16xf32>,
      %mul3A_536 = arith.mulf %gather3A_535, %gather3A_534 : vector<16xf32>
      %add3A_537 = arith.addf %add3A_530, %mul3A_536 : vector<16xf32>
      %broadcast_in_dim3A_538 = arith.constant 3 : i32
      %broadcast_in_dim3A_539 = vector.broadcast %broadcast_in_dim3A_538 : i32 to vector<16xi32>
      %gather3A_540 = tpu.vector_load_idx %arg10[%broadcast_in_dim3A_539, %gather3A_517] : memref<4x1536xi32, #tpu.memory_space<vmem>>[vector<16xi32>, vector<16xi32>], vector<16xi32>,
      %gather3A_541 = tpu.vector_load_idx %arg11[%broadcast_in_dim3A_539, %gather3A_517] : memref<4x1536xf32, #tpu.memory_space<vmem>>[vector<16xi32>, vector<16xi32>], vector<16xf32>,
      %gather3A_542 = tpu.vector_load_idx %arg9[%gather3A_540] : memref<50176xf32, #tpu.memory_space<vmem>>[vector<16xi32>], vector<16xf32>,
      %mul3A_543 = arith.mulf %gather3A_542, %gather3A_541 : vector<16xf32>
      %add3A_544 = arith.addf %add3A_537, %mul3A_543 : vector<16xf32>
      %swap3A_545 = arith.constant 192 : index
      %swap3A_546 = tpu.vector_load %arg14[%swap3A_545] {strides = array<i32>} : memref<512xf32, #tpu.memory_space<vmem>>, vector<16xf32>,
      tpu.vector_store %arg14[%swap3A_545], %add3A_544 {strides = array<i32>} : memref<512xf32, #tpu.memory_space<vmem>>, vector<16xf32>,
      %iota3A_547 = tpu.iota {dimensions = array<i32: 0>} : vector<16xi32>
      %add3A_548 = arith.constant 208 : i32
      %add3A_549 = vector.broadcast %add3A_548 : i32 to vector<16xi32>
      %add3A_550 = arith.addi %add3A_549, %iota3A_547 : vector<16xi32>
      %gather3A_551 = tpu.vector_load_idx %arg13[%add3A_550, %broadcast_in_dim3A_106] : memref<448x1xi32, #tpu.memory_space<vmem>>[vector<16xi32>, vector<16xi32>], vector<16xi32>,
      %broadcast_in_dim3A_552 = arith.constant 0 : i32
      %broadcast_in_dim3A_553 = vector.broadcast %broadcast_in_dim3A_552 : i32 to vector<16xi32>
      %gather3A_554 = tpu.vector_load_idx %arg10[%broadcast_in_dim3A_553, %gather3A_551] : memref<4x1536xi32, #tpu.memory_space<vmem>>[vector<16xi32>, vector<16xi32>], vector<16xi32>,
      %gather3A_555 = tpu.vector_load_idx %arg11[%broadcast_in_dim3A_553, %gather3A_551] : memref<4x1536xf32, #tpu.memory_space<vmem>>[vector<16xi32>, vector<16xi32>], vector<16xf32>,
      %gather3A_556 = tpu.vector_load_idx %arg9[%gather3A_554] : memref<50176xf32, #tpu.memory_space<vmem>>[vector<16xi32>], vector<16xf32>,
      %mul3A_557 = arith.mulf %gather3A_556, %gather3A_555 : vector<16xf32>
      %broadcast_in_dim3A_558 = arith.constant 1 : i32
      %broadcast_in_dim3A_559 = vector.broadcast %broadcast_in_dim3A_558 : i32 to vector<16xi32>
      %gather3A_560 = tpu.vector_load_idx %arg10[%broadcast_in_dim3A_559, %gather3A_551] : memref<4x1536xi32, #tpu.memory_space<vmem>>[vector<16xi32>, vector<16xi32>], vector<16xi32>,
      %gather3A_561 = tpu.vector_load_idx %arg11[%broadcast_in_dim3A_559, %gather3A_551] : memref<4x1536xf32, #tpu.memory_space<vmem>>[vector<16xi32>, vector<16xi32>], vector<16xf32>,
      %gather3A_562 = tpu.vector_load_idx %arg9[%gather3A_560] : memref<50176xf32, #tpu.memory_space<vmem>>[vector<16xi32>], vector<16xf32>,
      %mul3A_563 = arith.mulf %gather3A_562, %gather3A_561 : vector<16xf32>
      %add3A_564 = arith.addf %mul3A_557, %mul3A_563 : vector<16xf32>
      %broadcast_in_dim3A_565 = arith.constant 2 : i32
      %broadcast_in_dim3A_566 = vector.broadcast %broadcast_in_dim3A_565 : i32 to vector<16xi32>
      %gather3A_567 = tpu.vector_load_idx %arg10[%broadcast_in_dim3A_566, %gather3A_551] : memref<4x1536xi32, #tpu.memory_space<vmem>>[vector<16xi32>, vector<16xi32>], vector<16xi32>,
      %gather3A_568 = tpu.vector_load_idx %arg11[%broadcast_in_dim3A_566, %gather3A_551] : memref<4x1536xf32, #tpu.memory_space<vmem>>[vector<16xi32>, vector<16xi32>], vector<16xf32>,
      %gather3A_569 = tpu.vector_load_idx %arg9[%gather3A_567] : memref<50176xf32, #tpu.memory_space<vmem>>[vector<16xi32>], vector<16xf32>,
      %mul3A_570 = arith.mulf %gather3A_569, %gather3A_568 : vector<16xf32>
      %add3A_571 = arith.addf %add3A_564, %mul3A_570 : vector<16xf32>
      %broadcast_in_dim3A_572 = arith.constant 3 : i32
      %broadcast_in_dim3A_573 = vector.broadcast %broadcast_in_dim3A_572 : i32 to vector<16xi32>
      %gather3A_574 = tpu.vector_load_idx %arg10[%broadcast_in_dim3A_573, %gather3A_551] : memref<4x1536xi32, #tpu.memory_space<vmem>>[vector<16xi32>, vector<16xi32>], vector<16xi32>,
      %gather3A_575 = tpu.vector_load_idx %arg11[%broadcast_in_dim3A_573, %gather3A_551] : memref<4x1536xf32, #tpu.memory_space<vmem>>[vector<16xi32>, vector<16xi32>], vector<16xf32>,
      %gather3A_576 = tpu.vector_load_idx %arg9[%gather3A_574] : memref<50176xf32, #tpu.memory_space<vmem>>[vector<16xi32>], vector<16xf32>,
      %mul3A_577 = arith.mulf %gather3A_576, %gather3A_575 : vector<16xf32>
      %add3A_578 = arith.addf %add3A_571, %mul3A_577 : vector<16xf32>
      %swap3A_579 = arith.constant 208 : index
      %swap3A_580 = tpu.vector_load %arg14[%swap3A_579] {strides = array<i32>} : memref<512xf32, #tpu.memory_space<vmem>>, vector<16xf32>,
      tpu.vector_store %arg14[%swap3A_579], %add3A_578 {strides = array<i32>} : memref<512xf32, #tpu.memory_space<vmem>>, vector<16xf32>,
      %iota3A_581 = tpu.iota {dimensions = array<i32: 0>} : vector<16xi32>
      %add3A_582 = arith.constant 224 : i32
      %add3A_583 = vector.broadcast %add3A_582 : i32 to vector<16xi32>
      %add3A_584 = arith.addi %add3A_583, %iota3A_581 : vector<16xi32>
      %gather3A_585 = tpu.vector_load_idx %arg13[%add3A_584, %broadcast_in_dim3A_106] : memref<448x1xi32, #tpu.memory_space<vmem>>[vector<16xi32>, vector<16xi32>], vector<16xi32>,
      %broadcast_in_dim3A_586 = arith.constant 0 : i32
      %broadcast_in_dim3A_587 = vector.broadcast %broadcast_in_dim3A_586 : i32 to vector<16xi32>
      %gather3A_588 = tpu.vector_load_idx %arg10[%broadcast_in_dim3A_587, %gather3A_585] : memref<4x1536xi32, #tpu.memory_space<vmem>>[vector<16xi32>, vector<16xi32>], vector<16xi32>,
      %gather3A_589 = tpu.vector_load_idx %arg11[%broadcast_in_dim3A_587, %gather3A_585] : memref<4x1536xf32, #tpu.memory_space<vmem>>[vector<16xi32>, vector<16xi32>], vector<16xf32>,
      %gather3A_590 = tpu.vector_load_idx %arg9[%gather3A_588] : memref<50176xf32, #tpu.memory_space<vmem>>[vector<16xi32>], vector<16xf32>,
      %mul3A_591 = arith.mulf %gather3A_590, %gather3A_589 : vector<16xf32>
      %broadcast_in_dim3A_592 = arith.constant 1 : i32
      %broadcast_in_dim3A_593 = vector.broadcast %broadcast_in_dim3A_592 : i32 to vector<16xi32>
      %gather3A_594 = tpu.vector_load_idx %arg10[%broadcast_in_dim3A_593, %gather3A_585] : memref<4x1536xi32, #tpu.memory_space<vmem>>[vector<16xi32>, vector<16xi32>], vector<16xi32>,
      %gather3A_595 = tpu.vector_load_idx %arg11[%broadcast_in_dim3A_593, %gather3A_585] : memref<4x1536xf32, #tpu.memory_space<vmem>>[vector<16xi32>, vector<16xi32>], vector<16xf32>,
      %gather3A_596 = tpu.vector_load_idx %arg9[%gather3A_594] : memref<50176xf32, #tpu.memory_space<vmem>>[vector<16xi32>], vector<16xf32>,
      %mul3A_597 = arith.mulf %gather3A_596, %gather3A_595 : vector<16xf32>
      %add3A_598 = arith.addf %mul3A_591, %mul3A_597 : vector<16xf32>
      %broadcast_in_dim3A_599 = arith.constant 2 : i32
      %broadcast_in_dim3A_600 = vector.broadcast %broadcast_in_dim3A_599 : i32 to vector<16xi32>
      %gather3A_601 = tpu.vector_load_idx %arg10[%broadcast_in_dim3A_600, %gather3A_585] : memref<4x1536xi32, #tpu.memory_space<vmem>>[vector<16xi32>, vector<16xi32>], vector<16xi32>,
      %gather3A_602 = tpu.vector_load_idx %arg11[%broadcast_in_dim3A_600, %gather3A_585] : memref<4x1536xf32, #tpu.memory_space<vmem>>[vector<16xi32>, vector<16xi32>], vector<16xf32>,
      %gather3A_603 = tpu.vector_load_idx %arg9[%gather3A_601] : memref<50176xf32, #tpu.memory_space<vmem>>[vector<16xi32>], vector<16xf32>,
      %mul3A_604 = arith.mulf %gather3A_603, %gather3A_602 : vector<16xf32>
      %add3A_605 = arith.addf %add3A_598, %mul3A_604 : vector<16xf32>
      %broadcast_in_dim3A_606 = arith.constant 3 : i32
      %broadcast_in_dim3A_607 = vector.broadcast %broadcast_in_dim3A_606 : i32 to vector<16xi32>
      %gather3A_608 = tpu.vector_load_idx %arg10[%broadcast_in_dim3A_607, %gather3A_585] : memref<4x1536xi32, #tpu.memory_space<vmem>>[vector<16xi32>, vector<16xi32>], vector<16xi32>,
      %gather3A_609 = tpu.vector_load_idx %arg11[%broadcast_in_dim3A_607, %gather3A_585] : memref<4x1536xf32, #tpu.memory_space<vmem>>[vector<16xi32>, vector<16xi32>], vector<16xf32>,
      %gather3A_610 = tpu.vector_load_idx %arg9[%gather3A_608] : memref<50176xf32, #tpu.memory_space<vmem>>[vector<16xi32>], vector<16xf32>,
      %mul3A_611 = arith.mulf %gather3A_610, %gather3A_609 : vector<16xf32>
      %add3A_612 = arith.addf %add3A_605, %mul3A_611 : vector<16xf32>
      %swap3A_613 = arith.constant 224 : index
      %swap3A_614 = tpu.vector_load %arg14[%swap3A_613] {strides = array<i32>} : memref<512xf32, #tpu.memory_space<vmem>>, vector<16xf32>,
      tpu.vector_store %arg14[%swap3A_613], %add3A_612 {strides = array<i32>} : memref<512xf32, #tpu.memory_space<vmem>>, vector<16xf32>,
      %iota3A_615 = tpu.iota {dimensions = array<i32: 0>} : vector<16xi32>
      %add3A_616 = arith.constant 240 : i32
      %add3A_617 = vector.broadcast %add3A_616 : i32 to vector<16xi32>
      %add3A_618 = arith.addi %add3A_617, %iota3A_615 : vector<16xi32>
      %gather3A_619 = tpu.vector_load_idx %arg13[%add3A_618, %broadcast_in_dim3A_106] : memref<448x1xi32, #tpu.memory_space<vmem>>[vector<16xi32>, vector<16xi32>], vector<16xi32>,
      %broadcast_in_dim3A_620 = arith.constant 0 : i32
      %broadcast_in_dim3A_621 = vector.broadcast %broadcast_in_dim3A_620 : i32 to vector<16xi32>
      %gather3A_622 = tpu.vector_load_idx %arg10[%broadcast_in_dim3A_621, %gather3A_619] : memref<4x1536xi32, #tpu.memory_space<vmem>>[vector<16xi32>, vector<16xi32>], vector<16xi32>,
      %gather3A_623 = tpu.vector_load_idx %arg11[%broadcast_in_dim3A_621, %gather3A_619] : memref<4x1536xf32, #tpu.memory_space<vmem>>[vector<16xi32>, vector<16xi32>], vector<16xf32>,
      %gather3A_624 = tpu.vector_load_idx %arg9[%gather3A_622] : memref<50176xf32, #tpu.memory_space<vmem>>[vector<16xi32>], vector<16xf32>,
      %mul3A_625 = arith.mulf %gather3A_624, %gather3A_623 : vector<16xf32>
      %broadcast_in_dim3A_626 = arith.constant 1 : i32
      %broadcast_in_dim3A_627 = vector.broadcast %broadcast_in_dim3A_626 : i32 to vector<16xi32>
      %gather3A_628 = tpu.vector_load_idx %arg10[%broadcast_in_dim3A_627, %gather3A_619] : memref<4x1536xi32, #tpu.memory_space<vmem>>[vector<16xi32>, vector<16xi32>], vector<16xi32>,
      %gather3A_629 = tpu.vector_load_idx %arg11[%broadcast_in_dim3A_627, %gather3A_619] : memref<4x1536xf32, #tpu.memory_space<vmem>>[vector<16xi32>, vector<16xi32>], vector<16xf32>,
      %gather3A_630 = tpu.vector_load_idx %arg9[%gather3A_628] : memref<50176xf32, #tpu.memory_space<vmem>>[vector<16xi32>], vector<16xf32>,
      %mul3A_631 = arith.mulf %gather3A_630, %gather3A_629 : vector<16xf32>
      %add3A_632 = arith.addf %mul3A_625, %mul3A_631 : vector<16xf32>
      %broadcast_in_dim3A_633 = arith.constant 2 : i32
      %broadcast_in_dim3A_634 = vector.broadcast %broadcast_in_dim3A_633 : i32 to vector<16xi32>
      %gather3A_635 = tpu.vector_load_idx %arg10[%broadcast_in_dim3A_634, %gather3A_619] : memref<4x1536xi32, #tpu.memory_space<vmem>>[vector<16xi32>, vector<16xi32>], vector<16xi32>,
      %gather3A_636 = tpu.vector_load_idx %arg11[%broadcast_in_dim3A_634, %gather3A_619] : memref<4x1536xf32, #tpu.memory_space<vmem>>[vector<16xi32>, vector<16xi32>], vector<16xf32>,
      %gather3A_637 = tpu.vector_load_idx %arg9[%gather3A_635] : memref<50176xf32, #tpu.memory_space<vmem>>[vector<16xi32>], vector<16xf32>,
      %mul3A_638 = arith.mulf %gather3A_637, %gather3A_636 : vector<16xf32>
      %add3A_639 = arith.addf %add3A_632, %mul3A_638 : vector<16xf32>
      %broadcast_in_dim3A_640 = arith.constant 3 : i32
      %broadcast_in_dim3A_641 = vector.broadcast %broadcast_in_dim3A_640 : i32 to vector<16xi32>
      %gather3A_642 = tpu.vector_load_idx %arg10[%broadcast_in_dim3A_641, %gather3A_619] : memref<4x1536xi32, #tpu.memory_space<vmem>>[vector<16xi32>, vector<16xi32>], vector<16xi32>,
      %gather3A_643 = tpu.vector_load_idx %arg11[%broadcast_in_dim3A_641, %gather3A_619] : memref<4x1536xf32, #tpu.memory_space<vmem>>[vector<16xi32>, vector<16xi32>], vector<16xf32>,
      %gather3A_644 = tpu.vector_load_idx %arg9[%gather3A_642] : memref<50176xf32, #tpu.memory_space<vmem>>[vector<16xi32>], vector<16xf32>,
      %mul3A_645 = arith.mulf %gather3A_644, %gather3A_643 : vector<16xf32>
      %add3A_646 = arith.addf %add3A_639, %mul3A_645 : vector<16xf32>
      %swap3A_647 = arith.constant 240 : index
      %swap3A_648 = tpu.vector_load %arg14[%swap3A_647] {strides = array<i32>} : memref<512xf32, #tpu.memory_space<vmem>>, vector<16xf32>,
      tpu.vector_store %arg14[%swap3A_647], %add3A_646 {strides = array<i32>} : memref<512xf32, #tpu.memory_space<vmem>>, vector<16xf32>,
      %iota3A_649 = tpu.iota {dimensions = array<i32: 0>} : vector<16xi32>
      %add3A_650 = arith.constant 256 : i32
      %add3A_651 = vector.broadcast %add3A_650 : i32 to vector<16xi32>
      %add3A_652 = arith.addi %add3A_651, %iota3A_649 : vector<16xi32>
      %gather3A_653 = tpu.vector_load_idx %arg13[%add3A_652, %broadcast_in_dim3A_106] : memref<448x1xi32, #tpu.memory_space<vmem>>[vector<16xi32>, vector<16xi32>], vector<16xi32>,
      %broadcast_in_dim3A_654 = arith.constant 0 : i32
      %broadcast_in_dim3A_655 = vector.broadcast %broadcast_in_dim3A_654 : i32 to vector<16xi32>
      %gather3A_656 = tpu.vector_load_idx %arg10[%broadcast_in_dim3A_655, %gather3A_653] : memref<4x1536xi32, #tpu.memory_space<vmem>>[vector<16xi32>, vector<16xi32>], vector<16xi32>,
      %gather3A_657 = tpu.vector_load_idx %arg11[%broadcast_in_dim3A_655, %gather3A_653] : memref<4x1536xf32, #tpu.memory_space<vmem>>[vector<16xi32>, vector<16xi32>], vector<16xf32>,
      %gather3A_658 = tpu.vector_load_idx %arg9[%gather3A_656] : memref<50176xf32, #tpu.memory_space<vmem>>[vector<16xi32>], vector<16xf32>,
      %mul3A_659 = arith.mulf %gather3A_658, %gather3A_657 : vector<16xf32>
      %broadcast_in_dim3A_660 = arith.constant 1 : i32
      %broadcast_in_dim3A_661 = vector.broadcast %broadcast_in_dim3A_660 : i32 to vector<16xi32>
      %gather3A_662 = tpu.vector_load_idx %arg10[%broadcast_in_dim3A_661, %gather3A_653] : memref<4x1536xi32, #tpu.memory_space<vmem>>[vector<16xi32>, vector<16xi32>], vector<16xi32>,
      %gather3A_663 = tpu.vector_load_idx %arg11[%broadcast_in_dim3A_661, %gather3A_653] : memref<4x1536xf32, #tpu.memory_space<vmem>>[vector<16xi32>, vector<16xi32>], vector<16xf32>,
      %gather3A_664 = tpu.vector_load_idx %arg9[%gather3A_662] : memref<50176xf32, #tpu.memory_space<vmem>>[vector<16xi32>], vector<16xf32>,
      %mul3A_665 = arith.mulf %gather3A_664, %gather3A_663 : vector<16xf32>
      %add3A_666 = arith.addf %mul3A_659, %mul3A_665 : vector<16xf32>
      %broadcast_in_dim3A_667 = arith.constant 2 : i32
      %broadcast_in_dim3A_668 = vector.broadcast %broadcast_in_dim3A_667 : i32 to vector<16xi32>
      %gather3A_669 = tpu.vector_load_idx %arg10[%broadcast_in_dim3A_668, %gather3A_653] : memref<4x1536xi32, #tpu.memory_space<vmem>>[vector<16xi32>, vector<16xi32>], vector<16xi32>,
      %gather3A_670 = tpu.vector_load_idx %arg11[%broadcast_in_dim3A_668, %gather3A_653] : memref<4x1536xf32, #tpu.memory_space<vmem>>[vector<16xi32>, vector<16xi32>], vector<16xf32>,
      %gather3A_671 = tpu.vector_load_idx %arg9[%gather3A_669] : memref<50176xf32, #tpu.memory_space<vmem>>[vector<16xi32>], vector<16xf32>,
      %mul3A_672 = arith.mulf %gather3A_671, %gather3A_670 : vector<16xf32>
      %add3A_673 = arith.addf %add3A_666, %mul3A_672 : vector<16xf32>
      %broadcast_in_dim3A_674 = arith.constant 3 : i32
      %broadcast_in_dim3A_675 = vector.broadcast %broadcast_in_dim3A_674 : i32 to vector<16xi32>
      %gather3A_676 = tpu.vector_load_idx %arg10[%broadcast_in_dim3A_675, %gather3A_653] : memref<4x1536xi32, #tpu.memory_space<vmem>>[vector<16xi32>, vector<16xi32>], vector<16xi32>,
      %gather3A_677 = tpu.vector_load_idx %arg11[%broadcast_in_dim3A_675, %gather3A_653] : memref<4x1536xf32, #tpu.memory_space<vmem>>[vector<16xi32>, vector<16xi32>], vector<16xf32>,
      %gather3A_678 = tpu.vector_load_idx %arg9[%gather3A_676] : memref<50176xf32, #tpu.memory_space<vmem>>[vector<16xi32>], vector<16xf32>,
      %mul3A_679 = arith.mulf %gather3A_678, %gather3A_677 : vector<16xf32>
      %add3A_680 = arith.addf %add3A_673, %mul3A_679 : vector<16xf32>
      %swap3A_681 = arith.constant 256 : index
      %swap3A_682 = tpu.vector_load %arg14[%swap3A_681] {strides = array<i32>} : memref<512xf32, #tpu.memory_space<vmem>>, vector<16xf32>,
      tpu.vector_store %arg14[%swap3A_681], %add3A_680 {strides = array<i32>} : memref<512xf32, #tpu.memory_space<vmem>>, vector<16xf32>,
      %iota3A_683 = tpu.iota {dimensions = array<i32: 0>} : vector<16xi32>
      %add3A_684 = arith.constant 272 : i32
      %add3A_685 = vector.broadcast %add3A_684 : i32 to vector<16xi32>
      %add3A_686 = arith.addi %add3A_685, %iota3A_683 : vector<16xi32>
      %gather3A_687 = tpu.vector_load_idx %arg13[%add3A_686, %broadcast_in_dim3A_106] : memref<448x1xi32, #tpu.memory_space<vmem>>[vector<16xi32>, vector<16xi32>], vector<16xi32>,
      %broadcast_in_dim3A_688 = arith.constant 0 : i32
      %broadcast_in_dim3A_689 = vector.broadcast %broadcast_in_dim3A_688 : i32 to vector<16xi32>
      %gather3A_690 = tpu.vector_load_idx %arg10[%broadcast_in_dim3A_689, %gather3A_687] : memref<4x1536xi32, #tpu.memory_space<vmem>>[vector<16xi32>, vector<16xi32>], vector<16xi32>,
      %gather3A_691 = tpu.vector_load_idx %arg11[%broadcast_in_dim3A_689, %gather3A_687] : memref<4x1536xf32, #tpu.memory_space<vmem>>[vector<16xi32>, vector<16xi32>], vector<16xf32>,
      %gather3A_692 = tpu.vector_load_idx %arg9[%gather3A_690] : memref<50176xf32, #tpu.memory_space<vmem>>[vector<16xi32>], vector<16xf32>,
      %mul3A_693 = arith.mulf %gather3A_692, %gather3A_691 : vector<16xf32>
      %broadcast_in_dim3A_694 = arith.constant 1 : i32
      %broadcast_in_dim3A_695 = vector.broadcast %broadcast_in_dim3A_694 : i32 to vector<16xi32>
      %gather3A_696 = tpu.vector_load_idx %arg10[%broadcast_in_dim3A_695, %gather3A_687] : memref<4x1536xi32, #tpu.memory_space<vmem>>[vector<16xi32>, vector<16xi32>], vector<16xi32>,
      %gather3A_697 = tpu.vector_load_idx %arg11[%broadcast_in_dim3A_695, %gather3A_687] : memref<4x1536xf32, #tpu.memory_space<vmem>>[vector<16xi32>, vector<16xi32>], vector<16xf32>,
      %gather3A_698 = tpu.vector_load_idx %arg9[%gather3A_696] : memref<50176xf32, #tpu.memory_space<vmem>>[vector<16xi32>], vector<16xf32>,
      %mul3A_699 = arith.mulf %gather3A_698, %gather3A_697 : vector<16xf32>
      %add3A_700 = arith.addf %mul3A_693, %mul3A_699 : vector<16xf32>
      %broadcast_in_dim3A_701 = arith.constant 2 : i32
      %broadcast_in_dim3A_702 = vector.broadcast %broadcast_in_dim3A_701 : i32 to vector<16xi32>
      %gather3A_703 = tpu.vector_load_idx %arg10[%broadcast_in_dim3A_702, %gather3A_687] : memref<4x1536xi32, #tpu.memory_space<vmem>>[vector<16xi32>, vector<16xi32>], vector<16xi32>,
      %gather3A_704 = tpu.vector_load_idx %arg11[%broadcast_in_dim3A_702, %gather3A_687] : memref<4x1536xf32, #tpu.memory_space<vmem>>[vector<16xi32>, vector<16xi32>], vector<16xf32>,
      %gather3A_705 = tpu.vector_load_idx %arg9[%gather3A_703] : memref<50176xf32, #tpu.memory_space<vmem>>[vector<16xi32>], vector<16xf32>,
      %mul3A_706 = arith.mulf %gather3A_705, %gather3A_704 : vector<16xf32>
      %add3A_707 = arith.addf %add3A_700, %mul3A_706 : vector<16xf32>
      %broadcast_in_dim3A_708 = arith.constant 3 : i32
      %broadcast_in_dim3A_709 = vector.broadcast %broadcast_in_dim3A_708 : i32 to vector<16xi32>
      %gather3A_710 = tpu.vector_load_idx %arg10[%broadcast_in_dim3A_709, %gather3A_687] : memref<4x1536xi32, #tpu.memory_space<vmem>>[vector<16xi32>, vector<16xi32>], vector<16xi32>,
      %gather3A_711 = tpu.vector_load_idx %arg11[%broadcast_in_dim3A_709, %gather3A_687] : memref<4x1536xf32, #tpu.memory_space<vmem>>[vector<16xi32>, vector<16xi32>], vector<16xf32>,
      %gather3A_712 = tpu.vector_load_idx %arg9[%gather3A_710] : memref<50176xf32, #tpu.memory_space<vmem>>[vector<16xi32>], vector<16xf32>,
      %mul3A_713 = arith.mulf %gather3A_712, %gather3A_711 : vector<16xf32>
      %add3A_714 = arith.addf %add3A_707, %mul3A_713 : vector<16xf32>
      %swap3A_715 = arith.constant 272 : index
      %swap3A_716 = tpu.vector_load %arg14[%swap3A_715] {strides = array<i32>} : memref<512xf32, #tpu.memory_space<vmem>>, vector<16xf32>,
      tpu.vector_store %arg14[%swap3A_715], %add3A_714 {strides = array<i32>} : memref<512xf32, #tpu.memory_space<vmem>>, vector<16xf32>,
      %iota3A_717 = tpu.iota {dimensions = array<i32: 0>} : vector<16xi32>
      %add3A_718 = arith.constant 288 : i32
      %add3A_719 = vector.broadcast %add3A_718 : i32 to vector<16xi32>
      %add3A_720 = arith.addi %add3A_719, %iota3A_717 : vector<16xi32>
      %gather3A_721 = tpu.vector_load_idx %arg13[%add3A_720, %broadcast_in_dim3A_106] : memref<448x1xi32, #tpu.memory_space<vmem>>[vector<16xi32>, vector<16xi32>], vector<16xi32>,
      %broadcast_in_dim3A_722 = arith.constant 0 : i32
      %broadcast_in_dim3A_723 = vector.broadcast %broadcast_in_dim3A_722 : i32 to vector<16xi32>
      %gather3A_724 = tpu.vector_load_idx %arg10[%broadcast_in_dim3A_723, %gather3A_721] : memref<4x1536xi32, #tpu.memory_space<vmem>>[vector<16xi32>, vector<16xi32>], vector<16xi32>,
      %gather3A_725 = tpu.vector_load_idx %arg11[%broadcast_in_dim3A_723, %gather3A_721] : memref<4x1536xf32, #tpu.memory_space<vmem>>[vector<16xi32>, vector<16xi32>], vector<16xf32>,
      %gather3A_726 = tpu.vector_load_idx %arg9[%gather3A_724] : memref<50176xf32, #tpu.memory_space<vmem>>[vector<16xi32>], vector<16xf32>,
      %mul3A_727 = arith.mulf %gather3A_726, %gather3A_725 : vector<16xf32>
      %broadcast_in_dim3A_728 = arith.constant 1 : i32
      %broadcast_in_dim3A_729 = vector.broadcast %broadcast_in_dim3A_728 : i32 to vector<16xi32>
      %gather3A_730 = tpu.vector_load_idx %arg10[%broadcast_in_dim3A_729, %gather3A_721] : memref<4x1536xi32, #tpu.memory_space<vmem>>[vector<16xi32>, vector<16xi32>], vector<16xi32>,
      %gather3A_731 = tpu.vector_load_idx %arg11[%broadcast_in_dim3A_729, %gather3A_721] : memref<4x1536xf32, #tpu.memory_space<vmem>>[vector<16xi32>, vector<16xi32>], vector<16xf32>,
      %gather3A_732 = tpu.vector_load_idx %arg9[%gather3A_730] : memref<50176xf32, #tpu.memory_space<vmem>>[vector<16xi32>], vector<16xf32>,
      %mul3A_733 = arith.mulf %gather3A_732, %gather3A_731 : vector<16xf32>
      %add3A_734 = arith.addf %mul3A_727, %mul3A_733 : vector<16xf32>
      %broadcast_in_dim3A_735 = arith.constant 2 : i32
      %broadcast_in_dim3A_736 = vector.broadcast %broadcast_in_dim3A_735 : i32 to vector<16xi32>
      %gather3A_737 = tpu.vector_load_idx %arg10[%broadcast_in_dim3A_736, %gather3A_721] : memref<4x1536xi32, #tpu.memory_space<vmem>>[vector<16xi32>, vector<16xi32>], vector<16xi32>,
      %gather3A_738 = tpu.vector_load_idx %arg11[%broadcast_in_dim3A_736, %gather3A_721] : memref<4x1536xf32, #tpu.memory_space<vmem>>[vector<16xi32>, vector<16xi32>], vector<16xf32>,
      %gather3A_739 = tpu.vector_load_idx %arg9[%gather3A_737] : memref<50176xf32, #tpu.memory_space<vmem>>[vector<16xi32>], vector<16xf32>,
      %mul3A_740 = arith.mulf %gather3A_739, %gather3A_738 : vector<16xf32>
      %add3A_741 = arith.addf %add3A_734, %mul3A_740 : vector<16xf32>
      %broadcast_in_dim3A_742 = arith.constant 3 : i32
      %broadcast_in_dim3A_743 = vector.broadcast %broadcast_in_dim3A_742 : i32 to vector<16xi32>
      %gather3A_744 = tpu.vector_load_idx %arg10[%broadcast_in_dim3A_743, %gather3A_721] : memref<4x1536xi32, #tpu.memory_space<vmem>>[vector<16xi32>, vector<16xi32>], vector<16xi32>,
      %gather3A_745 = tpu.vector_load_idx %arg11[%broadcast_in_dim3A_743, %gather3A_721] : memref<4x1536xf32, #tpu.memory_space<vmem>>[vector<16xi32>, vector<16xi32>], vector<16xf32>,
      %gather3A_746 = tpu.vector_load_idx %arg9[%gather3A_744] : memref<50176xf32, #tpu.memory_space<vmem>>[vector<16xi32>], vector<16xf32>,
      %mul3A_747 = arith.mulf %gather3A_746, %gather3A_745 : vector<16xf32>
      %add3A_748 = arith.addf %add3A_741, %mul3A_747 : vector<16xf32>
      %swap3A_749 = arith.constant 288 : index
      %swap3A_750 = tpu.vector_load %arg14[%swap3A_749] {strides = array<i32>} : memref<512xf32, #tpu.memory_space<vmem>>, vector<16xf32>,
      tpu.vector_store %arg14[%swap3A_749], %add3A_748 {strides = array<i32>} : memref<512xf32, #tpu.memory_space<vmem>>, vector<16xf32>,
      %iota3A_751 = tpu.iota {dimensions = array<i32: 0>} : vector<16xi32>
      %add3A_752 = arith.constant 304 : i32
      %add3A_753 = vector.broadcast %add3A_752 : i32 to vector<16xi32>
      %add3A_754 = arith.addi %add3A_753, %iota3A_751 : vector<16xi32>
      %gather3A_755 = tpu.vector_load_idx %arg13[%add3A_754, %broadcast_in_dim3A_106] : memref<448x1xi32, #tpu.memory_space<vmem>>[vector<16xi32>, vector<16xi32>], vector<16xi32>,
      %broadcast_in_dim3A_756 = arith.constant 0 : i32
      %broadcast_in_dim3A_757 = vector.broadcast %broadcast_in_dim3A_756 : i32 to vector<16xi32>
      %gather3A_758 = tpu.vector_load_idx %arg10[%broadcast_in_dim3A_757, %gather3A_755] : memref<4x1536xi32, #tpu.memory_space<vmem>>[vector<16xi32>, vector<16xi32>], vector<16xi32>,
      %gather3A_759 = tpu.vector_load_idx %arg11[%broadcast_in_dim3A_757, %gather3A_755] : memref<4x1536xf32, #tpu.memory_space<vmem>>[vector<16xi32>, vector<16xi32>], vector<16xf32>,
      %gather3A_760 = tpu.vector_load_idx %arg9[%gather3A_758] : memref<50176xf32, #tpu.memory_space<vmem>>[vector<16xi32>], vector<16xf32>,
      %mul3A_761 = arith.mulf %gather3A_760, %gather3A_759 : vector<16xf32>
      %broadcast_in_dim3A_762 = arith.constant 1 : i32
      %broadcast_in_dim3A_763 = vector.broadcast %broadcast_in_dim3A_762 : i32 to vector<16xi32>
      %gather3A_764 = tpu.vector_load_idx %arg10[%broadcast_in_dim3A_763, %gather3A_755] : memref<4x1536xi32, #tpu.memory_space<vmem>>[vector<16xi32>, vector<16xi32>], vector<16xi32>,
      %gather3A_765 = tpu.vector_load_idx %arg11[%broadcast_in_dim3A_763, %gather3A_755] : memref<4x1536xf32, #tpu.memory_space<vmem>>[vector<16xi32>, vector<16xi32>], vector<16xf32>,
      %gather3A_766 = tpu.vector_load_idx %arg9[%gather3A_764] : memref<50176xf32, #tpu.memory_space<vmem>>[vector<16xi32>], vector<16xf32>,
      %mul3A_767 = arith.mulf %gather3A_766, %gather3A_765 : vector<16xf32>
      %add3A_768 = arith.addf %mul3A_761, %mul3A_767 : vector<16xf32>
      %broadcast_in_dim3A_769 = arith.constant 2 : i32
      %broadcast_in_dim3A_770 = vector.broadcast %broadcast_in_dim3A_769 : i32 to vector<16xi32>
      %gather3A_771 = tpu.vector_load_idx %arg10[%broadcast_in_dim3A_770, %gather3A_755] : memref<4x1536xi32, #tpu.memory_space<vmem>>[vector<16xi32>, vector<16xi32>], vector<16xi32>,
      %gather3A_772 = tpu.vector_load_idx %arg11[%broadcast_in_dim3A_770, %gather3A_755] : memref<4x1536xf32, #tpu.memory_space<vmem>>[vector<16xi32>, vector<16xi32>], vector<16xf32>,
      %gather3A_773 = tpu.vector_load_idx %arg9[%gather3A_771] : memref<50176xf32, #tpu.memory_space<vmem>>[vector<16xi32>], vector<16xf32>,
      %mul3A_774 = arith.mulf %gather3A_773, %gather3A_772 : vector<16xf32>
      %add3A_775 = arith.addf %add3A_768, %mul3A_774 : vector<16xf32>
      %broadcast_in_dim3A_776 = arith.constant 3 : i32
      %broadcast_in_dim3A_777 = vector.broadcast %broadcast_in_dim3A_776 : i32 to vector<16xi32>
      %gather3A_778 = tpu.vector_load_idx %arg10[%broadcast_in_dim3A_777, %gather3A_755] : memref<4x1536xi32, #tpu.memory_space<vmem>>[vector<16xi32>, vector<16xi32>], vector<16xi32>,
      %gather3A_779 = tpu.vector_load_idx %arg11[%broadcast_in_dim3A_777, %gather3A_755] : memref<4x1536xf32, #tpu.memory_space<vmem>>[vector<16xi32>, vector<16xi32>], vector<16xf32>,
      %gather3A_780 = tpu.vector_load_idx %arg9[%gather3A_778] : memref<50176xf32, #tpu.memory_space<vmem>>[vector<16xi32>], vector<16xf32>,
      %mul3A_781 = arith.mulf %gather3A_780, %gather3A_779 : vector<16xf32>
      %add3A_782 = arith.addf %add3A_775, %mul3A_781 : vector<16xf32>
      %swap3A_783 = arith.constant 304 : index
      %swap3A_784 = tpu.vector_load %arg14[%swap3A_783] {strides = array<i32>} : memref<512xf32, #tpu.memory_space<vmem>>, vector<16xf32>,
      tpu.vector_store %arg14[%swap3A_783], %add3A_782 {strides = array<i32>} : memref<512xf32, #tpu.memory_space<vmem>>, vector<16xf32>,
      %iota3A_785 = tpu.iota {dimensions = array<i32: 0>} : vector<16xi32>
      %add3A_786 = arith.constant 320 : i32
      %add3A_787 = vector.broadcast %add3A_786 : i32 to vector<16xi32>
      %add3A_788 = arith.addi %add3A_787, %iota3A_785 : vector<16xi32>
      %gather3A_789 = tpu.vector_load_idx %arg13[%add3A_788, %broadcast_in_dim3A_106] : memref<448x1xi32, #tpu.memory_space<vmem>>[vector<16xi32>, vector<16xi32>], vector<16xi32>,
      %broadcast_in_dim3A_790 = arith.constant 0 : i32
      %broadcast_in_dim3A_791 = vector.broadcast %broadcast_in_dim3A_790 : i32 to vector<16xi32>
      %gather3A_792 = tpu.vector_load_idx %arg10[%broadcast_in_dim3A_791, %gather3A_789] : memref<4x1536xi32, #tpu.memory_space<vmem>>[vector<16xi32>, vector<16xi32>], vector<16xi32>,
      %gather3A_793 = tpu.vector_load_idx %arg11[%broadcast_in_dim3A_791, %gather3A_789] : memref<4x1536xf32, #tpu.memory_space<vmem>>[vector<16xi32>, vector<16xi32>], vector<16xf32>,
      %gather3A_794 = tpu.vector_load_idx %arg9[%gather3A_792] : memref<50176xf32, #tpu.memory_space<vmem>>[vector<16xi32>], vector<16xf32>,
      %mul3A_795 = arith.mulf %gather3A_794, %gather3A_793 : vector<16xf32>
      %broadcast_in_dim3A_796 = arith.constant 1 : i32
      %broadcast_in_dim3A_797 = vector.broadcast %broadcast_in_dim3A_796 : i32 to vector<16xi32>
      %gather3A_798 = tpu.vector_load_idx %arg10[%broadcast_in_dim3A_797, %gather3A_789] : memref<4x1536xi32, #tpu.memory_space<vmem>>[vector<16xi32>, vector<16xi32>], vector<16xi32>,
      %gather3A_799 = tpu.vector_load_idx %arg11[%broadcast_in_dim3A_797, %gather3A_789] : memref<4x1536xf32, #tpu.memory_space<vmem>>[vector<16xi32>, vector<16xi32>], vector<16xf32>,
      %gather3A_800 = tpu.vector_load_idx %arg9[%gather3A_798] : memref<50176xf32, #tpu.memory_space<vmem>>[vector<16xi32>], vector<16xf32>,
      %mul3A_801 = arith.mulf %gather3A_800, %gather3A_799 : vector<16xf32>
      %add3A_802 = arith.addf %mul3A_795, %mul3A_801 : vector<16xf32>
      %broadcast_in_dim3A_803 = arith.constant 2 : i32
      %broadcast_in_dim3A_804 = vector.broadcast %broadcast_in_dim3A_803 : i32 to vector<16xi32>
      %gather3A_805 = tpu.vector_load_idx %arg10[%broadcast_in_dim3A_804, %gather3A_789] : memref<4x1536xi32, #tpu.memory_space<vmem>>[vector<16xi32>, vector<16xi32>], vector<16xi32>,
      %gather3A_806 = tpu.vector_load_idx %arg11[%broadcast_in_dim3A_804, %gather3A_789] : memref<4x1536xf32, #tpu.memory_space<vmem>>[vector<16xi32>, vector<16xi32>], vector<16xf32>,
      %gather3A_807 = tpu.vector_load_idx %arg9[%gather3A_805] : memref<50176xf32, #tpu.memory_space<vmem>>[vector<16xi32>], vector<16xf32>,
      %mul3A_808 = arith.mulf %gather3A_807, %gather3A_806 : vector<16xf32>
      %add3A_809 = arith.addf %add3A_802, %mul3A_808 : vector<16xf32>
      %broadcast_in_dim3A_810 = arith.constant 3 : i32
      %broadcast_in_dim3A_811 = vector.broadcast %broadcast_in_dim3A_810 : i32 to vector<16xi32>
      %gather3A_812 = tpu.vector_load_idx %arg10[%broadcast_in_dim3A_811, %gather3A_789] : memref<4x1536xi32, #tpu.memory_space<vmem>>[vector<16xi32>, vector<16xi32>], vector<16xi32>,
      %gather3A_813 = tpu.vector_load_idx %arg11[%broadcast_in_dim3A_811, %gather3A_789] : memref<4x1536xf32, #tpu.memory_space<vmem>>[vector<16xi32>, vector<16xi32>], vector<16xf32>,
      %gather3A_814 = tpu.vector_load_idx %arg9[%gather3A_812] : memref<50176xf32, #tpu.memory_space<vmem>>[vector<16xi32>], vector<16xf32>,
      %mul3A_815 = arith.mulf %gather3A_814, %gather3A_813 : vector<16xf32>
      %add3A_816 = arith.addf %add3A_809, %mul3A_815 : vector<16xf32>
      %swap3A_817 = arith.constant 320 : index
      %swap3A_818 = tpu.vector_load %arg14[%swap3A_817] {strides = array<i32>} : memref<512xf32, #tpu.memory_space<vmem>>, vector<16xf32>,
      tpu.vector_store %arg14[%swap3A_817], %add3A_816 {strides = array<i32>} : memref<512xf32, #tpu.memory_space<vmem>>, vector<16xf32>,
      %iota3A_819 = tpu.iota {dimensions = array<i32: 0>} : vector<16xi32>
      %add3A_820 = arith.constant 336 : i32
      %add3A_821 = vector.broadcast %add3A_820 : i32 to vector<16xi32>
      %add3A_822 = arith.addi %add3A_821, %iota3A_819 : vector<16xi32>
      %gather3A_823 = tpu.vector_load_idx %arg13[%add3A_822, %broadcast_in_dim3A_106] : memref<448x1xi32, #tpu.memory_space<vmem>>[vector<16xi32>, vector<16xi32>], vector<16xi32>,
      %broadcast_in_dim3A_824 = arith.constant 0 : i32
      %broadcast_in_dim3A_825 = vector.broadcast %broadcast_in_dim3A_824 : i32 to vector<16xi32>
      %gather3A_826 = tpu.vector_load_idx %arg10[%broadcast_in_dim3A_825, %gather3A_823] : memref<4x1536xi32, #tpu.memory_space<vmem>>[vector<16xi32>, vector<16xi32>], vector<16xi32>,
      %gather3A_827 = tpu.vector_load_idx %arg11[%broadcast_in_dim3A_825, %gather3A_823] : memref<4x1536xf32, #tpu.memory_space<vmem>>[vector<16xi32>, vector<16xi32>], vector<16xf32>,
      %gather3A_828 = tpu.vector_load_idx %arg9[%gather3A_826] : memref<50176xf32, #tpu.memory_space<vmem>>[vector<16xi32>], vector<16xf32>,
      %mul3A_829 = arith.mulf %gather3A_828, %gather3A_827 : vector<16xf32>
      %broadcast_in_dim3A_830 = arith.constant 1 : i32
      %broadcast_in_dim3A_831 = vector.broadcast %broadcast_in_dim3A_830 : i32 to vector<16xi32>
      %gather3A_832 = tpu.vector_load_idx %arg10[%broadcast_in_dim3A_831, %gather3A_823] : memref<4x1536xi32, #tpu.memory_space<vmem>>[vector<16xi32>, vector<16xi32>], vector<16xi32>,
      %gather3A_833 = tpu.vector_load_idx %arg11[%broadcast_in_dim3A_831, %gather3A_823] : memref<4x1536xf32, #tpu.memory_space<vmem>>[vector<16xi32>, vector<16xi32>], vector<16xf32>,
      %gather3A_834 = tpu.vector_load_idx %arg9[%gather3A_832] : memref<50176xf32, #tpu.memory_space<vmem>>[vector<16xi32>], vector<16xf32>,
      %mul3A_835 = arith.mulf %gather3A_834, %gather3A_833 : vector<16xf32>
      %add3A_836 = arith.addf %mul3A_829, %mul3A_835 : vector<16xf32>
      %broadcast_in_dim3A_837 = arith.constant 2 : i32
      %broadcast_in_dim3A_838 = vector.broadcast %broadcast_in_dim3A_837 : i32 to vector<16xi32>
      %gather3A_839 = tpu.vector_load_idx %arg10[%broadcast_in_dim3A_838, %gather3A_823] : memref<4x1536xi32, #tpu.memory_space<vmem>>[vector<16xi32>, vector<16xi32>], vector<16xi32>,
      %gather3A_840 = tpu.vector_load_idx %arg11[%broadcast_in_dim3A_838, %gather3A_823] : memref<4x1536xf32, #tpu.memory_space<vmem>>[vector<16xi32>, vector<16xi32>], vector<16xf32>,
      %gather3A_841 = tpu.vector_load_idx %arg9[%gather3A_839] : memref<50176xf32, #tpu.memory_space<vmem>>[vector<16xi32>], vector<16xf32>,
      %mul3A_842 = arith.mulf %gather3A_841, %gather3A_840 : vector<16xf32>
      %add3A_843 = arith.addf %add3A_836, %mul3A_842 : vector<16xf32>
      %broadcast_in_dim3A_844 = arith.constant 3 : i32
      %broadcast_in_dim3A_845 = vector.broadcast %broadcast_in_dim3A_844 : i32 to vector<16xi32>
      %gather3A_846 = tpu.vector_load_idx %arg10[%broadcast_in_dim3A_845, %gather3A_823] : memref<4x1536xi32, #tpu.memory_space<vmem>>[vector<16xi32>, vector<16xi32>], vector<16xi32>,
      %gather3A_847 = tpu.vector_load_idx %arg11[%broadcast_in_dim3A_845, %gather3A_823] : memref<4x1536xf32, #tpu.memory_space<vmem>>[vector<16xi32>, vector<16xi32>], vector<16xf32>,
      %gather3A_848 = tpu.vector_load_idx %arg9[%gather3A_846] : memref<50176xf32, #tpu.memory_space<vmem>>[vector<16xi32>], vector<16xf32>,
      %mul3A_849 = arith.mulf %gather3A_848, %gather3A_847 : vector<16xf32>
      %add3A_850 = arith.addf %add3A_843, %mul3A_849 : vector<16xf32>
      %swap3A_851 = arith.constant 336 : index
      %swap3A_852 = tpu.vector_load %arg14[%swap3A_851] {strides = array<i32>} : memref<512xf32, #tpu.memory_space<vmem>>, vector<16xf32>,
      tpu.vector_store %arg14[%swap3A_851], %add3A_850 {strides = array<i32>} : memref<512xf32, #tpu.memory_space<vmem>>, vector<16xf32>,
      %iota3A_853 = tpu.iota {dimensions = array<i32: 0>} : vector<16xi32>
      %add3A_854 = arith.constant 352 : i32
      %add3A_855 = vector.broadcast %add3A_854 : i32 to vector<16xi32>
      %add3A_856 = arith.addi %add3A_855, %iota3A_853 : vector<16xi32>
      %gather3A_857 = tpu.vector_load_idx %arg13[%add3A_856, %broadcast_in_dim3A_106] : memref<448x1xi32, #tpu.memory_space<vmem>>[vector<16xi32>, vector<16xi32>], vector<16xi32>,
      %broadcast_in_dim3A_858 = arith.constant 0 : i32
      %broadcast_in_dim3A_859 = vector.broadcast %broadcast_in_dim3A_858 : i32 to vector<16xi32>
      %gather3A_860 = tpu.vector_load_idx %arg10[%broadcast_in_dim3A_859, %gather3A_857] : memref<4x1536xi32, #tpu.memory_space<vmem>>[vector<16xi32>, vector<16xi32>], vector<16xi32>,
      %gather3A_861 = tpu.vector_load_idx %arg11[%broadcast_in_dim3A_859, %gather3A_857] : memref<4x1536xf32, #tpu.memory_space<vmem>>[vector<16xi32>, vector<16xi32>], vector<16xf32>,
      %gather3A_862 = tpu.vector_load_idx %arg9[%gather3A_860] : memref<50176xf32, #tpu.memory_space<vmem>>[vector<16xi32>], vector<16xf32>,
      %mul3A_863 = arith.mulf %gather3A_862, %gather3A_861 : vector<16xf32>
      %broadcast_in_dim3A_864 = arith.constant 1 : i32
      %broadcast_in_dim3A_865 = vector.broadcast %broadcast_in_dim3A_864 : i32 to vector<16xi32>
      %gather3A_866 = tpu.vector_load_idx %arg10[%broadcast_in_dim3A_865, %gather3A_857] : memref<4x1536xi32, #tpu.memory_space<vmem>>[vector<16xi32>, vector<16xi32>], vector<16xi32>,
      %gather3A_867 = tpu.vector_load_idx %arg11[%broadcast_in_dim3A_865, %gather3A_857] : memref<4x1536xf32, #tpu.memory_space<vmem>>[vector<16xi32>, vector<16xi32>], vector<16xf32>,
      %gather3A_868 = tpu.vector_load_idx %arg9[%gather3A_866] : memref<50176xf32, #tpu.memory_space<vmem>>[vector<16xi32>], vector<16xf32>,
      %mul3A_869 = arith.mulf %gather3A_868, %gather3A_867 : vector<16xf32>
      %add3A_870 = arith.addf %mul3A_863, %mul3A_869 : vector<16xf32>
      %broadcast_in_dim3A_871 = arith.constant 2 : i32
      %broadcast_in_dim3A_872 = vector.broadcast %broadcast_in_dim3A_871 : i32 to vector<16xi32>
      %gather3A_873 = tpu.vector_load_idx %arg10[%broadcast_in_dim3A_872, %gather3A_857] : memref<4x1536xi32, #tpu.memory_space<vmem>>[vector<16xi32>, vector<16xi32>], vector<16xi32>,
      %gather3A_874 = tpu.vector_load_idx %arg11[%broadcast_in_dim3A_872, %gather3A_857] : memref<4x1536xf32, #tpu.memory_space<vmem>>[vector<16xi32>, vector<16xi32>], vector<16xf32>,
      %gather3A_875 = tpu.vector_load_idx %arg9[%gather3A_873] : memref<50176xf32, #tpu.memory_space<vmem>>[vector<16xi32>], vector<16xf32>,
      %mul3A_876 = arith.mulf %gather3A_875, %gather3A_874 : vector<16xf32>
      %add3A_877 = arith.addf %add3A_870, %mul3A_876 : vector<16xf32>
      %broadcast_in_dim3A_878 = arith.constant 3 : i32
      %broadcast_in_dim3A_879 = vector.broadcast %broadcast_in_dim3A_878 : i32 to vector<16xi32>
      %gather3A_880 = tpu.vector_load_idx %arg10[%broadcast_in_dim3A_879, %gather3A_857] : memref<4x1536xi32, #tpu.memory_space<vmem>>[vector<16xi32>, vector<16xi32>], vector<16xi32>,
      %gather3A_881 = tpu.vector_load_idx %arg11[%broadcast_in_dim3A_879, %gather3A_857] : memref<4x1536xf32, #tpu.memory_space<vmem>>[vector<16xi32>, vector<16xi32>], vector<16xf32>,
      %gather3A_882 = tpu.vector_load_idx %arg9[%gather3A_880] : memref<50176xf32, #tpu.memory_space<vmem>>[vector<16xi32>], vector<16xf32>,
      %mul3A_883 = arith.mulf %gather3A_882, %gather3A_881 : vector<16xf32>
      %add3A_884 = arith.addf %add3A_877, %mul3A_883 : vector<16xf32>
      %swap3A_885 = arith.constant 352 : index
      %swap3A_886 = tpu.vector_load %arg14[%swap3A_885] {strides = array<i32>} : memref<512xf32, #tpu.memory_space<vmem>>, vector<16xf32>,
      tpu.vector_store %arg14[%swap3A_885], %add3A_884 {strides = array<i32>} : memref<512xf32, #tpu.memory_space<vmem>>, vector<16xf32>,
      %iota3A_887 = tpu.iota {dimensions = array<i32: 0>} : vector<16xi32>
      %add3A_888 = arith.constant 368 : i32
      %add3A_889 = vector.broadcast %add3A_888 : i32 to vector<16xi32>
      %add3A_890 = arith.addi %add3A_889, %iota3A_887 : vector<16xi32>
      %gather3A_891 = tpu.vector_load_idx %arg13[%add3A_890, %broadcast_in_dim3A_106] : memref<448x1xi32, #tpu.memory_space<vmem>>[vector<16xi32>, vector<16xi32>], vector<16xi32>,
      %broadcast_in_dim3A_892 = arith.constant 0 : i32
      %broadcast_in_dim3A_893 = vector.broadcast %broadcast_in_dim3A_892 : i32 to vector<16xi32>
      %gather3A_894 = tpu.vector_load_idx %arg10[%broadcast_in_dim3A_893, %gather3A_891] : memref<4x1536xi32, #tpu.memory_space<vmem>>[vector<16xi32>, vector<16xi32>], vector<16xi32>,
      %gather3A_895 = tpu.vector_load_idx %arg11[%broadcast_in_dim3A_893, %gather3A_891] : memref<4x1536xf32, #tpu.memory_space<vmem>>[vector<16xi32>, vector<16xi32>], vector<16xf32>,
      %gather3A_896 = tpu.vector_load_idx %arg9[%gather3A_894] : memref<50176xf32, #tpu.memory_space<vmem>>[vector<16xi32>], vector<16xf32>,
      %mul3A_897 = arith.mulf %gather3A_896, %gather3A_895 : vector<16xf32>
      %broadcast_in_dim3A_898 = arith.constant 1 : i32
      %broadcast_in_dim3A_899 = vector.broadcast %broadcast_in_dim3A_898 : i32 to vector<16xi32>
      %gather3A_900 = tpu.vector_load_idx %arg10[%broadcast_in_dim3A_899, %gather3A_891] : memref<4x1536xi32, #tpu.memory_space<vmem>>[vector<16xi32>, vector<16xi32>], vector<16xi32>,
      %gather3A_901 = tpu.vector_load_idx %arg11[%broadcast_in_dim3A_899, %gather3A_891] : memref<4x1536xf32, #tpu.memory_space<vmem>>[vector<16xi32>, vector<16xi32>], vector<16xf32>,
      %gather3A_902 = tpu.vector_load_idx %arg9[%gather3A_900] : memref<50176xf32, #tpu.memory_space<vmem>>[vector<16xi32>], vector<16xf32>,
      %mul3A_903 = arith.mulf %gather3A_902, %gather3A_901 : vector<16xf32>
      %add3A_904 = arith.addf %mul3A_897, %mul3A_903 : vector<16xf32>
      %broadcast_in_dim3A_905 = arith.constant 2 : i32
      %broadcast_in_dim3A_906 = vector.broadcast %broadcast_in_dim3A_905 : i32 to vector<16xi32>
      %gather3A_907 = tpu.vector_load_idx %arg10[%broadcast_in_dim3A_906, %gather3A_891] : memref<4x1536xi32, #tpu.memory_space<vmem>>[vector<16xi32>, vector<16xi32>], vector<16xi32>,
      %gather3A_908 = tpu.vector_load_idx %arg11[%broadcast_in_dim3A_906, %gather3A_891] : memref<4x1536xf32, #tpu.memory_space<vmem>>[vector<16xi32>, vector<16xi32>], vector<16xf32>,
      %gather3A_909 = tpu.vector_load_idx %arg9[%gather3A_907] : memref<50176xf32, #tpu.memory_space<vmem>>[vector<16xi32>], vector<16xf32>,
      %mul3A_910 = arith.mulf %gather3A_909, %gather3A_908 : vector<16xf32>
      %add3A_911 = arith.addf %add3A_904, %mul3A_910 : vector<16xf32>
      %broadcast_in_dim3A_912 = arith.constant 3 : i32
      %broadcast_in_dim3A_913 = vector.broadcast %broadcast_in_dim3A_912 : i32 to vector<16xi32>
      %gather3A_914 = tpu.vector_load_idx %arg10[%broadcast_in_dim3A_913, %gather3A_891] : memref<4x1536xi32, #tpu.memory_space<vmem>>[vector<16xi32>, vector<16xi32>], vector<16xi32>,
      %gather3A_915 = tpu.vector_load_idx %arg11[%broadcast_in_dim3A_913, %gather3A_891] : memref<4x1536xf32, #tpu.memory_space<vmem>>[vector<16xi32>, vector<16xi32>], vector<16xf32>,
      %gather3A_916 = tpu.vector_load_idx %arg9[%gather3A_914] : memref<50176xf32, #tpu.memory_space<vmem>>[vector<16xi32>], vector<16xf32>,
      %mul3A_917 = arith.mulf %gather3A_916, %gather3A_915 : vector<16xf32>
      %add3A_918 = arith.addf %add3A_911, %mul3A_917 : vector<16xf32>
      %swap3A_919 = arith.constant 368 : index
      %swap3A_920 = tpu.vector_load %arg14[%swap3A_919] {strides = array<i32>} : memref<512xf32, #tpu.memory_space<vmem>>, vector<16xf32>,
      tpu.vector_store %arg14[%swap3A_919], %add3A_918 {strides = array<i32>} : memref<512xf32, #tpu.memory_space<vmem>>, vector<16xf32>,
      %iota3A_921 = tpu.iota {dimensions = array<i32: 0>} : vector<16xi32>
      %add3A_922 = arith.constant 384 : i32
      %add3A_923 = vector.broadcast %add3A_922 : i32 to vector<16xi32>
      %add3A_924 = arith.addi %add3A_923, %iota3A_921 : vector<16xi32>
      %gather3A_925 = tpu.vector_load_idx %arg13[%add3A_924, %broadcast_in_dim3A_106] : memref<448x1xi32, #tpu.memory_space<vmem>>[vector<16xi32>, vector<16xi32>], vector<16xi32>,
      %broadcast_in_dim3A_926 = arith.constant 0 : i32
      %broadcast_in_dim3A_927 = vector.broadcast %broadcast_in_dim3A_926 : i32 to vector<16xi32>
      %gather3A_928 = tpu.vector_load_idx %arg10[%broadcast_in_dim3A_927, %gather3A_925] : memref<4x1536xi32, #tpu.memory_space<vmem>>[vector<16xi32>, vector<16xi32>], vector<16xi32>,
      %gather3A_929 = tpu.vector_load_idx %arg11[%broadcast_in_dim3A_927, %gather3A_925] : memref<4x1536xf32, #tpu.memory_space<vmem>>[vector<16xi32>, vector<16xi32>], vector<16xf32>,
      %gather3A_930 = tpu.vector_load_idx %arg9[%gather3A_928] : memref<50176xf32, #tpu.memory_space<vmem>>[vector<16xi32>], vector<16xf32>,
      %mul3A_931 = arith.mulf %gather3A_930, %gather3A_929 : vector<16xf32>
      %broadcast_in_dim3A_932 = arith.constant 1 : i32
      %broadcast_in_dim3A_933 = vector.broadcast %broadcast_in_dim3A_932 : i32 to vector<16xi32>
      %gather3A_934 = tpu.vector_load_idx %arg10[%broadcast_in_dim3A_933, %gather3A_925] : memref<4x1536xi32, #tpu.memory_space<vmem>>[vector<16xi32>, vector<16xi32>], vector<16xi32>,
      %gather3A_935 = tpu.vector_load_idx %arg11[%broadcast_in_dim3A_933, %gather3A_925] : memref<4x1536xf32, #tpu.memory_space<vmem>>[vector<16xi32>, vector<16xi32>], vector<16xf32>,
      %gather3A_936 = tpu.vector_load_idx %arg9[%gather3A_934] : memref<50176xf32, #tpu.memory_space<vmem>>[vector<16xi32>], vector<16xf32>,
      %mul3A_937 = arith.mulf %gather3A_936, %gather3A_935 : vector<16xf32>
      %add3A_938 = arith.addf %mul3A_931, %mul3A_937 : vector<16xf32>
      %broadcast_in_dim3A_939 = arith.constant 2 : i32
      %broadcast_in_dim3A_940 = vector.broadcast %broadcast_in_dim3A_939 : i32 to vector<16xi32>
      %gather3A_941 = tpu.vector_load_idx %arg10[%broadcast_in_dim3A_940, %gather3A_925] : memref<4x1536xi32, #tpu.memory_space<vmem>>[vector<16xi32>, vector<16xi32>], vector<16xi32>,
      %gather3A_942 = tpu.vector_load_idx %arg11[%broadcast_in_dim3A_940, %gather3A_925] : memref<4x1536xf32, #tpu.memory_space<vmem>>[vector<16xi32>, vector<16xi32>], vector<16xf32>,
      %gather3A_943 = tpu.vector_load_idx %arg9[%gather3A_941] : memref<50176xf32, #tpu.memory_space<vmem>>[vector<16xi32>], vector<16xf32>,
      %mul3A_944 = arith.mulf %gather3A_943, %gather3A_942 : vector<16xf32>
      %add3A_945 = arith.addf %add3A_938, %mul3A_944 : vector<16xf32>
      %broadcast_in_dim3A_946 = arith.constant 3 : i32
      %broadcast_in_dim3A_947 = vector.broadcast %broadcast_in_dim3A_946 : i32 to vector<16xi32>
      %gather3A_948 = tpu.vector_load_idx %arg10[%broadcast_in_dim3A_947, %gather3A_925] : memref<4x1536xi32, #tpu.memory_space<vmem>>[vector<16xi32>, vector<16xi32>], vector<16xi32>,
      %gather3A_949 = tpu.vector_load_idx %arg11[%broadcast_in_dim3A_947, %gather3A_925] : memref<4x1536xf32, #tpu.memory_space<vmem>>[vector<16xi32>, vector<16xi32>], vector<16xf32>,
      %gather3A_950 = tpu.vector_load_idx %arg9[%gather3A_948] : memref<50176xf32, #tpu.memory_space<vmem>>[vector<16xi32>], vector<16xf32>,
      %mul3A_951 = arith.mulf %gather3A_950, %gather3A_949 : vector<16xf32>
      %add3A_952 = arith.addf %add3A_945, %mul3A_951 : vector<16xf32>
      %swap3A_953 = arith.constant 384 : index
      %swap3A_954 = tpu.vector_load %arg14[%swap3A_953] {strides = array<i32>} : memref<512xf32, #tpu.memory_space<vmem>>, vector<16xf32>,
      tpu.vector_store %arg14[%swap3A_953], %add3A_952 {strides = array<i32>} : memref<512xf32, #tpu.memory_space<vmem>>, vector<16xf32>,
      %iota3A_955 = tpu.iota {dimensions = array<i32: 0>} : vector<16xi32>
      %add3A_956 = arith.constant 400 : i32
      %add3A_957 = vector.broadcast %add3A_956 : i32 to vector<16xi32>
      %add3A_958 = arith.addi %add3A_957, %iota3A_955 : vector<16xi32>
      %gather3A_959 = tpu.vector_load_idx %arg13[%add3A_958, %broadcast_in_dim3A_106] : memref<448x1xi32, #tpu.memory_space<vmem>>[vector<16xi32>, vector<16xi32>], vector<16xi32>,
      %broadcast_in_dim3A_960 = arith.constant 0 : i32
      %broadcast_in_dim3A_961 = vector.broadcast %broadcast_in_dim3A_960 : i32 to vector<16xi32>
      %gather3A_962 = tpu.vector_load_idx %arg10[%broadcast_in_dim3A_961, %gather3A_959] : memref<4x1536xi32, #tpu.memory_space<vmem>>[vector<16xi32>, vector<16xi32>], vector<16xi32>,
      %gather3A_963 = tpu.vector_load_idx %arg11[%broadcast_in_dim3A_961, %gather3A_959] : memref<4x1536xf32, #tpu.memory_space<vmem>>[vector<16xi32>, vector<16xi32>], vector<16xf32>,
      %gather3A_964 = tpu.vector_load_idx %arg9[%gather3A_962] : memref<50176xf32, #tpu.memory_space<vmem>>[vector<16xi32>], vector<16xf32>,
      %mul3A_965 = arith.mulf %gather3A_964, %gather3A_963 : vector<16xf32>
      %broadcast_in_dim3A_966 = arith.constant 1 : i32
      %broadcast_in_dim3A_967 = vector.broadcast %broadcast_in_dim3A_966 : i32 to vector<16xi32>
      %gather3A_968 = tpu.vector_load_idx %arg10[%broadcast_in_dim3A_967, %gather3A_959] : memref<4x1536xi32, #tpu.memory_space<vmem>>[vector<16xi32>, vector<16xi32>], vector<16xi32>,
      %gather3A_969 = tpu.vector_load_idx %arg11[%broadcast_in_dim3A_967, %gather3A_959] : memref<4x1536xf32, #tpu.memory_space<vmem>>[vector<16xi32>, vector<16xi32>], vector<16xf32>,
      %gather3A_970 = tpu.vector_load_idx %arg9[%gather3A_968] : memref<50176xf32, #tpu.memory_space<vmem>>[vector<16xi32>], vector<16xf32>,
      %mul3A_971 = arith.mulf %gather3A_970, %gather3A_969 : vector<16xf32>
      %add3A_972 = arith.addf %mul3A_965, %mul3A_971 : vector<16xf32>
      %broadcast_in_dim3A_973 = arith.constant 2 : i32
      %broadcast_in_dim3A_974 = vector.broadcast %broadcast_in_dim3A_973 : i32 to vector<16xi32>
      %gather3A_975 = tpu.vector_load_idx %arg10[%broadcast_in_dim3A_974, %gather3A_959] : memref<4x1536xi32, #tpu.memory_space<vmem>>[vector<16xi32>, vector<16xi32>], vector<16xi32>,
      %gather3A_976 = tpu.vector_load_idx %arg11[%broadcast_in_dim3A_974, %gather3A_959] : memref<4x1536xf32, #tpu.memory_space<vmem>>[vector<16xi32>, vector<16xi32>], vector<16xf32>,
      %gather3A_977 = tpu.vector_load_idx %arg9[%gather3A_975] : memref<50176xf32, #tpu.memory_space<vmem>>[vector<16xi32>], vector<16xf32>,
      %mul3A_978 = arith.mulf %gather3A_977, %gather3A_976 : vector<16xf32>
      %add3A_979 = arith.addf %add3A_972, %mul3A_978 : vector<16xf32>
      %broadcast_in_dim3A_980 = arith.constant 3 : i32
      %broadcast_in_dim3A_981 = vector.broadcast %broadcast_in_dim3A_980 : i32 to vector<16xi32>
      %gather3A_982 = tpu.vector_load_idx %arg10[%broadcast_in_dim3A_981, %gather3A_959] : memref<4x1536xi32, #tpu.memory_space<vmem>>[vector<16xi32>, vector<16xi32>], vector<16xi32>,
      %gather3A_983 = tpu.vector_load_idx %arg11[%broadcast_in_dim3A_981, %gather3A_959] : memref<4x1536xf32, #tpu.memory_space<vmem>>[vector<16xi32>, vector<16xi32>], vector<16xf32>,
      %gather3A_984 = tpu.vector_load_idx %arg9[%gather3A_982] : memref<50176xf32, #tpu.memory_space<vmem>>[vector<16xi32>], vector<16xf32>,
      %mul3A_985 = arith.mulf %gather3A_984, %gather3A_983 : vector<16xf32>
      %add3A_986 = arith.addf %add3A_979, %mul3A_985 : vector<16xf32>
      %swap3A_987 = arith.constant 400 : index
      %swap3A_988 = tpu.vector_load %arg14[%swap3A_987] {strides = array<i32>} : memref<512xf32, #tpu.memory_space<vmem>>, vector<16xf32>,
      tpu.vector_store %arg14[%swap3A_987], %add3A_986 {strides = array<i32>} : memref<512xf32, #tpu.memory_space<vmem>>, vector<16xf32>,
      %iota3A_989 = tpu.iota {dimensions = array<i32: 0>} : vector<16xi32>
      %add3A_990 = arith.constant 416 : i32
      %add3A_991 = vector.broadcast %add3A_990 : i32 to vector<16xi32>
      %add3A_992 = arith.addi %add3A_991, %iota3A_989 : vector<16xi32>
      %gather3A_993 = tpu.vector_load_idx %arg13[%add3A_992, %broadcast_in_dim3A_106] : memref<448x1xi32, #tpu.memory_space<vmem>>[vector<16xi32>, vector<16xi32>], vector<16xi32>,
      %broadcast_in_dim3A_994 = arith.constant 0 : i32
      %broadcast_in_dim3A_995 = vector.broadcast %broadcast_in_dim3A_994 : i32 to vector<16xi32>
      %gather3A_996 = tpu.vector_load_idx %arg10[%broadcast_in_dim3A_995, %gather3A_993] : memref<4x1536xi32, #tpu.memory_space<vmem>>[vector<16xi32>, vector<16xi32>], vector<16xi32>,
      %gather3A_997 = tpu.vector_load_idx %arg11[%broadcast_in_dim3A_995, %gather3A_993] : memref<4x1536xf32, #tpu.memory_space<vmem>>[vector<16xi32>, vector<16xi32>], vector<16xf32>,
      %gather3A_998 = tpu.vector_load_idx %arg9[%gather3A_996] : memref<50176xf32, #tpu.memory_space<vmem>>[vector<16xi32>], vector<16xf32>,
      %mul3A_999 = arith.mulf %gather3A_998, %gather3A_997 : vector<16xf32>
      %broadcast_in_dim3A_1000 = arith.constant 1 : i32
      %broadcast_in_dim3A_1001 = vector.broadcast %broadcast_in_dim3A_1000 : i32 to vector<16xi32>
      %gather3A_1002 = tpu.vector_load_idx %arg10[%broadcast_in_dim3A_1001, %gather3A_993] : memref<4x1536xi32, #tpu.memory_space<vmem>>[vector<16xi32>, vector<16xi32>], vector<16xi32>,
      %gather3A_1003 = tpu.vector_load_idx %arg11[%broadcast_in_dim3A_1001, %gather3A_993] : memref<4x1536xf32, #tpu.memory_space<vmem>>[vector<16xi32>, vector<16xi32>], vector<16xf32>,
      %gather3A_1004 = tpu.vector_load_idx %arg9[%gather3A_1002] : memref<50176xf32, #tpu.memory_space<vmem>>[vector<16xi32>], vector<16xf32>,
      %mul3A_1005 = arith.mulf %gather3A_1004, %gather3A_1003 : vector<16xf32>
      %add3A_1006 = arith.addf %mul3A_999, %mul3A_1005 : vector<16xf32>
      %broadcast_in_dim3A_1007 = arith.constant 2 : i32
      %broadcast_in_dim3A_1008 = vector.broadcast %broadcast_in_dim3A_1007 : i32 to vector<16xi32>
      %gather3A_1009 = tpu.vector_load_idx %arg10[%broadcast_in_dim3A_1008, %gather3A_993] : memref<4x1536xi32, #tpu.memory_space<vmem>>[vector<16xi32>, vector<16xi32>], vector<16xi32>,
      %gather3A_1010 = tpu.vector_load_idx %arg11[%broadcast_in_dim3A_1008, %gather3A_993] : memref<4x1536xf32, #tpu.memory_space<vmem>>[vector<16xi32>, vector<16xi32>], vector<16xf32>,
      %gather3A_1011 = tpu.vector_load_idx %arg9[%gather3A_1009] : memref<50176xf32, #tpu.memory_space<vmem>>[vector<16xi32>], vector<16xf32>,
      %mul3A_1012 = arith.mulf %gather3A_1011, %gather3A_1010 : vector<16xf32>
      %add3A_1013 = arith.addf %add3A_1006, %mul3A_1012 : vector<16xf32>
      %broadcast_in_dim3A_1014 = arith.constant 3 : i32
      %broadcast_in_dim3A_1015 = vector.broadcast %broadcast_in_dim3A_1014 : i32 to vector<16xi32>
      %gather3A_1016 = tpu.vector_load_idx %arg10[%broadcast_in_dim3A_1015, %gather3A_993] : memref<4x1536xi32, #tpu.memory_space<vmem>>[vector<16xi32>, vector<16xi32>], vector<16xi32>,
      %gather3A_1017 = tpu.vector_load_idx %arg11[%broadcast_in_dim3A_1015, %gather3A_993] : memref<4x1536xf32, #tpu.memory_space<vmem>>[vector<16xi32>, vector<16xi32>], vector<16xf32>,
      %gather3A_1018 = tpu.vector_load_idx %arg9[%gather3A_1016] : memref<50176xf32, #tpu.memory_space<vmem>>[vector<16xi32>], vector<16xf32>,
      %mul3A_1019 = arith.mulf %gather3A_1018, %gather3A_1017 : vector<16xf32>
      %add3A_1020 = arith.addf %add3A_1013, %mul3A_1019 : vector<16xf32>
      %swap3A_1021 = arith.constant 416 : index
      %swap3A_1022 = tpu.vector_load %arg14[%swap3A_1021] {strides = array<i32>} : memref<512xf32, #tpu.memory_space<vmem>>, vector<16xf32>,
      tpu.vector_store %arg14[%swap3A_1021], %add3A_1020 {strides = array<i32>} : memref<512xf32, #tpu.memory_space<vmem>>, vector<16xf32>,
      %iota3A_1023 = tpu.iota {dimensions = array<i32: 0>} : vector<16xi32>
      %add3A_1024 = arith.constant 432 : i32
      %add3A_1025 = vector.broadcast %add3A_1024 : i32 to vector<16xi32>
      %add3A_1026 = arith.addi %add3A_1025, %iota3A_1023 : vector<16xi32>
      %gather3A_1027 = tpu.vector_load_idx %arg13[%add3A_1026, %broadcast_in_dim3A_106] : memref<448x1xi32, #tpu.memory_space<vmem>>[vector<16xi32>, vector<16xi32>], vector<16xi32>,
      %broadcast_in_dim3A_1028 = arith.constant 0 : i32
      %broadcast_in_dim3A_1029 = vector.broadcast %broadcast_in_dim3A_1028 : i32 to vector<16xi32>
      %gather3A_1030 = tpu.vector_load_idx %arg10[%broadcast_in_dim3A_1029, %gather3A_1027] : memref<4x1536xi32, #tpu.memory_space<vmem>>[vector<16xi32>, vector<16xi32>], vector<16xi32>,
      %gather3A_1031 = tpu.vector_load_idx %arg11[%broadcast_in_dim3A_1029, %gather3A_1027] : memref<4x1536xf32, #tpu.memory_space<vmem>>[vector<16xi32>, vector<16xi32>], vector<16xf32>,
      %gather3A_1032 = tpu.vector_load_idx %arg9[%gather3A_1030] : memref<50176xf32, #tpu.memory_space<vmem>>[vector<16xi32>], vector<16xf32>,
      %mul3A_1033 = arith.mulf %gather3A_1032, %gather3A_1031 : vector<16xf32>
      %broadcast_in_dim3A_1034 = arith.constant 1 : i32
      %broadcast_in_dim3A_1035 = vector.broadcast %broadcast_in_dim3A_1034 : i32 to vector<16xi32>
      %gather3A_1036 = tpu.vector_load_idx %arg10[%broadcast_in_dim3A_1035, %gather3A_1027] : memref<4x1536xi32, #tpu.memory_space<vmem>>[vector<16xi32>, vector<16xi32>], vector<16xi32>,
      %gather3A_1037 = tpu.vector_load_idx %arg11[%broadcast_in_dim3A_1035, %gather3A_1027] : memref<4x1536xf32, #tpu.memory_space<vmem>>[vector<16xi32>, vector<16xi32>], vector<16xf32>,
      %gather3A_1038 = tpu.vector_load_idx %arg9[%gather3A_1036] : memref<50176xf32, #tpu.memory_space<vmem>>[vector<16xi32>], vector<16xf32>,
      %mul3A_1039 = arith.mulf %gather3A_1038, %gather3A_1037 : vector<16xf32>
      %add3A_1040 = arith.addf %mul3A_1033, %mul3A_1039 : vector<16xf32>
      %broadcast_in_dim3A_1041 = arith.constant 2 : i32
      %broadcast_in_dim3A_1042 = vector.broadcast %broadcast_in_dim3A_1041 : i32 to vector<16xi32>
      %gather3A_1043 = tpu.vector_load_idx %arg10[%broadcast_in_dim3A_1042, %gather3A_1027] : memref<4x1536xi32, #tpu.memory_space<vmem>>[vector<16xi32>, vector<16xi32>], vector<16xi32>,
      %gather3A_1044 = tpu.vector_load_idx %arg11[%broadcast_in_dim3A_1042, %gather3A_1027] : memref<4x1536xf32, #tpu.memory_space<vmem>>[vector<16xi32>, vector<16xi32>], vector<16xf32>,
      %gather3A_1045 = tpu.vector_load_idx %arg9[%gather3A_1043] : memref<50176xf32, #tpu.memory_space<vmem>>[vector<16xi32>], vector<16xf32>,
      %mul3A_1046 = arith.mulf %gather3A_1045, %gather3A_1044 : vector<16xf32>
      %add3A_1047 = arith.addf %add3A_1040, %mul3A_1046 : vector<16xf32>
      %broadcast_in_dim3A_1048 = arith.constant 3 : i32
      %broadcast_in_dim3A_1049 = vector.broadcast %broadcast_in_dim3A_1048 : i32 to vector<16xi32>
      %gather3A_1050 = tpu.vector_load_idx %arg10[%broadcast_in_dim3A_1049, %gather3A_1027] : memref<4x1536xi32, #tpu.memory_space<vmem>>[vector<16xi32>, vector<16xi32>], vector<16xi32>,
      %gather3A_1051 = tpu.vector_load_idx %arg11[%broadcast_in_dim3A_1049, %gather3A_1027] : memref<4x1536xf32, #tpu.memory_space<vmem>>[vector<16xi32>, vector<16xi32>], vector<16xf32>,
      %gather3A_1052 = tpu.vector_load_idx %arg9[%gather3A_1050] : memref<50176xf32, #tpu.memory_space<vmem>>[vector<16xi32>], vector<16xf32>,
      %mul3A_1053 = arith.mulf %gather3A_1052, %gather3A_1051 : vector<16xf32>
      %add3A_1054 = arith.addf %add3A_1047, %mul3A_1053 : vector<16xf32>
      %swap3A_1055 = arith.constant 432 : index
      %swap3A_1056 = tpu.vector_load %arg14[%swap3A_1055] {strides = array<i32>} : memref<512xf32, #tpu.memory_space<vmem>>, vector<16xf32>,
      tpu.vector_store %arg14[%swap3A_1055], %add3A_1054 {strides = array<i32>} : memref<512xf32, #tpu.memory_space<vmem>>, vector<16xf32>,
    } else {
    }
    %mul3A_98 = arith.constant 512 : i32
    %mul3A_99 = arith.muli %add3A, %mul3A_98 : i32
    "tpu.region"() ({
      %run_scoped3A = tpu.sem_alloc : memref<!tpu.dma_semaphore, #tpu.memory_space<semaphore_mem>>
      %dma_start3A = tpu.memref_slice %arg7[%mul3A_99] : memref<16384xf32, #tpu.memory_space<hbm>> -> memref<512xf32, #tpu.memory_space<hbm>>
      %dma_start3A_105 = tpu.memref_slice %arg7[%mul3A_99] : memref<16384xf32, #tpu.memory_space<hbm>> -> memref<512xf32, #tpu.memory_space<hbm>>
      tpu.enqueue_dma source(%arg14 : memref<512xf32, #tpu.memory_space<vmem>>) target(%dma_start3A_105 : memref<512xf32, #tpu.memory_space<hbm>>) target_semaphore(%run_scoped3A : memref<!tpu.dma_semaphore, #tpu.memory_space<semaphore_mem>>)
      %dma_wait3A = tpu.memref_slice %arg7[%mul3A_99] : memref<16384xf32, #tpu.memory_space<hbm>> -> memref<512xf32, #tpu.memory_space<hbm>>
      %dma_wait3A_106 = tpu.memref_slice %arg7[%mul3A_99] : memref<16384xf32, #tpu.memory_space<hbm>> -> memref<512xf32, #tpu.memory_space<hbm>>
      tpu.wait_dma2 semaphore(%run_scoped3A : memref<!tpu.dma_semaphore, #tpu.memory_space<semaphore_mem>>) src(%arg14 : memref<512xf32, #tpu.memory_space<vmem>>) dst(%dma_wait3A_106 : memref<512xf32, #tpu.memory_space<hbm>>)
      tpu.yield
    }) : () -> ()
    %eq3A_100 = arith.constant 0 : i32
    %eq3A_101 = arith.cmpi eq, %select_n3A_30, %eq3A_100 : i32
    %convert_element_type3A_102 = arith.extui %eq3A_101 : i1 to i32
    %cond3A_103 = arith.constant 0 : i32
    %cond3A_104 = arith.cmpi ne, %convert_element_type3A_102, %cond3A_103 : i32
    scf.if %cond3A_104 {
      "tpu.region"() ({
        %run_scoped3A = tpu.sem_alloc : memref<!tpu.dma_semaphore, #tpu.memory_space<semaphore_mem>>
        %dma_start3A = arith.constant 0 : i32
        %dma_start3A_655 = arith.constant 0 : i32
        %dma_start3A_656 = tpu.memref_slice %arg5[%select_n3A, %dma_start3A, %dma_start3A_655] : memref<4x2x1536xf32, #tpu.memory_space<hbm>> -> memref<1x2x1536xf32, #tpu.memory_space<hbm>>
        %dma_start3A_657 = tpu.memref_squeeze %dma_start3A_656 : memref<1x2x1536xf32, #tpu.memory_space<hbm>> -> memref<2x1536xf32, #tpu.memory_space<hbm>>
        %dma_start3A_658 = arith.constant 0 : i32
        %dma_start3A_659 = arith.constant 0 : i32
        %dma_start3A_660 = tpu.memref_slice %arg5[%select_n3A, %dma_start3A_658, %dma_start3A_659] : memref<4x2x1536xf32, #tpu.memory_space<hbm>> -> memref<1x2x1536xf32, #tpu.memory_space<hbm>>
        %dma_start3A_661 = tpu.memref_squeeze %dma_start3A_660 : memref<1x2x1536xf32, #tpu.memory_space<hbm>> -> memref<2x1536xf32, #tpu.memory_space<hbm>>
        tpu.enqueue_dma source(%dma_start3A_661 : memref<2x1536xf32, #tpu.memory_space<hbm>>) target(%arg12 : memref<2x1536xf32, #tpu.memory_space<vmem>>) target_semaphore(%run_scoped3A : memref<!tpu.dma_semaphore, #tpu.memory_space<semaphore_mem>>)
        %dma_wait3A = arith.constant 0 : i32
        %dma_wait3A_662 = arith.constant 0 : i32
        %dma_wait3A_663 = tpu.memref_slice %arg5[%select_n3A, %dma_wait3A, %dma_wait3A_662] : memref<4x2x1536xf32, #tpu.memory_space<hbm>> -> memref<1x2x1536xf32, #tpu.memory_space<hbm>>
        %dma_wait3A_664 = tpu.memref_squeeze %dma_wait3A_663 : memref<1x2x1536xf32, #tpu.memory_space<hbm>> -> memref<2x1536xf32, #tpu.memory_space<hbm>>
        %dma_wait3A_665 = arith.constant 0 : i32
        %dma_wait3A_666 = arith.constant 0 : i32
        %dma_wait3A_667 = tpu.memref_slice %arg5[%select_n3A, %dma_wait3A_665, %dma_wait3A_666] : memref<4x2x1536xf32, #tpu.memory_space<hbm>> -> memref<1x2x1536xf32, #tpu.memory_space<hbm>>
        %dma_wait3A_668 = tpu.memref_squeeze %dma_wait3A_667 : memref<1x2x1536xf32, #tpu.memory_space<hbm>> -> memref<2x1536xf32, #tpu.memory_space<hbm>>
        tpu.wait_dma2 semaphore(%run_scoped3A : memref<!tpu.dma_semaphore, #tpu.memory_space<semaphore_mem>>) src(%dma_wait3A_668 : memref<2x1536xf32, #tpu.memory_space<hbm>>) dst(%arg12 : memref<2x1536xf32, #tpu.memory_space<vmem>>)
        tpu.yield
      }) : () -> ()
      %swap3A_105 = arith.constant 0 : index
      %swap3A_106 = tpu.vector_load %arg15[%swap3A_105] {strides = array<i32>} : memref<1024xf32, #tpu.memory_space<vmem>>, vector<16xf32>,
      tpu.vector_store %arg15[%swap3A_105], %broadcast_in_dim3A_31 {strides = array<i32>} : memref<1024xf32, #tpu.memory_space<vmem>>, vector<16xf32>,
      %swap3A_107 = arith.constant 16 : index
      %swap3A_108 = tpu.vector_load %arg15[%swap3A_107] {strides = array<i32>} : memref<1024xf32, #tpu.memory_space<vmem>>, vector<16xf32>,
      tpu.vector_store %arg15[%swap3A_107], %broadcast_in_dim3A_31 {strides = array<i32>} : memref<1024xf32, #tpu.memory_space<vmem>>, vector<16xf32>,
      %swap3A_109 = arith.constant 32 : index
      %swap3A_110 = tpu.vector_load %arg15[%swap3A_109] {strides = array<i32>} : memref<1024xf32, #tpu.memory_space<vmem>>, vector<16xf32>,
      tpu.vector_store %arg15[%swap3A_109], %broadcast_in_dim3A_31 {strides = array<i32>} : memref<1024xf32, #tpu.memory_space<vmem>>, vector<16xf32>,
      %swap3A_111 = arith.constant 48 : index
      %swap3A_112 = tpu.vector_load %arg15[%swap3A_111] {strides = array<i32>} : memref<1024xf32, #tpu.memory_space<vmem>>, vector<16xf32>,
      tpu.vector_store %arg15[%swap3A_111], %broadcast_in_dim3A_31 {strides = array<i32>} : memref<1024xf32, #tpu.memory_space<vmem>>, vector<16xf32>,
      %swap3A_113 = arith.constant 64 : index
      %swap3A_114 = tpu.vector_load %arg15[%swap3A_113] {strides = array<i32>} : memref<1024xf32, #tpu.memory_space<vmem>>, vector<16xf32>,
      tpu.vector_store %arg15[%swap3A_113], %broadcast_in_dim3A_31 {strides = array<i32>} : memref<1024xf32, #tpu.memory_space<vmem>>, vector<16xf32>,
      %swap3A_115 = arith.constant 80 : index
      %swap3A_116 = tpu.vector_load %arg15[%swap3A_115] {strides = array<i32>} : memref<1024xf32, #tpu.memory_space<vmem>>, vector<16xf32>,
      tpu.vector_store %arg15[%swap3A_115], %broadcast_in_dim3A_31 {strides = array<i32>} : memref<1024xf32, #tpu.memory_space<vmem>>, vector<16xf32>,
      %swap3A_117 = arith.constant 96 : index
      %swap3A_118 = tpu.vector_load %arg15[%swap3A_117] {strides = array<i32>} : memref<1024xf32, #tpu.memory_space<vmem>>, vector<16xf32>,
      tpu.vector_store %arg15[%swap3A_117], %broadcast_in_dim3A_31 {strides = array<i32>} : memref<1024xf32, #tpu.memory_space<vmem>>, vector<16xf32>,
      %swap3A_119 = arith.constant 112 : index
      %swap3A_120 = tpu.vector_load %arg15[%swap3A_119] {strides = array<i32>} : memref<1024xf32, #tpu.memory_space<vmem>>, vector<16xf32>,
      tpu.vector_store %arg15[%swap3A_119], %broadcast_in_dim3A_31 {strides = array<i32>} : memref<1024xf32, #tpu.memory_space<vmem>>, vector<16xf32>,
      %swap3A_121 = arith.constant 128 : index
      %swap3A_122 = tpu.vector_load %arg15[%swap3A_121] {strides = array<i32>} : memref<1024xf32, #tpu.memory_space<vmem>>, vector<16xf32>,
      tpu.vector_store %arg15[%swap3A_121], %broadcast_in_dim3A_31 {strides = array<i32>} : memref<1024xf32, #tpu.memory_space<vmem>>, vector<16xf32>,
      %swap3A_123 = arith.constant 144 : index
      %swap3A_124 = tpu.vector_load %arg15[%swap3A_123] {strides = array<i32>} : memref<1024xf32, #tpu.memory_space<vmem>>, vector<16xf32>,
      tpu.vector_store %arg15[%swap3A_123], %broadcast_in_dim3A_31 {strides = array<i32>} : memref<1024xf32, #tpu.memory_space<vmem>>, vector<16xf32>,
      %swap3A_125 = arith.constant 160 : index
      %swap3A_126 = tpu.vector_load %arg15[%swap3A_125] {strides = array<i32>} : memref<1024xf32, #tpu.memory_space<vmem>>, vector<16xf32>,
      tpu.vector_store %arg15[%swap3A_125], %broadcast_in_dim3A_31 {strides = array<i32>} : memref<1024xf32, #tpu.memory_space<vmem>>, vector<16xf32>,
      %swap3A_127 = arith.constant 176 : index
      %swap3A_128 = tpu.vector_load %arg15[%swap3A_127] {strides = array<i32>} : memref<1024xf32, #tpu.memory_space<vmem>>, vector<16xf32>,
      tpu.vector_store %arg15[%swap3A_127], %broadcast_in_dim3A_31 {strides = array<i32>} : memref<1024xf32, #tpu.memory_space<vmem>>, vector<16xf32>,
      %swap3A_129 = arith.constant 192 : index
      %swap3A_130 = tpu.vector_load %arg15[%swap3A_129] {strides = array<i32>} : memref<1024xf32, #tpu.memory_space<vmem>>, vector<16xf32>,
      tpu.vector_store %arg15[%swap3A_129], %broadcast_in_dim3A_31 {strides = array<i32>} : memref<1024xf32, #tpu.memory_space<vmem>>, vector<16xf32>,
      %swap3A_131 = arith.constant 208 : index
      %swap3A_132 = tpu.vector_load %arg15[%swap3A_131] {strides = array<i32>} : memref<1024xf32, #tpu.memory_space<vmem>>, vector<16xf32>,
      tpu.vector_store %arg15[%swap3A_131], %broadcast_in_dim3A_31 {strides = array<i32>} : memref<1024xf32, #tpu.memory_space<vmem>>, vector<16xf32>,
      %swap3A_133 = arith.constant 224 : index
      %swap3A_134 = tpu.vector_load %arg15[%swap3A_133] {strides = array<i32>} : memref<1024xf32, #tpu.memory_space<vmem>>, vector<16xf32>,
      tpu.vector_store %arg15[%swap3A_133], %broadcast_in_dim3A_31 {strides = array<i32>} : memref<1024xf32, #tpu.memory_space<vmem>>, vector<16xf32>,
      %swap3A_135 = arith.constant 240 : index
      %swap3A_136 = tpu.vector_load %arg15[%swap3A_135] {strides = array<i32>} : memref<1024xf32, #tpu.memory_space<vmem>>, vector<16xf32>,
      tpu.vector_store %arg15[%swap3A_135], %broadcast_in_dim3A_31 {strides = array<i32>} : memref<1024xf32, #tpu.memory_space<vmem>>, vector<16xf32>,
      %swap3A_137 = arith.constant 256 : index
      %swap3A_138 = tpu.vector_load %arg15[%swap3A_137] {strides = array<i32>} : memref<1024xf32, #tpu.memory_space<vmem>>, vector<16xf32>,
      tpu.vector_store %arg15[%swap3A_137], %broadcast_in_dim3A_31 {strides = array<i32>} : memref<1024xf32, #tpu.memory_space<vmem>>, vector<16xf32>,
      %swap3A_139 = arith.constant 272 : index
      %swap3A_140 = tpu.vector_load %arg15[%swap3A_139] {strides = array<i32>} : memref<1024xf32, #tpu.memory_space<vmem>>, vector<16xf32>,
      tpu.vector_store %arg15[%swap3A_139], %broadcast_in_dim3A_31 {strides = array<i32>} : memref<1024xf32, #tpu.memory_space<vmem>>, vector<16xf32>,
      %swap3A_141 = arith.constant 288 : index
      %swap3A_142 = tpu.vector_load %arg15[%swap3A_141] {strides = array<i32>} : memref<1024xf32, #tpu.memory_space<vmem>>, vector<16xf32>,
      tpu.vector_store %arg15[%swap3A_141], %broadcast_in_dim3A_31 {strides = array<i32>} : memref<1024xf32, #tpu.memory_space<vmem>>, vector<16xf32>,
      %swap3A_143 = arith.constant 304 : index
      %swap3A_144 = tpu.vector_load %arg15[%swap3A_143] {strides = array<i32>} : memref<1024xf32, #tpu.memory_space<vmem>>, vector<16xf32>,
      tpu.vector_store %arg15[%swap3A_143], %broadcast_in_dim3A_31 {strides = array<i32>} : memref<1024xf32, #tpu.memory_space<vmem>>, vector<16xf32>,
      %swap3A_145 = arith.constant 320 : index
      %swap3A_146 = tpu.vector_load %arg15[%swap3A_145] {strides = array<i32>} : memref<1024xf32, #tpu.memory_space<vmem>>, vector<16xf32>,
      tpu.vector_store %arg15[%swap3A_145], %broadcast_in_dim3A_31 {strides = array<i32>} : memref<1024xf32, #tpu.memory_space<vmem>>, vector<16xf32>,
      %swap3A_147 = arith.constant 336 : index
      %swap3A_148 = tpu.vector_load %arg15[%swap3A_147] {strides = array<i32>} : memref<1024xf32, #tpu.memory_space<vmem>>, vector<16xf32>,
      tpu.vector_store %arg15[%swap3A_147], %broadcast_in_dim3A_31 {strides = array<i32>} : memref<1024xf32, #tpu.memory_space<vmem>>, vector<16xf32>,
      %swap3A_149 = arith.constant 352 : index
      %swap3A_150 = tpu.vector_load %arg15[%swap3A_149] {strides = array<i32>} : memref<1024xf32, #tpu.memory_space<vmem>>, vector<16xf32>,
      tpu.vector_store %arg15[%swap3A_149], %broadcast_in_dim3A_31 {strides = array<i32>} : memref<1024xf32, #tpu.memory_space<vmem>>, vector<16xf32>,
      %swap3A_151 = arith.constant 368 : index
      %swap3A_152 = tpu.vector_load %arg15[%swap3A_151] {strides = array<i32>} : memref<1024xf32, #tpu.memory_space<vmem>>, vector<16xf32>,
      tpu.vector_store %arg15[%swap3A_151], %broadcast_in_dim3A_31 {strides = array<i32>} : memref<1024xf32, #tpu.memory_space<vmem>>, vector<16xf32>,
      %swap3A_153 = arith.constant 384 : index
      %swap3A_154 = tpu.vector_load %arg15[%swap3A_153] {strides = array<i32>} : memref<1024xf32, #tpu.memory_space<vmem>>, vector<16xf32>,
      tpu.vector_store %arg15[%swap3A_153], %broadcast_in_dim3A_31 {strides = array<i32>} : memref<1024xf32, #tpu.memory_space<vmem>>, vector<16xf32>,
      %swap3A_155 = arith.constant 400 : index
      %swap3A_156 = tpu.vector_load %arg15[%swap3A_155] {strides = array<i32>} : memref<1024xf32, #tpu.memory_space<vmem>>, vector<16xf32>,
      tpu.vector_store %arg15[%swap3A_155], %broadcast_in_dim3A_31 {strides = array<i32>} : memref<1024xf32, #tpu.memory_space<vmem>>, vector<16xf32>,
      %swap3A_157 = arith.constant 416 : index
      %swap3A_158 = tpu.vector_load %arg15[%swap3A_157] {strides = array<i32>} : memref<1024xf32, #tpu.memory_space<vmem>>, vector<16xf32>,
      tpu.vector_store %arg15[%swap3A_157], %broadcast_in_dim3A_31 {strides = array<i32>} : memref<1024xf32, #tpu.memory_space<vmem>>, vector<16xf32>,
      %swap3A_159 = arith.constant 432 : index
      %swap3A_160 = tpu.vector_load %arg15[%swap3A_159] {strides = array<i32>} : memref<1024xf32, #tpu.memory_space<vmem>>, vector<16xf32>,
      tpu.vector_store %arg15[%swap3A_159], %broadcast_in_dim3A_31 {strides = array<i32>} : memref<1024xf32, #tpu.memory_space<vmem>>, vector<16xf32>,
      %swap3A_161 = arith.constant 448 : index
      %swap3A_162 = tpu.vector_load %arg15[%swap3A_161] {strides = array<i32>} : memref<1024xf32, #tpu.memory_space<vmem>>, vector<16xf32>,
      tpu.vector_store %arg15[%swap3A_161], %broadcast_in_dim3A_31 {strides = array<i32>} : memref<1024xf32, #tpu.memory_space<vmem>>, vector<16xf32>,
      %swap3A_163 = arith.constant 464 : index
      %swap3A_164 = tpu.vector_load %arg15[%swap3A_163] {strides = array<i32>} : memref<1024xf32, #tpu.memory_space<vmem>>, vector<16xf32>,
      tpu.vector_store %arg15[%swap3A_163], %broadcast_in_dim3A_31 {strides = array<i32>} : memref<1024xf32, #tpu.memory_space<vmem>>, vector<16xf32>,
      %swap3A_165 = arith.constant 480 : index
      %swap3A_166 = tpu.vector_load %arg15[%swap3A_165] {strides = array<i32>} : memref<1024xf32, #tpu.memory_space<vmem>>, vector<16xf32>,
      tpu.vector_store %arg15[%swap3A_165], %broadcast_in_dim3A_31 {strides = array<i32>} : memref<1024xf32, #tpu.memory_space<vmem>>, vector<16xf32>,
      %swap3A_167 = arith.constant 496 : index
      %swap3A_168 = tpu.vector_load %arg15[%swap3A_167] {strides = array<i32>} : memref<1024xf32, #tpu.memory_space<vmem>>, vector<16xf32>,
      tpu.vector_store %arg15[%swap3A_167], %broadcast_in_dim3A_31 {strides = array<i32>} : memref<1024xf32, #tpu.memory_space<vmem>>, vector<16xf32>,
      %swap3A_169 = arith.constant 512 : index
      %swap3A_170 = tpu.vector_load %arg15[%swap3A_169] {strides = array<i32>} : memref<1024xf32, #tpu.memory_space<vmem>>, vector<16xf32>,
      tpu.vector_store %arg15[%swap3A_169], %broadcast_in_dim3A_31 {strides = array<i32>} : memref<1024xf32, #tpu.memory_space<vmem>>, vector<16xf32>,
      %swap3A_171 = arith.constant 528 : index
      %swap3A_172 = tpu.vector_load %arg15[%swap3A_171] {strides = array<i32>} : memref<1024xf32, #tpu.memory_space<vmem>>, vector<16xf32>,
      tpu.vector_store %arg15[%swap3A_171], %broadcast_in_dim3A_31 {strides = array<i32>} : memref<1024xf32, #tpu.memory_space<vmem>>, vector<16xf32>,
      %swap3A_173 = arith.constant 544 : index
      %swap3A_174 = tpu.vector_load %arg15[%swap3A_173] {strides = array<i32>} : memref<1024xf32, #tpu.memory_space<vmem>>, vector<16xf32>,
      tpu.vector_store %arg15[%swap3A_173], %broadcast_in_dim3A_31 {strides = array<i32>} : memref<1024xf32, #tpu.memory_space<vmem>>, vector<16xf32>,
      %swap3A_175 = arith.constant 560 : index
      %swap3A_176 = tpu.vector_load %arg15[%swap3A_175] {strides = array<i32>} : memref<1024xf32, #tpu.memory_space<vmem>>, vector<16xf32>,
      tpu.vector_store %arg15[%swap3A_175], %broadcast_in_dim3A_31 {strides = array<i32>} : memref<1024xf32, #tpu.memory_space<vmem>>, vector<16xf32>,
      %swap3A_177 = arith.constant 576 : index
      %swap3A_178 = tpu.vector_load %arg15[%swap3A_177] {strides = array<i32>} : memref<1024xf32, #tpu.memory_space<vmem>>, vector<16xf32>,
      tpu.vector_store %arg15[%swap3A_177], %broadcast_in_dim3A_31 {strides = array<i32>} : memref<1024xf32, #tpu.memory_space<vmem>>, vector<16xf32>,
      %swap3A_179 = arith.constant 592 : index
      %swap3A_180 = tpu.vector_load %arg15[%swap3A_179] {strides = array<i32>} : memref<1024xf32, #tpu.memory_space<vmem>>, vector<16xf32>,
      tpu.vector_store %arg15[%swap3A_179], %broadcast_in_dim3A_31 {strides = array<i32>} : memref<1024xf32, #tpu.memory_space<vmem>>, vector<16xf32>,
      %swap3A_181 = arith.constant 608 : index
      %swap3A_182 = tpu.vector_load %arg15[%swap3A_181] {strides = array<i32>} : memref<1024xf32, #tpu.memory_space<vmem>>, vector<16xf32>,
      tpu.vector_store %arg15[%swap3A_181], %broadcast_in_dim3A_31 {strides = array<i32>} : memref<1024xf32, #tpu.memory_space<vmem>>, vector<16xf32>,
      %swap3A_183 = arith.constant 624 : index
      %swap3A_184 = tpu.vector_load %arg15[%swap3A_183] {strides = array<i32>} : memref<1024xf32, #tpu.memory_space<vmem>>, vector<16xf32>,
      tpu.vector_store %arg15[%swap3A_183], %broadcast_in_dim3A_31 {strides = array<i32>} : memref<1024xf32, #tpu.memory_space<vmem>>, vector<16xf32>,
      %swap3A_185 = arith.constant 640 : index
      %swap3A_186 = tpu.vector_load %arg15[%swap3A_185] {strides = array<i32>} : memref<1024xf32, #tpu.memory_space<vmem>>, vector<16xf32>,
      tpu.vector_store %arg15[%swap3A_185], %broadcast_in_dim3A_31 {strides = array<i32>} : memref<1024xf32, #tpu.memory_space<vmem>>, vector<16xf32>,
      %swap3A_187 = arith.constant 656 : index
      %swap3A_188 = tpu.vector_load %arg15[%swap3A_187] {strides = array<i32>} : memref<1024xf32, #tpu.memory_space<vmem>>, vector<16xf32>,
      tpu.vector_store %arg15[%swap3A_187], %broadcast_in_dim3A_31 {strides = array<i32>} : memref<1024xf32, #tpu.memory_space<vmem>>, vector<16xf32>,
      %swap3A_189 = arith.constant 672 : index
      %swap3A_190 = tpu.vector_load %arg15[%swap3A_189] {strides = array<i32>} : memref<1024xf32, #tpu.memory_space<vmem>>, vector<16xf32>,
      tpu.vector_store %arg15[%swap3A_189], %broadcast_in_dim3A_31 {strides = array<i32>} : memref<1024xf32, #tpu.memory_space<vmem>>, vector<16xf32>,
      %swap3A_191 = arith.constant 688 : index
      %swap3A_192 = tpu.vector_load %arg15[%swap3A_191] {strides = array<i32>} : memref<1024xf32, #tpu.memory_space<vmem>>, vector<16xf32>,
      tpu.vector_store %arg15[%swap3A_191], %broadcast_in_dim3A_31 {strides = array<i32>} : memref<1024xf32, #tpu.memory_space<vmem>>, vector<16xf32>,
      %swap3A_193 = arith.constant 704 : index
      %swap3A_194 = tpu.vector_load %arg15[%swap3A_193] {strides = array<i32>} : memref<1024xf32, #tpu.memory_space<vmem>>, vector<16xf32>,
      tpu.vector_store %arg15[%swap3A_193], %broadcast_in_dim3A_31 {strides = array<i32>} : memref<1024xf32, #tpu.memory_space<vmem>>, vector<16xf32>,
      %swap3A_195 = arith.constant 720 : index
      %swap3A_196 = tpu.vector_load %arg15[%swap3A_195] {strides = array<i32>} : memref<1024xf32, #tpu.memory_space<vmem>>, vector<16xf32>,
      tpu.vector_store %arg15[%swap3A_195], %broadcast_in_dim3A_31 {strides = array<i32>} : memref<1024xf32, #tpu.memory_space<vmem>>, vector<16xf32>,
      %swap3A_197 = arith.constant 736 : index
      %swap3A_198 = tpu.vector_load %arg15[%swap3A_197] {strides = array<i32>} : memref<1024xf32, #tpu.memory_space<vmem>>, vector<16xf32>,
      tpu.vector_store %arg15[%swap3A_197], %broadcast_in_dim3A_31 {strides = array<i32>} : memref<1024xf32, #tpu.memory_space<vmem>>, vector<16xf32>,
      %swap3A_199 = arith.constant 752 : index
      %swap3A_200 = tpu.vector_load %arg15[%swap3A_199] {strides = array<i32>} : memref<1024xf32, #tpu.memory_space<vmem>>, vector<16xf32>,
      tpu.vector_store %arg15[%swap3A_199], %broadcast_in_dim3A_31 {strides = array<i32>} : memref<1024xf32, #tpu.memory_space<vmem>>, vector<16xf32>,
      %swap3A_201 = arith.constant 768 : index
      %swap3A_202 = tpu.vector_load %arg15[%swap3A_201] {strides = array<i32>} : memref<1024xf32, #tpu.memory_space<vmem>>, vector<16xf32>,
      tpu.vector_store %arg15[%swap3A_201], %broadcast_in_dim3A_31 {strides = array<i32>} : memref<1024xf32, #tpu.memory_space<vmem>>, vector<16xf32>,
      %swap3A_203 = arith.constant 784 : index
      %swap3A_204 = tpu.vector_load %arg15[%swap3A_203] {strides = array<i32>} : memref<1024xf32, #tpu.memory_space<vmem>>, vector<16xf32>,
      tpu.vector_store %arg15[%swap3A_203], %broadcast_in_dim3A_31 {strides = array<i32>} : memref<1024xf32, #tpu.memory_space<vmem>>, vector<16xf32>,
      %swap3A_205 = arith.constant 800 : index
      %swap3A_206 = tpu.vector_load %arg15[%swap3A_205] {strides = array<i32>} : memref<1024xf32, #tpu.memory_space<vmem>>, vector<16xf32>,
      tpu.vector_store %arg15[%swap3A_205], %broadcast_in_dim3A_31 {strides = array<i32>} : memref<1024xf32, #tpu.memory_space<vmem>>, vector<16xf32>,
      %swap3A_207 = arith.constant 816 : index
      %swap3A_208 = tpu.vector_load %arg15[%swap3A_207] {strides = array<i32>} : memref<1024xf32, #tpu.memory_space<vmem>>, vector<16xf32>,
      tpu.vector_store %arg15[%swap3A_207], %broadcast_in_dim3A_31 {strides = array<i32>} : memref<1024xf32, #tpu.memory_space<vmem>>, vector<16xf32>,
      %swap3A_209 = arith.constant 832 : index
      %swap3A_210 = tpu.vector_load %arg15[%swap3A_209] {strides = array<i32>} : memref<1024xf32, #tpu.memory_space<vmem>>, vector<16xf32>,
      tpu.vector_store %arg15[%swap3A_209], %broadcast_in_dim3A_31 {strides = array<i32>} : memref<1024xf32, #tpu.memory_space<vmem>>, vector<16xf32>,
      %swap3A_211 = arith.constant 848 : index
      %swap3A_212 = tpu.vector_load %arg15[%swap3A_211] {strides = array<i32>} : memref<1024xf32, #tpu.memory_space<vmem>>, vector<16xf32>,
      tpu.vector_store %arg15[%swap3A_211], %broadcast_in_dim3A_31 {strides = array<i32>} : memref<1024xf32, #tpu.memory_space<vmem>>, vector<16xf32>,
      %swap3A_213 = arith.constant 864 : index
      %swap3A_214 = tpu.vector_load %arg15[%swap3A_213] {strides = array<i32>} : memref<1024xf32, #tpu.memory_space<vmem>>, vector<16xf32>,
      tpu.vector_store %arg15[%swap3A_213], %broadcast_in_dim3A_31 {strides = array<i32>} : memref<1024xf32, #tpu.memory_space<vmem>>, vector<16xf32>,
      %swap3A_215 = arith.constant 880 : index
      %swap3A_216 = tpu.vector_load %arg15[%swap3A_215] {strides = array<i32>} : memref<1024xf32, #tpu.memory_space<vmem>>, vector<16xf32>,
      tpu.vector_store %arg15[%swap3A_215], %broadcast_in_dim3A_31 {strides = array<i32>} : memref<1024xf32, #tpu.memory_space<vmem>>, vector<16xf32>,
      %swap3A_217 = arith.constant 896 : index
      %swap3A_218 = tpu.vector_load %arg15[%swap3A_217] {strides = array<i32>} : memref<1024xf32, #tpu.memory_space<vmem>>, vector<16xf32>,
      tpu.vector_store %arg15[%swap3A_217], %broadcast_in_dim3A_31 {strides = array<i32>} : memref<1024xf32, #tpu.memory_space<vmem>>, vector<16xf32>,
      %swap3A_219 = arith.constant 912 : index
      %swap3A_220 = tpu.vector_load %arg15[%swap3A_219] {strides = array<i32>} : memref<1024xf32, #tpu.memory_space<vmem>>, vector<16xf32>,
      tpu.vector_store %arg15[%swap3A_219], %broadcast_in_dim3A_31 {strides = array<i32>} : memref<1024xf32, #tpu.memory_space<vmem>>, vector<16xf32>,
      %swap3A_221 = arith.constant 928 : index
      %swap3A_222 = tpu.vector_load %arg15[%swap3A_221] {strides = array<i32>} : memref<1024xf32, #tpu.memory_space<vmem>>, vector<16xf32>,
      tpu.vector_store %arg15[%swap3A_221], %broadcast_in_dim3A_31 {strides = array<i32>} : memref<1024xf32, #tpu.memory_space<vmem>>, vector<16xf32>,
      %swap3A_223 = arith.constant 944 : index
      %swap3A_224 = tpu.vector_load %arg15[%swap3A_223] {strides = array<i32>} : memref<1024xf32, #tpu.memory_space<vmem>>, vector<16xf32>,
      tpu.vector_store %arg15[%swap3A_223], %broadcast_in_dim3A_31 {strides = array<i32>} : memref<1024xf32, #tpu.memory_space<vmem>>, vector<16xf32>,
      %swap3A_225 = arith.constant 960 : index
      %swap3A_226 = tpu.vector_load %arg15[%swap3A_225] {strides = array<i32>} : memref<1024xf32, #tpu.memory_space<vmem>>, vector<16xf32>,
      tpu.vector_store %arg15[%swap3A_225], %broadcast_in_dim3A_31 {strides = array<i32>} : memref<1024xf32, #tpu.memory_space<vmem>>, vector<16xf32>,
      %swap3A_227 = arith.constant 976 : index
      %swap3A_228 = tpu.vector_load %arg15[%swap3A_227] {strides = array<i32>} : memref<1024xf32, #tpu.memory_space<vmem>>, vector<16xf32>,
      tpu.vector_store %arg15[%swap3A_227], %broadcast_in_dim3A_31 {strides = array<i32>} : memref<1024xf32, #tpu.memory_space<vmem>>, vector<16xf32>,
      %swap3A_229 = arith.constant 992 : index
      %swap3A_230 = tpu.vector_load %arg15[%swap3A_229] {strides = array<i32>} : memref<1024xf32, #tpu.memory_space<vmem>>, vector<16xf32>,
      tpu.vector_store %arg15[%swap3A_229], %broadcast_in_dim3A_31 {strides = array<i32>} : memref<1024xf32, #tpu.memory_space<vmem>>, vector<16xf32>,
      %swap3A_231 = arith.constant 1008 : index
      %swap3A_232 = tpu.vector_load %arg15[%swap3A_231] {strides = array<i32>} : memref<1024xf32, #tpu.memory_space<vmem>>, vector<16xf32>,
      tpu.vector_store %arg15[%swap3A_231], %broadcast_in_dim3A_31 {strides = array<i32>} : memref<1024xf32, #tpu.memory_space<vmem>>, vector<16xf32>,
      %broadcast_in_dim3A_233 = arith.constant 0 : i32
      %broadcast_in_dim3A_234 = vector.broadcast %broadcast_in_dim3A_233 : i32 to vector<16xi32>
      %iota3A = tpu.iota {dimensions = array<i32: 0>} : vector<16xi32>
      %add3A_235 = arith.constant 0 : i32
      %add3A_236 = vector.broadcast %add3A_235 : i32 to vector<16xi32>
      %add3A_237 = arith.addi %add3A_236, %iota3A : vector<16xi32>
      %gather3A = tpu.vector_load_idx %arg13[%add3A_237, %broadcast_in_dim3A_234] : memref<448x1xi32, #tpu.memory_space<vmem>>[vector<16xi32>, vector<16xi32>], vector<16xi32>,
      %broadcast_in_dim3A_238 = arith.constant 0 : i32
      %broadcast_in_dim3A_239 = vector.broadcast %broadcast_in_dim3A_238 : i32 to vector<16xi32>
      %gather3A_240 = tpu.vector_load_idx %arg12[%broadcast_in_dim3A_239, %gather3A] : memref<2x1536xf32, #tpu.memory_space<vmem>>[vector<16xi32>, vector<16xi32>], vector<16xf32>,
      %swap3A_241 = arith.constant 0 : index
      %swap3A_242 = tpu.vector_load %arg15[%swap3A_241] {strides = array<i32>} : memref<1024xf32, #tpu.memory_space<vmem>>, vector<16xf32>,
      tpu.vector_store %arg15[%swap3A_241], %gather3A_240 {strides = array<i32>} : memref<1024xf32, #tpu.memory_space<vmem>>, vector<16xf32>,
      %broadcast_in_dim3A_243 = arith.constant 1 : i32
      %broadcast_in_dim3A_244 = vector.broadcast %broadcast_in_dim3A_243 : i32 to vector<16xi32>
      %gather3A_245 = tpu.vector_load_idx %arg12[%broadcast_in_dim3A_244, %gather3A] : memref<2x1536xf32, #tpu.memory_space<vmem>>[vector<16xi32>, vector<16xi32>], vector<16xf32>,
      %swap3A_246 = arith.constant 512 : index
      %swap3A_247 = tpu.vector_load %arg15[%swap3A_246] {strides = array<i32>} : memref<1024xf32, #tpu.memory_space<vmem>>, vector<16xf32>,
      tpu.vector_store %arg15[%swap3A_246], %gather3A_245 {strides = array<i32>} : memref<1024xf32, #tpu.memory_space<vmem>>, vector<16xf32>,
      %iota3A_248 = tpu.iota {dimensions = array<i32: 0>} : vector<16xi32>
      %add3A_249 = arith.constant 16 : i32
      %add3A_250 = vector.broadcast %add3A_249 : i32 to vector<16xi32>
      %add3A_251 = arith.addi %add3A_250, %iota3A_248 : vector<16xi32>
      %gather3A_252 = tpu.vector_load_idx %arg13[%add3A_251, %broadcast_in_dim3A_234] : memref<448x1xi32, #tpu.memory_space<vmem>>[vector<16xi32>, vector<16xi32>], vector<16xi32>,
      %broadcast_in_dim3A_253 = arith.constant 0 : i32
      %broadcast_in_dim3A_254 = vector.broadcast %broadcast_in_dim3A_253 : i32 to vector<16xi32>
      %gather3A_255 = tpu.vector_load_idx %arg12[%broadcast_in_dim3A_254, %gather3A_252] : memref<2x1536xf32, #tpu.memory_space<vmem>>[vector<16xi32>, vector<16xi32>], vector<16xf32>,
      %swap3A_256 = arith.constant 16 : index
      %swap3A_257 = tpu.vector_load %arg15[%swap3A_256] {strides = array<i32>} : memref<1024xf32, #tpu.memory_space<vmem>>, vector<16xf32>,
      tpu.vector_store %arg15[%swap3A_256], %gather3A_255 {strides = array<i32>} : memref<1024xf32, #tpu.memory_space<vmem>>, vector<16xf32>,
      %broadcast_in_dim3A_258 = arith.constant 1 : i32
      %broadcast_in_dim3A_259 = vector.broadcast %broadcast_in_dim3A_258 : i32 to vector<16xi32>
      %gather3A_260 = tpu.vector_load_idx %arg12[%broadcast_in_dim3A_259, %gather3A_252] : memref<2x1536xf32, #tpu.memory_space<vmem>>[vector<16xi32>, vector<16xi32>], vector<16xf32>,
      %swap3A_261 = arith.constant 528 : index
      %swap3A_262 = tpu.vector_load %arg15[%swap3A_261] {strides = array<i32>} : memref<1024xf32, #tpu.memory_space<vmem>>, vector<16xf32>,
      tpu.vector_store %arg15[%swap3A_261], %gather3A_260 {strides = array<i32>} : memref<1024xf32, #tpu.memory_space<vmem>>, vector<16xf32>,
      %iota3A_263 = tpu.iota {dimensions = array<i32: 0>} : vector<16xi32>
      %add3A_264 = arith.constant 32 : i32
      %add3A_265 = vector.broadcast %add3A_264 : i32 to vector<16xi32>
      %add3A_266 = arith.addi %add3A_265, %iota3A_263 : vector<16xi32>
      %gather3A_267 = tpu.vector_load_idx %arg13[%add3A_266, %broadcast_in_dim3A_234] : memref<448x1xi32, #tpu.memory_space<vmem>>[vector<16xi32>, vector<16xi32>], vector<16xi32>,
      %broadcast_in_dim3A_268 = arith.constant 0 : i32
      %broadcast_in_dim3A_269 = vector.broadcast %broadcast_in_dim3A_268 : i32 to vector<16xi32>
      %gather3A_270 = tpu.vector_load_idx %arg12[%broadcast_in_dim3A_269, %gather3A_267] : memref<2x1536xf32, #tpu.memory_space<vmem>>[vector<16xi32>, vector<16xi32>], vector<16xf32>,
      %swap3A_271 = arith.constant 32 : index
      %swap3A_272 = tpu.vector_load %arg15[%swap3A_271] {strides = array<i32>} : memref<1024xf32, #tpu.memory_space<vmem>>, vector<16xf32>,
      tpu.vector_store %arg15[%swap3A_271], %gather3A_270 {strides = array<i32>} : memref<1024xf32, #tpu.memory_space<vmem>>, vector<16xf32>,
      %broadcast_in_dim3A_273 = arith.constant 1 : i32
      %broadcast_in_dim3A_274 = vector.broadcast %broadcast_in_dim3A_273 : i32 to vector<16xi32>
      %gather3A_275 = tpu.vector_load_idx %arg12[%broadcast_in_dim3A_274, %gather3A_267] : memref<2x1536xf32, #tpu.memory_space<vmem>>[vector<16xi32>, vector<16xi32>], vector<16xf32>,
      %swap3A_276 = arith.constant 544 : index
      %swap3A_277 = tpu.vector_load %arg15[%swap3A_276] {strides = array<i32>} : memref<1024xf32, #tpu.memory_space<vmem>>, vector<16xf32>,
      tpu.vector_store %arg15[%swap3A_276], %gather3A_275 {strides = array<i32>} : memref<1024xf32, #tpu.memory_space<vmem>>, vector<16xf32>,
      %iota3A_278 = tpu.iota {dimensions = array<i32: 0>} : vector<16xi32>
      %add3A_279 = arith.constant 48 : i32
      %add3A_280 = vector.broadcast %add3A_279 : i32 to vector<16xi32>
      %add3A_281 = arith.addi %add3A_280, %iota3A_278 : vector<16xi32>
      %gather3A_282 = tpu.vector_load_idx %arg13[%add3A_281, %broadcast_in_dim3A_234] : memref<448x1xi32, #tpu.memory_space<vmem>>[vector<16xi32>, vector<16xi32>], vector<16xi32>,
      %broadcast_in_dim3A_283 = arith.constant 0 : i32
      %broadcast_in_dim3A_284 = vector.broadcast %broadcast_in_dim3A_283 : i32 to vector<16xi32>
      %gather3A_285 = tpu.vector_load_idx %arg12[%broadcast_in_dim3A_284, %gather3A_282] : memref<2x1536xf32, #tpu.memory_space<vmem>>[vector<16xi32>, vector<16xi32>], vector<16xf32>,
      %swap3A_286 = arith.constant 48 : index
      %swap3A_287 = tpu.vector_load %arg15[%swap3A_286] {strides = array<i32>} : memref<1024xf32, #tpu.memory_space<vmem>>, vector<16xf32>,
      tpu.vector_store %arg15[%swap3A_286], %gather3A_285 {strides = array<i32>} : memref<1024xf32, #tpu.memory_space<vmem>>, vector<16xf32>,
      %broadcast_in_dim3A_288 = arith.constant 1 : i32
      %broadcast_in_dim3A_289 = vector.broadcast %broadcast_in_dim3A_288 : i32 to vector<16xi32>
      %gather3A_290 = tpu.vector_load_idx %arg12[%broadcast_in_dim3A_289, %gather3A_282] : memref<2x1536xf32, #tpu.memory_space<vmem>>[vector<16xi32>, vector<16xi32>], vector<16xf32>,
      %swap3A_291 = arith.constant 560 : index
      %swap3A_292 = tpu.vector_load %arg15[%swap3A_291] {strides = array<i32>} : memref<1024xf32, #tpu.memory_space<vmem>>, vector<16xf32>,
      tpu.vector_store %arg15[%swap3A_291], %gather3A_290 {strides = array<i32>} : memref<1024xf32, #tpu.memory_space<vmem>>, vector<16xf32>,
      %iota3A_293 = tpu.iota {dimensions = array<i32: 0>} : vector<16xi32>
      %add3A_294 = arith.constant 64 : i32
      %add3A_295 = vector.broadcast %add3A_294 : i32 to vector<16xi32>
      %add3A_296 = arith.addi %add3A_295, %iota3A_293 : vector<16xi32>
      %gather3A_297 = tpu.vector_load_idx %arg13[%add3A_296, %broadcast_in_dim3A_234] : memref<448x1xi32, #tpu.memory_space<vmem>>[vector<16xi32>, vector<16xi32>], vector<16xi32>,
      %broadcast_in_dim3A_298 = arith.constant 0 : i32
      %broadcast_in_dim3A_299 = vector.broadcast %broadcast_in_dim3A_298 : i32 to vector<16xi32>
      %gather3A_300 = tpu.vector_load_idx %arg12[%broadcast_in_dim3A_299, %gather3A_297] : memref<2x1536xf32, #tpu.memory_space<vmem>>[vector<16xi32>, vector<16xi32>], vector<16xf32>,
      %swap3A_301 = arith.constant 64 : index
      %swap3A_302 = tpu.vector_load %arg15[%swap3A_301] {strides = array<i32>} : memref<1024xf32, #tpu.memory_space<vmem>>, vector<16xf32>,
      tpu.vector_store %arg15[%swap3A_301], %gather3A_300 {strides = array<i32>} : memref<1024xf32, #tpu.memory_space<vmem>>, vector<16xf32>,
      %broadcast_in_dim3A_303 = arith.constant 1 : i32
      %broadcast_in_dim3A_304 = vector.broadcast %broadcast_in_dim3A_303 : i32 to vector<16xi32>
      %gather3A_305 = tpu.vector_load_idx %arg12[%broadcast_in_dim3A_304, %gather3A_297] : memref<2x1536xf32, #tpu.memory_space<vmem>>[vector<16xi32>, vector<16xi32>], vector<16xf32>,
      %swap3A_306 = arith.constant 576 : index
      %swap3A_307 = tpu.vector_load %arg15[%swap3A_306] {strides = array<i32>} : memref<1024xf32, #tpu.memory_space<vmem>>, vector<16xf32>,
      tpu.vector_store %arg15[%swap3A_306], %gather3A_305 {strides = array<i32>} : memref<1024xf32, #tpu.memory_space<vmem>>, vector<16xf32>,
      %iota3A_308 = tpu.iota {dimensions = array<i32: 0>} : vector<16xi32>
      %add3A_309 = arith.constant 80 : i32
      %add3A_310 = vector.broadcast %add3A_309 : i32 to vector<16xi32>
      %add3A_311 = arith.addi %add3A_310, %iota3A_308 : vector<16xi32>
      %gather3A_312 = tpu.vector_load_idx %arg13[%add3A_311, %broadcast_in_dim3A_234] : memref<448x1xi32, #tpu.memory_space<vmem>>[vector<16xi32>, vector<16xi32>], vector<16xi32>,
      %broadcast_in_dim3A_313 = arith.constant 0 : i32
      %broadcast_in_dim3A_314 = vector.broadcast %broadcast_in_dim3A_313 : i32 to vector<16xi32>
      %gather3A_315 = tpu.vector_load_idx %arg12[%broadcast_in_dim3A_314, %gather3A_312] : memref<2x1536xf32, #tpu.memory_space<vmem>>[vector<16xi32>, vector<16xi32>], vector<16xf32>,
      %swap3A_316 = arith.constant 80 : index
      %swap3A_317 = tpu.vector_load %arg15[%swap3A_316] {strides = array<i32>} : memref<1024xf32, #tpu.memory_space<vmem>>, vector<16xf32>,
      tpu.vector_store %arg15[%swap3A_316], %gather3A_315 {strides = array<i32>} : memref<1024xf32, #tpu.memory_space<vmem>>, vector<16xf32>,
      %broadcast_in_dim3A_318 = arith.constant 1 : i32
      %broadcast_in_dim3A_319 = vector.broadcast %broadcast_in_dim3A_318 : i32 to vector<16xi32>
      %gather3A_320 = tpu.vector_load_idx %arg12[%broadcast_in_dim3A_319, %gather3A_312] : memref<2x1536xf32, #tpu.memory_space<vmem>>[vector<16xi32>, vector<16xi32>], vector<16xf32>,
      %swap3A_321 = arith.constant 592 : index
      %swap3A_322 = tpu.vector_load %arg15[%swap3A_321] {strides = array<i32>} : memref<1024xf32, #tpu.memory_space<vmem>>, vector<16xf32>,
      tpu.vector_store %arg15[%swap3A_321], %gather3A_320 {strides = array<i32>} : memref<1024xf32, #tpu.memory_space<vmem>>, vector<16xf32>,
      %iota3A_323 = tpu.iota {dimensions = array<i32: 0>} : vector<16xi32>
      %add3A_324 = arith.constant 96 : i32
      %add3A_325 = vector.broadcast %add3A_324 : i32 to vector<16xi32>
      %add3A_326 = arith.addi %add3A_325, %iota3A_323 : vector<16xi32>
      %gather3A_327 = tpu.vector_load_idx %arg13[%add3A_326, %broadcast_in_dim3A_234] : memref<448x1xi32, #tpu.memory_space<vmem>>[vector<16xi32>, vector<16xi32>], vector<16xi32>,
      %broadcast_in_dim3A_328 = arith.constant 0 : i32
      %broadcast_in_dim3A_329 = vector.broadcast %broadcast_in_dim3A_328 : i32 to vector<16xi32>
      %gather3A_330 = tpu.vector_load_idx %arg12[%broadcast_in_dim3A_329, %gather3A_327] : memref<2x1536xf32, #tpu.memory_space<vmem>>[vector<16xi32>, vector<16xi32>], vector<16xf32>,
      %swap3A_331 = arith.constant 96 : index
      %swap3A_332 = tpu.vector_load %arg15[%swap3A_331] {strides = array<i32>} : memref<1024xf32, #tpu.memory_space<vmem>>, vector<16xf32>,
      tpu.vector_store %arg15[%swap3A_331], %gather3A_330 {strides = array<i32>} : memref<1024xf32, #tpu.memory_space<vmem>>, vector<16xf32>,
      %broadcast_in_dim3A_333 = arith.constant 1 : i32
      %broadcast_in_dim3A_334 = vector.broadcast %broadcast_in_dim3A_333 : i32 to vector<16xi32>
      %gather3A_335 = tpu.vector_load_idx %arg12[%broadcast_in_dim3A_334, %gather3A_327] : memref<2x1536xf32, #tpu.memory_space<vmem>>[vector<16xi32>, vector<16xi32>], vector<16xf32>,
      %swap3A_336 = arith.constant 608 : index
      %swap3A_337 = tpu.vector_load %arg15[%swap3A_336] {strides = array<i32>} : memref<1024xf32, #tpu.memory_space<vmem>>, vector<16xf32>,
      tpu.vector_store %arg15[%swap3A_336], %gather3A_335 {strides = array<i32>} : memref<1024xf32, #tpu.memory_space<vmem>>, vector<16xf32>,
      %iota3A_338 = tpu.iota {dimensions = array<i32: 0>} : vector<16xi32>
      %add3A_339 = arith.constant 112 : i32
      %add3A_340 = vector.broadcast %add3A_339 : i32 to vector<16xi32>
      %add3A_341 = arith.addi %add3A_340, %iota3A_338 : vector<16xi32>
      %gather3A_342 = tpu.vector_load_idx %arg13[%add3A_341, %broadcast_in_dim3A_234] : memref<448x1xi32, #tpu.memory_space<vmem>>[vector<16xi32>, vector<16xi32>], vector<16xi32>,
      %broadcast_in_dim3A_343 = arith.constant 0 : i32
      %broadcast_in_dim3A_344 = vector.broadcast %broadcast_in_dim3A_343 : i32 to vector<16xi32>
      %gather3A_345 = tpu.vector_load_idx %arg12[%broadcast_in_dim3A_344, %gather3A_342] : memref<2x1536xf32, #tpu.memory_space<vmem>>[vector<16xi32>, vector<16xi32>], vector<16xf32>,
      %swap3A_346 = arith.constant 112 : index
      %swap3A_347 = tpu.vector_load %arg15[%swap3A_346] {strides = array<i32>} : memref<1024xf32, #tpu.memory_space<vmem>>, vector<16xf32>,
      tpu.vector_store %arg15[%swap3A_346], %gather3A_345 {strides = array<i32>} : memref<1024xf32, #tpu.memory_space<vmem>>, vector<16xf32>,
      %broadcast_in_dim3A_348 = arith.constant 1 : i32
      %broadcast_in_dim3A_349 = vector.broadcast %broadcast_in_dim3A_348 : i32 to vector<16xi32>
      %gather3A_350 = tpu.vector_load_idx %arg12[%broadcast_in_dim3A_349, %gather3A_342] : memref<2x1536xf32, #tpu.memory_space<vmem>>[vector<16xi32>, vector<16xi32>], vector<16xf32>,
      %swap3A_351 = arith.constant 624 : index
      %swap3A_352 = tpu.vector_load %arg15[%swap3A_351] {strides = array<i32>} : memref<1024xf32, #tpu.memory_space<vmem>>, vector<16xf32>,
      tpu.vector_store %arg15[%swap3A_351], %gather3A_350 {strides = array<i32>} : memref<1024xf32, #tpu.memory_space<vmem>>, vector<16xf32>,
      %iota3A_353 = tpu.iota {dimensions = array<i32: 0>} : vector<16xi32>
      %add3A_354 = arith.constant 128 : i32
      %add3A_355 = vector.broadcast %add3A_354 : i32 to vector<16xi32>
      %add3A_356 = arith.addi %add3A_355, %iota3A_353 : vector<16xi32>
      %gather3A_357 = tpu.vector_load_idx %arg13[%add3A_356, %broadcast_in_dim3A_234] : memref<448x1xi32, #tpu.memory_space<vmem>>[vector<16xi32>, vector<16xi32>], vector<16xi32>,
      %broadcast_in_dim3A_358 = arith.constant 0 : i32
      %broadcast_in_dim3A_359 = vector.broadcast %broadcast_in_dim3A_358 : i32 to vector<16xi32>
      %gather3A_360 = tpu.vector_load_idx %arg12[%broadcast_in_dim3A_359, %gather3A_357] : memref<2x1536xf32, #tpu.memory_space<vmem>>[vector<16xi32>, vector<16xi32>], vector<16xf32>,
      %swap3A_361 = arith.constant 128 : index
      %swap3A_362 = tpu.vector_load %arg15[%swap3A_361] {strides = array<i32>} : memref<1024xf32, #tpu.memory_space<vmem>>, vector<16xf32>,
      tpu.vector_store %arg15[%swap3A_361], %gather3A_360 {strides = array<i32>} : memref<1024xf32, #tpu.memory_space<vmem>>, vector<16xf32>,
      %broadcast_in_dim3A_363 = arith.constant 1 : i32
      %broadcast_in_dim3A_364 = vector.broadcast %broadcast_in_dim3A_363 : i32 to vector<16xi32>
      %gather3A_365 = tpu.vector_load_idx %arg12[%broadcast_in_dim3A_364, %gather3A_357] : memref<2x1536xf32, #tpu.memory_space<vmem>>[vector<16xi32>, vector<16xi32>], vector<16xf32>,
      %swap3A_366 = arith.constant 640 : index
      %swap3A_367 = tpu.vector_load %arg15[%swap3A_366] {strides = array<i32>} : memref<1024xf32, #tpu.memory_space<vmem>>, vector<16xf32>,
      tpu.vector_store %arg15[%swap3A_366], %gather3A_365 {strides = array<i32>} : memref<1024xf32, #tpu.memory_space<vmem>>, vector<16xf32>,
      %iota3A_368 = tpu.iota {dimensions = array<i32: 0>} : vector<16xi32>
      %add3A_369 = arith.constant 144 : i32
      %add3A_370 = vector.broadcast %add3A_369 : i32 to vector<16xi32>
      %add3A_371 = arith.addi %add3A_370, %iota3A_368 : vector<16xi32>
      %gather3A_372 = tpu.vector_load_idx %arg13[%add3A_371, %broadcast_in_dim3A_234] : memref<448x1xi32, #tpu.memory_space<vmem>>[vector<16xi32>, vector<16xi32>], vector<16xi32>,
      %broadcast_in_dim3A_373 = arith.constant 0 : i32
      %broadcast_in_dim3A_374 = vector.broadcast %broadcast_in_dim3A_373 : i32 to vector<16xi32>
      %gather3A_375 = tpu.vector_load_idx %arg12[%broadcast_in_dim3A_374, %gather3A_372] : memref<2x1536xf32, #tpu.memory_space<vmem>>[vector<16xi32>, vector<16xi32>], vector<16xf32>,
      %swap3A_376 = arith.constant 144 : index
      %swap3A_377 = tpu.vector_load %arg15[%swap3A_376] {strides = array<i32>} : memref<1024xf32, #tpu.memory_space<vmem>>, vector<16xf32>,
      tpu.vector_store %arg15[%swap3A_376], %gather3A_375 {strides = array<i32>} : memref<1024xf32, #tpu.memory_space<vmem>>, vector<16xf32>,
      %broadcast_in_dim3A_378 = arith.constant 1 : i32
      %broadcast_in_dim3A_379 = vector.broadcast %broadcast_in_dim3A_378 : i32 to vector<16xi32>
      %gather3A_380 = tpu.vector_load_idx %arg12[%broadcast_in_dim3A_379, %gather3A_372] : memref<2x1536xf32, #tpu.memory_space<vmem>>[vector<16xi32>, vector<16xi32>], vector<16xf32>,
      %swap3A_381 = arith.constant 656 : index
      %swap3A_382 = tpu.vector_load %arg15[%swap3A_381] {strides = array<i32>} : memref<1024xf32, #tpu.memory_space<vmem>>, vector<16xf32>,
      tpu.vector_store %arg15[%swap3A_381], %gather3A_380 {strides = array<i32>} : memref<1024xf32, #tpu.memory_space<vmem>>, vector<16xf32>,
      %iota3A_383 = tpu.iota {dimensions = array<i32: 0>} : vector<16xi32>
      %add3A_384 = arith.constant 160 : i32
      %add3A_385 = vector.broadcast %add3A_384 : i32 to vector<16xi32>
      %add3A_386 = arith.addi %add3A_385, %iota3A_383 : vector<16xi32>
      %gather3A_387 = tpu.vector_load_idx %arg13[%add3A_386, %broadcast_in_dim3A_234] : memref<448x1xi32, #tpu.memory_space<vmem>>[vector<16xi32>, vector<16xi32>], vector<16xi32>,
      %broadcast_in_dim3A_388 = arith.constant 0 : i32
      %broadcast_in_dim3A_389 = vector.broadcast %broadcast_in_dim3A_388 : i32 to vector<16xi32>
      %gather3A_390 = tpu.vector_load_idx %arg12[%broadcast_in_dim3A_389, %gather3A_387] : memref<2x1536xf32, #tpu.memory_space<vmem>>[vector<16xi32>, vector<16xi32>], vector<16xf32>,
      %swap3A_391 = arith.constant 160 : index
      %swap3A_392 = tpu.vector_load %arg15[%swap3A_391] {strides = array<i32>} : memref<1024xf32, #tpu.memory_space<vmem>>, vector<16xf32>,
      tpu.vector_store %arg15[%swap3A_391], %gather3A_390 {strides = array<i32>} : memref<1024xf32, #tpu.memory_space<vmem>>, vector<16xf32>,
      %broadcast_in_dim3A_393 = arith.constant 1 : i32
      %broadcast_in_dim3A_394 = vector.broadcast %broadcast_in_dim3A_393 : i32 to vector<16xi32>
      %gather3A_395 = tpu.vector_load_idx %arg12[%broadcast_in_dim3A_394, %gather3A_387] : memref<2x1536xf32, #tpu.memory_space<vmem>>[vector<16xi32>, vector<16xi32>], vector<16xf32>,
      %swap3A_396 = arith.constant 672 : index
      %swap3A_397 = tpu.vector_load %arg15[%swap3A_396] {strides = array<i32>} : memref<1024xf32, #tpu.memory_space<vmem>>, vector<16xf32>,
      tpu.vector_store %arg15[%swap3A_396], %gather3A_395 {strides = array<i32>} : memref<1024xf32, #tpu.memory_space<vmem>>, vector<16xf32>,
      %iota3A_398 = tpu.iota {dimensions = array<i32: 0>} : vector<16xi32>
      %add3A_399 = arith.constant 176 : i32
      %add3A_400 = vector.broadcast %add3A_399 : i32 to vector<16xi32>
      %add3A_401 = arith.addi %add3A_400, %iota3A_398 : vector<16xi32>
      %gather3A_402 = tpu.vector_load_idx %arg13[%add3A_401, %broadcast_in_dim3A_234] : memref<448x1xi32, #tpu.memory_space<vmem>>[vector<16xi32>, vector<16xi32>], vector<16xi32>,
      %broadcast_in_dim3A_403 = arith.constant 0 : i32
      %broadcast_in_dim3A_404 = vector.broadcast %broadcast_in_dim3A_403 : i32 to vector<16xi32>
      %gather3A_405 = tpu.vector_load_idx %arg12[%broadcast_in_dim3A_404, %gather3A_402] : memref<2x1536xf32, #tpu.memory_space<vmem>>[vector<16xi32>, vector<16xi32>], vector<16xf32>,
      %swap3A_406 = arith.constant 176 : index
      %swap3A_407 = tpu.vector_load %arg15[%swap3A_406] {strides = array<i32>} : memref<1024xf32, #tpu.memory_space<vmem>>, vector<16xf32>,
      tpu.vector_store %arg15[%swap3A_406], %gather3A_405 {strides = array<i32>} : memref<1024xf32, #tpu.memory_space<vmem>>, vector<16xf32>,
      %broadcast_in_dim3A_408 = arith.constant 1 : i32
      %broadcast_in_dim3A_409 = vector.broadcast %broadcast_in_dim3A_408 : i32 to vector<16xi32>
      %gather3A_410 = tpu.vector_load_idx %arg12[%broadcast_in_dim3A_409, %gather3A_402] : memref<2x1536xf32, #tpu.memory_space<vmem>>[vector<16xi32>, vector<16xi32>], vector<16xf32>,
      %swap3A_411 = arith.constant 688 : index
      %swap3A_412 = tpu.vector_load %arg15[%swap3A_411] {strides = array<i32>} : memref<1024xf32, #tpu.memory_space<vmem>>, vector<16xf32>,
      tpu.vector_store %arg15[%swap3A_411], %gather3A_410 {strides = array<i32>} : memref<1024xf32, #tpu.memory_space<vmem>>, vector<16xf32>,
      %iota3A_413 = tpu.iota {dimensions = array<i32: 0>} : vector<16xi32>
      %add3A_414 = arith.constant 192 : i32
      %add3A_415 = vector.broadcast %add3A_414 : i32 to vector<16xi32>
      %add3A_416 = arith.addi %add3A_415, %iota3A_413 : vector<16xi32>
      %gather3A_417 = tpu.vector_load_idx %arg13[%add3A_416, %broadcast_in_dim3A_234] : memref<448x1xi32, #tpu.memory_space<vmem>>[vector<16xi32>, vector<16xi32>], vector<16xi32>,
      %broadcast_in_dim3A_418 = arith.constant 0 : i32
      %broadcast_in_dim3A_419 = vector.broadcast %broadcast_in_dim3A_418 : i32 to vector<16xi32>
      %gather3A_420 = tpu.vector_load_idx %arg12[%broadcast_in_dim3A_419, %gather3A_417] : memref<2x1536xf32, #tpu.memory_space<vmem>>[vector<16xi32>, vector<16xi32>], vector<16xf32>,
      %swap3A_421 = arith.constant 192 : index
      %swap3A_422 = tpu.vector_load %arg15[%swap3A_421] {strides = array<i32>} : memref<1024xf32, #tpu.memory_space<vmem>>, vector<16xf32>,
      tpu.vector_store %arg15[%swap3A_421], %gather3A_420 {strides = array<i32>} : memref<1024xf32, #tpu.memory_space<vmem>>, vector<16xf32>,
      %broadcast_in_dim3A_423 = arith.constant 1 : i32
      %broadcast_in_dim3A_424 = vector.broadcast %broadcast_in_dim3A_423 : i32 to vector<16xi32>
      %gather3A_425 = tpu.vector_load_idx %arg12[%broadcast_in_dim3A_424, %gather3A_417] : memref<2x1536xf32, #tpu.memory_space<vmem>>[vector<16xi32>, vector<16xi32>], vector<16xf32>,
      %swap3A_426 = arith.constant 704 : index
      %swap3A_427 = tpu.vector_load %arg15[%swap3A_426] {strides = array<i32>} : memref<1024xf32, #tpu.memory_space<vmem>>, vector<16xf32>,
      tpu.vector_store %arg15[%swap3A_426], %gather3A_425 {strides = array<i32>} : memref<1024xf32, #tpu.memory_space<vmem>>, vector<16xf32>,
      %iota3A_428 = tpu.iota {dimensions = array<i32: 0>} : vector<16xi32>
      %add3A_429 = arith.constant 208 : i32
      %add3A_430 = vector.broadcast %add3A_429 : i32 to vector<16xi32>
      %add3A_431 = arith.addi %add3A_430, %iota3A_428 : vector<16xi32>
      %gather3A_432 = tpu.vector_load_idx %arg13[%add3A_431, %broadcast_in_dim3A_234] : memref<448x1xi32, #tpu.memory_space<vmem>>[vector<16xi32>, vector<16xi32>], vector<16xi32>,
      %broadcast_in_dim3A_433 = arith.constant 0 : i32
      %broadcast_in_dim3A_434 = vector.broadcast %broadcast_in_dim3A_433 : i32 to vector<16xi32>
      %gather3A_435 = tpu.vector_load_idx %arg12[%broadcast_in_dim3A_434, %gather3A_432] : memref<2x1536xf32, #tpu.memory_space<vmem>>[vector<16xi32>, vector<16xi32>], vector<16xf32>,
      %swap3A_436 = arith.constant 208 : index
      %swap3A_437 = tpu.vector_load %arg15[%swap3A_436] {strides = array<i32>} : memref<1024xf32, #tpu.memory_space<vmem>>, vector<16xf32>,
      tpu.vector_store %arg15[%swap3A_436], %gather3A_435 {strides = array<i32>} : memref<1024xf32, #tpu.memory_space<vmem>>, vector<16xf32>,
      %broadcast_in_dim3A_438 = arith.constant 1 : i32
      %broadcast_in_dim3A_439 = vector.broadcast %broadcast_in_dim3A_438 : i32 to vector<16xi32>
      %gather3A_440 = tpu.vector_load_idx %arg12[%broadcast_in_dim3A_439, %gather3A_432] : memref<2x1536xf32, #tpu.memory_space<vmem>>[vector<16xi32>, vector<16xi32>], vector<16xf32>,
      %swap3A_441 = arith.constant 720 : index
      %swap3A_442 = tpu.vector_load %arg15[%swap3A_441] {strides = array<i32>} : memref<1024xf32, #tpu.memory_space<vmem>>, vector<16xf32>,
      tpu.vector_store %arg15[%swap3A_441], %gather3A_440 {strides = array<i32>} : memref<1024xf32, #tpu.memory_space<vmem>>, vector<16xf32>,
      %iota3A_443 = tpu.iota {dimensions = array<i32: 0>} : vector<16xi32>
      %add3A_444 = arith.constant 224 : i32
      %add3A_445 = vector.broadcast %add3A_444 : i32 to vector<16xi32>
      %add3A_446 = arith.addi %add3A_445, %iota3A_443 : vector<16xi32>
      %gather3A_447 = tpu.vector_load_idx %arg13[%add3A_446, %broadcast_in_dim3A_234] : memref<448x1xi32, #tpu.memory_space<vmem>>[vector<16xi32>, vector<16xi32>], vector<16xi32>,
      %broadcast_in_dim3A_448 = arith.constant 0 : i32
      %broadcast_in_dim3A_449 = vector.broadcast %broadcast_in_dim3A_448 : i32 to vector<16xi32>
      %gather3A_450 = tpu.vector_load_idx %arg12[%broadcast_in_dim3A_449, %gather3A_447] : memref<2x1536xf32, #tpu.memory_space<vmem>>[vector<16xi32>, vector<16xi32>], vector<16xf32>,
      %swap3A_451 = arith.constant 224 : index
      %swap3A_452 = tpu.vector_load %arg15[%swap3A_451] {strides = array<i32>} : memref<1024xf32, #tpu.memory_space<vmem>>, vector<16xf32>,
      tpu.vector_store %arg15[%swap3A_451], %gather3A_450 {strides = array<i32>} : memref<1024xf32, #tpu.memory_space<vmem>>, vector<16xf32>,
      %broadcast_in_dim3A_453 = arith.constant 1 : i32
      %broadcast_in_dim3A_454 = vector.broadcast %broadcast_in_dim3A_453 : i32 to vector<16xi32>
      %gather3A_455 = tpu.vector_load_idx %arg12[%broadcast_in_dim3A_454, %gather3A_447] : memref<2x1536xf32, #tpu.memory_space<vmem>>[vector<16xi32>, vector<16xi32>], vector<16xf32>,
      %swap3A_456 = arith.constant 736 : index
      %swap3A_457 = tpu.vector_load %arg15[%swap3A_456] {strides = array<i32>} : memref<1024xf32, #tpu.memory_space<vmem>>, vector<16xf32>,
      tpu.vector_store %arg15[%swap3A_456], %gather3A_455 {strides = array<i32>} : memref<1024xf32, #tpu.memory_space<vmem>>, vector<16xf32>,
      %iota3A_458 = tpu.iota {dimensions = array<i32: 0>} : vector<16xi32>
      %add3A_459 = arith.constant 240 : i32
      %add3A_460 = vector.broadcast %add3A_459 : i32 to vector<16xi32>
      %add3A_461 = arith.addi %add3A_460, %iota3A_458 : vector<16xi32>
      %gather3A_462 = tpu.vector_load_idx %arg13[%add3A_461, %broadcast_in_dim3A_234] : memref<448x1xi32, #tpu.memory_space<vmem>>[vector<16xi32>, vector<16xi32>], vector<16xi32>,
      %broadcast_in_dim3A_463 = arith.constant 0 : i32
      %broadcast_in_dim3A_464 = vector.broadcast %broadcast_in_dim3A_463 : i32 to vector<16xi32>
      %gather3A_465 = tpu.vector_load_idx %arg12[%broadcast_in_dim3A_464, %gather3A_462] : memref<2x1536xf32, #tpu.memory_space<vmem>>[vector<16xi32>, vector<16xi32>], vector<16xf32>,
      %swap3A_466 = arith.constant 240 : index
      %swap3A_467 = tpu.vector_load %arg15[%swap3A_466] {strides = array<i32>} : memref<1024xf32, #tpu.memory_space<vmem>>, vector<16xf32>,
      tpu.vector_store %arg15[%swap3A_466], %gather3A_465 {strides = array<i32>} : memref<1024xf32, #tpu.memory_space<vmem>>, vector<16xf32>,
      %broadcast_in_dim3A_468 = arith.constant 1 : i32
      %broadcast_in_dim3A_469 = vector.broadcast %broadcast_in_dim3A_468 : i32 to vector<16xi32>
      %gather3A_470 = tpu.vector_load_idx %arg12[%broadcast_in_dim3A_469, %gather3A_462] : memref<2x1536xf32, #tpu.memory_space<vmem>>[vector<16xi32>, vector<16xi32>], vector<16xf32>,
      %swap3A_471 = arith.constant 752 : index
      %swap3A_472 = tpu.vector_load %arg15[%swap3A_471] {strides = array<i32>} : memref<1024xf32, #tpu.memory_space<vmem>>, vector<16xf32>,
      tpu.vector_store %arg15[%swap3A_471], %gather3A_470 {strides = array<i32>} : memref<1024xf32, #tpu.memory_space<vmem>>, vector<16xf32>,
      %iota3A_473 = tpu.iota {dimensions = array<i32: 0>} : vector<16xi32>
      %add3A_474 = arith.constant 256 : i32
      %add3A_475 = vector.broadcast %add3A_474 : i32 to vector<16xi32>
      %add3A_476 = arith.addi %add3A_475, %iota3A_473 : vector<16xi32>
      %gather3A_477 = tpu.vector_load_idx %arg13[%add3A_476, %broadcast_in_dim3A_234] : memref<448x1xi32, #tpu.memory_space<vmem>>[vector<16xi32>, vector<16xi32>], vector<16xi32>,
      %broadcast_in_dim3A_478 = arith.constant 0 : i32
      %broadcast_in_dim3A_479 = vector.broadcast %broadcast_in_dim3A_478 : i32 to vector<16xi32>
      %gather3A_480 = tpu.vector_load_idx %arg12[%broadcast_in_dim3A_479, %gather3A_477] : memref<2x1536xf32, #tpu.memory_space<vmem>>[vector<16xi32>, vector<16xi32>], vector<16xf32>,
      %swap3A_481 = arith.constant 256 : index
      %swap3A_482 = tpu.vector_load %arg15[%swap3A_481] {strides = array<i32>} : memref<1024xf32, #tpu.memory_space<vmem>>, vector<16xf32>,
      tpu.vector_store %arg15[%swap3A_481], %gather3A_480 {strides = array<i32>} : memref<1024xf32, #tpu.memory_space<vmem>>, vector<16xf32>,
      %broadcast_in_dim3A_483 = arith.constant 1 : i32
      %broadcast_in_dim3A_484 = vector.broadcast %broadcast_in_dim3A_483 : i32 to vector<16xi32>
      %gather3A_485 = tpu.vector_load_idx %arg12[%broadcast_in_dim3A_484, %gather3A_477] : memref<2x1536xf32, #tpu.memory_space<vmem>>[vector<16xi32>, vector<16xi32>], vector<16xf32>,
      %swap3A_486 = arith.constant 768 : index
      %swap3A_487 = tpu.vector_load %arg15[%swap3A_486] {strides = array<i32>} : memref<1024xf32, #tpu.memory_space<vmem>>, vector<16xf32>,
      tpu.vector_store %arg15[%swap3A_486], %gather3A_485 {strides = array<i32>} : memref<1024xf32, #tpu.memory_space<vmem>>, vector<16xf32>,
      %iota3A_488 = tpu.iota {dimensions = array<i32: 0>} : vector<16xi32>
      %add3A_489 = arith.constant 272 : i32
      %add3A_490 = vector.broadcast %add3A_489 : i32 to vector<16xi32>
      %add3A_491 = arith.addi %add3A_490, %iota3A_488 : vector<16xi32>
      %gather3A_492 = tpu.vector_load_idx %arg13[%add3A_491, %broadcast_in_dim3A_234] : memref<448x1xi32, #tpu.memory_space<vmem>>[vector<16xi32>, vector<16xi32>], vector<16xi32>,
      %broadcast_in_dim3A_493 = arith.constant 0 : i32
      %broadcast_in_dim3A_494 = vector.broadcast %broadcast_in_dim3A_493 : i32 to vector<16xi32>
      %gather3A_495 = tpu.vector_load_idx %arg12[%broadcast_in_dim3A_494, %gather3A_492] : memref<2x1536xf32, #tpu.memory_space<vmem>>[vector<16xi32>, vector<16xi32>], vector<16xf32>,
      %swap3A_496 = arith.constant 272 : index
      %swap3A_497 = tpu.vector_load %arg15[%swap3A_496] {strides = array<i32>} : memref<1024xf32, #tpu.memory_space<vmem>>, vector<16xf32>,
      tpu.vector_store %arg15[%swap3A_496], %gather3A_495 {strides = array<i32>} : memref<1024xf32, #tpu.memory_space<vmem>>, vector<16xf32>,
      %broadcast_in_dim3A_498 = arith.constant 1 : i32
      %broadcast_in_dim3A_499 = vector.broadcast %broadcast_in_dim3A_498 : i32 to vector<16xi32>
      %gather3A_500 = tpu.vector_load_idx %arg12[%broadcast_in_dim3A_499, %gather3A_492] : memref<2x1536xf32, #tpu.memory_space<vmem>>[vector<16xi32>, vector<16xi32>], vector<16xf32>,
      %swap3A_501 = arith.constant 784 : index
      %swap3A_502 = tpu.vector_load %arg15[%swap3A_501] {strides = array<i32>} : memref<1024xf32, #tpu.memory_space<vmem>>, vector<16xf32>,
      tpu.vector_store %arg15[%swap3A_501], %gather3A_500 {strides = array<i32>} : memref<1024xf32, #tpu.memory_space<vmem>>, vector<16xf32>,
      %iota3A_503 = tpu.iota {dimensions = array<i32: 0>} : vector<16xi32>
      %add3A_504 = arith.constant 288 : i32
      %add3A_505 = vector.broadcast %add3A_504 : i32 to vector<16xi32>
      %add3A_506 = arith.addi %add3A_505, %iota3A_503 : vector<16xi32>
      %gather3A_507 = tpu.vector_load_idx %arg13[%add3A_506, %broadcast_in_dim3A_234] : memref<448x1xi32, #tpu.memory_space<vmem>>[vector<16xi32>, vector<16xi32>], vector<16xi32>,
      %broadcast_in_dim3A_508 = arith.constant 0 : i32
      %broadcast_in_dim3A_509 = vector.broadcast %broadcast_in_dim3A_508 : i32 to vector<16xi32>
      %gather3A_510 = tpu.vector_load_idx %arg12[%broadcast_in_dim3A_509, %gather3A_507] : memref<2x1536xf32, #tpu.memory_space<vmem>>[vector<16xi32>, vector<16xi32>], vector<16xf32>,
      %swap3A_511 = arith.constant 288 : index
      %swap3A_512 = tpu.vector_load %arg15[%swap3A_511] {strides = array<i32>} : memref<1024xf32, #tpu.memory_space<vmem>>, vector<16xf32>,
      tpu.vector_store %arg15[%swap3A_511], %gather3A_510 {strides = array<i32>} : memref<1024xf32, #tpu.memory_space<vmem>>, vector<16xf32>,
      %broadcast_in_dim3A_513 = arith.constant 1 : i32
      %broadcast_in_dim3A_514 = vector.broadcast %broadcast_in_dim3A_513 : i32 to vector<16xi32>
      %gather3A_515 = tpu.vector_load_idx %arg12[%broadcast_in_dim3A_514, %gather3A_507] : memref<2x1536xf32, #tpu.memory_space<vmem>>[vector<16xi32>, vector<16xi32>], vector<16xf32>,
      %swap3A_516 = arith.constant 800 : index
      %swap3A_517 = tpu.vector_load %arg15[%swap3A_516] {strides = array<i32>} : memref<1024xf32, #tpu.memory_space<vmem>>, vector<16xf32>,
      tpu.vector_store %arg15[%swap3A_516], %gather3A_515 {strides = array<i32>} : memref<1024xf32, #tpu.memory_space<vmem>>, vector<16xf32>,
      %iota3A_518 = tpu.iota {dimensions = array<i32: 0>} : vector<16xi32>
      %add3A_519 = arith.constant 304 : i32
      %add3A_520 = vector.broadcast %add3A_519 : i32 to vector<16xi32>
      %add3A_521 = arith.addi %add3A_520, %iota3A_518 : vector<16xi32>
      %gather3A_522 = tpu.vector_load_idx %arg13[%add3A_521, %broadcast_in_dim3A_234] : memref<448x1xi32, #tpu.memory_space<vmem>>[vector<16xi32>, vector<16xi32>], vector<16xi32>,
      %broadcast_in_dim3A_523 = arith.constant 0 : i32
      %broadcast_in_dim3A_524 = vector.broadcast %broadcast_in_dim3A_523 : i32 to vector<16xi32>
      %gather3A_525 = tpu.vector_load_idx %arg12[%broadcast_in_dim3A_524, %gather3A_522] : memref<2x1536xf32, #tpu.memory_space<vmem>>[vector<16xi32>, vector<16xi32>], vector<16xf32>,
      %swap3A_526 = arith.constant 304 : index
      %swap3A_527 = tpu.vector_load %arg15[%swap3A_526] {strides = array<i32>} : memref<1024xf32, #tpu.memory_space<vmem>>, vector<16xf32>,
      tpu.vector_store %arg15[%swap3A_526], %gather3A_525 {strides = array<i32>} : memref<1024xf32, #tpu.memory_space<vmem>>, vector<16xf32>,
      %broadcast_in_dim3A_528 = arith.constant 1 : i32
      %broadcast_in_dim3A_529 = vector.broadcast %broadcast_in_dim3A_528 : i32 to vector<16xi32>
      %gather3A_530 = tpu.vector_load_idx %arg12[%broadcast_in_dim3A_529, %gather3A_522] : memref<2x1536xf32, #tpu.memory_space<vmem>>[vector<16xi32>, vector<16xi32>], vector<16xf32>,
      %swap3A_531 = arith.constant 816 : index
      %swap3A_532 = tpu.vector_load %arg15[%swap3A_531] {strides = array<i32>} : memref<1024xf32, #tpu.memory_space<vmem>>, vector<16xf32>,
      tpu.vector_store %arg15[%swap3A_531], %gather3A_530 {strides = array<i32>} : memref<1024xf32, #tpu.memory_space<vmem>>, vector<16xf32>,
      %iota3A_533 = tpu.iota {dimensions = array<i32: 0>} : vector<16xi32>
      %add3A_534 = arith.constant 320 : i32
      %add3A_535 = vector.broadcast %add3A_534 : i32 to vector<16xi32>
      %add3A_536 = arith.addi %add3A_535, %iota3A_533 : vector<16xi32>
      %gather3A_537 = tpu.vector_load_idx %arg13[%add3A_536, %broadcast_in_dim3A_234] : memref<448x1xi32, #tpu.memory_space<vmem>>[vector<16xi32>, vector<16xi32>], vector<16xi32>,
      %broadcast_in_dim3A_538 = arith.constant 0 : i32
      %broadcast_in_dim3A_539 = vector.broadcast %broadcast_in_dim3A_538 : i32 to vector<16xi32>
      %gather3A_540 = tpu.vector_load_idx %arg12[%broadcast_in_dim3A_539, %gather3A_537] : memref<2x1536xf32, #tpu.memory_space<vmem>>[vector<16xi32>, vector<16xi32>], vector<16xf32>,
      %swap3A_541 = arith.constant 320 : index
      %swap3A_542 = tpu.vector_load %arg15[%swap3A_541] {strides = array<i32>} : memref<1024xf32, #tpu.memory_space<vmem>>, vector<16xf32>,
      tpu.vector_store %arg15[%swap3A_541], %gather3A_540 {strides = array<i32>} : memref<1024xf32, #tpu.memory_space<vmem>>, vector<16xf32>,
      %broadcast_in_dim3A_543 = arith.constant 1 : i32
      %broadcast_in_dim3A_544 = vector.broadcast %broadcast_in_dim3A_543 : i32 to vector<16xi32>
      %gather3A_545 = tpu.vector_load_idx %arg12[%broadcast_in_dim3A_544, %gather3A_537] : memref<2x1536xf32, #tpu.memory_space<vmem>>[vector<16xi32>, vector<16xi32>], vector<16xf32>,
      %swap3A_546 = arith.constant 832 : index
      %swap3A_547 = tpu.vector_load %arg15[%swap3A_546] {strides = array<i32>} : memref<1024xf32, #tpu.memory_space<vmem>>, vector<16xf32>,
      tpu.vector_store %arg15[%swap3A_546], %gather3A_545 {strides = array<i32>} : memref<1024xf32, #tpu.memory_space<vmem>>, vector<16xf32>,
      %iota3A_548 = tpu.iota {dimensions = array<i32: 0>} : vector<16xi32>
      %add3A_549 = arith.constant 336 : i32
      %add3A_550 = vector.broadcast %add3A_549 : i32 to vector<16xi32>
      %add3A_551 = arith.addi %add3A_550, %iota3A_548 : vector<16xi32>
      %gather3A_552 = tpu.vector_load_idx %arg13[%add3A_551, %broadcast_in_dim3A_234] : memref<448x1xi32, #tpu.memory_space<vmem>>[vector<16xi32>, vector<16xi32>], vector<16xi32>,
      %broadcast_in_dim3A_553 = arith.constant 0 : i32
      %broadcast_in_dim3A_554 = vector.broadcast %broadcast_in_dim3A_553 : i32 to vector<16xi32>
      %gather3A_555 = tpu.vector_load_idx %arg12[%broadcast_in_dim3A_554, %gather3A_552] : memref<2x1536xf32, #tpu.memory_space<vmem>>[vector<16xi32>, vector<16xi32>], vector<16xf32>,
      %swap3A_556 = arith.constant 336 : index
      %swap3A_557 = tpu.vector_load %arg15[%swap3A_556] {strides = array<i32>} : memref<1024xf32, #tpu.memory_space<vmem>>, vector<16xf32>,
      tpu.vector_store %arg15[%swap3A_556], %gather3A_555 {strides = array<i32>} : memref<1024xf32, #tpu.memory_space<vmem>>, vector<16xf32>,
      %broadcast_in_dim3A_558 = arith.constant 1 : i32
      %broadcast_in_dim3A_559 = vector.broadcast %broadcast_in_dim3A_558 : i32 to vector<16xi32>
      %gather3A_560 = tpu.vector_load_idx %arg12[%broadcast_in_dim3A_559, %gather3A_552] : memref<2x1536xf32, #tpu.memory_space<vmem>>[vector<16xi32>, vector<16xi32>], vector<16xf32>,
      %swap3A_561 = arith.constant 848 : index
      %swap3A_562 = tpu.vector_load %arg15[%swap3A_561] {strides = array<i32>} : memref<1024xf32, #tpu.memory_space<vmem>>, vector<16xf32>,
      tpu.vector_store %arg15[%swap3A_561], %gather3A_560 {strides = array<i32>} : memref<1024xf32, #tpu.memory_space<vmem>>, vector<16xf32>,
      %iota3A_563 = tpu.iota {dimensions = array<i32: 0>} : vector<16xi32>
      %add3A_564 = arith.constant 352 : i32
      %add3A_565 = vector.broadcast %add3A_564 : i32 to vector<16xi32>
      %add3A_566 = arith.addi %add3A_565, %iota3A_563 : vector<16xi32>
      %gather3A_567 = tpu.vector_load_idx %arg13[%add3A_566, %broadcast_in_dim3A_234] : memref<448x1xi32, #tpu.memory_space<vmem>>[vector<16xi32>, vector<16xi32>], vector<16xi32>,
      %broadcast_in_dim3A_568 = arith.constant 0 : i32
      %broadcast_in_dim3A_569 = vector.broadcast %broadcast_in_dim3A_568 : i32 to vector<16xi32>
      %gather3A_570 = tpu.vector_load_idx %arg12[%broadcast_in_dim3A_569, %gather3A_567] : memref<2x1536xf32, #tpu.memory_space<vmem>>[vector<16xi32>, vector<16xi32>], vector<16xf32>,
      %swap3A_571 = arith.constant 352 : index
      %swap3A_572 = tpu.vector_load %arg15[%swap3A_571] {strides = array<i32>} : memref<1024xf32, #tpu.memory_space<vmem>>, vector<16xf32>,
      tpu.vector_store %arg15[%swap3A_571], %gather3A_570 {strides = array<i32>} : memref<1024xf32, #tpu.memory_space<vmem>>, vector<16xf32>,
      %broadcast_in_dim3A_573 = arith.constant 1 : i32
      %broadcast_in_dim3A_574 = vector.broadcast %broadcast_in_dim3A_573 : i32 to vector<16xi32>
      %gather3A_575 = tpu.vector_load_idx %arg12[%broadcast_in_dim3A_574, %gather3A_567] : memref<2x1536xf32, #tpu.memory_space<vmem>>[vector<16xi32>, vector<16xi32>], vector<16xf32>,
      %swap3A_576 = arith.constant 864 : index
      %swap3A_577 = tpu.vector_load %arg15[%swap3A_576] {strides = array<i32>} : memref<1024xf32, #tpu.memory_space<vmem>>, vector<16xf32>,
      tpu.vector_store %arg15[%swap3A_576], %gather3A_575 {strides = array<i32>} : memref<1024xf32, #tpu.memory_space<vmem>>, vector<16xf32>,
      %iota3A_578 = tpu.iota {dimensions = array<i32: 0>} : vector<16xi32>
      %add3A_579 = arith.constant 368 : i32
      %add3A_580 = vector.broadcast %add3A_579 : i32 to vector<16xi32>
      %add3A_581 = arith.addi %add3A_580, %iota3A_578 : vector<16xi32>
      %gather3A_582 = tpu.vector_load_idx %arg13[%add3A_581, %broadcast_in_dim3A_234] : memref<448x1xi32, #tpu.memory_space<vmem>>[vector<16xi32>, vector<16xi32>], vector<16xi32>,
      %broadcast_in_dim3A_583 = arith.constant 0 : i32
      %broadcast_in_dim3A_584 = vector.broadcast %broadcast_in_dim3A_583 : i32 to vector<16xi32>
      %gather3A_585 = tpu.vector_load_idx %arg12[%broadcast_in_dim3A_584, %gather3A_582] : memref<2x1536xf32, #tpu.memory_space<vmem>>[vector<16xi32>, vector<16xi32>], vector<16xf32>,
      %swap3A_586 = arith.constant 368 : index
      %swap3A_587 = tpu.vector_load %arg15[%swap3A_586] {strides = array<i32>} : memref<1024xf32, #tpu.memory_space<vmem>>, vector<16xf32>,
      tpu.vector_store %arg15[%swap3A_586], %gather3A_585 {strides = array<i32>} : memref<1024xf32, #tpu.memory_space<vmem>>, vector<16xf32>,
      %broadcast_in_dim3A_588 = arith.constant 1 : i32
      %broadcast_in_dim3A_589 = vector.broadcast %broadcast_in_dim3A_588 : i32 to vector<16xi32>
      %gather3A_590 = tpu.vector_load_idx %arg12[%broadcast_in_dim3A_589, %gather3A_582] : memref<2x1536xf32, #tpu.memory_space<vmem>>[vector<16xi32>, vector<16xi32>], vector<16xf32>,
      %swap3A_591 = arith.constant 880 : index
      %swap3A_592 = tpu.vector_load %arg15[%swap3A_591] {strides = array<i32>} : memref<1024xf32, #tpu.memory_space<vmem>>, vector<16xf32>,
      tpu.vector_store %arg15[%swap3A_591], %gather3A_590 {strides = array<i32>} : memref<1024xf32, #tpu.memory_space<vmem>>, vector<16xf32>,
      %iota3A_593 = tpu.iota {dimensions = array<i32: 0>} : vector<16xi32>
      %add3A_594 = arith.constant 384 : i32
      %add3A_595 = vector.broadcast %add3A_594 : i32 to vector<16xi32>
      %add3A_596 = arith.addi %add3A_595, %iota3A_593 : vector<16xi32>
      %gather3A_597 = tpu.vector_load_idx %arg13[%add3A_596, %broadcast_in_dim3A_234] : memref<448x1xi32, #tpu.memory_space<vmem>>[vector<16xi32>, vector<16xi32>], vector<16xi32>,
      %broadcast_in_dim3A_598 = arith.constant 0 : i32
      %broadcast_in_dim3A_599 = vector.broadcast %broadcast_in_dim3A_598 : i32 to vector<16xi32>
      %gather3A_600 = tpu.vector_load_idx %arg12[%broadcast_in_dim3A_599, %gather3A_597] : memref<2x1536xf32, #tpu.memory_space<vmem>>[vector<16xi32>, vector<16xi32>], vector<16xf32>,
      %swap3A_601 = arith.constant 384 : index
      %swap3A_602 = tpu.vector_load %arg15[%swap3A_601] {strides = array<i32>} : memref<1024xf32, #tpu.memory_space<vmem>>, vector<16xf32>,
      tpu.vector_store %arg15[%swap3A_601], %gather3A_600 {strides = array<i32>} : memref<1024xf32, #tpu.memory_space<vmem>>, vector<16xf32>,
      %broadcast_in_dim3A_603 = arith.constant 1 : i32
      %broadcast_in_dim3A_604 = vector.broadcast %broadcast_in_dim3A_603 : i32 to vector<16xi32>
      %gather3A_605 = tpu.vector_load_idx %arg12[%broadcast_in_dim3A_604, %gather3A_597] : memref<2x1536xf32, #tpu.memory_space<vmem>>[vector<16xi32>, vector<16xi32>], vector<16xf32>,
      %swap3A_606 = arith.constant 896 : index
      %swap3A_607 = tpu.vector_load %arg15[%swap3A_606] {strides = array<i32>} : memref<1024xf32, #tpu.memory_space<vmem>>, vector<16xf32>,
      tpu.vector_store %arg15[%swap3A_606], %gather3A_605 {strides = array<i32>} : memref<1024xf32, #tpu.memory_space<vmem>>, vector<16xf32>,
      %iota3A_608 = tpu.iota {dimensions = array<i32: 0>} : vector<16xi32>
      %add3A_609 = arith.constant 400 : i32
      %add3A_610 = vector.broadcast %add3A_609 : i32 to vector<16xi32>
      %add3A_611 = arith.addi %add3A_610, %iota3A_608 : vector<16xi32>
      %gather3A_612 = tpu.vector_load_idx %arg13[%add3A_611, %broadcast_in_dim3A_234] : memref<448x1xi32, #tpu.memory_space<vmem>>[vector<16xi32>, vector<16xi32>], vector<16xi32>,
      %broadcast_in_dim3A_613 = arith.constant 0 : i32
      %broadcast_in_dim3A_614 = vector.broadcast %broadcast_in_dim3A_613 : i32 to vector<16xi32>
      %gather3A_615 = tpu.vector_load_idx %arg12[%broadcast_in_dim3A_614, %gather3A_612] : memref<2x1536xf32, #tpu.memory_space<vmem>>[vector<16xi32>, vector<16xi32>], vector<16xf32>,
      %swap3A_616 = arith.constant 400 : index
      %swap3A_617 = tpu.vector_load %arg15[%swap3A_616] {strides = array<i32>} : memref<1024xf32, #tpu.memory_space<vmem>>, vector<16xf32>,
      tpu.vector_store %arg15[%swap3A_616], %gather3A_615 {strides = array<i32>} : memref<1024xf32, #tpu.memory_space<vmem>>, vector<16xf32>,
      %broadcast_in_dim3A_618 = arith.constant 1 : i32
      %broadcast_in_dim3A_619 = vector.broadcast %broadcast_in_dim3A_618 : i32 to vector<16xi32>
      %gather3A_620 = tpu.vector_load_idx %arg12[%broadcast_in_dim3A_619, %gather3A_612] : memref<2x1536xf32, #tpu.memory_space<vmem>>[vector<16xi32>, vector<16xi32>], vector<16xf32>,
      %swap3A_621 = arith.constant 912 : index
      %swap3A_622 = tpu.vector_load %arg15[%swap3A_621] {strides = array<i32>} : memref<1024xf32, #tpu.memory_space<vmem>>, vector<16xf32>,
      tpu.vector_store %arg15[%swap3A_621], %gather3A_620 {strides = array<i32>} : memref<1024xf32, #tpu.memory_space<vmem>>, vector<16xf32>,
      %iota3A_623 = tpu.iota {dimensions = array<i32: 0>} : vector<16xi32>
      %add3A_624 = arith.constant 416 : i32
      %add3A_625 = vector.broadcast %add3A_624 : i32 to vector<16xi32>
      %add3A_626 = arith.addi %add3A_625, %iota3A_623 : vector<16xi32>
      %gather3A_627 = tpu.vector_load_idx %arg13[%add3A_626, %broadcast_in_dim3A_234] : memref<448x1xi32, #tpu.memory_space<vmem>>[vector<16xi32>, vector<16xi32>], vector<16xi32>,
      %broadcast_in_dim3A_628 = arith.constant 0 : i32
      %broadcast_in_dim3A_629 = vector.broadcast %broadcast_in_dim3A_628 : i32 to vector<16xi32>
      %gather3A_630 = tpu.vector_load_idx %arg12[%broadcast_in_dim3A_629, %gather3A_627] : memref<2x1536xf32, #tpu.memory_space<vmem>>[vector<16xi32>, vector<16xi32>], vector<16xf32>,
      %swap3A_631 = arith.constant 416 : index
      %swap3A_632 = tpu.vector_load %arg15[%swap3A_631] {strides = array<i32>} : memref<1024xf32, #tpu.memory_space<vmem>>, vector<16xf32>,
      tpu.vector_store %arg15[%swap3A_631], %gather3A_630 {strides = array<i32>} : memref<1024xf32, #tpu.memory_space<vmem>>, vector<16xf32>,
      %broadcast_in_dim3A_633 = arith.constant 1 : i32
      %broadcast_in_dim3A_634 = vector.broadcast %broadcast_in_dim3A_633 : i32 to vector<16xi32>
      %gather3A_635 = tpu.vector_load_idx %arg12[%broadcast_in_dim3A_634, %gather3A_627] : memref<2x1536xf32, #tpu.memory_space<vmem>>[vector<16xi32>, vector<16xi32>], vector<16xf32>,
      %swap3A_636 = arith.constant 928 : index
      %swap3A_637 = tpu.vector_load %arg15[%swap3A_636] {strides = array<i32>} : memref<1024xf32, #tpu.memory_space<vmem>>, vector<16xf32>,
      tpu.vector_store %arg15[%swap3A_636], %gather3A_635 {strides = array<i32>} : memref<1024xf32, #tpu.memory_space<vmem>>, vector<16xf32>,
      %iota3A_638 = tpu.iota {dimensions = array<i32: 0>} : vector<16xi32>
      %add3A_639 = arith.constant 432 : i32
      %add3A_640 = vector.broadcast %add3A_639 : i32 to vector<16xi32>
      %add3A_641 = arith.addi %add3A_640, %iota3A_638 : vector<16xi32>
      %gather3A_642 = tpu.vector_load_idx %arg13[%add3A_641, %broadcast_in_dim3A_234] : memref<448x1xi32, #tpu.memory_space<vmem>>[vector<16xi32>, vector<16xi32>], vector<16xi32>,
      %broadcast_in_dim3A_643 = arith.constant 0 : i32
      %broadcast_in_dim3A_644 = vector.broadcast %broadcast_in_dim3A_643 : i32 to vector<16xi32>
      %gather3A_645 = tpu.vector_load_idx %arg12[%broadcast_in_dim3A_644, %gather3A_642] : memref<2x1536xf32, #tpu.memory_space<vmem>>[vector<16xi32>, vector<16xi32>], vector<16xf32>,
      %swap3A_646 = arith.constant 432 : index
      %swap3A_647 = tpu.vector_load %arg15[%swap3A_646] {strides = array<i32>} : memref<1024xf32, #tpu.memory_space<vmem>>, vector<16xf32>,
      tpu.vector_store %arg15[%swap3A_646], %gather3A_645 {strides = array<i32>} : memref<1024xf32, #tpu.memory_space<vmem>>, vector<16xf32>,
      %broadcast_in_dim3A_648 = arith.constant 1 : i32
      %broadcast_in_dim3A_649 = vector.broadcast %broadcast_in_dim3A_648 : i32 to vector<16xi32>
      %gather3A_650 = tpu.vector_load_idx %arg12[%broadcast_in_dim3A_649, %gather3A_642] : memref<2x1536xf32, #tpu.memory_space<vmem>>[vector<16xi32>, vector<16xi32>], vector<16xf32>,
      %swap3A_651 = arith.constant 944 : index
      %swap3A_652 = tpu.vector_load %arg15[%swap3A_651] {strides = array<i32>} : memref<1024xf32, #tpu.memory_space<vmem>>, vector<16xf32>,
      tpu.vector_store %arg15[%swap3A_651], %gather3A_650 {strides = array<i32>} : memref<1024xf32, #tpu.memory_space<vmem>>, vector<16xf32>,
      %mul3A_653 = arith.constant 1024 : i32
      %mul3A_654 = arith.muli %select_n3A, %mul3A_653 : i32
      "tpu.region"() ({
        %run_scoped3A = tpu.sem_alloc : memref<!tpu.dma_semaphore, #tpu.memory_space<semaphore_mem>>
        %dma_start3A = tpu.memref_slice %arg8[%mul3A_654] : memref<4096xf32, #tpu.memory_space<hbm>> -> memref<1024xf32, #tpu.memory_space<hbm>>
        %dma_start3A_655 = tpu.memref_slice %arg8[%mul3A_654] : memref<4096xf32, #tpu.memory_space<hbm>> -> memref<1024xf32, #tpu.memory_space<hbm>>
        tpu.enqueue_dma source(%arg15 : memref<1024xf32, #tpu.memory_space<vmem>>) target(%dma_start3A_655 : memref<1024xf32, #tpu.memory_space<hbm>>) target_semaphore(%run_scoped3A : memref<!tpu.dma_semaphore, #tpu.memory_space<semaphore_mem>>)
        %dma_wait3A = tpu.memref_slice %arg8[%mul3A_654] : memref<4096xf32, #tpu.memory_space<hbm>> -> memref<1024xf32, #tpu.memory_space<hbm>>
        %dma_wait3A_656 = tpu.memref_slice %arg8[%mul3A_654] : memref<4096xf32, #tpu.memory_space<hbm>> -> memref<1024xf32, #tpu.memory_space<hbm>>
        tpu.wait_dma2 semaphore(%run_scoped3A : memref<!tpu.dma_semaphore, #tpu.memory_space<semaphore_mem>>) src(%arg15 : memref<1024xf32, #tpu.memory_space<vmem>>) dst(%dma_wait3A_656 : memref<1024xf32, #tpu.memory_space<hbm>>)
        tpu.yield
      }) : () -> ()
    } else {
    }
    return
  }
}

#map = affine_map<(d0, d1) -> (0, 0, 0)>
#map1 = affine_map<(d0, d1) -> (0, 0, 0, 0)>
#map2 = affine_map<(d0, d1) -> (0)>
module attributes {stable_mosaic.version = 14 : i64} {
  func.func @_usamp_body(%arg0: i32, %arg1: i32, %arg2: memref<4x1x50176xf32, #tpu.memory_space<hbm>>, %arg3: memref<4x1x50176xf32, #tpu.memory_space<hbm>>, %arg4: memref<4x8x4x176xi32, #tpu.memory_space<hbm>>, %arg5: memref<4x8x4x176xf32, #tpu.memory_space<hbm>>, %arg6: memref<8192xf32, #tpu.memory_space<hbm>>, %arg7: memref<50176xf32, #tpu.memory_space<vmem>>, %arg8: memref<50176xf32, #tpu.memory_space<vmem>>, %arg9: memref<4x176xi32, #tpu.memory_space<vmem>>, %arg10: memref<4x176xf32, #tpu.memory_space<vmem>>, %arg11: memref<256xf32, #tpu.memory_space<vmem>>) attributes {dimension_semantics = [#tpu.dimension_semantics<core_parallel>, #tpu.dimension_semantics<subcore_parallel>], iteration_bounds = array<i64: 2, 16>, scalar_prefetch = 0 : i64, scratch_operands = 5 : i64, tpu.core_type = #tpu.core_type<sc_vector_subcore>, window_params = [{transform_indices = #map}, {transform_indices = #map}, {transform_indices = #map1}, {transform_indices = #map1}, {transform_indices = #map2}]} {
    %mul3A = arith.constant 2 : i32
    %mul3A_0 = arith.muli %arg1, %mul3A : i32
    %add3A = arith.addi %mul3A_0, %arg0 : i32
    %jit3A = arith.constant 8 : i32
    %div3A = arith.divsi %add3A, %jit3A : i32
    %sign3A = arith.constant 0 : i32
    %sign3A_1 = arith.cmpi sgt, %add3A, %sign3A : i32
    %sign3A_2 = arith.extui %sign3A_1 : i1 to i32
    %sign3A_3 = arith.constant 0 : i32
    %sign3A_4 = arith.cmpi slt, %add3A, %sign3A_3 : i32
    %sign3A_5 = arith.extui %sign3A_4 : i1 to i32
    %sign3A_6 = arith.subi %sign3A_2, %sign3A_5 : i32
    %sign3A_7 = arith.constant 0 : i32
    %sign3A_8 = arith.cmpi sgt, %jit3A, %sign3A_7 : i32
    %sign3A_9 = arith.extui %sign3A_8 : i1 to i32
    %sign3A_10 = arith.constant 0 : i32
    %sign3A_11 = arith.cmpi slt, %jit3A, %sign3A_10 : i32
    %sign3A_12 = arith.extui %sign3A_11 : i1 to i32
    %sign3A_13 = arith.subi %sign3A_9, %sign3A_12 : i32
    %ne3A = arith.cmpi ne, %sign3A_6, %sign3A_13 : i32
    %rem3A = arith.remsi %add3A, %jit3A : i32
    %ne3A_14 = arith.constant 0 : i32
    %ne3A_15 = arith.cmpi ne, %rem3A, %ne3A_14 : i32
    %and3A = arith.andi %ne3A, %ne3A_15 : i1
    %sub3A = arith.constant 1 : i32
    %sub3A_16 = arith.subi %div3A, %sub3A : i32
    %select_n3A = arith.select %and3A, %sub3A_16, %div3A : i32
    %jit3A_17 = arith.constant 8 : i32
    %eq3A = arith.constant 0 : i32
    %eq3A_18 = arith.cmpi eq, %jit3A_17, %eq3A : i32
    %jit3A_19 = arith.constant 1 : i32
    %select_n3A_20 = arith.select %eq3A_18, %jit3A_19, %jit3A_17 : i32
    %rem3A_21 = arith.remsi %add3A, %select_n3A_20 : i32
    %ne3A_22 = arith.constant 0 : i32
    %ne3A_23 = arith.cmpi ne, %rem3A_21, %ne3A_22 : i32
    %lt3A = arith.constant 0 : i32
    %lt3A_24 = arith.cmpi slt, %rem3A_21, %lt3A : i32
    %lt3A_25 = arith.constant 0 : i32
    %lt3A_26 = arith.cmpi slt, %select_n3A_20, %lt3A_25 : i32
    %ne3A_27 = arith.xori %lt3A_24, %lt3A_26 : i1
    %and3A_28 = arith.andi %ne3A_27, %ne3A_23 : i1
    %add3A_29 = arith.addi %rem3A_21, %select_n3A_20 : i32
    %select_n3A_30 = arith.select %and3A_28, %add3A_29, %rem3A_21 : i32
    %run_scoped3A = arith.constant 0 : i32
    "tpu.region"() ({
      %run_scoped3A_710 = tpu.sem_alloc : memref<!tpu.dma_semaphore, #tpu.memory_space<semaphore_mem>>
      %dma_start3A = arith.constant 0 : i32
      %dma_start3A_711 = tpu.memref_slice %arg2[%select_n3A, %run_scoped3A, %dma_start3A] : memref<4x1x50176xf32, #tpu.memory_space<hbm>> -> memref<1x1x50176xf32, #tpu.memory_space<hbm>>
      %dma_start3A_712 = tpu.memref_squeeze %dma_start3A_711 : memref<1x1x50176xf32, #tpu.memory_space<hbm>> -> memref<50176xf32, #tpu.memory_space<hbm>>
      %dma_start3A_713 = arith.constant 0 : i32
      %dma_start3A_714 = tpu.memref_slice %arg2[%select_n3A, %run_scoped3A, %dma_start3A_713] : memref<4x1x50176xf32, #tpu.memory_space<hbm>> -> memref<1x1x50176xf32, #tpu.memory_space<hbm>>
      %dma_start3A_715 = tpu.memref_squeeze %dma_start3A_714 : memref<1x1x50176xf32, #tpu.memory_space<hbm>> -> memref<50176xf32, #tpu.memory_space<hbm>>
      tpu.enqueue_dma source(%dma_start3A_715 : memref<50176xf32, #tpu.memory_space<hbm>>) target(%arg7 : memref<50176xf32, #tpu.memory_space<vmem>>) target_semaphore(%run_scoped3A_710 : memref<!tpu.dma_semaphore, #tpu.memory_space<semaphore_mem>>)
      %dma_wait3A = arith.constant 0 : i32
      %dma_wait3A_716 = tpu.memref_slice %arg2[%select_n3A, %run_scoped3A, %dma_wait3A] : memref<4x1x50176xf32, #tpu.memory_space<hbm>> -> memref<1x1x50176xf32, #tpu.memory_space<hbm>>
      %dma_wait3A_717 = tpu.memref_squeeze %dma_wait3A_716 : memref<1x1x50176xf32, #tpu.memory_space<hbm>> -> memref<50176xf32, #tpu.memory_space<hbm>>
      %dma_wait3A_718 = arith.constant 0 : i32
      %dma_wait3A_719 = tpu.memref_slice %arg2[%select_n3A, %run_scoped3A, %dma_wait3A_718] : memref<4x1x50176xf32, #tpu.memory_space<hbm>> -> memref<1x1x50176xf32, #tpu.memory_space<hbm>>
      %dma_wait3A_720 = tpu.memref_squeeze %dma_wait3A_719 : memref<1x1x50176xf32, #tpu.memory_space<hbm>> -> memref<50176xf32, #tpu.memory_space<hbm>>
      tpu.wait_dma2 semaphore(%run_scoped3A_710 : memref<!tpu.dma_semaphore, #tpu.memory_space<semaphore_mem>>) src(%dma_wait3A_720 : memref<50176xf32, #tpu.memory_space<hbm>>) dst(%arg7 : memref<50176xf32, #tpu.memory_space<vmem>>)
      tpu.yield
    }) : () -> ()
    %run_scoped3A_31 = arith.constant 0 : i32
    "tpu.region"() ({
      %run_scoped3A_710 = tpu.sem_alloc : memref<!tpu.dma_semaphore, #tpu.memory_space<semaphore_mem>>
      %dma_start3A = arith.constant 0 : i32
      %dma_start3A_711 = tpu.memref_slice %arg3[%select_n3A, %run_scoped3A_31, %dma_start3A] : memref<4x1x50176xf32, #tpu.memory_space<hbm>> -> memref<1x1x50176xf32, #tpu.memory_space<hbm>>
      %dma_start3A_712 = tpu.memref_squeeze %dma_start3A_711 : memref<1x1x50176xf32, #tpu.memory_space<hbm>> -> memref<50176xf32, #tpu.memory_space<hbm>>
      %dma_start3A_713 = arith.constant 0 : i32
      %dma_start3A_714 = tpu.memref_slice %arg3[%select_n3A, %run_scoped3A_31, %dma_start3A_713] : memref<4x1x50176xf32, #tpu.memory_space<hbm>> -> memref<1x1x50176xf32, #tpu.memory_space<hbm>>
      %dma_start3A_715 = tpu.memref_squeeze %dma_start3A_714 : memref<1x1x50176xf32, #tpu.memory_space<hbm>> -> memref<50176xf32, #tpu.memory_space<hbm>>
      tpu.enqueue_dma source(%dma_start3A_715 : memref<50176xf32, #tpu.memory_space<hbm>>) target(%arg8 : memref<50176xf32, #tpu.memory_space<vmem>>) target_semaphore(%run_scoped3A_710 : memref<!tpu.dma_semaphore, #tpu.memory_space<semaphore_mem>>)
      %dma_wait3A = arith.constant 0 : i32
      %dma_wait3A_716 = tpu.memref_slice %arg3[%select_n3A, %run_scoped3A_31, %dma_wait3A] : memref<4x1x50176xf32, #tpu.memory_space<hbm>> -> memref<1x1x50176xf32, #tpu.memory_space<hbm>>
      %dma_wait3A_717 = tpu.memref_squeeze %dma_wait3A_716 : memref<1x1x50176xf32, #tpu.memory_space<hbm>> -> memref<50176xf32, #tpu.memory_space<hbm>>
      %dma_wait3A_718 = arith.constant 0 : i32
      %dma_wait3A_719 = tpu.memref_slice %arg3[%select_n3A, %run_scoped3A_31, %dma_wait3A_718] : memref<4x1x50176xf32, #tpu.memory_space<hbm>> -> memref<1x1x50176xf32, #tpu.memory_space<hbm>>
      %dma_wait3A_720 = tpu.memref_squeeze %dma_wait3A_719 : memref<1x1x50176xf32, #tpu.memory_space<hbm>> -> memref<50176xf32, #tpu.memory_space<hbm>>
      tpu.wait_dma2 semaphore(%run_scoped3A_710 : memref<!tpu.dma_semaphore, #tpu.memory_space<semaphore_mem>>) src(%dma_wait3A_720 : memref<50176xf32, #tpu.memory_space<hbm>>) dst(%arg8 : memref<50176xf32, #tpu.memory_space<vmem>>)
      tpu.yield
    }) : () -> ()
    "tpu.region"() ({
      %run_scoped3A_710 = tpu.sem_alloc : memref<!tpu.dma_semaphore, #tpu.memory_space<semaphore_mem>>
      %dma_start3A = arith.constant 0 : i32
      %dma_start3A_711 = arith.constant 0 : i32
      %dma_start3A_712 = tpu.memref_slice %arg4[%select_n3A, %select_n3A_30, %dma_start3A, %dma_start3A_711] : memref<4x8x4x176xi32, #tpu.memory_space<hbm>> -> memref<1x1x4x176xi32, #tpu.memory_space<hbm>>
      %dma_start3A_713 = tpu.memref_squeeze %dma_start3A_712 : memref<1x1x4x176xi32, #tpu.memory_space<hbm>> -> memref<4x176xi32, #tpu.memory_space<hbm>>
      %dma_start3A_714 = arith.constant 0 : i32
      %dma_start3A_715 = arith.constant 0 : i32
      %dma_start3A_716 = tpu.memref_slice %arg4[%select_n3A, %select_n3A_30, %dma_start3A_714, %dma_start3A_715] : memref<4x8x4x176xi32, #tpu.memory_space<hbm>> -> memref<1x1x4x176xi32, #tpu.memory_space<hbm>>
      %dma_start3A_717 = tpu.memref_squeeze %dma_start3A_716 : memref<1x1x4x176xi32, #tpu.memory_space<hbm>> -> memref<4x176xi32, #tpu.memory_space<hbm>>
      tpu.enqueue_dma source(%dma_start3A_717 : memref<4x176xi32, #tpu.memory_space<hbm>>) target(%arg9 : memref<4x176xi32, #tpu.memory_space<vmem>>) target_semaphore(%run_scoped3A_710 : memref<!tpu.dma_semaphore, #tpu.memory_space<semaphore_mem>>)
      %dma_wait3A = arith.constant 0 : i32
      %dma_wait3A_718 = arith.constant 0 : i32
      %dma_wait3A_719 = tpu.memref_slice %arg4[%select_n3A, %select_n3A_30, %dma_wait3A, %dma_wait3A_718] : memref<4x8x4x176xi32, #tpu.memory_space<hbm>> -> memref<1x1x4x176xi32, #tpu.memory_space<hbm>>
      %dma_wait3A_720 = tpu.memref_squeeze %dma_wait3A_719 : memref<1x1x4x176xi32, #tpu.memory_space<hbm>> -> memref<4x176xi32, #tpu.memory_space<hbm>>
      %dma_wait3A_721 = arith.constant 0 : i32
      %dma_wait3A_722 = arith.constant 0 : i32
      %dma_wait3A_723 = tpu.memref_slice %arg4[%select_n3A, %select_n3A_30, %dma_wait3A_721, %dma_wait3A_722] : memref<4x8x4x176xi32, #tpu.memory_space<hbm>> -> memref<1x1x4x176xi32, #tpu.memory_space<hbm>>
      %dma_wait3A_724 = tpu.memref_squeeze %dma_wait3A_723 : memref<1x1x4x176xi32, #tpu.memory_space<hbm>> -> memref<4x176xi32, #tpu.memory_space<hbm>>
      tpu.wait_dma2 semaphore(%run_scoped3A_710 : memref<!tpu.dma_semaphore, #tpu.memory_space<semaphore_mem>>) src(%dma_wait3A_724 : memref<4x176xi32, #tpu.memory_space<hbm>>) dst(%arg9 : memref<4x176xi32, #tpu.memory_space<vmem>>)
      tpu.yield
    }) : () -> ()
    "tpu.region"() ({
      %run_scoped3A_710 = tpu.sem_alloc : memref<!tpu.dma_semaphore, #tpu.memory_space<semaphore_mem>>
      %dma_start3A = arith.constant 0 : i32
      %dma_start3A_711 = arith.constant 0 : i32
      %dma_start3A_712 = tpu.memref_slice %arg5[%select_n3A, %select_n3A_30, %dma_start3A, %dma_start3A_711] : memref<4x8x4x176xf32, #tpu.memory_space<hbm>> -> memref<1x1x4x176xf32, #tpu.memory_space<hbm>>
      %dma_start3A_713 = tpu.memref_squeeze %dma_start3A_712 : memref<1x1x4x176xf32, #tpu.memory_space<hbm>> -> memref<4x176xf32, #tpu.memory_space<hbm>>
      %dma_start3A_714 = arith.constant 0 : i32
      %dma_start3A_715 = arith.constant 0 : i32
      %dma_start3A_716 = tpu.memref_slice %arg5[%select_n3A, %select_n3A_30, %dma_start3A_714, %dma_start3A_715] : memref<4x8x4x176xf32, #tpu.memory_space<hbm>> -> memref<1x1x4x176xf32, #tpu.memory_space<hbm>>
      %dma_start3A_717 = tpu.memref_squeeze %dma_start3A_716 : memref<1x1x4x176xf32, #tpu.memory_space<hbm>> -> memref<4x176xf32, #tpu.memory_space<hbm>>
      tpu.enqueue_dma source(%dma_start3A_717 : memref<4x176xf32, #tpu.memory_space<hbm>>) target(%arg10 : memref<4x176xf32, #tpu.memory_space<vmem>>) target_semaphore(%run_scoped3A_710 : memref<!tpu.dma_semaphore, #tpu.memory_space<semaphore_mem>>)
      %dma_wait3A = arith.constant 0 : i32
      %dma_wait3A_718 = arith.constant 0 : i32
      %dma_wait3A_719 = tpu.memref_slice %arg5[%select_n3A, %select_n3A_30, %dma_wait3A, %dma_wait3A_718] : memref<4x8x4x176xf32, #tpu.memory_space<hbm>> -> memref<1x1x4x176xf32, #tpu.memory_space<hbm>>
      %dma_wait3A_720 = tpu.memref_squeeze %dma_wait3A_719 : memref<1x1x4x176xf32, #tpu.memory_space<hbm>> -> memref<4x176xf32, #tpu.memory_space<hbm>>
      %dma_wait3A_721 = arith.constant 0 : i32
      %dma_wait3A_722 = arith.constant 0 : i32
      %dma_wait3A_723 = tpu.memref_slice %arg5[%select_n3A, %select_n3A_30, %dma_wait3A_721, %dma_wait3A_722] : memref<4x8x4x176xf32, #tpu.memory_space<hbm>> -> memref<1x1x4x176xf32, #tpu.memory_space<hbm>>
      %dma_wait3A_724 = tpu.memref_squeeze %dma_wait3A_723 : memref<1x1x4x176xf32, #tpu.memory_space<hbm>> -> memref<4x176xf32, #tpu.memory_space<hbm>>
      tpu.wait_dma2 semaphore(%run_scoped3A_710 : memref<!tpu.dma_semaphore, #tpu.memory_space<semaphore_mem>>) src(%dma_wait3A_724 : memref<4x176xf32, #tpu.memory_space<hbm>>) dst(%arg10 : memref<4x176xf32, #tpu.memory_space<vmem>>)
      tpu.yield
    }) : () -> ()
    %get3A = arith.constant 0 : i32
    %get3A_32 = arith.index_cast %get3A : i32 to index
    %get3A_33 = arith.constant 0 : index
    %get3A_34 = tpu.vector_load %arg9[%get3A_32, %get3A_33] {strides = array<i32>} : memref<4x176xi32, #tpu.memory_space<vmem>>, vector<16xi32>,
    %get3A_35 = arith.constant 1 : i32
    %get3A_36 = arith.index_cast %get3A_35 : i32 to index
    %get3A_37 = arith.constant 0 : index
    %get3A_38 = tpu.vector_load %arg9[%get3A_36, %get3A_37] {strides = array<i32>} : memref<4x176xi32, #tpu.memory_space<vmem>>, vector<16xi32>,
    %get3A_39 = arith.constant 2 : i32
    %get3A_40 = arith.index_cast %get3A_39 : i32 to index
    %get3A_41 = arith.constant 0 : index
    %get3A_42 = tpu.vector_load %arg9[%get3A_40, %get3A_41] {strides = array<i32>} : memref<4x176xi32, #tpu.memory_space<vmem>>, vector<16xi32>,
    %get3A_43 = arith.constant 3 : i32
    %get3A_44 = arith.index_cast %get3A_43 : i32 to index
    %get3A_45 = arith.constant 0 : index
    %get3A_46 = tpu.vector_load %arg9[%get3A_44, %get3A_45] {strides = array<i32>} : memref<4x176xi32, #tpu.memory_space<vmem>>, vector<16xi32>,
    %get3A_47 = arith.constant 0 : i32
    %get3A_48 = arith.index_cast %get3A_47 : i32 to index
    %get3A_49 = arith.constant 0 : index
    %get3A_50 = tpu.vector_load %arg10[%get3A_48, %get3A_49] {strides = array<i32>} : memref<4x176xf32, #tpu.memory_space<vmem>>, vector<16xf32>,
    %get3A_51 = arith.constant 1 : i32
    %get3A_52 = arith.index_cast %get3A_51 : i32 to index
    %get3A_53 = arith.constant 0 : index
    %get3A_54 = tpu.vector_load %arg10[%get3A_52, %get3A_53] {strides = array<i32>} : memref<4x176xf32, #tpu.memory_space<vmem>>, vector<16xf32>,
    %get3A_55 = arith.constant 2 : i32
    %get3A_56 = arith.index_cast %get3A_55 : i32 to index
    %get3A_57 = arith.constant 0 : index
    %get3A_58 = tpu.vector_load %arg10[%get3A_56, %get3A_57] {strides = array<i32>} : memref<4x176xf32, #tpu.memory_space<vmem>>, vector<16xf32>,
    %get3A_59 = arith.constant 3 : i32
    %get3A_60 = arith.index_cast %get3A_59 : i32 to index
    %get3A_61 = arith.constant 0 : index
    %get3A_62 = tpu.vector_load %arg10[%get3A_60, %get3A_61] {strides = array<i32>} : memref<4x176xf32, #tpu.memory_space<vmem>>, vector<16xf32>,
    %gather3A = tpu.vector_load_idx %arg7[%get3A_34] : memref<50176xf32, #tpu.memory_space<vmem>>[vector<16xi32>], vector<16xf32>,
    %mul3A_63 = arith.mulf %gather3A, %get3A_50 : vector<16xf32>
    %gather3A_64 = tpu.vector_load_idx %arg7[%get3A_38] : memref<50176xf32, #tpu.memory_space<vmem>>[vector<16xi32>], vector<16xf32>,
    %mul3A_65 = arith.mulf %gather3A_64, %get3A_54 : vector<16xf32>
    %add3A_66 = arith.addf %mul3A_63, %mul3A_65 : vector<16xf32>
    %gather3A_67 = tpu.vector_load_idx %arg7[%get3A_42] : memref<50176xf32, #tpu.memory_space<vmem>>[vector<16xi32>], vector<16xf32>,
    %mul3A_68 = arith.mulf %gather3A_67, %get3A_58 : vector<16xf32>
    %add3A_69 = arith.addf %add3A_66, %mul3A_68 : vector<16xf32>
    %gather3A_70 = tpu.vector_load_idx %arg7[%get3A_46] : memref<50176xf32, #tpu.memory_space<vmem>>[vector<16xi32>], vector<16xf32>,
    %mul3A_71 = arith.mulf %gather3A_70, %get3A_62 : vector<16xf32>
    %add3A_72 = arith.addf %add3A_69, %mul3A_71 : vector<16xf32>
    %gather3A_73 = tpu.vector_load_idx %arg8[%get3A_34] : memref<50176xf32, #tpu.memory_space<vmem>>[vector<16xi32>], vector<16xf32>,
    %mul3A_74 = arith.mulf %gather3A_73, %get3A_50 : vector<16xf32>
    %gather3A_75 = tpu.vector_load_idx %arg8[%get3A_38] : memref<50176xf32, #tpu.memory_space<vmem>>[vector<16xi32>], vector<16xf32>,
    %mul3A_76 = arith.mulf %gather3A_75, %get3A_54 : vector<16xf32>
    %add3A_77 = arith.addf %mul3A_74, %mul3A_76 : vector<16xf32>
    %gather3A_78 = tpu.vector_load_idx %arg8[%get3A_42] : memref<50176xf32, #tpu.memory_space<vmem>>[vector<16xi32>], vector<16xf32>,
    %mul3A_79 = arith.mulf %gather3A_78, %get3A_58 : vector<16xf32>
    %add3A_80 = arith.addf %add3A_77, %mul3A_79 : vector<16xf32>
    %gather3A_81 = tpu.vector_load_idx %arg8[%get3A_46] : memref<50176xf32, #tpu.memory_space<vmem>>[vector<16xi32>], vector<16xf32>,
    %mul3A_82 = arith.mulf %gather3A_81, %get3A_62 : vector<16xf32>
    %add3A_83 = arith.addf %add3A_80, %mul3A_82 : vector<16xf32>
    %sub3A_84 = arith.subf %add3A_72, %add3A_83 : vector<16xf32>
    %mul3A_85 = arith.constant -1.000000e+00 : f32
    %mul3A_86 = vector.broadcast %mul3A_85 : f32 to vector<16xf32>
    %mul3A_87 = arith.mulf %mul3A_86, %sub3A_84 : vector<16xf32>
    %swap3A = arith.constant 0 : index
    %swap3A_88 = tpu.vector_load %arg11[%swap3A] {strides = array<i32>} : memref<256xf32, #tpu.memory_space<vmem>>, vector<16xf32>,
    tpu.vector_store %arg11[%swap3A], %mul3A_87 {strides = array<i32>} : memref<256xf32, #tpu.memory_space<vmem>>, vector<16xf32>,
    %get3A_89 = arith.constant 0 : i32
    %get3A_90 = arith.index_cast %get3A_89 : i32 to index
    %get3A_91 = arith.constant 16 : index
    %get3A_92 = tpu.vector_load %arg9[%get3A_90, %get3A_91] {strides = array<i32>} : memref<4x176xi32, #tpu.memory_space<vmem>>, vector<16xi32>,
    %get3A_93 = arith.constant 1 : i32
    %get3A_94 = arith.index_cast %get3A_93 : i32 to index
    %get3A_95 = arith.constant 16 : index
    %get3A_96 = tpu.vector_load %arg9[%get3A_94, %get3A_95] {strides = array<i32>} : memref<4x176xi32, #tpu.memory_space<vmem>>, vector<16xi32>,
    %get3A_97 = arith.constant 2 : i32
    %get3A_98 = arith.index_cast %get3A_97 : i32 to index
    %get3A_99 = arith.constant 16 : index
    %get3A_100 = tpu.vector_load %arg9[%get3A_98, %get3A_99] {strides = array<i32>} : memref<4x176xi32, #tpu.memory_space<vmem>>, vector<16xi32>,
    %get3A_101 = arith.constant 3 : i32
    %get3A_102 = arith.index_cast %get3A_101 : i32 to index
    %get3A_103 = arith.constant 16 : index
    %get3A_104 = tpu.vector_load %arg9[%get3A_102, %get3A_103] {strides = array<i32>} : memref<4x176xi32, #tpu.memory_space<vmem>>, vector<16xi32>,
    %get3A_105 = arith.constant 0 : i32
    %get3A_106 = arith.index_cast %get3A_105 : i32 to index
    %get3A_107 = arith.constant 16 : index
    %get3A_108 = tpu.vector_load %arg10[%get3A_106, %get3A_107] {strides = array<i32>} : memref<4x176xf32, #tpu.memory_space<vmem>>, vector<16xf32>,
    %get3A_109 = arith.constant 1 : i32
    %get3A_110 = arith.index_cast %get3A_109 : i32 to index
    %get3A_111 = arith.constant 16 : index
    %get3A_112 = tpu.vector_load %arg10[%get3A_110, %get3A_111] {strides = array<i32>} : memref<4x176xf32, #tpu.memory_space<vmem>>, vector<16xf32>,
    %get3A_113 = arith.constant 2 : i32
    %get3A_114 = arith.index_cast %get3A_113 : i32 to index
    %get3A_115 = arith.constant 16 : index
    %get3A_116 = tpu.vector_load %arg10[%get3A_114, %get3A_115] {strides = array<i32>} : memref<4x176xf32, #tpu.memory_space<vmem>>, vector<16xf32>,
    %get3A_117 = arith.constant 3 : i32
    %get3A_118 = arith.index_cast %get3A_117 : i32 to index
    %get3A_119 = arith.constant 16 : index
    %get3A_120 = tpu.vector_load %arg10[%get3A_118, %get3A_119] {strides = array<i32>} : memref<4x176xf32, #tpu.memory_space<vmem>>, vector<16xf32>,
    %gather3A_121 = tpu.vector_load_idx %arg7[%get3A_92] : memref<50176xf32, #tpu.memory_space<vmem>>[vector<16xi32>], vector<16xf32>,
    %mul3A_122 = arith.mulf %gather3A_121, %get3A_108 : vector<16xf32>
    %gather3A_123 = tpu.vector_load_idx %arg7[%get3A_96] : memref<50176xf32, #tpu.memory_space<vmem>>[vector<16xi32>], vector<16xf32>,
    %mul3A_124 = arith.mulf %gather3A_123, %get3A_112 : vector<16xf32>
    %add3A_125 = arith.addf %mul3A_122, %mul3A_124 : vector<16xf32>
    %gather3A_126 = tpu.vector_load_idx %arg7[%get3A_100] : memref<50176xf32, #tpu.memory_space<vmem>>[vector<16xi32>], vector<16xf32>,
    %mul3A_127 = arith.mulf %gather3A_126, %get3A_116 : vector<16xf32>
    %add3A_128 = arith.addf %add3A_125, %mul3A_127 : vector<16xf32>
    %gather3A_129 = tpu.vector_load_idx %arg7[%get3A_104] : memref<50176xf32, #tpu.memory_space<vmem>>[vector<16xi32>], vector<16xf32>,
    %mul3A_130 = arith.mulf %gather3A_129, %get3A_120 : vector<16xf32>
    %add3A_131 = arith.addf %add3A_128, %mul3A_130 : vector<16xf32>
    %gather3A_132 = tpu.vector_load_idx %arg8[%get3A_92] : memref<50176xf32, #tpu.memory_space<vmem>>[vector<16xi32>], vector<16xf32>,
    %mul3A_133 = arith.mulf %gather3A_132, %get3A_108 : vector<16xf32>
    %gather3A_134 = tpu.vector_load_idx %arg8[%get3A_96] : memref<50176xf32, #tpu.memory_space<vmem>>[vector<16xi32>], vector<16xf32>,
    %mul3A_135 = arith.mulf %gather3A_134, %get3A_112 : vector<16xf32>
    %add3A_136 = arith.addf %mul3A_133, %mul3A_135 : vector<16xf32>
    %gather3A_137 = tpu.vector_load_idx %arg8[%get3A_100] : memref<50176xf32, #tpu.memory_space<vmem>>[vector<16xi32>], vector<16xf32>,
    %mul3A_138 = arith.mulf %gather3A_137, %get3A_116 : vector<16xf32>
    %add3A_139 = arith.addf %add3A_136, %mul3A_138 : vector<16xf32>
    %gather3A_140 = tpu.vector_load_idx %arg8[%get3A_104] : memref<50176xf32, #tpu.memory_space<vmem>>[vector<16xi32>], vector<16xf32>,
    %mul3A_141 = arith.mulf %gather3A_140, %get3A_120 : vector<16xf32>
    %add3A_142 = arith.addf %add3A_139, %mul3A_141 : vector<16xf32>
    %sub3A_143 = arith.subf %add3A_131, %add3A_142 : vector<16xf32>
    %mul3A_144 = arith.constant -1.000000e+00 : f32
    %mul3A_145 = vector.broadcast %mul3A_144 : f32 to vector<16xf32>
    %mul3A_146 = arith.mulf %mul3A_145, %sub3A_143 : vector<16xf32>
    %swap3A_147 = arith.constant 16 : index
    %swap3A_148 = tpu.vector_load %arg11[%swap3A_147] {strides = array<i32>} : memref<256xf32, #tpu.memory_space<vmem>>, vector<16xf32>,
    tpu.vector_store %arg11[%swap3A_147], %mul3A_146 {strides = array<i32>} : memref<256xf32, #tpu.memory_space<vmem>>, vector<16xf32>,
    %get3A_149 = arith.constant 0 : i32
    %get3A_150 = arith.index_cast %get3A_149 : i32 to index
    %get3A_151 = arith.constant 32 : index
    %get3A_152 = tpu.vector_load %arg9[%get3A_150, %get3A_151] {strides = array<i32>} : memref<4x176xi32, #tpu.memory_space<vmem>>, vector<16xi32>,
    %get3A_153 = arith.constant 1 : i32
    %get3A_154 = arith.index_cast %get3A_153 : i32 to index
    %get3A_155 = arith.constant 32 : index
    %get3A_156 = tpu.vector_load %arg9[%get3A_154, %get3A_155] {strides = array<i32>} : memref<4x176xi32, #tpu.memory_space<vmem>>, vector<16xi32>,
    %get3A_157 = arith.constant 2 : i32
    %get3A_158 = arith.index_cast %get3A_157 : i32 to index
    %get3A_159 = arith.constant 32 : index
    %get3A_160 = tpu.vector_load %arg9[%get3A_158, %get3A_159] {strides = array<i32>} : memref<4x176xi32, #tpu.memory_space<vmem>>, vector<16xi32>,
    %get3A_161 = arith.constant 3 : i32
    %get3A_162 = arith.index_cast %get3A_161 : i32 to index
    %get3A_163 = arith.constant 32 : index
    %get3A_164 = tpu.vector_load %arg9[%get3A_162, %get3A_163] {strides = array<i32>} : memref<4x176xi32, #tpu.memory_space<vmem>>, vector<16xi32>,
    %get3A_165 = arith.constant 0 : i32
    %get3A_166 = arith.index_cast %get3A_165 : i32 to index
    %get3A_167 = arith.constant 32 : index
    %get3A_168 = tpu.vector_load %arg10[%get3A_166, %get3A_167] {strides = array<i32>} : memref<4x176xf32, #tpu.memory_space<vmem>>, vector<16xf32>,
    %get3A_169 = arith.constant 1 : i32
    %get3A_170 = arith.index_cast %get3A_169 : i32 to index
    %get3A_171 = arith.constant 32 : index
    %get3A_172 = tpu.vector_load %arg10[%get3A_170, %get3A_171] {strides = array<i32>} : memref<4x176xf32, #tpu.memory_space<vmem>>, vector<16xf32>,
    %get3A_173 = arith.constant 2 : i32
    %get3A_174 = arith.index_cast %get3A_173 : i32 to index
    %get3A_175 = arith.constant 32 : index
    %get3A_176 = tpu.vector_load %arg10[%get3A_174, %get3A_175] {strides = array<i32>} : memref<4x176xf32, #tpu.memory_space<vmem>>, vector<16xf32>,
    %get3A_177 = arith.constant 3 : i32
    %get3A_178 = arith.index_cast %get3A_177 : i32 to index
    %get3A_179 = arith.constant 32 : index
    %get3A_180 = tpu.vector_load %arg10[%get3A_178, %get3A_179] {strides = array<i32>} : memref<4x176xf32, #tpu.memory_space<vmem>>, vector<16xf32>,
    %gather3A_181 = tpu.vector_load_idx %arg7[%get3A_152] : memref<50176xf32, #tpu.memory_space<vmem>>[vector<16xi32>], vector<16xf32>,
    %mul3A_182 = arith.mulf %gather3A_181, %get3A_168 : vector<16xf32>
    %gather3A_183 = tpu.vector_load_idx %arg7[%get3A_156] : memref<50176xf32, #tpu.memory_space<vmem>>[vector<16xi32>], vector<16xf32>,
    %mul3A_184 = arith.mulf %gather3A_183, %get3A_172 : vector<16xf32>
    %add3A_185 = arith.addf %mul3A_182, %mul3A_184 : vector<16xf32>
    %gather3A_186 = tpu.vector_load_idx %arg7[%get3A_160] : memref<50176xf32, #tpu.memory_space<vmem>>[vector<16xi32>], vector<16xf32>,
    %mul3A_187 = arith.mulf %gather3A_186, %get3A_176 : vector<16xf32>
    %add3A_188 = arith.addf %add3A_185, %mul3A_187 : vector<16xf32>
    %gather3A_189 = tpu.vector_load_idx %arg7[%get3A_164] : memref<50176xf32, #tpu.memory_space<vmem>>[vector<16xi32>], vector<16xf32>,
    %mul3A_190 = arith.mulf %gather3A_189, %get3A_180 : vector<16xf32>
    %add3A_191 = arith.addf %add3A_188, %mul3A_190 : vector<16xf32>
    %gather3A_192 = tpu.vector_load_idx %arg8[%get3A_152] : memref<50176xf32, #tpu.memory_space<vmem>>[vector<16xi32>], vector<16xf32>,
    %mul3A_193 = arith.mulf %gather3A_192, %get3A_168 : vector<16xf32>
    %gather3A_194 = tpu.vector_load_idx %arg8[%get3A_156] : memref<50176xf32, #tpu.memory_space<vmem>>[vector<16xi32>], vector<16xf32>,
    %mul3A_195 = arith.mulf %gather3A_194, %get3A_172 : vector<16xf32>
    %add3A_196 = arith.addf %mul3A_193, %mul3A_195 : vector<16xf32>
    %gather3A_197 = tpu.vector_load_idx %arg8[%get3A_160] : memref<50176xf32, #tpu.memory_space<vmem>>[vector<16xi32>], vector<16xf32>,
    %mul3A_198 = arith.mulf %gather3A_197, %get3A_176 : vector<16xf32>
    %add3A_199 = arith.addf %add3A_196, %mul3A_198 : vector<16xf32>
    %gather3A_200 = tpu.vector_load_idx %arg8[%get3A_164] : memref<50176xf32, #tpu.memory_space<vmem>>[vector<16xi32>], vector<16xf32>,
    %mul3A_201 = arith.mulf %gather3A_200, %get3A_180 : vector<16xf32>
    %add3A_202 = arith.addf %add3A_199, %mul3A_201 : vector<16xf32>
    %sub3A_203 = arith.subf %add3A_191, %add3A_202 : vector<16xf32>
    %mul3A_204 = arith.constant -1.000000e+00 : f32
    %mul3A_205 = vector.broadcast %mul3A_204 : f32 to vector<16xf32>
    %mul3A_206 = arith.mulf %mul3A_205, %sub3A_203 : vector<16xf32>
    %swap3A_207 = arith.constant 32 : index
    %swap3A_208 = tpu.vector_load %arg11[%swap3A_207] {strides = array<i32>} : memref<256xf32, #tpu.memory_space<vmem>>, vector<16xf32>,
    tpu.vector_store %arg11[%swap3A_207], %mul3A_206 {strides = array<i32>} : memref<256xf32, #tpu.memory_space<vmem>>, vector<16xf32>,
    %get3A_209 = arith.constant 0 : i32
    %get3A_210 = arith.index_cast %get3A_209 : i32 to index
    %get3A_211 = arith.constant 48 : index
    %get3A_212 = tpu.vector_load %arg9[%get3A_210, %get3A_211] {strides = array<i32>} : memref<4x176xi32, #tpu.memory_space<vmem>>, vector<16xi32>,
    %get3A_213 = arith.constant 1 : i32
    %get3A_214 = arith.index_cast %get3A_213 : i32 to index
    %get3A_215 = arith.constant 48 : index
    %get3A_216 = tpu.vector_load %arg9[%get3A_214, %get3A_215] {strides = array<i32>} : memref<4x176xi32, #tpu.memory_space<vmem>>, vector<16xi32>,
    %get3A_217 = arith.constant 2 : i32
    %get3A_218 = arith.index_cast %get3A_217 : i32 to index
    %get3A_219 = arith.constant 48 : index
    %get3A_220 = tpu.vector_load %arg9[%get3A_218, %get3A_219] {strides = array<i32>} : memref<4x176xi32, #tpu.memory_space<vmem>>, vector<16xi32>,
    %get3A_221 = arith.constant 3 : i32
    %get3A_222 = arith.index_cast %get3A_221 : i32 to index
    %get3A_223 = arith.constant 48 : index
    %get3A_224 = tpu.vector_load %arg9[%get3A_222, %get3A_223] {strides = array<i32>} : memref<4x176xi32, #tpu.memory_space<vmem>>, vector<16xi32>,
    %get3A_225 = arith.constant 0 : i32
    %get3A_226 = arith.index_cast %get3A_225 : i32 to index
    %get3A_227 = arith.constant 48 : index
    %get3A_228 = tpu.vector_load %arg10[%get3A_226, %get3A_227] {strides = array<i32>} : memref<4x176xf32, #tpu.memory_space<vmem>>, vector<16xf32>,
    %get3A_229 = arith.constant 1 : i32
    %get3A_230 = arith.index_cast %get3A_229 : i32 to index
    %get3A_231 = arith.constant 48 : index
    %get3A_232 = tpu.vector_load %arg10[%get3A_230, %get3A_231] {strides = array<i32>} : memref<4x176xf32, #tpu.memory_space<vmem>>, vector<16xf32>,
    %get3A_233 = arith.constant 2 : i32
    %get3A_234 = arith.index_cast %get3A_233 : i32 to index
    %get3A_235 = arith.constant 48 : index
    %get3A_236 = tpu.vector_load %arg10[%get3A_234, %get3A_235] {strides = array<i32>} : memref<4x176xf32, #tpu.memory_space<vmem>>, vector<16xf32>,
    %get3A_237 = arith.constant 3 : i32
    %get3A_238 = arith.index_cast %get3A_237 : i32 to index
    %get3A_239 = arith.constant 48 : index
    %get3A_240 = tpu.vector_load %arg10[%get3A_238, %get3A_239] {strides = array<i32>} : memref<4x176xf32, #tpu.memory_space<vmem>>, vector<16xf32>,
    %gather3A_241 = tpu.vector_load_idx %arg7[%get3A_212] : memref<50176xf32, #tpu.memory_space<vmem>>[vector<16xi32>], vector<16xf32>,
    %mul3A_242 = arith.mulf %gather3A_241, %get3A_228 : vector<16xf32>
    %gather3A_243 = tpu.vector_load_idx %arg7[%get3A_216] : memref<50176xf32, #tpu.memory_space<vmem>>[vector<16xi32>], vector<16xf32>,
    %mul3A_244 = arith.mulf %gather3A_243, %get3A_232 : vector<16xf32>
    %add3A_245 = arith.addf %mul3A_242, %mul3A_244 : vector<16xf32>
    %gather3A_246 = tpu.vector_load_idx %arg7[%get3A_220] : memref<50176xf32, #tpu.memory_space<vmem>>[vector<16xi32>], vector<16xf32>,
    %mul3A_247 = arith.mulf %gather3A_246, %get3A_236 : vector<16xf32>
    %add3A_248 = arith.addf %add3A_245, %mul3A_247 : vector<16xf32>
    %gather3A_249 = tpu.vector_load_idx %arg7[%get3A_224] : memref<50176xf32, #tpu.memory_space<vmem>>[vector<16xi32>], vector<16xf32>,
    %mul3A_250 = arith.mulf %gather3A_249, %get3A_240 : vector<16xf32>
    %add3A_251 = arith.addf %add3A_248, %mul3A_250 : vector<16xf32>
    %gather3A_252 = tpu.vector_load_idx %arg8[%get3A_212] : memref<50176xf32, #tpu.memory_space<vmem>>[vector<16xi32>], vector<16xf32>,
    %mul3A_253 = arith.mulf %gather3A_252, %get3A_228 : vector<16xf32>
    %gather3A_254 = tpu.vector_load_idx %arg8[%get3A_216] : memref<50176xf32, #tpu.memory_space<vmem>>[vector<16xi32>], vector<16xf32>,
    %mul3A_255 = arith.mulf %gather3A_254, %get3A_232 : vector<16xf32>
    %add3A_256 = arith.addf %mul3A_253, %mul3A_255 : vector<16xf32>
    %gather3A_257 = tpu.vector_load_idx %arg8[%get3A_220] : memref<50176xf32, #tpu.memory_space<vmem>>[vector<16xi32>], vector<16xf32>,
    %mul3A_258 = arith.mulf %gather3A_257, %get3A_236 : vector<16xf32>
    %add3A_259 = arith.addf %add3A_256, %mul3A_258 : vector<16xf32>
    %gather3A_260 = tpu.vector_load_idx %arg8[%get3A_224] : memref<50176xf32, #tpu.memory_space<vmem>>[vector<16xi32>], vector<16xf32>,
    %mul3A_261 = arith.mulf %gather3A_260, %get3A_240 : vector<16xf32>
    %add3A_262 = arith.addf %add3A_259, %mul3A_261 : vector<16xf32>
    %sub3A_263 = arith.subf %add3A_251, %add3A_262 : vector<16xf32>
    %mul3A_264 = arith.constant -1.000000e+00 : f32
    %mul3A_265 = vector.broadcast %mul3A_264 : f32 to vector<16xf32>
    %mul3A_266 = arith.mulf %mul3A_265, %sub3A_263 : vector<16xf32>
    %swap3A_267 = arith.constant 48 : index
    %swap3A_268 = tpu.vector_load %arg11[%swap3A_267] {strides = array<i32>} : memref<256xf32, #tpu.memory_space<vmem>>, vector<16xf32>,
    tpu.vector_store %arg11[%swap3A_267], %mul3A_266 {strides = array<i32>} : memref<256xf32, #tpu.memory_space<vmem>>, vector<16xf32>,
    %get3A_269 = arith.constant 0 : i32
    %get3A_270 = arith.index_cast %get3A_269 : i32 to index
    %get3A_271 = arith.constant 64 : index
    %get3A_272 = tpu.vector_load %arg9[%get3A_270, %get3A_271] {strides = array<i32>} : memref<4x176xi32, #tpu.memory_space<vmem>>, vector<16xi32>,
    %get3A_273 = arith.constant 1 : i32
    %get3A_274 = arith.index_cast %get3A_273 : i32 to index
    %get3A_275 = arith.constant 64 : index
    %get3A_276 = tpu.vector_load %arg9[%get3A_274, %get3A_275] {strides = array<i32>} : memref<4x176xi32, #tpu.memory_space<vmem>>, vector<16xi32>,
    %get3A_277 = arith.constant 2 : i32
    %get3A_278 = arith.index_cast %get3A_277 : i32 to index
    %get3A_279 = arith.constant 64 : index
    %get3A_280 = tpu.vector_load %arg9[%get3A_278, %get3A_279] {strides = array<i32>} : memref<4x176xi32, #tpu.memory_space<vmem>>, vector<16xi32>,
    %get3A_281 = arith.constant 3 : i32
    %get3A_282 = arith.index_cast %get3A_281 : i32 to index
    %get3A_283 = arith.constant 64 : index
    %get3A_284 = tpu.vector_load %arg9[%get3A_282, %get3A_283] {strides = array<i32>} : memref<4x176xi32, #tpu.memory_space<vmem>>, vector<16xi32>,
    %get3A_285 = arith.constant 0 : i32
    %get3A_286 = arith.index_cast %get3A_285 : i32 to index
    %get3A_287 = arith.constant 64 : index
    %get3A_288 = tpu.vector_load %arg10[%get3A_286, %get3A_287] {strides = array<i32>} : memref<4x176xf32, #tpu.memory_space<vmem>>, vector<16xf32>,
    %get3A_289 = arith.constant 1 : i32
    %get3A_290 = arith.index_cast %get3A_289 : i32 to index
    %get3A_291 = arith.constant 64 : index
    %get3A_292 = tpu.vector_load %arg10[%get3A_290, %get3A_291] {strides = array<i32>} : memref<4x176xf32, #tpu.memory_space<vmem>>, vector<16xf32>,
    %get3A_293 = arith.constant 2 : i32
    %get3A_294 = arith.index_cast %get3A_293 : i32 to index
    %get3A_295 = arith.constant 64 : index
    %get3A_296 = tpu.vector_load %arg10[%get3A_294, %get3A_295] {strides = array<i32>} : memref<4x176xf32, #tpu.memory_space<vmem>>, vector<16xf32>,
    %get3A_297 = arith.constant 3 : i32
    %get3A_298 = arith.index_cast %get3A_297 : i32 to index
    %get3A_299 = arith.constant 64 : index
    %get3A_300 = tpu.vector_load %arg10[%get3A_298, %get3A_299] {strides = array<i32>} : memref<4x176xf32, #tpu.memory_space<vmem>>, vector<16xf32>,
    %gather3A_301 = tpu.vector_load_idx %arg7[%get3A_272] : memref<50176xf32, #tpu.memory_space<vmem>>[vector<16xi32>], vector<16xf32>,
    %mul3A_302 = arith.mulf %gather3A_301, %get3A_288 : vector<16xf32>
    %gather3A_303 = tpu.vector_load_idx %arg7[%get3A_276] : memref<50176xf32, #tpu.memory_space<vmem>>[vector<16xi32>], vector<16xf32>,
    %mul3A_304 = arith.mulf %gather3A_303, %get3A_292 : vector<16xf32>
    %add3A_305 = arith.addf %mul3A_302, %mul3A_304 : vector<16xf32>
    %gather3A_306 = tpu.vector_load_idx %arg7[%get3A_280] : memref<50176xf32, #tpu.memory_space<vmem>>[vector<16xi32>], vector<16xf32>,
    %mul3A_307 = arith.mulf %gather3A_306, %get3A_296 : vector<16xf32>
    %add3A_308 = arith.addf %add3A_305, %mul3A_307 : vector<16xf32>
    %gather3A_309 = tpu.vector_load_idx %arg7[%get3A_284] : memref<50176xf32, #tpu.memory_space<vmem>>[vector<16xi32>], vector<16xf32>,
    %mul3A_310 = arith.mulf %gather3A_309, %get3A_300 : vector<16xf32>
    %add3A_311 = arith.addf %add3A_308, %mul3A_310 : vector<16xf32>
    %gather3A_312 = tpu.vector_load_idx %arg8[%get3A_272] : memref<50176xf32, #tpu.memory_space<vmem>>[vector<16xi32>], vector<16xf32>,
    %mul3A_313 = arith.mulf %gather3A_312, %get3A_288 : vector<16xf32>
    %gather3A_314 = tpu.vector_load_idx %arg8[%get3A_276] : memref<50176xf32, #tpu.memory_space<vmem>>[vector<16xi32>], vector<16xf32>,
    %mul3A_315 = arith.mulf %gather3A_314, %get3A_292 : vector<16xf32>
    %add3A_316 = arith.addf %mul3A_313, %mul3A_315 : vector<16xf32>
    %gather3A_317 = tpu.vector_load_idx %arg8[%get3A_280] : memref<50176xf32, #tpu.memory_space<vmem>>[vector<16xi32>], vector<16xf32>,
    %mul3A_318 = arith.mulf %gather3A_317, %get3A_296 : vector<16xf32>
    %add3A_319 = arith.addf %add3A_316, %mul3A_318 : vector<16xf32>
    %gather3A_320 = tpu.vector_load_idx %arg8[%get3A_284] : memref<50176xf32, #tpu.memory_space<vmem>>[vector<16xi32>], vector<16xf32>,
    %mul3A_321 = arith.mulf %gather3A_320, %get3A_300 : vector<16xf32>
    %add3A_322 = arith.addf %add3A_319, %mul3A_321 : vector<16xf32>
    %sub3A_323 = arith.subf %add3A_311, %add3A_322 : vector<16xf32>
    %mul3A_324 = arith.constant -1.000000e+00 : f32
    %mul3A_325 = vector.broadcast %mul3A_324 : f32 to vector<16xf32>
    %mul3A_326 = arith.mulf %mul3A_325, %sub3A_323 : vector<16xf32>
    %swap3A_327 = arith.constant 64 : index
    %swap3A_328 = tpu.vector_load %arg11[%swap3A_327] {strides = array<i32>} : memref<256xf32, #tpu.memory_space<vmem>>, vector<16xf32>,
    tpu.vector_store %arg11[%swap3A_327], %mul3A_326 {strides = array<i32>} : memref<256xf32, #tpu.memory_space<vmem>>, vector<16xf32>,
    %get3A_329 = arith.constant 0 : i32
    %get3A_330 = arith.index_cast %get3A_329 : i32 to index
    %get3A_331 = arith.constant 80 : index
    %get3A_332 = tpu.vector_load %arg9[%get3A_330, %get3A_331] {strides = array<i32>} : memref<4x176xi32, #tpu.memory_space<vmem>>, vector<16xi32>,
    %get3A_333 = arith.constant 1 : i32
    %get3A_334 = arith.index_cast %get3A_333 : i32 to index
    %get3A_335 = arith.constant 80 : index
    %get3A_336 = tpu.vector_load %arg9[%get3A_334, %get3A_335] {strides = array<i32>} : memref<4x176xi32, #tpu.memory_space<vmem>>, vector<16xi32>,
    %get3A_337 = arith.constant 2 : i32
    %get3A_338 = arith.index_cast %get3A_337 : i32 to index
    %get3A_339 = arith.constant 80 : index
    %get3A_340 = tpu.vector_load %arg9[%get3A_338, %get3A_339] {strides = array<i32>} : memref<4x176xi32, #tpu.memory_space<vmem>>, vector<16xi32>,
    %get3A_341 = arith.constant 3 : i32
    %get3A_342 = arith.index_cast %get3A_341 : i32 to index
    %get3A_343 = arith.constant 80 : index
    %get3A_344 = tpu.vector_load %arg9[%get3A_342, %get3A_343] {strides = array<i32>} : memref<4x176xi32, #tpu.memory_space<vmem>>, vector<16xi32>,
    %get3A_345 = arith.constant 0 : i32
    %get3A_346 = arith.index_cast %get3A_345 : i32 to index
    %get3A_347 = arith.constant 80 : index
    %get3A_348 = tpu.vector_load %arg10[%get3A_346, %get3A_347] {strides = array<i32>} : memref<4x176xf32, #tpu.memory_space<vmem>>, vector<16xf32>,
    %get3A_349 = arith.constant 1 : i32
    %get3A_350 = arith.index_cast %get3A_349 : i32 to index
    %get3A_351 = arith.constant 80 : index
    %get3A_352 = tpu.vector_load %arg10[%get3A_350, %get3A_351] {strides = array<i32>} : memref<4x176xf32, #tpu.memory_space<vmem>>, vector<16xf32>,
    %get3A_353 = arith.constant 2 : i32
    %get3A_354 = arith.index_cast %get3A_353 : i32 to index
    %get3A_355 = arith.constant 80 : index
    %get3A_356 = tpu.vector_load %arg10[%get3A_354, %get3A_355] {strides = array<i32>} : memref<4x176xf32, #tpu.memory_space<vmem>>, vector<16xf32>,
    %get3A_357 = arith.constant 3 : i32
    %get3A_358 = arith.index_cast %get3A_357 : i32 to index
    %get3A_359 = arith.constant 80 : index
    %get3A_360 = tpu.vector_load %arg10[%get3A_358, %get3A_359] {strides = array<i32>} : memref<4x176xf32, #tpu.memory_space<vmem>>, vector<16xf32>,
    %gather3A_361 = tpu.vector_load_idx %arg7[%get3A_332] : memref<50176xf32, #tpu.memory_space<vmem>>[vector<16xi32>], vector<16xf32>,
    %mul3A_362 = arith.mulf %gather3A_361, %get3A_348 : vector<16xf32>
    %gather3A_363 = tpu.vector_load_idx %arg7[%get3A_336] : memref<50176xf32, #tpu.memory_space<vmem>>[vector<16xi32>], vector<16xf32>,
    %mul3A_364 = arith.mulf %gather3A_363, %get3A_352 : vector<16xf32>
    %add3A_365 = arith.addf %mul3A_362, %mul3A_364 : vector<16xf32>
    %gather3A_366 = tpu.vector_load_idx %arg7[%get3A_340] : memref<50176xf32, #tpu.memory_space<vmem>>[vector<16xi32>], vector<16xf32>,
    %mul3A_367 = arith.mulf %gather3A_366, %get3A_356 : vector<16xf32>
    %add3A_368 = arith.addf %add3A_365, %mul3A_367 : vector<16xf32>
    %gather3A_369 = tpu.vector_load_idx %arg7[%get3A_344] : memref<50176xf32, #tpu.memory_space<vmem>>[vector<16xi32>], vector<16xf32>,
    %mul3A_370 = arith.mulf %gather3A_369, %get3A_360 : vector<16xf32>
    %add3A_371 = arith.addf %add3A_368, %mul3A_370 : vector<16xf32>
    %gather3A_372 = tpu.vector_load_idx %arg8[%get3A_332] : memref<50176xf32, #tpu.memory_space<vmem>>[vector<16xi32>], vector<16xf32>,
    %mul3A_373 = arith.mulf %gather3A_372, %get3A_348 : vector<16xf32>
    %gather3A_374 = tpu.vector_load_idx %arg8[%get3A_336] : memref<50176xf32, #tpu.memory_space<vmem>>[vector<16xi32>], vector<16xf32>,
    %mul3A_375 = arith.mulf %gather3A_374, %get3A_352 : vector<16xf32>
    %add3A_376 = arith.addf %mul3A_373, %mul3A_375 : vector<16xf32>
    %gather3A_377 = tpu.vector_load_idx %arg8[%get3A_340] : memref<50176xf32, #tpu.memory_space<vmem>>[vector<16xi32>], vector<16xf32>,
    %mul3A_378 = arith.mulf %gather3A_377, %get3A_356 : vector<16xf32>
    %add3A_379 = arith.addf %add3A_376, %mul3A_378 : vector<16xf32>
    %gather3A_380 = tpu.vector_load_idx %arg8[%get3A_344] : memref<50176xf32, #tpu.memory_space<vmem>>[vector<16xi32>], vector<16xf32>,
    %mul3A_381 = arith.mulf %gather3A_380, %get3A_360 : vector<16xf32>
    %add3A_382 = arith.addf %add3A_379, %mul3A_381 : vector<16xf32>
    %sub3A_383 = arith.subf %add3A_371, %add3A_382 : vector<16xf32>
    %mul3A_384 = arith.constant -1.000000e+00 : f32
    %mul3A_385 = vector.broadcast %mul3A_384 : f32 to vector<16xf32>
    %mul3A_386 = arith.mulf %mul3A_385, %sub3A_383 : vector<16xf32>
    %swap3A_387 = arith.constant 80 : index
    %swap3A_388 = tpu.vector_load %arg11[%swap3A_387] {strides = array<i32>} : memref<256xf32, #tpu.memory_space<vmem>>, vector<16xf32>,
    tpu.vector_store %arg11[%swap3A_387], %mul3A_386 {strides = array<i32>} : memref<256xf32, #tpu.memory_space<vmem>>, vector<16xf32>,
    %get3A_389 = arith.constant 0 : i32
    %get3A_390 = arith.index_cast %get3A_389 : i32 to index
    %get3A_391 = arith.constant 96 : index
    %get3A_392 = tpu.vector_load %arg9[%get3A_390, %get3A_391] {strides = array<i32>} : memref<4x176xi32, #tpu.memory_space<vmem>>, vector<16xi32>,
    %get3A_393 = arith.constant 1 : i32
    %get3A_394 = arith.index_cast %get3A_393 : i32 to index
    %get3A_395 = arith.constant 96 : index
    %get3A_396 = tpu.vector_load %arg9[%get3A_394, %get3A_395] {strides = array<i32>} : memref<4x176xi32, #tpu.memory_space<vmem>>, vector<16xi32>,
    %get3A_397 = arith.constant 2 : i32
    %get3A_398 = arith.index_cast %get3A_397 : i32 to index
    %get3A_399 = arith.constant 96 : index
    %get3A_400 = tpu.vector_load %arg9[%get3A_398, %get3A_399] {strides = array<i32>} : memref<4x176xi32, #tpu.memory_space<vmem>>, vector<16xi32>,
    %get3A_401 = arith.constant 3 : i32
    %get3A_402 = arith.index_cast %get3A_401 : i32 to index
    %get3A_403 = arith.constant 96 : index
    %get3A_404 = tpu.vector_load %arg9[%get3A_402, %get3A_403] {strides = array<i32>} : memref<4x176xi32, #tpu.memory_space<vmem>>, vector<16xi32>,
    %get3A_405 = arith.constant 0 : i32
    %get3A_406 = arith.index_cast %get3A_405 : i32 to index
    %get3A_407 = arith.constant 96 : index
    %get3A_408 = tpu.vector_load %arg10[%get3A_406, %get3A_407] {strides = array<i32>} : memref<4x176xf32, #tpu.memory_space<vmem>>, vector<16xf32>,
    %get3A_409 = arith.constant 1 : i32
    %get3A_410 = arith.index_cast %get3A_409 : i32 to index
    %get3A_411 = arith.constant 96 : index
    %get3A_412 = tpu.vector_load %arg10[%get3A_410, %get3A_411] {strides = array<i32>} : memref<4x176xf32, #tpu.memory_space<vmem>>, vector<16xf32>,
    %get3A_413 = arith.constant 2 : i32
    %get3A_414 = arith.index_cast %get3A_413 : i32 to index
    %get3A_415 = arith.constant 96 : index
    %get3A_416 = tpu.vector_load %arg10[%get3A_414, %get3A_415] {strides = array<i32>} : memref<4x176xf32, #tpu.memory_space<vmem>>, vector<16xf32>,
    %get3A_417 = arith.constant 3 : i32
    %get3A_418 = arith.index_cast %get3A_417 : i32 to index
    %get3A_419 = arith.constant 96 : index
    %get3A_420 = tpu.vector_load %arg10[%get3A_418, %get3A_419] {strides = array<i32>} : memref<4x176xf32, #tpu.memory_space<vmem>>, vector<16xf32>,
    %gather3A_421 = tpu.vector_load_idx %arg7[%get3A_392] : memref<50176xf32, #tpu.memory_space<vmem>>[vector<16xi32>], vector<16xf32>,
    %mul3A_422 = arith.mulf %gather3A_421, %get3A_408 : vector<16xf32>
    %gather3A_423 = tpu.vector_load_idx %arg7[%get3A_396] : memref<50176xf32, #tpu.memory_space<vmem>>[vector<16xi32>], vector<16xf32>,
    %mul3A_424 = arith.mulf %gather3A_423, %get3A_412 : vector<16xf32>
    %add3A_425 = arith.addf %mul3A_422, %mul3A_424 : vector<16xf32>
    %gather3A_426 = tpu.vector_load_idx %arg7[%get3A_400] : memref<50176xf32, #tpu.memory_space<vmem>>[vector<16xi32>], vector<16xf32>,
    %mul3A_427 = arith.mulf %gather3A_426, %get3A_416 : vector<16xf32>
    %add3A_428 = arith.addf %add3A_425, %mul3A_427 : vector<16xf32>
    %gather3A_429 = tpu.vector_load_idx %arg7[%get3A_404] : memref<50176xf32, #tpu.memory_space<vmem>>[vector<16xi32>], vector<16xf32>,
    %mul3A_430 = arith.mulf %gather3A_429, %get3A_420 : vector<16xf32>
    %add3A_431 = arith.addf %add3A_428, %mul3A_430 : vector<16xf32>
    %gather3A_432 = tpu.vector_load_idx %arg8[%get3A_392] : memref<50176xf32, #tpu.memory_space<vmem>>[vector<16xi32>], vector<16xf32>,
    %mul3A_433 = arith.mulf %gather3A_432, %get3A_408 : vector<16xf32>
    %gather3A_434 = tpu.vector_load_idx %arg8[%get3A_396] : memref<50176xf32, #tpu.memory_space<vmem>>[vector<16xi32>], vector<16xf32>,
    %mul3A_435 = arith.mulf %gather3A_434, %get3A_412 : vector<16xf32>
    %add3A_436 = arith.addf %mul3A_433, %mul3A_435 : vector<16xf32>
    %gather3A_437 = tpu.vector_load_idx %arg8[%get3A_400] : memref<50176xf32, #tpu.memory_space<vmem>>[vector<16xi32>], vector<16xf32>,
    %mul3A_438 = arith.mulf %gather3A_437, %get3A_416 : vector<16xf32>
    %add3A_439 = arith.addf %add3A_436, %mul3A_438 : vector<16xf32>
    %gather3A_440 = tpu.vector_load_idx %arg8[%get3A_404] : memref<50176xf32, #tpu.memory_space<vmem>>[vector<16xi32>], vector<16xf32>,
    %mul3A_441 = arith.mulf %gather3A_440, %get3A_420 : vector<16xf32>
    %add3A_442 = arith.addf %add3A_439, %mul3A_441 : vector<16xf32>
    %sub3A_443 = arith.subf %add3A_431, %add3A_442 : vector<16xf32>
    %mul3A_444 = arith.constant -1.000000e+00 : f32
    %mul3A_445 = vector.broadcast %mul3A_444 : f32 to vector<16xf32>
    %mul3A_446 = arith.mulf %mul3A_445, %sub3A_443 : vector<16xf32>
    %swap3A_447 = arith.constant 96 : index
    %swap3A_448 = tpu.vector_load %arg11[%swap3A_447] {strides = array<i32>} : memref<256xf32, #tpu.memory_space<vmem>>, vector<16xf32>,
    tpu.vector_store %arg11[%swap3A_447], %mul3A_446 {strides = array<i32>} : memref<256xf32, #tpu.memory_space<vmem>>, vector<16xf32>,
    %get3A_449 = arith.constant 0 : i32
    %get3A_450 = arith.index_cast %get3A_449 : i32 to index
    %get3A_451 = arith.constant 112 : index
    %get3A_452 = tpu.vector_load %arg9[%get3A_450, %get3A_451] {strides = array<i32>} : memref<4x176xi32, #tpu.memory_space<vmem>>, vector<16xi32>,
    %get3A_453 = arith.constant 1 : i32
    %get3A_454 = arith.index_cast %get3A_453 : i32 to index
    %get3A_455 = arith.constant 112 : index
    %get3A_456 = tpu.vector_load %arg9[%get3A_454, %get3A_455] {strides = array<i32>} : memref<4x176xi32, #tpu.memory_space<vmem>>, vector<16xi32>,
    %get3A_457 = arith.constant 2 : i32
    %get3A_458 = arith.index_cast %get3A_457 : i32 to index
    %get3A_459 = arith.constant 112 : index
    %get3A_460 = tpu.vector_load %arg9[%get3A_458, %get3A_459] {strides = array<i32>} : memref<4x176xi32, #tpu.memory_space<vmem>>, vector<16xi32>,
    %get3A_461 = arith.constant 3 : i32
    %get3A_462 = arith.index_cast %get3A_461 : i32 to index
    %get3A_463 = arith.constant 112 : index
    %get3A_464 = tpu.vector_load %arg9[%get3A_462, %get3A_463] {strides = array<i32>} : memref<4x176xi32, #tpu.memory_space<vmem>>, vector<16xi32>,
    %get3A_465 = arith.constant 0 : i32
    %get3A_466 = arith.index_cast %get3A_465 : i32 to index
    %get3A_467 = arith.constant 112 : index
    %get3A_468 = tpu.vector_load %arg10[%get3A_466, %get3A_467] {strides = array<i32>} : memref<4x176xf32, #tpu.memory_space<vmem>>, vector<16xf32>,
    %get3A_469 = arith.constant 1 : i32
    %get3A_470 = arith.index_cast %get3A_469 : i32 to index
    %get3A_471 = arith.constant 112 : index
    %get3A_472 = tpu.vector_load %arg10[%get3A_470, %get3A_471] {strides = array<i32>} : memref<4x176xf32, #tpu.memory_space<vmem>>, vector<16xf32>,
    %get3A_473 = arith.constant 2 : i32
    %get3A_474 = arith.index_cast %get3A_473 : i32 to index
    %get3A_475 = arith.constant 112 : index
    %get3A_476 = tpu.vector_load %arg10[%get3A_474, %get3A_475] {strides = array<i32>} : memref<4x176xf32, #tpu.memory_space<vmem>>, vector<16xf32>,
    %get3A_477 = arith.constant 3 : i32
    %get3A_478 = arith.index_cast %get3A_477 : i32 to index
    %get3A_479 = arith.constant 112 : index
    %get3A_480 = tpu.vector_load %arg10[%get3A_478, %get3A_479] {strides = array<i32>} : memref<4x176xf32, #tpu.memory_space<vmem>>, vector<16xf32>,
    %gather3A_481 = tpu.vector_load_idx %arg7[%get3A_452] : memref<50176xf32, #tpu.memory_space<vmem>>[vector<16xi32>], vector<16xf32>,
    %mul3A_482 = arith.mulf %gather3A_481, %get3A_468 : vector<16xf32>
    %gather3A_483 = tpu.vector_load_idx %arg7[%get3A_456] : memref<50176xf32, #tpu.memory_space<vmem>>[vector<16xi32>], vector<16xf32>,
    %mul3A_484 = arith.mulf %gather3A_483, %get3A_472 : vector<16xf32>
    %add3A_485 = arith.addf %mul3A_482, %mul3A_484 : vector<16xf32>
    %gather3A_486 = tpu.vector_load_idx %arg7[%get3A_460] : memref<50176xf32, #tpu.memory_space<vmem>>[vector<16xi32>], vector<16xf32>,
    %mul3A_487 = arith.mulf %gather3A_486, %get3A_476 : vector<16xf32>
    %add3A_488 = arith.addf %add3A_485, %mul3A_487 : vector<16xf32>
    %gather3A_489 = tpu.vector_load_idx %arg7[%get3A_464] : memref<50176xf32, #tpu.memory_space<vmem>>[vector<16xi32>], vector<16xf32>,
    %mul3A_490 = arith.mulf %gather3A_489, %get3A_480 : vector<16xf32>
    %add3A_491 = arith.addf %add3A_488, %mul3A_490 : vector<16xf32>
    %gather3A_492 = tpu.vector_load_idx %arg8[%get3A_452] : memref<50176xf32, #tpu.memory_space<vmem>>[vector<16xi32>], vector<16xf32>,
    %mul3A_493 = arith.mulf %gather3A_492, %get3A_468 : vector<16xf32>
    %gather3A_494 = tpu.vector_load_idx %arg8[%get3A_456] : memref<50176xf32, #tpu.memory_space<vmem>>[vector<16xi32>], vector<16xf32>,
    %mul3A_495 = arith.mulf %gather3A_494, %get3A_472 : vector<16xf32>
    %add3A_496 = arith.addf %mul3A_493, %mul3A_495 : vector<16xf32>
    %gather3A_497 = tpu.vector_load_idx %arg8[%get3A_460] : memref<50176xf32, #tpu.memory_space<vmem>>[vector<16xi32>], vector<16xf32>,
    %mul3A_498 = arith.mulf %gather3A_497, %get3A_476 : vector<16xf32>
    %add3A_499 = arith.addf %add3A_496, %mul3A_498 : vector<16xf32>
    %gather3A_500 = tpu.vector_load_idx %arg8[%get3A_464] : memref<50176xf32, #tpu.memory_space<vmem>>[vector<16xi32>], vector<16xf32>,
    %mul3A_501 = arith.mulf %gather3A_500, %get3A_480 : vector<16xf32>
    %add3A_502 = arith.addf %add3A_499, %mul3A_501 : vector<16xf32>
    %sub3A_503 = arith.subf %add3A_491, %add3A_502 : vector<16xf32>
    %mul3A_504 = arith.constant -1.000000e+00 : f32
    %mul3A_505 = vector.broadcast %mul3A_504 : f32 to vector<16xf32>
    %mul3A_506 = arith.mulf %mul3A_505, %sub3A_503 : vector<16xf32>
    %swap3A_507 = arith.constant 112 : index
    %swap3A_508 = tpu.vector_load %arg11[%swap3A_507] {strides = array<i32>} : memref<256xf32, #tpu.memory_space<vmem>>, vector<16xf32>,
    tpu.vector_store %arg11[%swap3A_507], %mul3A_506 {strides = array<i32>} : memref<256xf32, #tpu.memory_space<vmem>>, vector<16xf32>,
    %get3A_509 = arith.constant 0 : i32
    %get3A_510 = arith.index_cast %get3A_509 : i32 to index
    %get3A_511 = arith.constant 128 : index
    %get3A_512 = tpu.vector_load %arg9[%get3A_510, %get3A_511] {strides = array<i32>} : memref<4x176xi32, #tpu.memory_space<vmem>>, vector<16xi32>,
    %get3A_513 = arith.constant 1 : i32
    %get3A_514 = arith.index_cast %get3A_513 : i32 to index
    %get3A_515 = arith.constant 128 : index
    %get3A_516 = tpu.vector_load %arg9[%get3A_514, %get3A_515] {strides = array<i32>} : memref<4x176xi32, #tpu.memory_space<vmem>>, vector<16xi32>,
    %get3A_517 = arith.constant 2 : i32
    %get3A_518 = arith.index_cast %get3A_517 : i32 to index
    %get3A_519 = arith.constant 128 : index
    %get3A_520 = tpu.vector_load %arg9[%get3A_518, %get3A_519] {strides = array<i32>} : memref<4x176xi32, #tpu.memory_space<vmem>>, vector<16xi32>,
    %get3A_521 = arith.constant 3 : i32
    %get3A_522 = arith.index_cast %get3A_521 : i32 to index
    %get3A_523 = arith.constant 128 : index
    %get3A_524 = tpu.vector_load %arg9[%get3A_522, %get3A_523] {strides = array<i32>} : memref<4x176xi32, #tpu.memory_space<vmem>>, vector<16xi32>,
    %get3A_525 = arith.constant 0 : i32
    %get3A_526 = arith.index_cast %get3A_525 : i32 to index
    %get3A_527 = arith.constant 128 : index
    %get3A_528 = tpu.vector_load %arg10[%get3A_526, %get3A_527] {strides = array<i32>} : memref<4x176xf32, #tpu.memory_space<vmem>>, vector<16xf32>,
    %get3A_529 = arith.constant 1 : i32
    %get3A_530 = arith.index_cast %get3A_529 : i32 to index
    %get3A_531 = arith.constant 128 : index
    %get3A_532 = tpu.vector_load %arg10[%get3A_530, %get3A_531] {strides = array<i32>} : memref<4x176xf32, #tpu.memory_space<vmem>>, vector<16xf32>,
    %get3A_533 = arith.constant 2 : i32
    %get3A_534 = arith.index_cast %get3A_533 : i32 to index
    %get3A_535 = arith.constant 128 : index
    %get3A_536 = tpu.vector_load %arg10[%get3A_534, %get3A_535] {strides = array<i32>} : memref<4x176xf32, #tpu.memory_space<vmem>>, vector<16xf32>,
    %get3A_537 = arith.constant 3 : i32
    %get3A_538 = arith.index_cast %get3A_537 : i32 to index
    %get3A_539 = arith.constant 128 : index
    %get3A_540 = tpu.vector_load %arg10[%get3A_538, %get3A_539] {strides = array<i32>} : memref<4x176xf32, #tpu.memory_space<vmem>>, vector<16xf32>,
    %gather3A_541 = tpu.vector_load_idx %arg7[%get3A_512] : memref<50176xf32, #tpu.memory_space<vmem>>[vector<16xi32>], vector<16xf32>,
    %mul3A_542 = arith.mulf %gather3A_541, %get3A_528 : vector<16xf32>
    %gather3A_543 = tpu.vector_load_idx %arg7[%get3A_516] : memref<50176xf32, #tpu.memory_space<vmem>>[vector<16xi32>], vector<16xf32>,
    %mul3A_544 = arith.mulf %gather3A_543, %get3A_532 : vector<16xf32>
    %add3A_545 = arith.addf %mul3A_542, %mul3A_544 : vector<16xf32>
    %gather3A_546 = tpu.vector_load_idx %arg7[%get3A_520] : memref<50176xf32, #tpu.memory_space<vmem>>[vector<16xi32>], vector<16xf32>,
    %mul3A_547 = arith.mulf %gather3A_546, %get3A_536 : vector<16xf32>
    %add3A_548 = arith.addf %add3A_545, %mul3A_547 : vector<16xf32>
    %gather3A_549 = tpu.vector_load_idx %arg7[%get3A_524] : memref<50176xf32, #tpu.memory_space<vmem>>[vector<16xi32>], vector<16xf32>,
    %mul3A_550 = arith.mulf %gather3A_549, %get3A_540 : vector<16xf32>
    %add3A_551 = arith.addf %add3A_548, %mul3A_550 : vector<16xf32>
    %gather3A_552 = tpu.vector_load_idx %arg8[%get3A_512] : memref<50176xf32, #tpu.memory_space<vmem>>[vector<16xi32>], vector<16xf32>,
    %mul3A_553 = arith.mulf %gather3A_552, %get3A_528 : vector<16xf32>
    %gather3A_554 = tpu.vector_load_idx %arg8[%get3A_516] : memref<50176xf32, #tpu.memory_space<vmem>>[vector<16xi32>], vector<16xf32>,
    %mul3A_555 = arith.mulf %gather3A_554, %get3A_532 : vector<16xf32>
    %add3A_556 = arith.addf %mul3A_553, %mul3A_555 : vector<16xf32>
    %gather3A_557 = tpu.vector_load_idx %arg8[%get3A_520] : memref<50176xf32, #tpu.memory_space<vmem>>[vector<16xi32>], vector<16xf32>,
    %mul3A_558 = arith.mulf %gather3A_557, %get3A_536 : vector<16xf32>
    %add3A_559 = arith.addf %add3A_556, %mul3A_558 : vector<16xf32>
    %gather3A_560 = tpu.vector_load_idx %arg8[%get3A_524] : memref<50176xf32, #tpu.memory_space<vmem>>[vector<16xi32>], vector<16xf32>,
    %mul3A_561 = arith.mulf %gather3A_560, %get3A_540 : vector<16xf32>
    %add3A_562 = arith.addf %add3A_559, %mul3A_561 : vector<16xf32>
    %sub3A_563 = arith.subf %add3A_551, %add3A_562 : vector<16xf32>
    %mul3A_564 = arith.constant -1.000000e+00 : f32
    %mul3A_565 = vector.broadcast %mul3A_564 : f32 to vector<16xf32>
    %mul3A_566 = arith.mulf %mul3A_565, %sub3A_563 : vector<16xf32>
    %swap3A_567 = arith.constant 128 : index
    %swap3A_568 = tpu.vector_load %arg11[%swap3A_567] {strides = array<i32>} : memref<256xf32, #tpu.memory_space<vmem>>, vector<16xf32>,
    tpu.vector_store %arg11[%swap3A_567], %mul3A_566 {strides = array<i32>} : memref<256xf32, #tpu.memory_space<vmem>>, vector<16xf32>,
    %get3A_569 = arith.constant 0 : i32
    %get3A_570 = arith.index_cast %get3A_569 : i32 to index
    %get3A_571 = arith.constant 144 : index
    %get3A_572 = tpu.vector_load %arg9[%get3A_570, %get3A_571] {strides = array<i32>} : memref<4x176xi32, #tpu.memory_space<vmem>>, vector<16xi32>,
    %get3A_573 = arith.constant 1 : i32
    %get3A_574 = arith.index_cast %get3A_573 : i32 to index
    %get3A_575 = arith.constant 144 : index
    %get3A_576 = tpu.vector_load %arg9[%get3A_574, %get3A_575] {strides = array<i32>} : memref<4x176xi32, #tpu.memory_space<vmem>>, vector<16xi32>,
    %get3A_577 = arith.constant 2 : i32
    %get3A_578 = arith.index_cast %get3A_577 : i32 to index
    %get3A_579 = arith.constant 144 : index
    %get3A_580 = tpu.vector_load %arg9[%get3A_578, %get3A_579] {strides = array<i32>} : memref<4x176xi32, #tpu.memory_space<vmem>>, vector<16xi32>,
    %get3A_581 = arith.constant 3 : i32
    %get3A_582 = arith.index_cast %get3A_581 : i32 to index
    %get3A_583 = arith.constant 144 : index
    %get3A_584 = tpu.vector_load %arg9[%get3A_582, %get3A_583] {strides = array<i32>} : memref<4x176xi32, #tpu.memory_space<vmem>>, vector<16xi32>,
    %get3A_585 = arith.constant 0 : i32
    %get3A_586 = arith.index_cast %get3A_585 : i32 to index
    %get3A_587 = arith.constant 144 : index
    %get3A_588 = tpu.vector_load %arg10[%get3A_586, %get3A_587] {strides = array<i32>} : memref<4x176xf32, #tpu.memory_space<vmem>>, vector<16xf32>,
    %get3A_589 = arith.constant 1 : i32
    %get3A_590 = arith.index_cast %get3A_589 : i32 to index
    %get3A_591 = arith.constant 144 : index
    %get3A_592 = tpu.vector_load %arg10[%get3A_590, %get3A_591] {strides = array<i32>} : memref<4x176xf32, #tpu.memory_space<vmem>>, vector<16xf32>,
    %get3A_593 = arith.constant 2 : i32
    %get3A_594 = arith.index_cast %get3A_593 : i32 to index
    %get3A_595 = arith.constant 144 : index
    %get3A_596 = tpu.vector_load %arg10[%get3A_594, %get3A_595] {strides = array<i32>} : memref<4x176xf32, #tpu.memory_space<vmem>>, vector<16xf32>,
    %get3A_597 = arith.constant 3 : i32
    %get3A_598 = arith.index_cast %get3A_597 : i32 to index
    %get3A_599 = arith.constant 144 : index
    %get3A_600 = tpu.vector_load %arg10[%get3A_598, %get3A_599] {strides = array<i32>} : memref<4x176xf32, #tpu.memory_space<vmem>>, vector<16xf32>,
    %gather3A_601 = tpu.vector_load_idx %arg7[%get3A_572] : memref<50176xf32, #tpu.memory_space<vmem>>[vector<16xi32>], vector<16xf32>,
    %mul3A_602 = arith.mulf %gather3A_601, %get3A_588 : vector<16xf32>
    %gather3A_603 = tpu.vector_load_idx %arg7[%get3A_576] : memref<50176xf32, #tpu.memory_space<vmem>>[vector<16xi32>], vector<16xf32>,
    %mul3A_604 = arith.mulf %gather3A_603, %get3A_592 : vector<16xf32>
    %add3A_605 = arith.addf %mul3A_602, %mul3A_604 : vector<16xf32>
    %gather3A_606 = tpu.vector_load_idx %arg7[%get3A_580] : memref<50176xf32, #tpu.memory_space<vmem>>[vector<16xi32>], vector<16xf32>,
    %mul3A_607 = arith.mulf %gather3A_606, %get3A_596 : vector<16xf32>
    %add3A_608 = arith.addf %add3A_605, %mul3A_607 : vector<16xf32>
    %gather3A_609 = tpu.vector_load_idx %arg7[%get3A_584] : memref<50176xf32, #tpu.memory_space<vmem>>[vector<16xi32>], vector<16xf32>,
    %mul3A_610 = arith.mulf %gather3A_609, %get3A_600 : vector<16xf32>
    %add3A_611 = arith.addf %add3A_608, %mul3A_610 : vector<16xf32>
    %gather3A_612 = tpu.vector_load_idx %arg8[%get3A_572] : memref<50176xf32, #tpu.memory_space<vmem>>[vector<16xi32>], vector<16xf32>,
    %mul3A_613 = arith.mulf %gather3A_612, %get3A_588 : vector<16xf32>
    %gather3A_614 = tpu.vector_load_idx %arg8[%get3A_576] : memref<50176xf32, #tpu.memory_space<vmem>>[vector<16xi32>], vector<16xf32>,
    %mul3A_615 = arith.mulf %gather3A_614, %get3A_592 : vector<16xf32>
    %add3A_616 = arith.addf %mul3A_613, %mul3A_615 : vector<16xf32>
    %gather3A_617 = tpu.vector_load_idx %arg8[%get3A_580] : memref<50176xf32, #tpu.memory_space<vmem>>[vector<16xi32>], vector<16xf32>,
    %mul3A_618 = arith.mulf %gather3A_617, %get3A_596 : vector<16xf32>
    %add3A_619 = arith.addf %add3A_616, %mul3A_618 : vector<16xf32>
    %gather3A_620 = tpu.vector_load_idx %arg8[%get3A_584] : memref<50176xf32, #tpu.memory_space<vmem>>[vector<16xi32>], vector<16xf32>,
    %mul3A_621 = arith.mulf %gather3A_620, %get3A_600 : vector<16xf32>
    %add3A_622 = arith.addf %add3A_619, %mul3A_621 : vector<16xf32>
    %sub3A_623 = arith.subf %add3A_611, %add3A_622 : vector<16xf32>
    %mul3A_624 = arith.constant -1.000000e+00 : f32
    %mul3A_625 = vector.broadcast %mul3A_624 : f32 to vector<16xf32>
    %mul3A_626 = arith.mulf %mul3A_625, %sub3A_623 : vector<16xf32>
    %swap3A_627 = arith.constant 144 : index
    %swap3A_628 = tpu.vector_load %arg11[%swap3A_627] {strides = array<i32>} : memref<256xf32, #tpu.memory_space<vmem>>, vector<16xf32>,
    tpu.vector_store %arg11[%swap3A_627], %mul3A_626 {strides = array<i32>} : memref<256xf32, #tpu.memory_space<vmem>>, vector<16xf32>,
    %get3A_629 = arith.constant 0 : i32
    %get3A_630 = arith.index_cast %get3A_629 : i32 to index
    %get3A_631 = arith.constant 160 : index
    %get3A_632 = tpu.vector_load %arg9[%get3A_630, %get3A_631] {strides = array<i32>} : memref<4x176xi32, #tpu.memory_space<vmem>>, vector<16xi32>,
    %get3A_633 = arith.constant 1 : i32
    %get3A_634 = arith.index_cast %get3A_633 : i32 to index
    %get3A_635 = arith.constant 160 : index
    %get3A_636 = tpu.vector_load %arg9[%get3A_634, %get3A_635] {strides = array<i32>} : memref<4x176xi32, #tpu.memory_space<vmem>>, vector<16xi32>,
    %get3A_637 = arith.constant 2 : i32
    %get3A_638 = arith.index_cast %get3A_637 : i32 to index
    %get3A_639 = arith.constant 160 : index
    %get3A_640 = tpu.vector_load %arg9[%get3A_638, %get3A_639] {strides = array<i32>} : memref<4x176xi32, #tpu.memory_space<vmem>>, vector<16xi32>,
    %get3A_641 = arith.constant 3 : i32
    %get3A_642 = arith.index_cast %get3A_641 : i32 to index
    %get3A_643 = arith.constant 160 : index
    %get3A_644 = tpu.vector_load %arg9[%get3A_642, %get3A_643] {strides = array<i32>} : memref<4x176xi32, #tpu.memory_space<vmem>>, vector<16xi32>,
    %get3A_645 = arith.constant 0 : i32
    %get3A_646 = arith.index_cast %get3A_645 : i32 to index
    %get3A_647 = arith.constant 160 : index
    %get3A_648 = tpu.vector_load %arg10[%get3A_646, %get3A_647] {strides = array<i32>} : memref<4x176xf32, #tpu.memory_space<vmem>>, vector<16xf32>,
    %get3A_649 = arith.constant 1 : i32
    %get3A_650 = arith.index_cast %get3A_649 : i32 to index
    %get3A_651 = arith.constant 160 : index
    %get3A_652 = tpu.vector_load %arg10[%get3A_650, %get3A_651] {strides = array<i32>} : memref<4x176xf32, #tpu.memory_space<vmem>>, vector<16xf32>,
    %get3A_653 = arith.constant 2 : i32
    %get3A_654 = arith.index_cast %get3A_653 : i32 to index
    %get3A_655 = arith.constant 160 : index
    %get3A_656 = tpu.vector_load %arg10[%get3A_654, %get3A_655] {strides = array<i32>} : memref<4x176xf32, #tpu.memory_space<vmem>>, vector<16xf32>,
    %get3A_657 = arith.constant 3 : i32
    %get3A_658 = arith.index_cast %get3A_657 : i32 to index
    %get3A_659 = arith.constant 160 : index
    %get3A_660 = tpu.vector_load %arg10[%get3A_658, %get3A_659] {strides = array<i32>} : memref<4x176xf32, #tpu.memory_space<vmem>>, vector<16xf32>,
    %gather3A_661 = tpu.vector_load_idx %arg7[%get3A_632] : memref<50176xf32, #tpu.memory_space<vmem>>[vector<16xi32>], vector<16xf32>,
    %mul3A_662 = arith.mulf %gather3A_661, %get3A_648 : vector<16xf32>
    %gather3A_663 = tpu.vector_load_idx %arg7[%get3A_636] : memref<50176xf32, #tpu.memory_space<vmem>>[vector<16xi32>], vector<16xf32>,
    %mul3A_664 = arith.mulf %gather3A_663, %get3A_652 : vector<16xf32>
    %add3A_665 = arith.addf %mul3A_662, %mul3A_664 : vector<16xf32>
    %gather3A_666 = tpu.vector_load_idx %arg7[%get3A_640] : memref<50176xf32, #tpu.memory_space<vmem>>[vector<16xi32>], vector<16xf32>,
    %mul3A_667 = arith.mulf %gather3A_666, %get3A_656 : vector<16xf32>
    %add3A_668 = arith.addf %add3A_665, %mul3A_667 : vector<16xf32>
    %gather3A_669 = tpu.vector_load_idx %arg7[%get3A_644] : memref<50176xf32, #tpu.memory_space<vmem>>[vector<16xi32>], vector<16xf32>,
    %mul3A_670 = arith.mulf %gather3A_669, %get3A_660 : vector<16xf32>
    %add3A_671 = arith.addf %add3A_668, %mul3A_670 : vector<16xf32>
    %gather3A_672 = tpu.vector_load_idx %arg8[%get3A_632] : memref<50176xf32, #tpu.memory_space<vmem>>[vector<16xi32>], vector<16xf32>,
    %mul3A_673 = arith.mulf %gather3A_672, %get3A_648 : vector<16xf32>
    %gather3A_674 = tpu.vector_load_idx %arg8[%get3A_636] : memref<50176xf32, #tpu.memory_space<vmem>>[vector<16xi32>], vector<16xf32>,
    %mul3A_675 = arith.mulf %gather3A_674, %get3A_652 : vector<16xf32>
    %add3A_676 = arith.addf %mul3A_673, %mul3A_675 : vector<16xf32>
    %gather3A_677 = tpu.vector_load_idx %arg8[%get3A_640] : memref<50176xf32, #tpu.memory_space<vmem>>[vector<16xi32>], vector<16xf32>,
    %mul3A_678 = arith.mulf %gather3A_677, %get3A_656 : vector<16xf32>
    %add3A_679 = arith.addf %add3A_676, %mul3A_678 : vector<16xf32>
    %gather3A_680 = tpu.vector_load_idx %arg8[%get3A_644] : memref<50176xf32, #tpu.memory_space<vmem>>[vector<16xi32>], vector<16xf32>,
    %mul3A_681 = arith.mulf %gather3A_680, %get3A_660 : vector<16xf32>
    %add3A_682 = arith.addf %add3A_679, %mul3A_681 : vector<16xf32>
    %sub3A_683 = arith.subf %add3A_671, %add3A_682 : vector<16xf32>
    %mul3A_684 = arith.constant -1.000000e+00 : f32
    %mul3A_685 = vector.broadcast %mul3A_684 : f32 to vector<16xf32>
    %mul3A_686 = arith.mulf %mul3A_685, %sub3A_683 : vector<16xf32>
    %swap3A_687 = arith.constant 160 : index
    %swap3A_688 = tpu.vector_load %arg11[%swap3A_687] {strides = array<i32>} : memref<256xf32, #tpu.memory_space<vmem>>, vector<16xf32>,
    tpu.vector_store %arg11[%swap3A_687], %mul3A_686 {strides = array<i32>} : memref<256xf32, #tpu.memory_space<vmem>>, vector<16xf32>,
    %broadcast_in_dim3A = arith.constant 0.000000e+00 : f32
    %broadcast_in_dim3A_689 = vector.broadcast %broadcast_in_dim3A : f32 to vector<16xf32>
    %swap3A_690 = arith.constant 176 : index
    %swap3A_691 = tpu.vector_load %arg11[%swap3A_690] {strides = array<i32>} : memref<256xf32, #tpu.memory_space<vmem>>, vector<16xf32>,
    tpu.vector_store %arg11[%swap3A_690], %broadcast_in_dim3A_689 {strides = array<i32>} : memref<256xf32, #tpu.memory_space<vmem>>, vector<16xf32>,
    %broadcast_in_dim3A_692 = arith.constant 0.000000e+00 : f32
    %broadcast_in_dim3A_693 = vector.broadcast %broadcast_in_dim3A_692 : f32 to vector<16xf32>
    %swap3A_694 = arith.constant 192 : index
    %swap3A_695 = tpu.vector_load %arg11[%swap3A_694] {strides = array<i32>} : memref<256xf32, #tpu.memory_space<vmem>>, vector<16xf32>,
    tpu.vector_store %arg11[%swap3A_694], %broadcast_in_dim3A_693 {strides = array<i32>} : memref<256xf32, #tpu.memory_space<vmem>>, vector<16xf32>,
    %broadcast_in_dim3A_696 = arith.constant 0.000000e+00 : f32
    %broadcast_in_dim3A_697 = vector.broadcast %broadcast_in_dim3A_696 : f32 to vector<16xf32>
    %swap3A_698 = arith.constant 208 : index
    %swap3A_699 = tpu.vector_load %arg11[%swap3A_698] {strides = array<i32>} : memref<256xf32, #tpu.memory_space<vmem>>, vector<16xf32>,
    tpu.vector_store %arg11[%swap3A_698], %broadcast_in_dim3A_697 {strides = array<i32>} : memref<256xf32, #tpu.memory_space<vmem>>, vector<16xf32>,
    %broadcast_in_dim3A_700 = arith.constant 0.000000e+00 : f32
    %broadcast_in_dim3A_701 = vector.broadcast %broadcast_in_dim3A_700 : f32 to vector<16xf32>
    %swap3A_702 = arith.constant 224 : index
    %swap3A_703 = tpu.vector_load %arg11[%swap3A_702] {strides = array<i32>} : memref<256xf32, #tpu.memory_space<vmem>>, vector<16xf32>,
    tpu.vector_store %arg11[%swap3A_702], %broadcast_in_dim3A_701 {strides = array<i32>} : memref<256xf32, #tpu.memory_space<vmem>>, vector<16xf32>,
    %broadcast_in_dim3A_704 = arith.constant 0.000000e+00 : f32
    %broadcast_in_dim3A_705 = vector.broadcast %broadcast_in_dim3A_704 : f32 to vector<16xf32>
    %swap3A_706 = arith.constant 240 : index
    %swap3A_707 = tpu.vector_load %arg11[%swap3A_706] {strides = array<i32>} : memref<256xf32, #tpu.memory_space<vmem>>, vector<16xf32>,
    tpu.vector_store %arg11[%swap3A_706], %broadcast_in_dim3A_705 {strides = array<i32>} : memref<256xf32, #tpu.memory_space<vmem>>, vector<16xf32>,
    %mul3A_708 = arith.constant 256 : i32
    %mul3A_709 = arith.muli %add3A, %mul3A_708 : i32
    "tpu.region"() ({
      %run_scoped3A_710 = tpu.sem_alloc : memref<!tpu.dma_semaphore, #tpu.memory_space<semaphore_mem>>
      %dma_start3A = tpu.memref_slice %arg6[%mul3A_709] : memref<8192xf32, #tpu.memory_space<hbm>> -> memref<256xf32, #tpu.memory_space<hbm>>
      %dma_start3A_711 = tpu.memref_slice %arg6[%mul3A_709] : memref<8192xf32, #tpu.memory_space<hbm>> -> memref<256xf32, #tpu.memory_space<hbm>>
      tpu.enqueue_dma source(%arg11 : memref<256xf32, #tpu.memory_space<vmem>>) target(%dma_start3A_711 : memref<256xf32, #tpu.memory_space<hbm>>) target_semaphore(%run_scoped3A_710 : memref<!tpu.dma_semaphore, #tpu.memory_space<semaphore_mem>>)
      %dma_wait3A = tpu.memref_slice %arg6[%mul3A_709] : memref<8192xf32, #tpu.memory_space<hbm>> -> memref<256xf32, #tpu.memory_space<hbm>>
      %dma_wait3A_712 = tpu.memref_slice %arg6[%mul3A_709] : memref<8192xf32, #tpu.memory_space<hbm>> -> memref<256xf32, #tpu.memory_space<hbm>>
      tpu.wait_dma2 semaphore(%run_scoped3A_710 : memref<!tpu.dma_semaphore, #tpu.memory_space<semaphore_mem>>) src(%arg11 : memref<256xf32, #tpu.memory_space<vmem>>) dst(%dma_wait3A_712 : memref<256xf32, #tpu.memory_space<hbm>>)
      tpu.yield
    }) : () -> ()
    return
  }
}

module attributes {stable_mosaic.version = 14 : i64} {
  func.func @_conv_body(%arg0: i32, %arg1: i32, %arg2: memref<8x192xf32, #tpu.memory_space<vmem>>, %arg3: memref<8x1xf32, #tpu.memory_space<vmem>>, %arg4: memref<1x192x12544xf32, #tpu.memory_space<vmem>>, %arg5: memref<1x6x1x12544xf32, #tpu.memory_space<vmem>>, %arg6: memref<1x1x12544xf32, #tpu.memory_space<vmem>>, %arg7: memref<1x1x12544xf32, #tpu.memory_space<vmem>>) attributes {dimension_semantics = [#tpu.dimension_semantics<arbitrary>, #tpu.dimension_semantics<arbitrary>], iteration_bounds = array<i64: 4, 4>, scalar_prefetch = 0 : i64, scratch_operands = 0 : i64, tpu.core_type = #tpu.core_type<tc>, window_params = [{pipeline_mode = #tpu.pipeline_mode<synchronous>, transform_indices = @transform_0, window_bounds = array<i64: 8, 192>}, {pipeline_mode = #tpu.pipeline_mode<synchronous>, transform_indices = @transform_1, window_bounds = array<i64: 8, 1>}, {transform_indices = @transform_2, window_bounds = array<i64: 1, 192, 12544>}, {transform_indices = @transform_3, window_bounds = array<i64: 1, 6, 1, 12544>}, {transform_indices = @transform_4, window_bounds = array<i64: 1, 1, 12544>}, {transform_indices = @transform_5, window_bounds = array<i64: 1, 1, 12544>}]} {
    %get3A = arith.constant 0 : index
    %get3A_0 = arith.constant 0 : index
    %get3A_1 = vector.load %arg2[%get3A, %get3A_0] : memref<8x192xf32, #tpu.memory_space<vmem>>, vector<8x192xf32>
    %get3A_2 = arith.constant 0 : index
    %get3A_3 = arith.constant 0 : index
    %get3A_4 = arith.constant 0 : index
    %get3A_5 = vector.load %arg4[%get3A_2, %get3A_3, %get3A_4] : memref<1x192x12544xf32, #tpu.memory_space<vmem>>, vector<1x192x12544xf32>
    %get3A_6 = vector.shape_cast %get3A_5 : vector<1x192x12544xf32> to vector<192x12544xf32>
    %dot_general3A = arith.constant dense<0.000000e+00> : vector<8x12544xf32>
    %dot_general3A_7 = tpu.matmul %get3A_1, %get3A_6, %dot_general3A {dimension_numbers = #tpu.dot_dimension_numbers<[1], [0], [0], [1], [0, 0, 1, 1], [], []>, transpose_lhs_hint = false} : vector<8x192xf32>, vector<192x12544xf32>, vector<8x12544xf32> -> vector<8x12544xf32>
    %get3A_8 = arith.constant 0 : index
    %get3A_9 = arith.constant 0 : index
    %get3A_10 = vector.load %arg3[%get3A_8, %get3A_9] : memref<8x1xf32, #tpu.memory_space<vmem>>, vector<8x1xf32>
    %add3A = vector.broadcast %get3A_10 : vector<8x1xf32> to vector<8x12544xf32>
    %add3A_11 = arith.addf %dot_general3A_7, %add3A : vector<8x12544xf32>
    %slice3A = vector.extract_strided_slice %add3A_11 {offsets = [0, 0], sizes = [6, 12544], strides = [1, 1]} : vector<8x12544xf32> to vector<6x12544xf32>
    %swap3A = arith.constant 0 : index
    %swap3A_12 = arith.constant 0 : index
    %swap3A_13 = arith.constant 0 : index
    %swap3A_14 = arith.constant 0 : index
    %swap3A_15 = vector.load %arg5[%swap3A, %swap3A_12, %swap3A_13, %swap3A_14] : memref<1x6x1x12544xf32, #tpu.memory_space<vmem>>, vector<1x6x1x12544xf32>
    %swap3A_16 = vector.shape_cast %swap3A_15 : vector<1x6x1x12544xf32> to vector<6x12544xf32>
    %swap3A_17 = vector.shape_cast %slice3A : vector<6x12544xf32> to vector<1x6x1x12544xf32>
    tpu.vector_store %arg5[%swap3A, %swap3A_12, %swap3A_13, %swap3A_14], %swap3A_17 {strides = array<i32>} : memref<1x6x1x12544xf32, #tpu.memory_space<vmem>>, vector<1x6x1x12544xf32>,
    %slice3A_18 = vector.extract_strided_slice %add3A_11 {offsets = [0, 0], sizes = [1, 12544], strides = [1, 1]} : vector<8x12544xf32> to vector<1x12544xf32>
    %slice3A_19 = vector.extract_strided_slice %add3A_11 {offsets = [1, 0], sizes = [1, 12544], strides = [1, 1]} : vector<8x12544xf32> to vector<1x12544xf32>
    %slice3A_20 = vector.extract_strided_slice %add3A_11 {offsets = [2, 0], sizes = [1, 12544], strides = [1, 1]} : vector<8x12544xf32> to vector<1x12544xf32>
    %max3A = arith.maximumf %slice3A_18, %slice3A_19 : vector<1x12544xf32>
    %max3A_21 = arith.maximumf %max3A, %slice3A_20 : vector<1x12544xf32>
    %swap3A_22 = arith.constant 0 : index
    %swap3A_23 = arith.constant 0 : index
    %swap3A_24 = arith.constant 0 : index
    %swap3A_25 = vector.load %arg6[%swap3A_22, %swap3A_23, %swap3A_24] : memref<1x1x12544xf32, #tpu.memory_space<vmem>>, vector<1x1x12544xf32>
    %swap3A_26 = vector.shape_cast %swap3A_25 : vector<1x1x12544xf32> to vector<1x12544xf32>
    %swap3A_27 = vector.shape_cast %max3A_21 : vector<1x12544xf32> to vector<1x1x12544xf32>
    tpu.vector_store %arg6[%swap3A_22, %swap3A_23, %swap3A_24], %swap3A_27 {strides = array<i32>} : memref<1x1x12544xf32, #tpu.memory_space<vmem>>, vector<1x1x12544xf32>,
    %min3A = arith.minimumf %slice3A_18, %slice3A_19 : vector<1x12544xf32>
    %max3A_28 = arith.maximumf %slice3A_18, %slice3A_19 : vector<1x12544xf32>
    %min3A_29 = arith.minimumf %max3A_28, %slice3A_20 : vector<1x12544xf32>
    %max3A_30 = arith.maximumf %min3A, %min3A_29 : vector<1x12544xf32>
    %swap3A_31 = arith.constant 0 : index
    %swap3A_32 = arith.constant 0 : index
    %swap3A_33 = arith.constant 0 : index
    %swap3A_34 = vector.load %arg7[%swap3A_31, %swap3A_32, %swap3A_33] : memref<1x1x12544xf32, #tpu.memory_space<vmem>>, vector<1x1x12544xf32>
    %swap3A_35 = vector.shape_cast %swap3A_34 : vector<1x1x12544xf32> to vector<1x12544xf32>
    %swap3A_36 = vector.shape_cast %max3A_30 : vector<1x12544xf32> to vector<1x1x12544xf32>
    tpu.vector_store %arg7[%swap3A_31, %swap3A_32, %swap3A_33], %swap3A_36 {strides = array<i32>} : memref<1x1x12544xf32, #tpu.memory_space<vmem>>, vector<1x1x12544xf32>,
    return
  }
  func.func @transform_0(%arg0: i32, %arg1: i32) -> (i32, i32) {
    %c0_i32 = arith.constant 0 : i32
    %c0_i32_0 = arith.constant 0 : i32
    %c0_i32_1 = arith.constant 0 : i32
    return %c0_i32, %c0_i32_0 : i32, i32
  }
  func.func @transform_1(%arg0: i32, %arg1: i32) -> (i32, i32) {
    %c0_i32 = arith.constant 0 : i32
    %c0_i32_0 = arith.constant 0 : i32
    %c0_i32_1 = arith.constant 0 : i32
    return %c0_i32, %c0_i32_0 : i32, i32
  }
  func.func @transform_2(%arg0: i32, %arg1: i32) -> (i32, i32, i32) {
    %c0_i32 = arith.constant 0 : i32
    %c0_i32_0 = arith.constant 0 : i32
    return %arg0, %c0_i32, %arg1 : i32, i32, i32
  }
  func.func @transform_3(%arg0: i32, %arg1: i32) -> (i32, i32, i32, i32) {
    %c0_i32 = arith.constant 0 : i32
    %c0_i32_0 = arith.constant 0 : i32
    %c0_i32_1 = arith.constant 0 : i32
    return %arg0, %c0_i32, %c0_i32_0, %arg1 : i32, i32, i32, i32
  }
  func.func @transform_4(%arg0: i32, %arg1: i32) -> (i32, i32, i32) {
    %c0_i32 = arith.constant 0 : i32
    %c0_i32_0 = arith.constant 0 : i32
    return %arg0, %c0_i32, %arg1 : i32, i32, i32
  }
  func.func @transform_5(%arg0: i32, %arg1: i32) -> (i32, i32, i32) {
    %c0_i32 = arith.constant 0 : i32
    %c0_i32_0 = arith.constant 0 : i32
    return %arg0, %c0_i32, %arg1 : i32, i32, i32
  }
}

module attributes {stable_mosaic.version = 14 : i64} {
  func.func @_rank_body(%arg0: i32, %arg1: memref<1408x4xf32, #tpu.memory_space<vmem>>, %arg2: memref<1x448x1xi32, #tpu.memory_space<vmem>>) attributes {dimension_semantics = [#tpu.dimension_semantics<arbitrary>], iteration_bounds = array<i64: 4>, scalar_prefetch = 0 : i64, scratch_operands = 0 : i64, tpu.core_type = #tpu.core_type<tc>, window_params = [{pipeline_mode = #tpu.pipeline_mode<synchronous>, transform_indices = @transform_0, window_bounds = array<i64: 1408, 4>}, {transform_indices = @transform_1, window_bounds = array<i64: 1, 448, 1>}]} {
    %iota3A = tpu.iota {dimensions = array<i32: 1>} : vector<1408x4xi32>
    %eq3A = vector.broadcast %arg0 : i32 to vector<1408x4xi32>
    %eq3A_0 = arith.cmpi eq, %iota3A, %eq3A : vector<1408x4xi32>
    %convert_element_type3A = arith.extui %eq3A_0 : vector<1408x4xi1> to vector<1408x4xi32>
    %convert_element_type3A_1 = arith.sitofp %convert_element_type3A : vector<1408x4xi32> to vector<1408x4xf32>
    %get3A = arith.constant 0 : index
    %get3A_2 = arith.constant 0 : index
    %get3A_3 = vector.load %arg1[%get3A, %get3A_2] : memref<1408x4xf32, #tpu.memory_space<vmem>>, vector<1408x4xf32>
    %mul3A = arith.mulf %get3A_3, %convert_element_type3A_1 : vector<1408x4xf32>
    %reduce_sum3A = arith.constant dense<0.000000e+00> : vector<1408xf32>
    %reduce_sum3A_4 = vector.multi_reduction <add>, %mul3A, %reduce_sum3A [1] : vector<1408x4xf32> to vector<1408xf32>
    %broadcast_in_dim3A = vector.shape_cast %reduce_sum3A_4 : vector<1408xf32> to vector<1408x1xf32>
    %iota3A_5 = tpu.iota {dimensions = array<i32: 0>} : vector<1408x1xi32>
    %lt3A = arith.constant 1344 : i32
    %lt3A_6 = vector.broadcast %lt3A : i32 to vector<1408x1xi32>
    %lt3A_7 = arith.cmpi slt, %iota3A_5, %lt3A_6 : vector<1408x1xi32>
    %jit3A = arith.constant -1.000000e+30 : f32
    %broadcast_in_dim3A_8 = vector.broadcast %jit3A : f32 to vector<1408x1xf32>
    %select_n3A = arith.select %lt3A_7, %broadcast_in_dim3A, %broadcast_in_dim3A_8 : vector<1408x1xi1>, vector<1408x1xf32>
    %broadcast_in_dim3A_9 = arith.constant 1.000000e+00 : f32
    %broadcast_in_dim3A_10 = vector.broadcast %broadcast_in_dim3A_9 : f32 to vector<1408x1xf32>
    %broadcast_in_dim3A_11 = vector.shape_cast %select_n3A : vector<1408x1xf32> to vector<1408x1xf32>
    %broadcast_in_dim3A_12 = vector.broadcast %broadcast_in_dim3A_11 : vector<1408x1xf32> to vector<1408x1408xf32>
    %dot_general3A = arith.constant dense<0.000000e+00> : vector<1408x1408xf32>
    %dot_general3A_13 = tpu.matmul %broadcast_in_dim3A_10, %select_n3A, %dot_general3A {dimension_numbers = #tpu.dot_dimension_numbers<[1], [1], [0], [0], [0, 0, 1, 0], [], []>, precision = #tpu.contract_precision<fp32>, transpose_lhs_hint = false} : vector<1408x1xf32>, vector<1408x1xf32>, vector<1408x1408xf32> -> vector<1408x1408xf32>
    %iota3A_14 = tpu.iota {dimensions = array<i32: 0>} : vector<1408x1408xi32>
    %iota3A_15 = tpu.iota {dimensions = array<i32: 1>} : vector<1408x1408xi32>
    %gt3A = arith.cmpf ogt, %broadcast_in_dim3A_12, %dot_general3A_13 : vector<1408x1408xf32>
    %eq3A_16 = arith.cmpf oeq, %broadcast_in_dim3A_12, %dot_general3A_13 : vector<1408x1408xf32>
    %lt3A_17 = arith.cmpi slt, %iota3A_14, %iota3A_15 : vector<1408x1408xi32>
    %and3A = arith.andi %eq3A_16, %lt3A_17 : vector<1408x1408xi1>
    %or3A = arith.ori %gt3A, %and3A : vector<1408x1408xi1>
    %convert_element_type3A_18 = arith.extui %or3A : vector<1408x1408xi1> to vector<1408x1408xi32>
    %convert_element_type3A_19 = arith.sitofp %convert_element_type3A_18 : vector<1408x1408xi32> to vector<1408x1408xf32>
    %reduce_sum3A_20 = arith.constant dense<0.000000e+00> : vector<1408xf32>
    %reduce_sum3A_21 = vector.multi_reduction <add>, %convert_element_type3A_19, %reduce_sum3A_20 [0] : vector<1408x1408xf32> to vector<1408xf32>
    %broadcast_in_dim3A_22 = vector.shape_cast %reduce_sum3A_21 : vector<1408xf32> to vector<1x1408xf32>
    %convert_element_type3A_23 = arith.fptosi %broadcast_in_dim3A_22 : vector<1x1408xf32> to vector<1x1408xi32>
    %iota3A_24 = tpu.iota {dimensions = array<i32: 0>} : vector<336x1408xi32>
    %broadcast_in_dim3A_25 = vector.shape_cast %convert_element_type3A_23 : vector<1x1408xi32> to vector<1x1408xi32>
    %broadcast_in_dim3A_26 = vector.broadcast %broadcast_in_dim3A_25 : vector<1x1408xi32> to vector<336x1408xi32>
    %eq3A_27 = arith.cmpi eq, %broadcast_in_dim3A_26, %iota3A_24 : vector<336x1408xi32>
    %convert_element_type3A_28 = arith.extui %eq3A_27 : vector<336x1408xi1> to vector<336x1408xi32>
    %convert_element_type3A_29 = arith.sitofp %convert_element_type3A_28 : vector<336x1408xi32> to vector<336x1408xf32>
    %iota3A_30 = tpu.iota {dimensions = array<i32: 1>} : vector<336x1408xi32>
    %convert_element_type3A_31 = arith.sitofp %iota3A_30 : vector<336x1408xi32> to vector<336x1408xf32>
    %mul3A_32 = arith.mulf %convert_element_type3A_29, %convert_element_type3A_31 : vector<336x1408xf32>
    %reduce_sum3A_33 = arith.constant dense<0.000000e+00> : vector<336xf32>
    %reduce_sum3A_34 = vector.multi_reduction <add>, %mul3A_32, %reduce_sum3A_33 [1] : vector<336x1408xf32> to vector<336xf32>
    %broadcast_in_dim3A_35 = vector.shape_cast %reduce_sum3A_34 : vector<336xf32> to vector<336x1xf32>
    %iota3A_36 = tpu.iota {dimensions = array<i32: 0>} : vector<112x1xi32>
    %add3A = arith.constant 1408 : i32
    %add3A_37 = vector.broadcast %add3A : i32 to vector<112x1xi32>
    %add3A_38 = arith.addi %iota3A_36, %add3A_37 : vector<112x1xi32>
    %convert_element_type3A_39 = arith.sitofp %add3A_38 : vector<112x1xi32> to vector<112x1xf32>
    %concatenate3A = tpu.concatenate %broadcast_in_dim3A_35, %convert_element_type3A_39 in 0 : vector<336x1xf32>, vector<112x1xf32> -> vector<448x1xf32>
    %convert_element_type3A_40 = arith.fptosi %concatenate3A : vector<448x1xf32> to vector<448x1xi32>
    %swap3A = arith.constant 0 : index
    %swap3A_41 = arith.constant 0 : index
    %swap3A_42 = arith.constant 0 : index
    %swap3A_43 = vector.load %arg2[%swap3A, %swap3A_41, %swap3A_42] : memref<1x448x1xi32, #tpu.memory_space<vmem>>, vector<1x448x1xi32>
    %swap3A_44 = vector.shape_cast %swap3A_43 : vector<1x448x1xi32> to vector<448x1xi32>
    %swap3A_45 = vector.shape_cast %convert_element_type3A_40 : vector<448x1xi32> to vector<1x448x1xi32>
    tpu.vector_store %arg2[%swap3A, %swap3A_41, %swap3A_42], %swap3A_45 {strides = array<i32>} : memref<1x448x1xi32, #tpu.memory_space<vmem>>, vector<1x448x1xi32>,
    return
  }
  func.func @transform_0(%arg0: i32) -> (i32, i32) {
    %c0_i32 = arith.constant 0 : i32
    %c0_i32_0 = arith.constant 0 : i32
    %c0_i32_1 = arith.constant 0 : i32
    return %c0_i32, %c0_i32_0 : i32, i32
  }
  func.func @transform_1(%arg0: i32) -> (i32, i32, i32) {
    %c0_i32 = arith.constant 0 : i32
    %c0_i32_0 = arith.constant 0 : i32
    %c0_i32_1 = arith.constant 0 : i32
    return %arg0, %c0_i32, %c0_i32_0 : i32, i32, i32
  }
}

module attributes {stable_mosaic.version = 14 : i64} {
  func.func @_fine_body(%arg0: i32, %arg1: memref<8x8xf32, #tpu.memory_space<vmem>>, %arg2: memref<8x1xf32, #tpu.memory_space<vmem>>, %arg3: memref<1x8x448xf32, #tpu.memory_space<vmem>>, %arg4: memref<1x8x448xf32, #tpu.memory_space<vmem>>) attributes {dimension_semantics = [#tpu.dimension_semantics<arbitrary>], iteration_bounds = array<i64: 4>, scalar_prefetch = 0 : i64, scratch_operands = 0 : i64, tpu.core_type = #tpu.core_type<tc>, window_params = [{pipeline_mode = #tpu.pipeline_mode<synchronous>, transform_indices = @transform_0, window_bounds = array<i64: 8, 8>}, {pipeline_mode = #tpu.pipeline_mode<synchronous>, transform_indices = @transform_1, window_bounds = array<i64: 8, 1>}, {transform_indices = @transform_2, window_bounds = array<i64: 1, 8, 448>}, {transform_indices = @transform_3, window_bounds = array<i64: 1, 8, 448>}]} {
    %get3A = arith.constant 0 : index
    %get3A_0 = arith.constant 0 : index
    %get3A_1 = vector.load %arg1[%get3A, %get3A_0] : memref<8x8xf32, #tpu.memory_space<vmem>>, vector<8x8xf32>
    %get3A_2 = arith.constant 0 : index
    %get3A_3 = arith.constant 0 : index
    %get3A_4 = arith.constant 0 : index
    %get3A_5 = vector.load %arg3[%get3A_2, %get3A_3, %get3A_4] : memref<1x8x448xf32, #tpu.memory_space<vmem>>, vector<1x8x448xf32>
    %get3A_6 = vector.shape_cast %get3A_5 : vector<1x8x448xf32> to vector<8x448xf32>
    %dot_general3A = arith.constant dense<0.000000e+00> : vector<8x448xf32>
    %dot_general3A_7 = tpu.matmul %get3A_1, %get3A_6, %dot_general3A {dimension_numbers = #tpu.dot_dimension_numbers<[1], [0], [0], [1], [0, 0, 1, 1], [], []>, precision = #tpu.contract_precision<fp32>, transpose_lhs_hint = false} : vector<8x8xf32>, vector<8x448xf32>, vector<8x448xf32> -> vector<8x448xf32>
    %get3A_8 = arith.constant 0 : index
    %get3A_9 = arith.constant 0 : index
    %get3A_10 = vector.load %arg2[%get3A_8, %get3A_9] : memref<8x1xf32, #tpu.memory_space<vmem>>, vector<8x1xf32>
    %add3A = vector.broadcast %get3A_10 : vector<8x1xf32> to vector<8x448xf32>
    %add3A_11 = arith.addf %dot_general3A_7, %add3A : vector<8x448xf32>
    %swap3A = arith.constant 0 : index
    %swap3A_12 = arith.constant 0 : index
    %swap3A_13 = arith.constant 0 : index
    %swap3A_14 = vector.load %arg4[%swap3A, %swap3A_12, %swap3A_13] : memref<1x8x448xf32, #tpu.memory_space<vmem>>, vector<1x8x448xf32>
    %swap3A_15 = vector.shape_cast %swap3A_14 : vector<1x8x448xf32> to vector<8x448xf32>
    %swap3A_16 = vector.shape_cast %add3A_11 : vector<8x448xf32> to vector<1x8x448xf32>
    tpu.vector_store %arg4[%swap3A, %swap3A_12, %swap3A_13], %swap3A_16 {strides = array<i32>} : memref<1x8x448xf32, #tpu.memory_space<vmem>>, vector<1x8x448xf32>,
    return
  }
  func.func @transform_0(%arg0: i32) -> (i32, i32) {
    %c0_i32 = arith.constant 0 : i32
    %c0_i32_0 = arith.constant 0 : i32
    %c0_i32_1 = arith.constant 0 : i32
    return %c0_i32, %c0_i32_0 : i32, i32
  }
  func.func @transform_1(%arg0: i32) -> (i32, i32) {
    %c0_i32 = arith.constant 0 : i32
    %c0_i32_0 = arith.constant 0 : i32
    %c0_i32_1 = arith.constant 0 : i32
    return %c0_i32, %c0_i32_0 : i32, i32
  }
  func.func @transform_2(%arg0: i32) -> (i32, i32, i32) {
    %c0_i32 = arith.constant 0 : i32
    %c0_i32_0 = arith.constant 0 : i32
    %c0_i32_1 = arith.constant 0 : i32
    return %arg0, %c0_i32, %c0_i32_0 : i32, i32, i32
  }
  func.func @transform_3(%arg0: i32) -> (i32, i32, i32) {
    %c0_i32 = arith.constant 0 : i32
    %c0_i32_0 = arith.constant 0 : i32
    %c0_i32_1 = arith.constant 0 : i32
    return %arg0, %c0_i32, %c0_i32_0 : i32, i32, i32
  }
}

</mosaic_0001>

<sc_bundles>
// kernel: kernel.12.cloned.1.call-start
scs
__scs_entry_jumppad:
0x0: {  	(pc) =	sbr.rel $0x88, $3  }
0x1: {  	(tag) =	ssettag $0x0;
	lr =	simm.s32 $0x1  }
0x2: {  	[smem:$0x3F9C] =	sst lr;
	_ =	strace $0xD0000000  }
0x3: {  	_ = 	snop  }
0x4: {  	_ = 	snop  }
0x5: {  	_ = 	snop  }
0x6: {  	_ = 	snop  }
0x7: {  	_ = 	snop  }
__scs_overlays_trampoline_lowered:
0x8: {  	[smem:$0x3FAB] =	sst s0  }
0x9: {  	[smem:$0x3FAC] =	sst s1  }
0xa: {  	[smem:$0x3FAD] =	sst s2  }
0xb: {  	[smem:$0x3FAE] =	sst s3  }
0xc: {  	[smem:$0x3FAF] =	sst s4  }
0xd: {  	[smem:$0x3FB0] =	sst s5  }
0xe: {  	[smem:$0x3FB1] =	sst s6  }
0xf: {  	[smem:$0x3FB2] =	sst s7  }
0x10: {  	[smem:$0x3FB3] =	sst s8  }
0x11: {  	[smem:$0x3FB4] =	sst s9;
	s0 =	simm.s32 @!p0 $0x0  }
0x12: {  	s1 =	sld [smem:$0x3F9A];
	s0 =	simm.s32 @p0 $0x1  }
0x13: {  	[smem:$0x3FB5] =	sst s0;
	s0 =	simm.s32 @!p1 $0x0  }
0x14: {  	s2 =	sld [smem:$0x3F99];
	s0 =	simm.s32 @p1 $0x1  }
0x15: {  	[smem:$0x3FB6] =	sst s0;
	s0 =	simm.s32 @!p2 $0x0  }
0x16: {  	s3 =	sld [smem:$0x3FDB];
	s0 =	simm.s32 @p2 $0x1  }
0x17: {  	s4 =	simm.s32 $0x1BF5;
	[smem:$0x3FB8] =	sst s0  }
0x18: {  	s0 =	sld [smem:$0x3F9B];
	_ =	swait.ge [sflag:s4], $0x0  }
0x19: {  	s7 =	sld [smem:$0x3F9C]  }
0x1a: {  	s8 =	sadd.s32 $0xFFFFE003, lr  }
0x1b: {  	s9 =	sadd.s32 $0xFFFFFEF7, lr;
	s5 =	simm.s32 $0xFFFFFFFF;
	p2 =	slt.u32 s8, $0xFFFFF086  }
0x1c: {  	p1 =	slt.u32 s9, $0xF7A;
	s5 =	simm.s32 @!p2 $0x0  }
0x1d: {  	s5 =	simm.s32 @p1 $0x1;
	p0 =	seq.s32 s7, s2  }
0x1e: {  	s7 =	smul.u32 @!p0 $0xF7A, s2;
	p2 =	seq.s32 @!p0 s5, $0x0  }
0x1f: {  	s9 =	smul.u32 $0xF7A, s1;
	s8 =	simm.s32 @!p0 $0x1BF5;
	p2 =	por !p2, p0  }
0x20: {  	[sflag:s8] =	ssyncset.s32 @!p0 $0xFFFFF086;
	s6 =	sadd.s32 @!p0 s3, s7;
	s7 =	simm.s32 @!p0 $0x108  }
0x21: {  	s3 =	sadd.s32 s3, s9;
	s6 =	sadd.s32 @!p0 $0x88, s6;
	s7 =	simm.s32 @p2 $0x1082  }
0x22: {  	[simem:s7], [sflag:s8] =	dma.local @!p0 [hbm:s6], $0xF7A  }
0x23: {  	s9 =	sor.u32 $0xD0000000, s2;
	s6 =	simm.s32 $0x108;
	_ =	swait.ge @!p0 [sflag:s8], $0x0  }
0x24: {  	s3 =	sadd.s32 $0x88, s3;
	s6 =	simm.s32 @!p1 $0x1082;
	[sflag:s4] =	ssyncset.s32 $0xFFFFF086  }
0x25: {  	[simem:s6], [sflag:s4] =	dma.local [hbm:s3], $0xF7A  }
0x26: {  	[smem:$0x3F9C] =	sst s1;
	(tag) =	ssettag s2;
	_ =	strace s9  }
0x27: {  	s1 =	sld [smem:$0x3FAC]  }
0x28: {  	s2 =	sld [smem:$0x3FAD]  }
0x29: {  	s4 =	sld [smem:$0x3FAF]  }
0x2a: {  	p0 =	seq.s32 s5, $0x0;
	s5 =	sld [smem:$0x3FB0]  }
0x2b: {  	s6 =	sld [smem:$0x3FB1]  }
0x2c: {  	s7 =	sld [smem:$0x3FB2]  }
0x2d: {  	s3 =	simm.s32 $0x108;
	s8 =	sld [smem:$0x3FB3]  }
0x2e: {  	s3 =	simm.s32 @!p0 $0x1082;
	s9 =	sld [smem:$0x3FB4]  }
0x2f: {  	lr =	sadd.s32 s0, s3;
	s0 =	sld [smem:$0x3FAB]  }
0x30: {  	s3 =	sld [smem:$0x3FAE]  }
0x31: {  	[smem:$0x3FB7] =	sst s10  }
0x32: {  	s10 =	sld [smem:$0x3FB5];
	_ =	sdelay $0x3  }
0x33: {  	p0 =	seq.s32 s10, $0x1;
	s10 =	sld [smem:$0x3FB7];
	_ =	sdelay $0x3  }
0x34: {  	[smem:$0x3FB7] =	sst s10  }
0x35: {  	s10 =	sld [smem:$0x3FB6];
	_ =	sdelay $0x3  }
0x36: {  	p1 =	seq.s32 s10, $0x1;
	s10 =	sld [smem:$0x3FB7];
	_ =	sdelay $0x3  }
0x37: {  	[smem:$0x3FB7] =	sst s10  }
0x38: {  	s10 =	sld [smem:$0x3FB8]  }
0x39: {  	_ = 	snop;
	(pc) =	sbr.ind lr, $3  }
0x3a: {  	_ = 	snop  }
0x3b: {  	_ = 	snop  }
0x3c: {  	p2 =	seq.s32 s10, $0x1;
	s10 =	sld [smem:$0x3FB7]  }
0x3d: {  	_ =	shalt  }
0x3e: {  	_ =	shalt  }
0x3f: {  	_ =	shalt  }
0x40: {  	_ =	shalt  }
0x41: {  	_ =	shalt  }
0x42: {  	_ =	shalt  }
0x43: {  	_ =	shalt  }
0x44: {  	_ =	shalt  }
0x45: {  	_ =	shalt  }
0x46: {  	_ =	shalt  }
0x47: {  	_ =	shalt  }
0x48: {  	_ =	shalt  }
0x49: {  	_ =	shalt  }
0x4a: {  	_ =	shalt  }
0x4b: {  	_ =	shalt  }
0x4c: {  	_ =	shalt  }
0x4d: {  	_ =	shalt  }
0x4e: {  	_ =	shalt  }
0x4f: {  	_ =	shalt  }
0x50: {  	_ =	shalt  }
0x51: {  	_ =	shalt  }
0x52: {  	_ =	shalt  }
0x53: {  	_ =	shalt  }
0x54: {  	_ =	shalt  }
0x55: {  	_ =	shalt  }
0x56: {  	_ =	shalt  }
0x57: {  	_ =	shalt  }
0x58: {  	_ =	shalt  }
0x59: {  	_ =	shalt  }
0x5a: {  	_ =	shalt  }
0x5b: {  	_ =	shalt  }
0x5c: {  	_ =	shalt  }
0x5d: {  	_ =	shalt  }
0x5e: {  	_ =	shalt  }
0x5f: {  	_ =	shalt  }
0x60: {  	_ =	shalt  }
0x61: {  	_ =	shalt  }
0x62: {  	_ =	shalt  }
0x63: {  	_ =	shalt  }
0x64: {  	_ =	shalt  }
0x65: {  	_ =	shalt  }
0x66: {  	_ =	shalt  }
0x67: {  	_ =	shalt  }
0x68: {  	_ =	shalt  }
0x69: {  	_ =	shalt  }
0x6a: {  	_ =	shalt  }
0x6b: {  	_ =	shalt  }
0x6c: {  	_ =	shalt  }
0x6d: {  	_ =	shalt  }
0x6e: {  	_ =	shalt  }
0x6f: {  	_ =	shalt  }
0x70: {  	_ =	shalt  }
0x71: {  	_ =	shalt  }
0x72: {  	_ =	shalt  }
0x73: {  	_ =	shalt  }
0x74: {  	_ =	shalt  }
0x75: {  	_ =	shalt  }
0x76: {  	_ =	shalt  }
0x77: {  	_ =	shalt  }
0x78: {  	_ =	shalt  }
0x79: {  	_ =	shalt  }
0x7a: {  	_ =	shalt  }
0x7b: {  	_ =	shalt  }
0x7c: {  	_ =	shalt  }
0x7d: {  	_ =	shalt  }
0x7e: {  	_ =	shalt  }
0x7f: {  	_ =	shalt  }
0x80: {  	_ =	shalt  }
0x81: {  	_ =	shalt  }
0x82: {  	_ =	shalt  }
0x83: {  	_ =	shalt  }
0x84: {  	_ =	shalt  }
0x85: {  	_ =	shalt  }
0x86: {  	_ =	shalt  }
0x87: {  	_ =	shalt  }
.Lfunc_end0:
.L_simem_size_0:
called_computation.1_lowered:
.L_overlay_start_0:
0x88: {  	s2 =	sld [smem:$0x3FD9]  }
0x89: {  	s3 =	sld [smem:$0x3FFE];
	_ =	sdelay $0x1  }
0x8a: {  	s1 =	srdreg.scid  }
0x8b: {  	s0 =	sand.u32 $0x1, s1  }
0x8c: {  	s14 =	sshll.u32 s0, $0xA;
	s2 =	sadd.s32 s3, s2  }
0x8d: {  	s2 =	sadd.s32 s2, s14  }
0x8e: {  	[smem:$0x3FC3] =	sst s2  }
0x8f: {  	_ = 	snop  }
0x90: {  	s2 =	sld [smem:$0x3FD0];
	_ =	sdelay $0x2  }
0x91: {  	s15 =	simm.s32 $0xA;
	s4 =	simm.s32 $0x10  }
0x92: {  	[smem:s4], [sflag:s15] =	dma.local [hbm:s2], $0x1  }
0x93: {  	_ =	swait.eq [sflag:s15], $0x1  }
0x94: {  	[sflag:s15] =	ssyncset.done $0x0  }
0x95: {  	[sflag:s15] =	ssyncadd.s32 $0xFFFFFFFF  }
0x96: {  	s16 =	sld [smem:$0x12];
	(tm) =	ssettm $0x1  }
0x97: {  	s17 =	sld [smem:$0x3FFB];
	_ =	sdelay $0x3  }
0x98: {  	_ =	strace s17  }
0x99: {  	s3 =	sld [smem:$0x3FFC];
	_ =	sdelay $0x3  }
0x9a: {  	_ =	strace s3  }
0x9b: {  	s3 =	sld [smem:$0x3FFD];
	_ =	sdelay $0x3  }
0x9c: {  	_ =	strace s3  }
0x9d: {  	_ =	strace $0x8FFFFFFF  }
0x9e: {  	s18 =	sld [smem:$0x3FDB];
	_ =	sdelay $0x1  }
0x9f: {  	s19 =	simm.s32 $_scs_section_size  }
0xa0: {  	s5 =	simm.s32 $_size__tile_overlayer_lowered;
	s6 =	simm.s32 $_tile_overlayer_lowered  }
0xa1: {  	s22 =	simm.s32 $0x1BFF;
	s21 =	sshll.u32 s6, $0x1;
	s3 =	sadd.s32 s19, s18  }
0xa2: {  	s7 =	simm.s32 $0x0;
	s20 =	sshll.u32 s5, $0x1;
	s5 =	sadd.s32 s21, s3  }
0xa3: {  	[timem:s7], [sflag:s22] =	dma.local [hbm:s5], s20  }
0xa4: {  	_ =	swait.ge [sflag:s22], s20  }
0xa5: {  	s4 =	ssub.s32 $0x0, s20;
	[sflag:s22] =	ssyncset.done $0x0  }
0xa6: {  	[sflag:s22] =	ssyncadd.s32 s4;
	_ =	sdelay $0x1  }
0xa7: {  	s23 =	simm.s32 $0x1B8B  }
0xa8: {  	_ =	swait.ge [sflag:s23], $0x1  }
0xa9: {  	[sflag:s23] =	ssyncset.done $0x0  }
0xaa: {  	s25 =	simm.s32 $0x1B8E;
	s24 =	sld [smem:$0x3FFE];
	[sflag:s23] =	ssyncadd.s32 $0xFFFFFFFF  }
0xab: {  	s26 =	simm.s32 $execute0_lowered;
	[smem:$0x3FD2] =	sst s25  }
0xac: {  	s5 =	sshll.u32 s26, $0x1;
	_ =	strace $0x80000049;
	[dreg:$0x1] =	wrdreg $0xFFFFFFFF  }
0xad: {  	s28 =	simm.s32 $_size_execute0_lowered;
	s3 =	sadd.s32 s3, s5;
	[dreg:$0x0] =	wrdreg $0x0  }
0xae: {  	s5 =	sshll.u32 s28, $0x1;
	[dreg:$0x2] =	wrdreg s3  }
0xaf: {  	[dreg:$0x3] =	wrdreg s5  }
0xb0: {  	[dreg:$0x4] =	wrdreg $0xC0  }
0xb1: {  	_ =	task [dreg:s7], $0x5FFFF  }
0xb2: {  	[dreg:$0x1] =	wrdreg $0xFFFFFFFF  }
0xb3: {  	[dreg:$0x0] =	wrdreg $0x60  }
0xb4: {  	[dreg:$0x2] =	wrdreg s24  }
0xb5: {  	[dreg:$0x3] =	wrdreg s16  }
0xb6: {  	[dreg:$0x4] =	wrdreg $0x9  }
0xb7: {  	_ =	task.clear_ibuf [dreg:s7], $0x5FFFF;
	_ =	strace $0x90000049  }
0xb8: {  	s29 =	simm.s32 $0x9;
	_ =	strace $0x8000004B  }
0xb9: {  	_ =	swait.ge [sflag:s29], $0x1  }
0xba: {  	[sflag:s29] =	ssyncadd.s32 $0xFFFFFFFF  }
0xbb: {  	_ =	strace $0x9000004B  }
0xbc: {  	_ =	sfence  }
0xbd: {  	s30 =	sld [smem:$0x0];
	_ =	sdelay $0x2  }
0xbe: {  	s31 =	sshll.u32 s1, $0xD;
	s1 =	sshrl.u32 s1, $0x2  }
0xbf: {  	s3 =	sand.u32 $0x4000, s31;
	s1 =	sadd.s32 s1, s30  }
0xc0: {  	s0 =	sor.u32 s3, s0;
	s1 =	sshll.u32 s1, $0x11  }
0xc1: {  	s0 =	sor.u32 s1, s0  }
0xc2: {  	s0 =	sadd.s32 $0x8F2B, s0  }
0xc3: {  	[sflag:s0] =	ssyncadd.remote.s32 $0x1  }
0xc4: {  	_ =	sfence.sel $0xFFFF  }
0xc5: {  	[dreg:$0x0] =	wrdreg $0xFFFFFFFF;
	(pc) =	sbr.abs _section_cstart, $3  }
0xc6: {  	[dreg:$0x1] =	wrdreg $0xFFFFFFFF  }
0xc7: {  	_ =	task.clear_ibuf [dreg:s7], $0x2FFFF;
	_ =	strace $0x9FFFFFFF  }
0xc8: {  	(tm) =	ssettm $0x7FFFFFFF  }
0xc9: {  	_ =	shalt  }
tec
execute0_lowered:
.L_overlay_start_1:
0x0: {  	(tag) =	ssettag $0x1  }
0x1: {  	s1 =	srdreg.scid  }
0x2: {  	s0 =	stileid.u32;
	s6 =	rddreg [dreg:$0x0]  }
0x3: {  	s9 =	rddreg [dreg:$0x1];
	s2 =	simm.s32 $0x0;
	s14 =	simm.s32 $0x10000  }
0x4: {  	s16 =	simm.s32 $0xF400;
	s17 =	simm.s32 $0x1E200;
	s8 =	sshrl.u32 s0, $0x2  }
0x5: {  	s3 =	sand.u32 $0x1, s1;
	s1 =	rddreg [dreg:$0x2];
	s5 =	smul.u32 $0x49800, s8  }
0x6: {  	v0 =	vlaneseq.u32;
	s29 =	sshll.u32 s0, $0x1;
	[smem:$0x7FF] =	sst s2;
	s30 =	smul.u32 $0x300, s8  }
0x7: {  	v0 =	vmul.u32 $0x80, v0;
	s4 =	sor.u32 s3, s29;
	_ =	strace $0x8000004A;
	s10 =	smul.u32 $0x180, s8  }
0x8: {  	v1 =	vimm.f32 $0.0e+00;
	s11 =	smul.u32 $0x1C00, s8;
	s3 =	ssub.s32 $0x2, s3;
	s31 =	sshll.u32 s8, $0x7  }
0x9: {  	s15 =	sand.u32 $0x7, s4;
	v2 =	vor.u32 $0x800, v0;
	v3 =	vor.u32 $0x1000, v0;
	v4 =	vor.u32 $0x1800, v0;
	s4 =	sshll.u32 s4, $0x6;
	s12 =	sshrl.u32 s3, $0x1  }
0xa: {  	v5 =	vor.u32 $0x2000, v0;
	v6 =	vor.u32 $0x2800, v0;
	v7 =	vor.u32 $0x3000, v0;
	s9 =	sadd.s32 s9, s31;
	s7 =	smul.u32 $0xC400, s15;
	s10 =	sadd.s32 s10, s6  }
0xb: {  	v8 =	vor.u32 $0x3800, v0;
	v9 =	vor.u32 $0x4000, v0;
	v10 =	vor.u32 $0x4800, v0;
	s11 =	sadd.s32 s11, s6;
	s13 =	sadd.s32 s4, s6;
	s12 =	ssub.s32 s3, s12  }
0xc: {  	v11 =	vor.u32 $0x5000, v0;
	v12 =	vor.u32 $0x5800, v0;
	v13 =	vor.u32 $0x6000, v0;
	p0 =	sgt.u32 s15, $0x5;
	p1 =	sne.s32 s15, $0x0;
	s15 =	simm.s32 $0x1E000  }
.Ltmp0:
0xd: {  	v14 =	vor.u32 $0x6800, v0;
	v15 =	vor.u32 $0x7000, v0;
	v16 =	vor.u32 $0x7800, v0;
	s8 =	sadd.s32 $0x2F200, s10;
	s5 =	sadd.s32 s5, s7;
	(pc) =	sbr.rel .LBB2_1-.Ltmp0, $4  }
0xe: {  	v17 =	vor.u32 $0x8000, v0;
	v18 =	vor.u32 $0x8800, v0;
	v19 =	vor.u32 $0x9000, v0;
	s10 =	smax.u32 s12, $0x1;
	s7 =	sadd.s32 s30, s6;
	s5 =	sshrl.u32 s5, $0x3  }
0xf: {  	v20 =	vor.u32 $0x9800, v0;
	v21 =	vor.u32 $0xA000, v0;
	v22 =	vor.u32 $0xA800, v0;
	s12 =	simm.s32 $0xC400;
	s4 =	sadd.s32 $0x2F800, s7;
	s5 =	sadd.s32 s5, s6  }
0x10: {  	v23 =	vor.u32 $0xB000, v0;
	v24 =	vor.u32 $0xB800, v0;
	v25 =	vor.u32 $0xC000, v0;
	s6 =	sadd.s32 $0x31000, s11;
	s11 =	simm.s32 $0x1;
	s3 =	sadd.s32 $0x4000, s5  }
0x11: {  	v26 =	vor.u32 $0xC800, v0;
	v27 =	vor.u32 $0xD000, v0;
	v28 =	vor.u32 $0xD800, v0;
	s5 =	sadd.s32 $0x30400, s7;
	s7 =	sadd.s32 $0x28C00, s13;
	s13 =	simm.s32 $0xDC00  }
.LBB2_3:
.Ltmp1:
0x12: {  	(pc) =	sbr.rel @!p1 .LBB2_4-.Ltmp1, $4  }
0x13: {  	[hbm4b:s7+s2] =	stream.linear.scatter [tilespmem:s15], [sflag:$0x1], $0x200, $0x38;
	[tilespmem:$0x1E600] =	vst v63  }
0x14: {  	_ =	swait.ge [sflag:s11], $0x200  }
0x15: {  	[sflag:s11] =	ssyncset.done $0x0  }
0x16: {  	[sflag:s11] =	ssyncadd.s32 $0xFFFFFE00  }
.LBB2_5:
0x17: {  	s10 =	sadd.s32 $0xFFFFFFFF, s10  }
0x18: {  	p2 =	sne.s32 s10, $0x0  }
.Ltmp2:
0x19: {  	_ = 	snop;
	(pc) =	sbr.rel @!p2 .LBB2_6-.Ltmp2, $1  }
0x1a: {  	_ =	sdelay $0x3  }
.LBB2_1:
0x1b: {  	[tilespmem:$0x1E000] =	vst v1  }
0x1c: {  	[tilespmem:$0x1E010] =	vst v1  }
0x1d: {  	[tilespmem:$0x1E020] =	vst v1  }
0x1e: {  	[tilespmem:$0x1E030] =	vst v1  }
0x1f: {  	[tilespmem:$0x1E040] =	vst v1  }
0x20: {  	[tilespmem:$0x1E050] =	vst v1  }
0x21: {  	[tilespmem:$0x1E060] =	vst v1  }
0x22: {  	[tilespmem:$0x1E070] =	vst v1  }
0x23: {  	[tilespmem:$0x1E080] =	vst v1  }
0x24: {  	[tilespmem:$0x1E090] =	vst v1  }
0x25: {  	[tilespmem:$0x1E0A0] =	vst v1  }
0x26: {  	[tilespmem:$0x1E0B0] =	vst v1  }
0x27: {  	[tilespmem:$0x1E0C0] =	vst v1  }
0x28: {  	[tilespmem:$0x1E0D0] =	vst v1  }
0x29: {  	[tilespmem:$0x1E0E0] =	vst v1  }
0x2a: {  	[tilespmem:$0x1E0F0] =	vst v1  }
0x2b: {  	[tilespmem:$0x1E100] =	vst v1  }
0x2c: {  	[tilespmem:$0x1E110] =	vst v1  }
0x2d: {  	[tilespmem:$0x1E120] =	vst v1  }
0x2e: {  	[tilespmem:$0x1E130] =	vst v1  }
0x2f: {  	[tilespmem:$0x1E140] =	vst v1  }
0x30: {  	[tilespmem:$0x1E150] =	vst v1  }
0x31: {  	[tilespmem:$0x1E160] =	vst v1  }
0x32: {  	[tilespmem:$0x1E170] =	vst v1  }
0x33: {  	[tilespmem:$0x1E180] =	vst v1  }
0x34: {  	[tilespmem:$0x1E190] =	vst v1  }
0x35: {  	[tilespmem:$0x1E1A0] =	vst v1  }
.Ltmp3:
0x36: {  	[tilespmem:$0x1E1B0] =	vst v1;
	(pc) =	sbr.rel @p0 .LBB2_3-.Ltmp3, $4  }
0x37: {  	[tilespmem:$0x1E1C0] =	vst v1  }
0x38: {  	[tilespmem:$0x1E1D0] =	vst v1  }
0x39: {  	[tilespmem:$0x1E1E0] =	vst v1  }
0x3a: {  	[tilespmem:$0x1E1F0] =	vst v1  }
0x3b: {  	[tilespmem:s2], [sflag:$0x1] =	stream.linear.gather [hbm4b:s3+s2], $0xC400, $0x38;
	[tilespmem:$0x1E600] =	vst v63  }
0x3c: {  	_ =	swait.ge [sflag:s11], $0xC400  }
0x3d: {  	[sflag:s11] =	ssyncset.done $0x0  }
0x3e: {  	[sflag:s11] =	ssyncadd.s32 $0xFFFF3C00  }
0x3f: {  	[tilespmem:s12], [sflag:$0x1] =	stream.linear.gather [hbm4b:s4+s2], $0x1800, $0x38;
	[tilespmem:$0x1E600] =	vst v63  }
0x40: {  	_ =	swait.ge [sflag:s11], $0x1800  }
0x41: {  	[sflag:s11] =	ssyncset.done $0x0  }
0x42: {  	[sflag:s11] =	ssyncadd.s32 $0xFFFFE800  }
0x43: {  	[tilespmem:s13], [sflag:$0x1] =	stream.linear.gather [hbm4b:s5+s2], $0x1800, $0x38;
	[tilespmem:$0x1E600] =	vst v63  }
0x44: {  	_ =	swait.ge [sflag:s11], $0x1800  }
0x45: {  	[sflag:s11] =	ssyncset.done $0x0  }
0x46: {  	[sflag:s11] =	ssyncadd.s32 $0xFFFFE800  }
0x47: {  	[tilespmem:s14], [sflag:$0x1] =	stream.linear.gather [hbm4b:s6+s2], $0xE000, $0x38;
	[tilespmem:$0x1E600] =	vst v63  }
0x48: {  	_ =	swait.ge [sflag:s11], $0xE000  }
0x49: {  	[sflag:s11] =	ssyncset.done $0x0  }
0x4a: {  	[sflag:s11] =	ssyncadd.s32 $0xFFFF2000  }
0x4b: {  	v29 =	vld.idx.msk [tilespmem:v0+s14+$0x0], $0xffff;
	_ =	sdelay $0x4  }
0x4c: {  	v30 =	vshll.u32 v29, $0x2  }
0x4d: {  	v29 =	vand.u32 $0x7F, v29;
	v30 =	vand.u32 $0xFFFFFE00, v30  }
0x4e: {  	v29 =	vor.u32 v29, v30  }
0x4f: {  	v30 =	vor.u32 $0x80, v29;
	_ =	sdelay $0x1  }
0x50: {  	v31 =	vor.u32 $0x100, v29;
	_ =	sdelay $0x1  }
0x51: {  	v33 =	vor.u32 $0x180, v29;
	v32 =	vld.idx.msk [tilespmem:v29+s12+$0x0], $0xffff  }
0x52: {  	v34 =	vld.idx.msk [tilespmem:v30+s12+$0x0], $0xffff;
	_ =	sdelay $0x1  }
0x53: {  	v35 =	vld.idx.msk [tilespmem:v31+s12+$0x0], $0xffff;
	_ =	sdelay $0x1  }
0x54: {  	v36 =	vld.idx.msk [tilespmem:v33+s12+$0x0], $0xffff  }
0x55: {  	v29 =	vld.idx.msk [tilespmem:v29+s13+$0x0], $0xffff  }
0x56: {  	v30 =	vld.idx.msk [tilespmem:v30+s13+$0x0], $0xffff  }
0x57: {  	v32 =	vld.idx.msk [tilespmem:v32+s2+$0x0], $0xffff  }
0x58: {  	v34 =	vld.idx.msk [tilespmem:v34+s2+$0x0], $0xffff  }
0x59: {  	v31 =	vld.idx.msk [tilespmem:v31+s13+$0x0], $0xffff  }
0x5a: {  	v35 =	vld.idx.msk [tilespmem:v35+s2+$0x0], $0xffff  }
0x5b: {  	v33 =	vld.idx.msk [tilespmem:v33+s13+$0x0], $0xffff  }
0x5c: {  	v36 =	vld.idx.msk [tilespmem:v36+s2+$0x0], $0xffff  }
0x5d: {  	v29 =	vmul.f32 v32, v29;
	v30 =	vmul.f32 v34, v30;
	_ =	sdelay $0x1  }
0x5e: {  	v29 =	vadd.f32 v30, v29;
	v30 =	vmul.f32 v35, v31;
	_ =	sdelay $0x1  }
0x5f: {  	v29 =	vadd.f32 v30, v29;
	v30 =	vmul.f32 v36, v33;
	_ =	sdelay $0x1  }
0x60: {  	v29 =	vadd.f32 v30, v29;
	_ =	sdelay $0x1  }
0x61: {  	[tilespmem:$0x1E000] =	vst v29  }
0x62: {  	v29 =	vld.idx.msk [tilespmem:v2+s14+$0x0], $0xffff;
	_ =	sdelay $0x4  }
0x63: {  	v30 =	vshll.u32 v29, $0x2  }
0x64: {  	v29 =	vand.u32 $0x7F, v29;
	v30 =	vand.u32 $0xFFFFFE00, v30  }
0x65: {  	v29 =	vor.u32 v29, v30  }
0x66: {  	v30 =	vor.u32 $0x80, v29;
	_ =	sdelay $0x1  }
0x67: {  	v31 =	vor.u32 $0x100, v29;
	_ =	sdelay $0x1  }
0x68: {  	v50 =	vor.u32 $0x180, v29;
	v49 =	vld.idx.msk [tilespmem:v29+s12+$0x0], $0xffff  }
0x69: {  	v51 =	vld.idx.msk [tilespmem:v30+s12+$0x0], $0xffff;
	_ =	sdelay $0x1  }
0x6a: {  	v52 =	vld.idx.msk [tilespmem:v31+s12+$0x0], $0xffff;
	_ =	sdelay $0x1  }
0x6b: {  	v53 =	vld.idx.msk [tilespmem:v50+s12+$0x0], $0xffff  }
0x6c: {  	v29 =	vld.idx.msk [tilespmem:v29+s13+$0x0], $0xffff  }
0x6d: {  	v30 =	vld.idx.msk [tilespmem:v30+s13+$0x0], $0xffff  }
0x6e: {  	v32 =	vld.idx.msk [tilespmem:v49+s2+$0x0], $0xffff  }
0x6f: {  	v34 =	vld.idx.msk [tilespmem:v51+s2+$0x0], $0xffff  }
0x70: {  	v31 =	vld.idx.msk [tilespmem:v31+s13+$0x0], $0xffff  }
0x71: {  	v35 =	vld.idx.msk [tilespmem:v52+s2+$0x0], $0xffff  }
0x72: {  	v33 =	vld.idx.msk [tilespmem:v50+s13+$0x0], $0xffff  }
0x73: {  	v36 =	vld.idx.msk [tilespmem:v53+s2+$0x0], $0xffff  }
0x74: {  	v29 =	vmul.f32 v32, v29;
	v30 =	vmul.f32 v34, v30;
	_ =	sdelay $0x1  }
0x75: {  	v29 =	vadd.f32 v30, v29;
	v30 =	vmul.f32 v35, v31;
	_ =	sdelay $0x1  }
0x76: {  	v29 =	vadd.f32 v30, v29;
	v30 =	vmul.f32 v36, v33;
	_ =	sdelay $0x1  }
0x77: {  	v29 =	vadd.f32 v30, v29;
	_ =	sdelay $0x1  }
0x78: {  	[tilespmem:$0x1E010] =	vst v29  }
0x79: {  	v29 =	vld.idx.msk [tilespmem:v3+s14+$0x0], $0xffff;
	_ =	sdelay $0x4  }
0x7a: {  	v30 =	vshll.u32 v29, $0x2  }
0x7b: {  	v29 =	vand.u32 $0x7F, v29;
	v30 =	vand.u32 $0xFFFFFE00, v30  }
0x7c: {  	v29 =	vor.u32 v29, v30  }
0x7d: {  	v30 =	vor.u32 $0x80, v29;
	_ =	sdelay $0x1  }
0x7e: {  	v31 =	vor.u32 $0x100, v29;
	_ =	sdelay $0x1  }
0x7f: {  	v55 =	vor.u32 $0x180, v29;
	v54 =	vld.idx.msk [tilespmem:v29+s12+$0x0], $0xffff  }
0x80: {  	v56 =	vld.idx.msk [tilespmem:v30+s12+$0x0], $0xffff;
	_ =	sdelay $0x1  }
0x81: {  	v57 =	vld.idx.msk [tilespmem:v31+s12+$0x0], $0xffff;
	_ =	sdelay $0x1  }
0x82: {  	v58 =	vld.idx.msk [tilespmem:v55+s12+$0x0], $0xffff  }
0x83: {  	v29 =	vld.idx.msk [tilespmem:v29+s13+$0x0], $0xffff  }
0x84: {  	v30 =	vld.idx.msk [tilespmem:v30+s13+$0x0], $0xffff  }
0x85: {  	v32 =	vld.idx.msk [tilespmem:v54+s2+$0x0], $0xffff  }
0x86: {  	v34 =	vld.idx.msk [tilespmem:v56+s2+$0x0], $0xffff  }
0x87: {  	v31 =	vld.idx.msk [tilespmem:v31+s13+$0x0], $0xffff  }
0x88: {  	v35 =	vld.idx.msk [tilespmem:v57+s2+$0x0], $0xffff  }
0x89: {  	v33 =	vld.idx.msk [tilespmem:v55+s13+$0x0], $0xffff  }
0x8a: {  	v36 =	vld.idx.msk [tilespmem:v58+s2+$0x0], $0xffff  }
0x8b: {  	v29 =	vmul.f32 v32, v29;
	v30 =	vmul.f32 v34, v30;
	_ =	sdelay $0x1  }
0x8c: {  	v29 =	vadd.f32 v30, v29;
	v30 =	vmul.f32 v35, v31;
	_ =	sdelay $0x1  }
0x8d: {  	v29 =	vadd.f32 v30, v29;
	v30 =	vmul.f32 v36, v33;
	_ =	sdelay $0x1  }
0x8e: {  	v29 =	vadd.f32 v30, v29;
	_ =	sdelay $0x1  }
0x8f: {  	[tilespmem:$0x1E020] =	vst v29  }
0x90: {  	v29 =	vld.idx.msk [tilespmem:v4+s14+$0x0], $0xffff;
	_ =	sdelay $0x4  }
0x91: {  	v30 =	vshll.u32 v29, $0x2  }
0x92: {  	v29 =	vand.u32 $0x7F, v29;
	v30 =	vand.u32 $0xFFFFFE00, v30  }
0x93: {  	v29 =	vor.u32 v29, v30  }
0x94: {  	v30 =	vor.u32 $0x80, v29;
	_ =	sdelay $0x1  }
0x95: {  	v31 =	vor.u32 $0x100, v29;
	_ =	sdelay $0x1  }
0x96: {  	v60 =	vor.u32 $0x180, v29;
	v59 =	vld.idx.msk [tilespmem:v29+s12+$0x0], $0xffff  }
0x97: {  	v61 =	vld.idx.msk [tilespmem:v30+s12+$0x0], $0xffff;
	_ =	sdelay $0x1  }
0x98: {  	v62 =	vld.idx.msk [tilespmem:v31+s12+$0x0], $0xffff;
	_ =	sdelay $0x1  }
0x99: {  	v63 =	vld.idx.msk [tilespmem:v60+s12+$0x0], $0xffff  }
0x9a: {  	v29 =	vld.idx.msk [tilespmem:v29+s13+$0x0], $0xffff  }
0x9b: {  	v30 =	vld.idx.msk [tilespmem:v30+s13+$0x0], $0xffff  }
0x9c: {  	v32 =	vld.idx.msk [tilespmem:v59+s2+$0x0], $0xffff  }
0x9d: {  	v34 =	vld.idx.msk [tilespmem:v61+s2+$0x0], $0xffff  }
0x9e: {  	v31 =	vld.idx.msk [tilespmem:v31+s13+$0x0], $0xffff  }
0x9f: {  	v35 =	vld.idx.msk [tilespmem:v62+s2+$0x0], $0xffff  }
0xa0: {  	v33 =	vld.idx.msk [tilespmem:v60+s13+$0x0], $0xffff  }
0xa1: {  	v36 =	vld.idx.msk [tilespmem:v63+s2+$0x0], $0xffff  }
0xa2: {  	v29 =	vmul.f32 v32, v29;
	v30 =	vmul.f32 v34, v30;
	_ =	sdelay $0x1  }
0xa3: {  	v29 =	vadd.f32 v30, v29;
	v30 =	vmul.f32 v35, v31;
	_ =	sdelay $0x1  }
0xa4: {  	v29 =	vadd.f32 v30, v29;
	v30 =	vmul.f32 v36, v33;
	_ =	sdelay $0x1  }
0xa5: {  	v29 =	vadd.f32 v30, v29;
	_ =	sdelay $0x1  }
0xa6: {  	[tilespmem:$0x1E030] =	vst v29  }
0xa7: {  	v29 =	vld.idx.msk [tilespmem:v5+s14+$0x0], $0xffff;
	_ =	sdelay $0x4  }
0xa8: {  	v30 =	vshll.u32 v29, $0x2  }
0xa9: {  	v29 =	vand.u32 $0x7F, v29;
	v30 =	vand.u32 $0xFFFFFE00, v30  }
0xaa: {  	v29 =	vor.u32 v29, v30  }
0xab: {  	v30 =	vor.u32 $0x80, v29;
	_ =	sdelay $0x1  }
0xac: {  	v31 =	vor.u32 $0x100, v29;
	_ =	sdelay $0x1  }
0xad: {  	v41 =	vor.u32 $0x180, v29;
	v40 =	vld.idx.msk [tilespmem:v29+s12+$0x0], $0xffff  }
0xae: {  	v42 =	vld.idx.msk [tilespmem:v30+s12+$0x0], $0xffff;
	_ =	sdelay $0x1  }
0xaf: {  	v43 =	vld.idx.msk [tilespmem:v31+s12+$0x0], $0xffff;
	_ =	sdelay $0x1  }
0xb0: {  	v44 =	vld.idx.msk [tilespmem:v41+s12+$0x0], $0xffff  }
0xb1: {  	v29 =	vld.idx.msk [tilespmem:v29+s13+$0x0], $0xffff  }
0xb2: {  	v30 =	vld.idx.msk [tilespmem:v30+s13+$0x0], $0xffff  }
0xb3: {  	v32 =	vld.idx.msk [tilespmem:v40+s2+$0x0], $0xffff  }
0xb4: {  	v34 =	vld.idx.msk [tilespmem:v42+s2+$0x0], $0xffff  }
0xb5: {  	v31 =	vld.idx.msk [tilespmem:v31+s13+$0x0], $0xffff  }
0xb6: {  	v35 =	vld.idx.msk [tilespmem:v43+s2+$0x0], $0xffff  }
0xb7: {  	v33 =	vld.idx.msk [tilespmem:v41+s13+$0x0], $0xffff  }
0xb8: {  	v36 =	vld.idx.msk [tilespmem:v44+s2+$0x0], $0xffff  }
0xb9: {  	v29 =	vmul.f32 v32, v29;
	v30 =	vmul.f32 v34, v30;
	_ =	sdelay $0x1  }
0xba: {  	v29 =	vadd.f32 v30, v29;
	v30 =	vmul.f32 v35, v31;
	_ =	sdelay $0x1  }
0xbb: {  	v29 =	vadd.f32 v30, v29;
	v30 =	vmul.f32 v36, v33;
	_ =	sdelay $0x1  }
0xbc: {  	v29 =	vadd.f32 v30, v29;
	_ =	sdelay $0x1  }
0xbd: {  	[tilespmem:$0x1E040] =	vst v29  }
0xbe: {  	v29 =	vld.idx.msk [tilespmem:v6+s14+$0x0], $0xffff;
	_ =	sdelay $0x4  }
0xbf: {  	v30 =	vshll.u32 v29, $0x2  }
0xc0: {  	v29 =	vand.u32 $0x7F, v29;
	v30 =	vand.u32 $0xFFFFFE00, v30  }
0xc1: {  	v29 =	vor.u32 v29, v30  }
0xc2: {  	v30 =	vor.u32 $0x80, v29;
	_ =	sdelay $0x1  }
0xc3: {  	v31 =	vor.u32 $0x100, v29;
	_ =	sdelay $0x1  }
0xc4: {  	v46 =	vor.u32 $0x180, v29;
	v45 =	vld.idx.msk [tilespmem:v29+s12+$0x0], $0xffff  }
0xc5: {  	v47 =	vld.idx.msk [tilespmem:v30+s12+$0x0], $0xffff;
	_ =	sdelay $0x1  }
0xc6: {  	v48 =	vld.idx.msk [tilespmem:v31+s12+$0x0], $0xffff;
	_ =	sdelay $0x1  }
0xc7: {  	v49 =	vld.idx.msk [tilespmem:v46+s12+$0x0], $0xffff  }
0xc8: {  	v29 =	vld.idx.msk [tilespmem:v29+s13+$0x0], $0xffff  }
0xc9: {  	v30 =	vld.idx.msk [tilespmem:v30+s13+$0x0], $0xffff  }
0xca: {  	v32 =	vld.idx.msk [tilespmem:v45+s2+$0x0], $0xffff  }
0xcb: {  	v34 =	vld.idx.msk [tilespmem:v47+s2+$0x0], $0xffff  }
0xcc: {  	v31 =	vld.idx.msk [tilespmem:v31+s13+$0x0], $0xffff  }
0xcd: {  	v35 =	vld.idx.msk [tilespmem:v48+s2+$0x0], $0xffff  }
0xce: {  	v33 =	vld.idx.msk [tilespmem:v46+s13+$0x0], $0xffff  }
0xcf: {  	v36 =	vld.idx.msk [tilespmem:v49+s2+$0x0], $0xffff  }
0xd0: {  	v29 =	vmul.f32 v32, v29;
	v30 =	vmul.f32 v34, v30;
	_ =	sdelay $0x1  }
0xd1: {  	v29 =	vadd.f32 v30, v29;
	v30 =	vmul.f32 v35, v31;
	_ =	sdelay $0x1  }
0xd2: {  	v29 =	vadd.f32 v30, v29;
	v30 =	vmul.f32 v36, v33;
	_ =	sdelay $0x1  }
0xd3: {  	v29 =	vadd.f32 v30, v29;
	_ =	sdelay $0x1  }
0xd4: {  	[tilespmem:$0x1E050] =	vst v29  }
0xd5: {  	v29 =	vld.idx.msk [tilespmem:v7+s14+$0x0], $0xffff;
	_ =	sdelay $0x4  }
0xd6: {  	v30 =	vshll.u32 v29, $0x2  }
0xd7: {  	v29 =	vand.u32 $0x7F, v29;
	v30 =	vand.u32 $0xFFFFFE00, v30  }
0xd8: {  	v29 =	vor.u32 v29, v30  }
0xd9: {  	v30 =	vor.u32 $0x80, v29;
	_ =	sdelay $0x1  }
0xda: {  	v31 =	vor.u32 $0x100, v29;
	_ =	sdelay $0x1  }
0xdb: {  	v51 =	vor.u32 $0x180, v29;
	v50 =	vld.idx.msk [tilespmem:v29+s12+$0x0], $0xffff  }
0xdc: {  	v52 =	vld.idx.msk [tilespmem:v30+s12+$0x0], $0xffff;
	_ =	sdelay $0x1  }
0xdd: {  	v53 =	vld.idx.msk [tilespmem:v31+s12+$0x0], $0xffff;
	_ =	sdelay $0x1  }
0xde: {  	v54 =	vld.idx.msk [tilespmem:v51+s12+$0x0], $0xffff  }
0xdf: {  	v29 =	vld.idx.msk [tilespmem:v29+s13+$0x0], $0xffff  }
0xe0: {  	v30 =	vld.idx.msk [tilespmem:v30+s13+$0x0], $0xffff  }
0xe1: {  	v32 =	vld.idx.msk [tilespmem:v50+s2+$0x0], $0xffff  }
0xe2: {  	v34 =	vld.idx.msk [tilespmem:v52+s2+$0x0], $0xffff  }
0xe3: {  	v31 =	vld.idx.msk [tilespmem:v31+s13+$0x0], $0xffff  }
0xe4: {  	v35 =	vld.idx.msk [tilespmem:v53+s2+$0x0], $0xffff  }
0xe5: {  	v33 =	vld.idx.msk [tilespmem:v51+s13+$0x0], $0xffff  }
0xe6: {  	v36 =	vld.idx.msk [tilespmem:v54+s2+$0x0], $0xffff  }
0xe7: {  	v29 =	vmul.f32 v32, v29;
	v30 =	vmul.f32 v34, v30;
	_ =	sdelay $0x1  }
0xe8: {  	v29 =	vadd.f32 v30, v29;
	v30 =	vmul.f32 v35, v31;
	_ =	sdelay $0x1  }
0xe9: {  	v29 =	vadd.f32 v30, v29;
	v30 =	vmul.f32 v36, v33;
	_ =	sdelay $0x1  }
0xea: {  	v29 =	vadd.f32 v30, v29;
	_ =	sdelay $0x1  }
0xeb: {  	[tilespmem:$0x1E060] =	vst v29  }
0xec: {  	v29 =	vld.idx.msk [tilespmem:v8+s14+$0x0], $0xffff;
	_ =	sdelay $0x4  }
0xed: {  	v30 =	vshll.u32 v29, $0x2  }
0xee: {  	v29 =	vand.u32 $0x7F, v29;
	v30 =	vand.u32 $0xFFFFFE00, v30  }
0xef: {  	v29 =	vor.u32 v29, v30  }
0xf0: {  	v30 =	vor.u32 $0x80, v29;
	_ =	sdelay $0x1  }
0xf1: {  	v31 =	vor.u32 $0x100, v29;
	_ =	sdelay $0x1  }
0xf2: {  	v56 =	vor.u32 $0x180, v29;
	v55 =	vld.idx.msk [tilespmem:v29+s12+$0x0], $0xffff  }
0xf3: {  	v57 =	vld.idx.msk [tilespmem:v30+s12+$0x0], $0xffff;
	_ =	sdelay $0x1  }
0xf4: {  	v58 =	vld.idx.msk [tilespmem:v31+s12+$0x0], $0xffff;
	_ =	sdelay $0x1  }
0xf5: {  	v59 =	vld.idx.msk [tilespmem:v56+s12+$0x0], $0xffff  }
0xf6: {  	v29 =	vld.idx.msk [tilespmem:v29+s13+$0x0], $0xffff  }
0xf7: {  	v30 =	vld.idx.msk [tilespmem:v30+s13+$0x0], $0xffff  }
0xf8: {  	v32 =	vld.idx.msk [tilespmem:v55+s2+$0x0], $0xffff  }
0xf9: {  	v34 =	vld.idx.msk [tilespmem:v57+s2+$0x0], $0xffff  }
0xfa: {  	v31 =	vld.idx.msk [tilespmem:v31+s13+$0x0], $0xffff  }
0xfb: {  	v35 =	vld.idx.msk [tilespmem:v58+s2+$0x0], $0xffff  }
0xfc: {  	v33 =	vld.idx.msk [tilespmem:v56+s13+$0x0], $0xffff  }
0xfd: {  	v36 =	vld.idx.msk [tilespmem:v59+s2+$0x0], $0xffff  }
0xfe: {  	v29 =	vmul.f32 v32, v29;
	v30 =	vmul.f32 v34, v30;
	_ =	sdelay $0x1  }
0xff: {  	v29 =	vadd.f32 v30, v29;
	v30 =	vmul.f32 v35, v31;
	_ =	sdelay $0x1  }
0x100: {  	v29 =	vadd.f32 v30, v29;
	v30 =	vmul.f32 v36, v33;
	_ =	sdelay $0x1  }
0x101: {  	v29 =	vadd.f32 v30, v29;
	_ =	sdelay $0x1  }
0x102: {  	[tilespmem:$0x1E070] =	vst v29  }
0x103: {  	v29 =	vld.idx.msk [tilespmem:v9+s14+$0x0], $0xffff;
	_ =	sdelay $0x4  }
0x104: {  	v30 =	vshll.u32 v29, $0x2  }
0x105: {  	v29 =	vand.u32 $0x7F, v29;
	v30 =	vand.u32 $0xFFFFFE00, v30  }
0x106: {  	v29 =	vor.u32 v29, v30  }
0x107: {  	v30 =	vor.u32 $0x80, v29;
	_ =	sdelay $0x1  }
0x108: {  	v31 =	vor.u32 $0x100, v29;
	_ =	sdelay $0x1  }
0x109: {  	v61 =	vor.u32 $0x180, v29;
	v60 =	vld.idx.msk [tilespmem:v29+s12+$0x0], $0xffff  }
0x10a: {  	v62 =	vld.idx.msk [tilespmem:v30+s12+$0x0], $0xffff;
	_ =	sdelay $0x1  }
0x10b: {  	v63 =	vld.idx.msk [tilespmem:v31+s12+$0x0], $0xffff;
	_ =	sdelay $0x1  }
0x10c: {  	v40 =	vld.idx.msk [tilespmem:v61+s12+$0x0], $0xffff  }
0x10d: {  	v29 =	vld.idx.msk [tilespmem:v29+s13+$0x0], $0xffff  }
0x10e: {  	v30 =	vld.idx.msk [tilespmem:v30+s13+$0x0], $0xffff  }
0x10f: {  	v32 =	vld.idx.msk [tilespmem:v60+s2+$0x0], $0xffff  }
0x110: {  	v34 =	vld.idx.msk [tilespmem:v62+s2+$0x0], $0xffff  }
0x111: {  	v31 =	vld.idx.msk [tilespmem:v31+s13+$0x0], $0xffff  }
0x112: {  	v35 =	vld.idx.msk [tilespmem:v63+s2+$0x0], $0xffff  }
0x113: {  	v33 =	vld.idx.msk [tilespmem:v61+s13+$0x0], $0xffff  }
0x114: {  	v36 =	vld.idx.msk [tilespmem:v40+s2+$0x0], $0xffff  }
0x115: {  	v29 =	vmul.f32 v32, v29;
	v30 =	vmul.f32 v34, v30;
	_ =	sdelay $0x1  }
0x116: {  	v29 =	vadd.f32 v30, v29;
	v30 =	vmul.f32 v35, v31;
	_ =	sdelay $0x1  }
0x117: {  	v29 =	vadd.f32 v30, v29;
	v30 =	vmul.f32 v36, v33;
	_ =	sdelay $0x1  }
0x118: {  	v29 =	vadd.f32 v30, v29;
	_ =	sdelay $0x1  }
0x119: {  	[tilespmem:$0x1E080] =	vst v29  }
0x11a: {  	v29 =	vld.idx.msk [tilespmem:v10+s14+$0x0], $0xffff;
	_ =	sdelay $0x4  }
0x11b: {  	v30 =	vshll.u32 v29, $0x2  }
0x11c: {  	v29 =	vand.u32 $0x7F, v29;
	v30 =	vand.u32 $0xFFFFFE00, v30  }
0x11d: {  	v29 =	vor.u32 v29, v30  }
0x11e: {  	v30 =	vor.u32 $0x80, v29;
	_ =	sdelay $0x1  }
0x11f: {  	v31 =	vor.u32 $0x100, v29;
	_ =	sdelay $0x1  }
0x120: {  	v42 =	vor.u32 $0x180, v29;
	v41 =	vld.idx.msk [tilespmem:v29+s12+$0x0], $0xffff  }
0x121: {  	v43 =	vld.idx.msk [tilespmem:v30+s12+$0x0], $0xffff;
	_ =	sdelay $0x1  }
0x122: {  	v44 =	vld.idx.msk [tilespmem:v31+s12+$0x0], $0xffff;
	_ =	sdelay $0x1  }
0x123: {  	v45 =	vld.idx.msk [tilespmem:v42+s12+$0x0], $0xffff  }
0x124: {  	v29 =	vld.idx.msk [tilespmem:v29+s13+$0x0], $0xffff  }
0x125: {  	v30 =	vld.idx.msk [tilespmem:v30+s13+$0x0], $0xffff  }
0x126: {  	v32 =	vld.idx.msk [tilespmem:v41+s2+$0x0], $0xffff  }
0x127: {  	v34 =	vld.idx.msk [tilespmem:v43+s2+$0x0], $0xffff  }
0x128: {  	v31 =	vld.idx.msk [tilespmem:v31+s13+$0x0], $0xffff  }
0x129: {  	v35 =	vld.idx.msk [tilespmem:v44+s2+$0x0], $0xffff  }
0x12a: {  	v33 =	vld.idx.msk [tilespmem:v42+s13+$0x0], $0xffff  }
0x12b: {  	v36 =	vld.idx.msk [tilespmem:v45+s2+$0x0], $0xffff  }
0x12c: {  	v29 =	vmul.f32 v32, v29;
	v30 =	vmul.f32 v34, v30;
	_ =	sdelay $0x1  }
0x12d: {  	v29 =	vadd.f32 v30, v29;
	v30 =	vmul.f32 v35, v31;
	_ =	sdelay $0x1  }
0x12e: {  	v29 =	vadd.f32 v30, v29;
	v30 =	vmul.f32 v36, v33;
	_ =	sdelay $0x1  }
0x12f: {  	v29 =	vadd.f32 v30, v29;
	_ =	sdelay $0x1  }
0x130: {  	[tilespmem:$0x1E090] =	vst v29  }
0x131: {  	v29 =	vld.idx.msk [tilespmem:v11+s14+$0x0], $0xffff;
	_ =	sdelay $0x4  }
0x132: {  	v30 =	vshll.u32 v29, $0x2  }
0x133: {  	v29 =	vand.u32 $0x7F, v29;
	v30 =	vand.u32 $0xFFFFFE00, v30  }
0x134: {  	v29 =	vor.u32 v29, v30  }
0x135: {  	v30 =	vor.u32 $0x80, v29;
	_ =	sdelay $0x1  }
0x136: {  	v31 =	vor.u32 $0x100, v29;
	_ =	sdelay $0x1  }
0x137: {  	v47 =	vor.u32 $0x180, v29;
	v46 =	vld.idx.msk [tilespmem:v29+s12+$0x0], $0xffff  }
0x138: {  	v48 =	vld.idx.msk [tilespmem:v30+s12+$0x0], $0xffff;
	_ =	sdelay $0x1  }
0x139: {  	v49 =	vld.idx.msk [tilespmem:v31+s12+$0x0], $0xffff;
	_ =	sdelay $0x1  }
0x13a: {  	v50 =	vld.idx.msk [tilespmem:v47+s12+$0x0], $0xffff  }
0x13b: {  	v29 =	vld.idx.msk [tilespmem:v29+s13+$0x0], $0xffff  }
0x13c: {  	v30 =	vld.idx.msk [tilespmem:v30+s13+$0x0], $0xffff  }
0x13d: {  	v32 =	vld.idx.msk [tilespmem:v46+s2+$0x0], $0xffff  }
0x13e: {  	v34 =	vld.idx.msk [tilespmem:v48+s2+$0x0], $0xffff  }
0x13f: {  	v31 =	vld.idx.msk [tilespmem:v31+s13+$0x0], $0xffff  }
0x140: {  	v35 =	vld.idx.msk [tilespmem:v49+s2+$0x0], $0xffff  }
0x141: {  	v33 =	vld.idx.msk [tilespmem:v47+s13+$0x0], $0xffff  }
0x142: {  	v36 =	vld.idx.msk [tilespmem:v50+s2+$0x0], $0xffff  }
0x143: {  	v29 =	vmul.f32 v32, v29;
	v30 =	vmul.f32 v34, v30;
	_ =	sdelay $0x1  }
0x144: {  	v29 =	vadd.f32 v30, v29;
	v30 =	vmul.f32 v35, v31;
	_ =	sdelay $0x1  }
0x145: {  	v29 =	vadd.f32 v30, v29;
	v30 =	vmul.f32 v36, v33;
	_ =	sdelay $0x1  }
0x146: {  	v29 =	vadd.f32 v30, v29;
	_ =	sdelay $0x1  }
0x147: {  	[tilespmem:$0x1E0A0] =	vst v29  }
0x148: {  	v29 =	vld.idx.msk [tilespmem:v12+s14+$0x0], $0xffff;
	_ =	sdelay $0x4  }
0x149: {  	v30 =	vshll.u32 v29, $0x2  }
0x14a: {  	v29 =	vand.u32 $0x7F, v29;
	v30 =	vand.u32 $0xFFFFFE00, v30  }
0x14b: {  	v29 =	vor.u32 v29, v30  }
0x14c: {  	v30 =	vor.u32 $0x80, v29;
	_ =	sdelay $0x1  }
0x14d: {  	v31 =	vor.u32 $0x100, v29;
	_ =	sdelay $0x1  }
0x14e: {  	v52 =	vor.u32 $0x180, v29;
	v51 =	vld.idx.msk [tilespmem:v29+s12+$0x0], $0xffff  }
0x14f: {  	v53 =	vld.idx.msk [tilespmem:v30+s12+$0x0], $0xffff;
	_ =	sdelay $0x1  }
0x150: {  	v54 =	vld.idx.msk [tilespmem:v31+s12+$0x0], $0xffff;
	_ =	sdelay $0x1  }
0x151: {  	v55 =	vld.idx.msk [tilespmem:v52+s12+$0x0], $0xffff  }
0x152: {  	v29 =	vld.idx.msk [tilespmem:v29+s13+$0x0], $0xffff  }
0x153: {  	v30 =	vld.idx.msk [tilespmem:v30+s13+$0x0], $0xffff  }
0x154: {  	v32 =	vld.idx.msk [tilespmem:v51+s2+$0x0], $0xffff  }
0x155: {  	v34 =	vld.idx.msk [tilespmem:v53+s2+$0x0], $0xffff  }
0x156: {  	v31 =	vld.idx.msk [tilespmem:v31+s13+$0x0], $0xffff  }
0x157: {  	v35 =	vld.idx.msk [tilespmem:v54+s2+$0x0], $0xffff  }
0x158: {  	v33 =	vld.idx.msk [tilespmem:v52+s13+$0x0], $0xffff  }
0x159: {  	v36 =	vld.idx.msk [tilespmem:v55+s2+$0x0], $0xffff  }
0x15a: {  	v29 =	vmul.f32 v32, v29;
	v30 =	vmul.f32 v34, v30;
	_ =	sdelay $0x1  }
0x15b: {  	v29 =	vadd.f32 v30, v29;
	v30 =	vmul.f32 v35, v31;
	_ =	sdelay $0x1  }
0x15c: {  	v29 =	vadd.f32 v30, v29;
	v30 =	vmul.f32 v36, v33;
	_ =	sdelay $0x1  }
0x15d: {  	v29 =	vadd.f32 v30, v29;
	_ =	sdelay $0x1  }
0x15e: {  	[tilespmem:$0x1E0B0] =	vst v29  }
0x15f: {  	v29 =	vld.idx.msk [tilespmem:v13+s14+$0x0], $0xffff;
	_ =	sdelay $0x4  }
0x160: {  	v30 =	vshll.u32 v29, $0x2  }
0x161: {  	v29 =	vand.u32 $0x7F, v29;
	v30 =	vand.u32 $0xFFFFFE00, v30  }
0x162: {  	v29 =	vor.u32 v29, v30  }
0x163: {  	v30 =	vor.u32 $0x80, v29;
	_ =	sdelay $0x1  }
0x164: {  	v31 =	vor.u32 $0x100, v29;
	_ =	sdelay $0x1  }
0x165: {  	v57 =	vor.u32 $0x180, v29;
	v56 =	vld.idx.msk [tilespmem:v29+s12+$0x0], $0xffff  }
0x166: {  	v58 =	vld.idx.msk [tilespmem:v30+s12+$0x0], $0xffff;
	_ =	sdelay $0x1  }
0x167: {  	v59 =	vld.idx.msk [tilespmem:v31+s12+$0x0], $0xffff;
	_ =	sdelay $0x1  }
0x168: {  	v60 =	vld.idx.msk [tilespmem:v57+s12+$0x0], $0xffff  }
0x169: {  	v29 =	vld.idx.msk [tilespmem:v29+s13+$0x0], $0xffff  }
0x16a: {  	v30 =	vld.idx.msk [tilespmem:v30+s13+$0x0], $0xffff  }
0x16b: {  	v32 =	vld.idx.msk [tilespmem:v56+s2+$0x0], $0xffff  }
0x16c: {  	v34 =	vld.idx.msk [tilespmem:v58+s2+$0x0], $0xffff  }
0x16d: {  	v31 =	vld.idx.msk [tilespmem:v31+s13+$0x0], $0xffff  }
0x16e: {  	v35 =	vld.idx.msk [tilespmem:v59+s2+$0x0], $0xffff  }
0x16f: {  	v33 =	vld.idx.msk [tilespmem:v57+s13+$0x0], $0xffff  }
0x170: {  	v36 =	vld.idx.msk [tilespmem:v60+s2+$0x0], $0xffff  }
0x171: {  	v29 =	vmul.f32 v32, v29;
	v30 =	vmul.f32 v34, v30;
	_ =	sdelay $0x1  }
0x172: {  	v29 =	vadd.f32 v30, v29;
	v30 =	vmul.f32 v35, v31;
	_ =	sdelay $0x1  }
0x173: {  	v29 =	vadd.f32 v30, v29;
	v30 =	vmul.f32 v36, v33;
	_ =	sdelay $0x1  }
0x174: {  	v29 =	vadd.f32 v30, v29;
	_ =	sdelay $0x1  }
0x175: {  	[tilespmem:$0x1E0C0] =	vst v29  }
0x176: {  	v29 =	vld.idx.msk [tilespmem:v14+s14+$0x0], $0xffff;
	_ =	sdelay $0x4  }
0x177: {  	v30 =	vshll.u32 v29, $0x2  }
0x178: {  	v29 =	vand.u32 $0x7F, v29;
	v30 =	vand.u32 $0xFFFFFE00, v30  }
0x179: {  	v29 =	vor.u32 v29, v30  }
0x17a: {  	v30 =	vor.u32 $0x80, v29;
	_ =	sdelay $0x1  }
0x17b: {  	v31 =	vor.u32 $0x100, v29;
	_ =	sdelay $0x1  }
0x17c: {  	v62 =	vor.u32 $0x180, v29;
	v61 =	vld.idx.msk [tilespmem:v29+s12+$0x0], $0xffff  }
0x17d: {  	v63 =	vld.idx.msk [tilespmem:v30+s12+$0x0], $0xffff;
	_ =	sdelay $0x1  }
0x17e: {  	v40 =	vld.idx.msk [tilespmem:v31+s12+$0x0], $0xffff;
	_ =	sdelay $0x1  }
0x17f: {  	v41 =	vld.idx.msk [tilespmem:v62+s12+$0x0], $0xffff  }
0x180: {  	v29 =	vld.idx.msk [tilespmem:v29+s13+$0x0], $0xffff  }
0x181: {  	v30 =	vld.idx.msk [tilespmem:v30+s13+$0x0], $0xffff  }
0x182: {  	v32 =	vld.idx.msk [tilespmem:v61+s2+$0x0], $0xffff  }
0x183: {  	v34 =	vld.idx.msk [tilespmem:v63+s2+$0x0], $0xffff  }
0x184: {  	v31 =	vld.idx.msk [tilespmem:v31+s13+$0x0], $0xffff  }
0x185: {  	v35 =	vld.idx.msk [tilespmem:v40+s2+$0x0], $0xffff  }
0x186: {  	v33 =	vld.idx.msk [tilespmem:v62+s13+$0x0], $0xffff  }
0x187: {  	v36 =	vld.idx.msk [tilespmem:v41+s2+$0x0], $0xffff  }
0x188: {  	v29 =	vmul.f32 v32, v29;
	v30 =	vmul.f32 v34, v30;
	_ =	sdelay $0x1  }
0x189: {  	v29 =	vadd.f32 v30, v29;
	v30 =	vmul.f32 v35, v31;
	_ =	sdelay $0x1  }
0x18a: {  	v29 =	vadd.f32 v30, v29;
	v30 =	vmul.f32 v36, v33;
	_ =	sdelay $0x1  }
0x18b: {  	v29 =	vadd.f32 v30, v29;
	_ =	sdelay $0x1  }
0x18c: {  	[tilespmem:$0x1E0D0] =	vst v29  }
0x18d: {  	v29 =	vld.idx.msk [tilespmem:v15+s14+$0x0], $0xffff;
	_ =	sdelay $0x4  }
0x18e: {  	v30 =	vshll.u32 v29, $0x2  }
0x18f: {  	v29 =	vand.u32 $0x7F, v29;
	v30 =	vand.u32 $0xFFFFFE00, v30  }
0x190: {  	v29 =	vor.u32 v29, v30  }
0x191: {  	v30 =	vor.u32 $0x80, v29;
	_ =	sdelay $0x1  }
0x192: {  	v31 =	vor.u32 $0x100, v29;
	_ =	sdelay $0x1  }
0x193: {  	v43 =	vor.u32 $0x180, v29;
	v42 =	vld.idx.msk [tilespmem:v29+s12+$0x0], $0xffff  }
0x194: {  	v44 =	vld.idx.msk [tilespmem:v30+s12+$0x0], $0xffff;
	_ =	sdelay $0x1  }
0x195: {  	v45 =	vld.idx.msk [tilespmem:v31+s12+$0x0], $0xffff;
	_ =	sdelay $0x1  }
0x196: {  	v46 =	vld.idx.msk [tilespmem:v43+s12+$0x0], $0xffff  }
0x197: {  	v29 =	vld.idx.msk [tilespmem:v29+s13+$0x0], $0xffff  }
0x198: {  	v30 =	vld.idx.msk [tilespmem:v30+s13+$0x0], $0xffff  }
0x199: {  	v32 =	vld.idx.msk [tilespmem:v42+s2+$0x0], $0xffff  }
0x19a: {  	v34 =	vld.idx.msk [tilespmem:v44+s2+$0x0], $0xffff  }
0x19b: {  	v31 =	vld.idx.msk [tilespmem:v31+s13+$0x0], $0xffff  }
0x19c: {  	v35 =	vld.idx.msk [tilespmem:v45+s2+$0x0], $0xffff  }
0x19d: {  	v33 =	vld.idx.msk [tilespmem:v43+s13+$0x0], $0xffff  }
0x19e: {  	v36 =	vld.idx.msk [tilespmem:v46+s2+$0x0], $0xffff  }
0x19f: {  	v29 =	vmul.f32 v32, v29;
	v30 =	vmul.f32 v34, v30;
	_ =	sdelay $0x1  }
0x1a0: {  	v29 =	vadd.f32 v30, v29;
	v30 =	vmul.f32 v35, v31;
	_ =	sdelay $0x1  }
0x1a1: {  	v29 =	vadd.f32 v30, v29;
	v30 =	vmul.f32 v36, v33;
	_ =	sdelay $0x1  }
0x1a2: {  	v29 =	vadd.f32 v30, v29;
	_ =	sdelay $0x1  }
0x1a3: {  	[tilespmem:$0x1E0E0] =	vst v29  }
0x1a4: {  	v29 =	vld.idx.msk [tilespmem:v16+s14+$0x0], $0xffff;
	_ =	sdelay $0x4  }
0x1a5: {  	v30 =	vshll.u32 v29, $0x2  }
0x1a6: {  	v29 =	vand.u32 $0x7F, v29;
	v30 =	vand.u32 $0xFFFFFE00, v30  }
0x1a7: {  	v29 =	vor.u32 v29, v30  }
0x1a8: {  	v30 =	vor.u32 $0x80, v29;
	_ =	sdelay $0x1  }
0x1a9: {  	v31 =	vor.u32 $0x100, v29;
	_ =	sdelay $0x1  }
0x1aa: {  	v48 =	vor.u32 $0x180, v29;
	v47 =	vld.idx.msk [tilespmem:v29+s12+$0x0], $0xffff  }
0x1ab: {  	v49 =	vld.idx.msk [tilespmem:v30+s12+$0x0], $0xffff;
	_ =	sdelay $0x1  }
0x1ac: {  	v50 =	vld.idx.msk [tilespmem:v31+s12+$0x0], $0xffff;
	_ =	sdelay $0x1  }
0x1ad: {  	v51 =	vld.idx.msk [tilespmem:v48+s12+$0x0], $0xffff  }
0x1ae: {  	v29 =	vld.idx.msk [tilespmem:v29+s13+$0x0], $0xffff  }
0x1af: {  	v30 =	vld.idx.msk [tilespmem:v30+s13+$0x0], $0xffff  }
0x1b0: {  	v32 =	vld.idx.msk [tilespmem:v47+s2+$0x0], $0xffff  }
0x1b1: {  	v34 =	vld.idx.msk [tilespmem:v49+s2+$0x0], $0xffff  }
0x1b2: {  	v31 =	vld.idx.msk [tilespmem:v31+s13+$0x0], $0xffff  }
0x1b3: {  	v35 =	vld.idx.msk [tilespmem:v50+s2+$0x0], $0xffff  }
0x1b4: {  	v33 =	vld.idx.msk [tilespmem:v48+s13+$0x0], $0xffff  }
0x1b5: {  	v36 =	vld.idx.msk [tilespmem:v51+s2+$0x0], $0xffff  }
0x1b6: {  	v29 =	vmul.f32 v32, v29;
	v30 =	vmul.f32 v34, v30;
	_ =	sdelay $0x1  }
0x1b7: {  	v29 =	vadd.f32 v30, v29;
	v30 =	vmul.f32 v35, v31;
	_ =	sdelay $0x1  }
0x1b8: {  	v29 =	vadd.f32 v30, v29;
	v30 =	vmul.f32 v36, v33;
	_ =	sdelay $0x1  }
0x1b9: {  	v29 =	vadd.f32 v30, v29;
	_ =	sdelay $0x1  }
0x1ba: {  	[tilespmem:$0x1E0F0] =	vst v29  }
0x1bb: {  	v29 =	vld.idx.msk [tilespmem:v17+s14+$0x0], $0xffff;
	_ =	sdelay $0x4  }
0x1bc: {  	v30 =	vshll.u32 v29, $0x2  }
0x1bd: {  	v29 =	vand.u32 $0x7F, v29;
	v30 =	vand.u32 $0xFFFFFE00, v30  }
0x1be: {  	v29 =	vor.u32 v29, v30  }
0x1bf: {  	v30 =	vor.u32 $0x80, v29;
	_ =	sdelay $0x1  }
0x1c0: {  	v31 =	vor.u32 $0x100, v29;
	_ =	sdelay $0x1  }
0x1c1: {  	v53 =	vor.u32 $0x180, v29;
	v52 =	vld.idx.msk [tilespmem:v29+s12+$0x0], $0xffff  }
0x1c2: {  	v54 =	vld.idx.msk [tilespmem:v30+s12+$0x0], $0xffff;
	_ =	sdelay $0x1  }
0x1c3: {  	v55 =	vld.idx.msk [tilespmem:v31+s12+$0x0], $0xffff;
	_ =	sdelay $0x1  }
0x1c4: {  	v56 =	vld.idx.msk [tilespmem:v53+s12+$0x0], $0xffff  }
0x1c5: {  	v29 =	vld.idx.msk [tilespmem:v29+s13+$0x0], $0xffff  }
0x1c6: {  	v30 =	vld.idx.msk [tilespmem:v30+s13+$0x0], $0xffff  }
0x1c7: {  	v32 =	vld.idx.msk [tilespmem:v52+s2+$0x0], $0xffff  }
0x1c8: {  	v34 =	vld.idx.msk [tilespmem:v54+s2+$0x0], $0xffff  }
0x1c9: {  	v31 =	vld.idx.msk [tilespmem:v31+s13+$0x0], $0xffff  }
0x1ca: {  	v35 =	vld.idx.msk [tilespmem:v55+s2+$0x0], $0xffff  }
0x1cb: {  	v33 =	vld.idx.msk [tilespmem:v53+s13+$0x0], $0xffff  }
0x1cc: {  	v36 =	vld.idx.msk [tilespmem:v56+s2+$0x0], $0xffff  }
0x1cd: {  	v29 =	vmul.f32 v32, v29;
	v30 =	vmul.f32 v34, v30;
	_ =	sdelay $0x1  }
0x1ce: {  	v29 =	vadd.f32 v30, v29;
	v30 =	vmul.f32 v35, v31;
	_ =	sdelay $0x1  }
0x1cf: {  	v29 =	vadd.f32 v30, v29;
	v30 =	vmul.f32 v36, v33;
	_ =	sdelay $0x1  }
0x1d0: {  	v29 =	vadd.f32 v30, v29;
	_ =	sdelay $0x1  }
0x1d1: {  	[tilespmem:$0x1E100] =	vst v29  }
0x1d2: {  	v29 =	vld.idx.msk [tilespmem:v18+s14+$0x0], $0xffff;
	_ =	sdelay $0x4  }
0x1d3: {  	v30 =	vshll.u32 v29, $0x2  }
0x1d4: {  	v29 =	vand.u32 $0x7F, v29;
	v30 =	vand.u32 $0xFFFFFE00, v30  }
0x1d5: {  	v29 =	vor.u32 v29, v30  }
0x1d6: {  	v30 =	vor.u32 $0x80, v29;
	_ =	sdelay $0x1  }
0x1d7: {  	v31 =	vor.u32 $0x100, v29;
	_ =	sdelay $0x1  }
0x1d8: {  	v58 =	vor.u32 $0x180, v29;
	v57 =	vld.idx.msk [tilespmem:v29+s12+$0x0], $0xffff  }
0x1d9: {  	v59 =	vld.idx.msk [tilespmem:v30+s12+$0x0], $0xffff;
	_ =	sdelay $0x1  }
0x1da: {  	v60 =	vld.idx.msk [tilespmem:v31+s12+$0x0], $0xffff;
	_ =	sdelay $0x1  }
0x1db: {  	v61 =	vld.idx.msk [tilespmem:v58+s12+$0x0], $0xffff  }
0x1dc: {  	v29 =	vld.idx.msk [tilespmem:v29+s13+$0x0], $0xffff  }
0x1dd: {  	v30 =	vld.idx.msk [tilespmem:v30+s13+$0x0], $0xffff  }
0x1de: {  	v32 =	vld.idx.msk [tilespmem:v57+s2+$0x0], $0xffff  }
0x1df: {  	v34 =	vld.idx.msk [tilespmem:v59+s2+$0x0], $0xffff  }
0x1e0: {  	v31 =	vld.idx.msk [tilespmem:v31+s13+$0x0], $0xffff  }
0x1e1: {  	v35 =	vld.idx.msk [tilespmem:v60+s2+$0x0], $0xffff  }
0x1e2: {  	v33 =	vld.idx.msk [tilespmem:v58+s13+$0x0], $0xffff  }
0x1e3: {  	v36 =	vld.idx.msk [tilespmem:v61+s2+$0x0], $0xffff  }
0x1e4: {  	v29 =	vmul.f32 v32, v29;
	v30 =	vmul.f32 v34, v30;
	_ =	sdelay $0x1  }
0x1e5: {  	v29 =	vadd.f32 v30, v29;
	v30 =	vmul.f32 v35, v31;
	_ =	sdelay $0x1  }
0x1e6: {  	v29 =	vadd.f32 v30, v29;
	v30 =	vmul.f32 v36, v33;
	_ =	sdelay $0x1  }
0x1e7: {  	v29 =	vadd.f32 v30, v29;
	_ =	sdelay $0x1  }
0x1e8: {  	[tilespmem:$0x1E110] =	vst v29  }
0x1e9: {  	v29 =	vld.idx.msk [tilespmem:v19+s14+$0x0], $0xffff;
	_ =	sdelay $0x4  }
0x1ea: {  	v30 =	vshll.u32 v29, $0x2  }
0x1eb: {  	v29 =	vand.u32 $0x7F, v29;
	v30 =	vand.u32 $0xFFFFFE00, v30  }
0x1ec: {  	v29 =	vor.u32 v29, v30  }
0x1ed: {  	v30 =	vor.u32 $0x80, v29;
	_ =	sdelay $0x1  }
0x1ee: {  	v31 =	vor.u32 $0x100, v29;
	_ =	sdelay $0x1  }
0x1ef: {  	v63 =	vor.u32 $0x180, v29;
	v62 =	vld.idx.msk [tilespmem:v29+s12+$0x0], $0xffff  }
0x1f0: {  	v40 =	vld.idx.msk [tilespmem:v30+s12+$0x0], $0xffff;
	_ =	sdelay $0x1  }
0x1f1: {  	v41 =	vld.idx.msk [tilespmem:v31+s12+$0x0], $0xffff;
	_ =	sdelay $0x1  }
0x1f2: {  	v42 =	vld.idx.msk [tilespmem:v63+s12+$0x0], $0xffff  }
0x1f3: {  	v29 =	vld.idx.msk [tilespmem:v29+s13+$0x0], $0xffff  }
0x1f4: {  	v30 =	vld.idx.msk [tilespmem:v30+s13+$0x0], $0xffff  }
0x1f5: {  	v32 =	vld.idx.msk [tilespmem:v62+s2+$0x0], $0xffff  }
0x1f6: {  	v34 =	vld.idx.msk [tilespmem:v40+s2+$0x0], $0xffff  }
0x1f7: {  	v31 =	vld.idx.msk [tilespmem:v31+s13+$0x0], $0xffff  }
0x1f8: {  	v35 =	vld.idx.msk [tilespmem:v41+s2+$0x0], $0xffff  }
0x1f9: {  	v33 =	vld.idx.msk [tilespmem:v63+s13+$0x0], $0xffff  }
0x1fa: {  	v36 =	vld.idx.msk [tilespmem:v42+s2+$0x0], $0xffff  }
0x1fb: {  	v29 =	vmul.f32 v32, v29;
	v30 =	vmul.f32 v34, v30;
	_ =	sdelay $0x1  }
0x1fc: {  	v29 =	vadd.f32 v30, v29;
	v30 =	vmul.f32 v35, v31;
	_ =	sdelay $0x1  }
0x1fd: {  	v29 =	vadd.f32 v30, v29;
	v30 =	vmul.f32 v36, v33;
	_ =	sdelay $0x1  }
0x1fe: {  	v29 =	vadd.f32 v30, v29;
	_ =	sdelay $0x1  }
0x1ff: {  	[tilespmem:$0x1E120] =	vst v29  }
0x200: {  	v29 =	vld.idx.msk [tilespmem:v20+s14+$0x0], $0xffff;
	_ =	sdelay $0x4  }
0x201: {  	v30 =	vshll.u32 v29, $0x2  }
0x202: {  	v29 =	vand.u32 $0x7F, v29;
	v30 =	vand.u32 $0xFFFFFE00, v30  }
0x203: {  	v29 =	vor.u32 v29, v30  }
0x204: {  	v30 =	vor.u32 $0x80, v29;
	_ =	sdelay $0x1  }
0x205: {  	v31 =	vor.u32 $0x100, v29;
	_ =	sdelay $0x1  }
0x206: {  	v44 =	vor.u32 $0x180, v29;
	v43 =	vld.idx.msk [tilespmem:v29+s12+$0x0], $0xffff  }
0x207: {  	v45 =	vld.idx.msk [tilespmem:v30+s12+$0x0], $0xffff;
	_ =	sdelay $0x1  }
0x208: {  	v46 =	vld.idx.msk [tilespmem:v31+s12+$0x0], $0xffff;
	_ =	sdelay $0x1  }
0x209: {  	v47 =	vld.idx.msk [tilespmem:v44+s12+$0x0], $0xffff  }
0x20a: {  	v29 =	vld.idx.msk [tilespmem:v29+s13+$0x0], $0xffff  }
0x20b: {  	v30 =	vld.idx.msk [tilespmem:v30+s13+$0x0], $0xffff  }
0x20c: {  	v32 =	vld.idx.msk [tilespmem:v43+s2+$0x0], $0xffff  }
0x20d: {  	v34 =	vld.idx.msk [tilespmem:v45+s2+$0x0], $0xffff  }
0x20e: {  	v31 =	vld.idx.msk [tilespmem:v31+s13+$0x0], $0xffff  }
0x20f: {  	v35 =	vld.idx.msk [tilespmem:v46+s2+$0x0], $0xffff  }
0x210: {  	v33 =	vld.idx.msk [tilespmem:v44+s13+$0x0], $0xffff  }
0x211: {  	v36 =	vld.idx.msk [tilespmem:v47+s2+$0x0], $0xffff  }
0x212: {  	v29 =	vmul.f32 v32, v29;
	v30 =	vmul.f32 v34, v30;
	_ =	sdelay $0x1  }
0x213: {  	v29 =	vadd.f32 v30, v29;
	v30 =	vmul.f32 v35, v31;
	_ =	sdelay $0x1  }
0x214: {  	v29 =	vadd.f32 v30, v29;
	v30 =	vmul.f32 v36, v33;
	_ =	sdelay $0x1  }
0x215: {  	v29 =	vadd.f32 v30, v29;
	_ =	sdelay $0x1  }
0x216: {  	[tilespmem:$0x1E130] =	vst v29  }
0x217: {  	v29 =	vld.idx.msk [tilespmem:v21+s14+$0x0], $0xffff;
	_ =	sdelay $0x4  }
0x218: {  	v30 =	vshll.u32 v29, $0x2  }
0x219: {  	v29 =	vand.u32 $0x7F, v29;
	v30 =	vand.u32 $0xFFFFFE00, v30  }
0x21a: {  	v29 =	vor.u32 v29, v30  }
0x21b: {  	v30 =	vor.u32 $0x80, v29;
	_ =	sdelay $0x1  }
0x21c: {  	v31 =	vor.u32 $0x100, v29;
	_ =	sdelay $0x1  }
0x21d: {  	v49 =	vor.u32 $0x180, v29;
	v48 =	vld.idx.msk [tilespmem:v29+s12+$0x0], $0xffff  }
0x21e: {  	v50 =	vld.idx.msk [tilespmem:v30+s12+$0x0], $0xffff;
	_ =	sdelay $0x1  }
0x21f: {  	v51 =	vld.idx.msk [tilespmem:v31+s12+$0x0], $0xffff;
	_ =	sdelay $0x1  }
0x220: {  	v52 =	vld.idx.msk [tilespmem:v49+s12+$0x0], $0xffff  }
0x221: {  	v29 =	vld.idx.msk [tilespmem:v29+s13+$0x0], $0xffff  }
0x222: {  	v30 =	vld.idx.msk [tilespmem:v30+s13+$0x0], $0xffff  }
0x223: {  	v32 =	vld.idx.msk [tilespmem:v48+s2+$0x0], $0xffff  }
0x224: {  	v34 =	vld.idx.msk [tilespmem:v50+s2+$0x0], $0xffff  }
0x225: {  	v31 =	vld.idx.msk [tilespmem:v31+s13+$0x0], $0xffff  }
0x226: {  	v35 =	vld.idx.msk [tilespmem:v51+s2+$0x0], $0xffff  }
0x227: {  	v33 =	vld.idx.msk [tilespmem:v49+s13+$0x0], $0xffff  }
0x228: {  	v36 =	vld.idx.msk [tilespmem:v52+s2+$0x0], $0xffff  }
0x229: {  	v29 =	vmul.f32 v32, v29;
	v30 =	vmul.f32 v34, v30;
	_ =	sdelay $0x1  }
0x22a: {  	v29 =	vadd.f32 v30, v29;
	v30 =	vmul.f32 v35, v31;
	_ =	sdelay $0x1  }
0x22b: {  	v29 =	vadd.f32 v30, v29;
	v30 =	vmul.f32 v36, v33;
	_ =	sdelay $0x1  }
0x22c: {  	v29 =	vadd.f32 v30, v29;
	_ =	sdelay $0x1  }
0x22d: {  	[tilespmem:$0x1E140] =	vst v29  }
0x22e: {  	v29 =	vld.idx.msk [tilespmem:v22+s14+$0x0], $0xffff;
	_ =	sdelay $0x4  }
0x22f: {  	v30 =	vshll.u32 v29, $0x2  }
0x230: {  	v29 =	vand.u32 $0x7F, v29;
	v30 =	vand.u32 $0xFFFFFE00, v30  }
0x231: {  	v29 =	vor.u32 v29, v30  }
0x232: {  	v30 =	vor.u32 $0x80, v29;
	_ =	sdelay $0x1  }
0x233: {  	v31 =	vor.u32 $0x100, v29;
	_ =	sdelay $0x1  }
0x234: {  	v54 =	vor.u32 $0x180, v29;
	v53 =	vld.idx.msk [tilespmem:v29+s12+$0x0], $0xffff  }
0x235: {  	v55 =	vld.idx.msk [tilespmem:v30+s12+$0x0], $0xffff;
	_ =	sdelay $0x1  }
0x236: {  	v56 =	vld.idx.msk [tilespmem:v31+s12+$0x0], $0xffff;
	_ =	sdelay $0x1  }
0x237: {  	v57 =	vld.idx.msk [tilespmem:v54+s12+$0x0], $0xffff  }
0x238: {  	v29 =	vld.idx.msk [tilespmem:v29+s13+$0x0], $0xffff  }
0x239: {  	v30 =	vld.idx.msk [tilespmem:v30+s13+$0x0], $0xffff  }
0x23a: {  	v32 =	vld.idx.msk [tilespmem:v53+s2+$0x0], $0xffff  }
0x23b: {  	v34 =	vld.idx.msk [tilespmem:v55+s2+$0x0], $0xffff  }
0x23c: {  	v31 =	vld.idx.msk [tilespmem:v31+s13+$0x0], $0xffff  }
0x23d: {  	v35 =	vld.idx.msk [tilespmem:v56+s2+$0x0], $0xffff  }
0x23e: {  	v33 =	vld.idx.msk [tilespmem:v54+s13+$0x0], $0xffff  }
0x23f: {  	v36 =	vld.idx.msk [tilespmem:v57+s2+$0x0], $0xffff  }
0x240: {  	v29 =	vmul.f32 v32, v29;
	v30 =	vmul.f32 v34, v30;
	_ =	sdelay $0x1  }
0x241: {  	v29 =	vadd.f32 v30, v29;
	v30 =	vmul.f32 v35, v31;
	_ =	sdelay $0x1  }
0x242: {  	v29 =	vadd.f32 v30, v29;
	v30 =	vmul.f32 v36, v33;
	_ =	sdelay $0x1  }
0x243: {  	v29 =	vadd.f32 v30, v29;
	_ =	sdelay $0x1  }
0x244: {  	[tilespmem:$0x1E150] =	vst v29  }
0x245: {  	v29 =	vld.idx.msk [tilespmem:v23+s14+$0x0], $0xffff;
	_ =	sdelay $0x4  }
0x246: {  	v30 =	vshll.u32 v29, $0x2  }
0x247: {  	v29 =	vand.u32 $0x7F, v29;
	v30 =	vand.u32 $0xFFFFFE00, v30  }
0x248: {  	v29 =	vor.u32 v29, v30  }
0x249: {  	v30 =	vor.u32 $0x80, v29;
	_ =	sdelay $0x1  }
0x24a: {  	v31 =	vor.u32 $0x100, v29;
	_ =	sdelay $0x1  }
0x24b: {  	v59 =	vor.u32 $0x180, v29;
	v58 =	vld.idx.msk [tilespmem:v29+s12+$0x0], $0xffff  }
0x24c: {  	v60 =	vld.idx.msk [tilespmem:v30+s12+$0x0], $0xffff;
	_ =	sdelay $0x1  }
0x24d: {  	v61 =	vld.idx.msk [tilespmem:v31+s12+$0x0], $0xffff;
	_ =	sdelay $0x1  }
0x24e: {  	v62 =	vld.idx.msk [tilespmem:v59+s12+$0x0], $0xffff  }
0x24f: {  	v29 =	vld.idx.msk [tilespmem:v29+s13+$0x0], $0xffff  }
0x250: {  	v30 =	vld.idx.msk [tilespmem:v30+s13+$0x0], $0xffff  }
0x251: {  	v32 =	vld.idx.msk [tilespmem:v58+s2+$0x0], $0xffff  }
0x252: {  	v34 =	vld.idx.msk [tilespmem:v60+s2+$0x0], $0xffff  }
0x253: {  	v31 =	vld.idx.msk [tilespmem:v31+s13+$0x0], $0xffff  }
0x254: {  	v35 =	vld.idx.msk [tilespmem:v61+s2+$0x0], $0xffff  }
0x255: {  	v33 =	vld.idx.msk [tilespmem:v59+s13+$0x0], $0xffff  }
0x256: {  	v36 =	vld.idx.msk [tilespmem:v62+s2+$0x0], $0xffff  }
0x257: {  	v29 =	vmul.f32 v32, v29;
	v30 =	vmul.f32 v34, v30;
	_ =	sdelay $0x1  }
0x258: {  	v29 =	vadd.f32 v30, v29;
	v30 =	vmul.f32 v35, v31;
	_ =	sdelay $0x1  }
0x259: {  	v29 =	vadd.f32 v30, v29;
	v30 =	vmul.f32 v36, v33;
	_ =	sdelay $0x1  }
0x25a: {  	v29 =	vadd.f32 v30, v29;
	_ =	sdelay $0x1  }
0x25b: {  	[tilespmem:$0x1E160] =	vst v29  }
0x25c: {  	v29 =	vld.idx.msk [tilespmem:v24+s14+$0x0], $0xffff;
	_ =	sdelay $0x4  }
0x25d: {  	v30 =	vshll.u32 v29, $0x2  }
0x25e: {  	v29 =	vand.u32 $0x7F, v29;
	v30 =	vand.u32 $0xFFFFFE00, v30  }
0x25f: {  	v29 =	vor.u32 v29, v30  }
0x260: {  	v30 =	vor.u32 $0x80, v29;
	_ =	sdelay $0x1  }
0x261: {  	v31 =	vor.u32 $0x100, v29;
	_ =	sdelay $0x1  }
0x262: {  	v40 =	vor.u32 $0x180, v29;
	v63 =	vld.idx.msk [tilespmem:v29+s12+$0x0], $0xffff  }
0x263: {  	v41 =	vld.idx.msk [tilespmem:v30+s12+$0x0], $0xffff;
	_ =	sdelay $0x1  }
0x264: {  	v42 =	vld.idx.msk [tilespmem:v31+s12+$0x0], $0xffff;
	_ =	sdelay $0x1  }
0x265: {  	v43 =	vld.idx.msk [tilespmem:v40+s12+$0x0], $0xffff  }
0x266: {  	v29 =	vld.idx.msk [tilespmem:v29+s13+$0x0], $0xffff  }
0x267: {  	v30 =	vld.idx.msk [tilespmem:v30+s13+$0x0], $0xffff  }
0x268: {  	v32 =	vld.idx.msk [tilespmem:v63+s2+$0x0], $0xffff  }
0x269: {  	v34 =	vld.idx.msk [tilespmem:v41+s2+$0x0], $0xffff  }
0x26a: {  	v31 =	vld.idx.msk [tilespmem:v31+s13+$0x0], $0xffff  }
0x26b: {  	v35 =	vld.idx.msk [tilespmem:v42+s2+$0x0], $0xffff  }
0x26c: {  	v33 =	vld.idx.msk [tilespmem:v40+s13+$0x0], $0xffff  }
0x26d: {  	v36 =	vld.idx.msk [tilespmem:v43+s2+$0x0], $0xffff  }
0x26e: {  	v29 =	vmul.f32 v32, v29;
	v30 =	vmul.f32 v34, v30;
	_ =	sdelay $0x1  }
0x26f: {  	v29 =	vadd.f32 v30, v29;
	v30 =	vmul.f32 v35, v31;
	_ =	sdelay $0x1  }
0x270: {  	v29 =	vadd.f32 v30, v29;
	v30 =	vmul.f32 v36, v33;
	_ =	sdelay $0x1  }
0x271: {  	v29 =	vadd.f32 v30, v29;
	_ =	sdelay $0x1  }
0x272: {  	[tilespmem:$0x1E170] =	vst v29  }
0x273: {  	v29 =	vld.idx.msk [tilespmem:v25+s14+$0x0], $0xffff;
	_ =	sdelay $0x4  }
0x274: {  	v30 =	vshll.u32 v29, $0x2  }
0x275: {  	v29 =	vand.u32 $0x7F, v29;
	v30 =	vand.u32 $0xFFFFFE00, v30  }
0x276: {  	v29 =	vor.u32 v29, v30  }
0x277: {  	v30 =	vor.u32 $0x80, v29;
	_ =	sdelay $0x1  }
0x278: {  	v31 =	vor.u32 $0x100, v29;
	_ =	sdelay $0x1  }
0x279: {  	v45 =	vor.u32 $0x180, v29;
	v44 =	vld.idx.msk [tilespmem:v29+s12+$0x0], $0xffff  }
0x27a: {  	v46 =	vld.idx.msk [tilespmem:v30+s12+$0x0], $0xffff;
	_ =	sdelay $0x1  }
0x27b: {  	v47 =	vld.idx.msk [tilespmem:v31+s12+$0x0], $0xffff;
	_ =	sdelay $0x1  }
0x27c: {  	v48 =	vld.idx.msk [tilespmem:v45+s12+$0x0], $0xffff  }
0x27d: {  	v29 =	vld.idx.msk [tilespmem:v29+s13+$0x0], $0xffff  }
0x27e: {  	v30 =	vld.idx.msk [tilespmem:v30+s13+$0x0], $0xffff  }
0x27f: {  	v32 =	vld.idx.msk [tilespmem:v44+s2+$0x0], $0xffff  }
0x280: {  	v34 =	vld.idx.msk [tilespmem:v46+s2+$0x0], $0xffff  }
0x281: {  	v31 =	vld.idx.msk [tilespmem:v31+s13+$0x0], $0xffff  }
0x282: {  	v35 =	vld.idx.msk [tilespmem:v47+s2+$0x0], $0xffff  }
0x283: {  	v33 =	vld.idx.msk [tilespmem:v45+s13+$0x0], $0xffff  }
0x284: {  	v36 =	vld.idx.msk [tilespmem:v48+s2+$0x0], $0xffff  }
0x285: {  	v29 =	vmul.f32 v32, v29;
	v30 =	vmul.f32 v34, v30;
	_ =	sdelay $0x1  }
0x286: {  	v29 =	vadd.f32 v30, v29;
	v30 =	vmul.f32 v35, v31;
	_ =	sdelay $0x1  }
0x287: {  	v29 =	vadd.f32 v30, v29;
	v30 =	vmul.f32 v36, v33;
	_ =	sdelay $0x1  }
0x288: {  	v29 =	vadd.f32 v30, v29;
	_ =	sdelay $0x1  }
0x289: {  	[tilespmem:$0x1E180] =	vst v29  }
0x28a: {  	v29 =	vld.idx.msk [tilespmem:v26+s14+$0x0], $0xffff;
	_ =	sdelay $0x4  }
0x28b: {  	v30 =	vshll.u32 v29, $0x2  }
0x28c: {  	v29 =	vand.u32 $0x7F, v29;
	v30 =	vand.u32 $0xFFFFFE00, v30  }
0x28d: {  	v29 =	vor.u32 v29, v30  }
0x28e: {  	v30 =	vor.u32 $0x80, v29;
	_ =	sdelay $0x1  }
0x28f: {  	v31 =	vor.u32 $0x100, v29;
	_ =	sdelay $0x1  }
0x290: {  	v50 =	vor.u32 $0x180, v29;
	v49 =	vld.idx.msk [tilespmem:v29+s12+$0x0], $0xffff  }
0x291: {  	v51 =	vld.idx.msk [tilespmem:v30+s12+$0x0], $0xffff;
	_ =	sdelay $0x1  }
0x292: {  	v52 =	vld.idx.msk [tilespmem:v31+s12+$0x0], $0xffff;
	_ =	sdelay $0x1  }
0x293: {  	v53 =	vld.idx.msk [tilespmem:v50+s12+$0x0], $0xffff  }
0x294: {  	v29 =	vld.idx.msk [tilespmem:v29+s13+$0x0], $0xffff  }
0x295: {  	v30 =	vld.idx.msk [tilespmem:v30+s13+$0x0], $0xffff  }
0x296: {  	v32 =	vld.idx.msk [tilespmem:v49+s2+$0x0], $0xffff  }
0x297: {  	v34 =	vld.idx.msk [tilespmem:v51+s2+$0x0], $0xffff  }
0x298: {  	v31 =	vld.idx.msk [tilespmem:v31+s13+$0x0], $0xffff  }
0x299: {  	v35 =	vld.idx.msk [tilespmem:v52+s2+$0x0], $0xffff  }
0x29a: {  	v33 =	vld.idx.msk [tilespmem:v50+s13+$0x0], $0xffff  }
0x29b: {  	v36 =	vld.idx.msk [tilespmem:v53+s2+$0x0], $0xffff  }
0x29c: {  	v29 =	vmul.f32 v32, v29;
	v30 =	vmul.f32 v34, v30;
	_ =	sdelay $0x1  }
0x29d: {  	v29 =	vadd.f32 v30, v29;
	v30 =	vmul.f32 v35, v31;
	_ =	sdelay $0x1  }
0x29e: {  	v29 =	vadd.f32 v30, v29;
	v30 =	vmul.f32 v36, v33;
	_ =	sdelay $0x1  }
0x29f: {  	v29 =	vadd.f32 v30, v29;
	_ =	sdelay $0x1  }
0x2a0: {  	[tilespmem:$0x1E190] =	vst v29  }
0x2a1: {  	v29 =	vld.idx.msk [tilespmem:v27+s14+$0x0], $0xffff;
	_ =	sdelay $0x4  }
0x2a2: {  	v30 =	vshll.u32 v29, $0x2  }
0x2a3: {  	v29 =	vand.u32 $0x7F, v29;
	v30 =	vand.u32 $0xFFFFFE00, v30  }
0x2a4: {  	v29 =	vor.u32 v29, v30  }
0x2a5: {  	v30 =	vor.u32 $0x80, v29;
	_ =	sdelay $0x1  }
0x2a6: {  	v31 =	vor.u32 $0x100, v29;
	_ =	sdelay $0x1  }
0x2a7: {  	v55 =	vor.u32 $0x180, v29;
	v54 =	vld.idx.msk [tilespmem:v29+s12+$0x0], $0xffff  }
0x2a8: {  	v56 =	vld.idx.msk [tilespmem:v30+s12+$0x0], $0xffff;
	_ =	sdelay $0x1  }
0x2a9: {  	v57 =	vld.idx.msk [tilespmem:v31+s12+$0x0], $0xffff;
	_ =	sdelay $0x1  }
0x2aa: {  	v58 =	vld.idx.msk [tilespmem:v55+s12+$0x0], $0xffff  }
0x2ab: {  	v29 =	vld.idx.msk [tilespmem:v29+s13+$0x0], $0xffff  }
0x2ac: {  	v30 =	vld.idx.msk [tilespmem:v30+s13+$0x0], $0xffff  }
0x2ad: {  	v32 =	vld.idx.msk [tilespmem:v54+s2+$0x0], $0xffff  }
0x2ae: {  	v34 =	vld.idx.msk [tilespmem:v56+s2+$0x0], $0xffff  }
0x2af: {  	v31 =	vld.idx.msk [tilespmem:v31+s13+$0x0], $0xffff  }
0x2b0: {  	v35 =	vld.idx.msk [tilespmem:v57+s2+$0x0], $0xffff  }
0x2b1: {  	v33 =	vld.idx.msk [tilespmem:v55+s13+$0x0], $0xffff  }
0x2b2: {  	v36 =	vld.idx.msk [tilespmem:v58+s2+$0x0], $0xffff  }
0x2b3: {  	v29 =	vmul.f32 v32, v29;
	v30 =	vmul.f32 v34, v30;
	_ =	sdelay $0x1  }
0x2b4: {  	v29 =	vadd.f32 v30, v29;
	v30 =	vmul.f32 v35, v31;
	_ =	sdelay $0x1  }
0x2b5: {  	v29 =	vadd.f32 v30, v29;
	v30 =	vmul.f32 v36, v33;
	_ =	sdelay $0x1  }
0x2b6: {  	v29 =	vadd.f32 v30, v29;
	_ =	sdelay $0x1  }
0x2b7: {  	[tilespmem:$0x1E1A0] =	vst v29  }
0x2b8: {  	v29 =	vld.idx.msk [tilespmem:v28+s14+$0x0], $0xffff;
	_ =	sdelay $0x4  }
0x2b9: {  	v30 =	vshll.u32 v29, $0x2  }
0x2ba: {  	v29 =	vand.u32 $0x7F, v29;
	v30 =	vand.u32 $0xFFFFFE00, v30  }
0x2bb: {  	v29 =	vor.u32 v29, v30  }
0x2bc: {  	v30 =	vor.u32 $0x80, v29;
	_ =	sdelay $0x1  }
0x2bd: {  	v31 =	vor.u32 $0x100, v29;
	_ =	sdelay $0x1  }
0x2be: {  	v60 =	vor.u32 $0x180, v29;
	v59 =	vld.idx.msk [tilespmem:v29+s12+$0x0], $0xffff  }
0x2bf: {  	v61 =	vld.idx.msk [tilespmem:v30+s12+$0x0], $0xffff;
	_ =	sdelay $0x1  }
0x2c0: {  	v62 =	vld.idx.msk [tilespmem:v31+s12+$0x0], $0xffff;
	_ =	sdelay $0x1  }
0x2c1: {  	v63 =	vld.idx.msk [tilespmem:v60+s12+$0x0], $0xffff  }
0x2c2: {  	v29 =	vld.idx.msk [tilespmem:v29+s13+$0x0], $0xffff  }
0x2c3: {  	v30 =	vld.idx.msk [tilespmem:v30+s13+$0x0], $0xffff  }
0x2c4: {  	v32 =	vld.idx.msk [tilespmem:v59+s2+$0x0], $0xffff  }
0x2c5: {  	v34 =	vld.idx.msk [tilespmem:v61+s2+$0x0], $0xffff  }
0x2c6: {  	v31 =	vld.idx.msk [tilespmem:v31+s13+$0x0], $0xffff  }
0x2c7: {  	v35 =	vld.idx.msk [tilespmem:v62+s2+$0x0], $0xffff  }
0x2c8: {  	v33 =	vld.idx.msk [tilespmem:v60+s13+$0x0], $0xffff  }
0x2c9: {  	v36 =	vld.idx.msk [tilespmem:v63+s2+$0x0], $0xffff  }
0x2ca: {  	v29 =	vmul.f32 v32, v29;
	v30 =	vmul.f32 v34, v30;
	_ =	sdelay $0x1  }
0x2cb: {  	v29 =	vadd.f32 v30, v29;
	v30 =	vmul.f32 v35, v31;
	_ =	sdelay $0x1  }
.Ltmp4:
0x2cc: {  	v29 =	vadd.f32 v30, v29;
	v30 =	vmul.f32 v36, v33;
	(pc) =	sbr.rel .LBB2_3-.Ltmp4, $3  }
0x2cd: {  	_ = 	snop  }
0x2ce: {  	v29 =	vadd.f32 v30, v29;
	_ =	sdelay $0x1  }
0x2cf: {  	[tilespmem:$0x1E1B0] =	vst v29  }
.LBB2_4:
0x2d0: {  	[tilespmem:s16], [sflag:$0x1] =	stream.linear.gather [hbm4b:s8+s2], $0xC00, $0x38;
	[tilespmem:$0x1E600] =	vst v63  }
0x2d1: {  	_ =	swait.ge [sflag:s11], $0xC00  }
0x2d2: {  	[sflag:s11] =	ssyncset.done $0x0  }
0x2d3: {  	[sflag:s11] =	ssyncadd.s32 $0xFFFFF400  }
0x2d4: {  	[tilespmem:$0x1E200] =	vst v1  }
0x2d5: {  	[tilespmem:$0x1E210] =	vst v1  }
0x2d6: {  	[tilespmem:$0x1E220] =	vst v1  }
0x2d7: {  	[tilespmem:$0x1E230] =	vst v1  }
0x2d8: {  	[tilespmem:$0x1E240] =	vst v1  }
0x2d9: {  	[tilespmem:$0x1E250] =	vst v1  }
0x2da: {  	[tilespmem:$0x1E260] =	vst v1  }
0x2db: {  	[tilespmem:$0x1E270] =	vst v1  }
0x2dc: {  	[tilespmem:$0x1E280] =	vst v1  }
0x2dd: {  	[tilespmem:$0x1E290] =	vst v1  }
0x2de: {  	[tilespmem:$0x1E2A0] =	vst v1  }
0x2df: {  	[tilespmem:$0x1E2B0] =	vst v1  }
0x2e0: {  	[tilespmem:$0x1E2C0] =	vst v1  }
0x2e1: {  	[tilespmem:$0x1E2D0] =	vst v1  }
0x2e2: {  	[tilespmem:$0x1E2E0] =	vst v1  }
0x2e3: {  	[tilespmem:$0x1E2F0] =	vst v1  }
0x2e4: {  	[tilespmem:$0x1E300] =	vst v1  }
0x2e5: {  	[tilespmem:$0x1E310] =	vst v1  }
0x2e6: {  	[tilespmem:$0x1E320] =	vst v1  }
0x2e7: {  	[tilespmem:$0x1E330] =	vst v1  }
0x2e8: {  	[tilespmem:$0x1E340] =	vst v1  }
0x2e9: {  	[tilespmem:$0x1E350] =	vst v1  }
0x2ea: {  	[tilespmem:$0x1E360] =	vst v1  }
0x2eb: {  	[tilespmem:$0x1E370] =	vst v1  }
0x2ec: {  	[tilespmem:$0x1E380] =	vst v1  }
0x2ed: {  	[tilespmem:$0x1E390] =	vst v1  }
0x2ee: {  	[tilespmem:$0x1E3A0] =	vst v1  }
0x2ef: {  	[tilespmem:$0x1E3B0] =	vst v1  }
0x2f0: {  	[tilespmem:$0x1E3C0] =	vst v1  }
0x2f1: {  	[tilespmem:$0x1E3D0] =	vst v1  }
0x2f2: {  	[tilespmem:$0x1E3E0] =	vst v1  }
0x2f3: {  	[tilespmem:$0x1E3F0] =	vst v1  }
0x2f4: {  	[tilespmem:$0x1E400] =	vst v1  }
0x2f5: {  	[tilespmem:$0x1E410] =	vst v1  }
0x2f6: {  	[tilespmem:$0x1E420] =	vst v1  }
0x2f7: {  	[tilespmem:$0x1E430] =	vst v1  }
0x2f8: {  	[tilespmem:$0x1E440] =	vst v1  }
0x2f9: {  	[tilespmem:$0x1E450] =	vst v1  }
0x2fa: {  	[tilespmem:$0x1E460] =	vst v1  }
0x2fb: {  	[tilespmem:$0x1E470] =	vst v1  }
0x2fc: {  	[tilespmem:$0x1E480] =	vst v1  }
0x2fd: {  	[tilespmem:$0x1E490] =	vst v1  }
0x2fe: {  	[tilespmem:$0x1E4A0] =	vst v1  }
0x2ff: {  	[tilespmem:$0x1E4B0] =	vst v1  }
0x300: {  	[tilespmem:$0x1E4C0] =	vst v1  }
0x301: {  	[tilespmem:$0x1E4D0] =	vst v1  }
0x302: {  	[tilespmem:$0x1E4E0] =	vst v1  }
0x303: {  	[tilespmem:$0x1E4F0] =	vst v1  }
0x304: {  	[tilespmem:$0x1E500] =	vst v1  }
0x305: {  	[tilespmem:$0x1E510] =	vst v1  }
0x306: {  	[tilespmem:$0x1E520] =	vst v1  }
0x307: {  	[tilespmem:$0x1E530] =	vst v1  }
0x308: {  	[tilespmem:$0x1E540] =	vst v1  }
0x309: {  	[tilespmem:$0x1E550] =	vst v1  }
0x30a: {  	[tilespmem:$0x1E560] =	vst v1  }
0x30b: {  	[tilespmem:$0x1E570] =	vst v1  }
0x30c: {  	[tilespmem:$0x1E580] =	vst v1  }
0x30d: {  	[tilespmem:$0x1E590] =	vst v1  }
0x30e: {  	[tilespmem:$0x1E5A0] =	vst v1  }
0x30f: {  	[tilespmem:$0x1E5B0] =	vst v1  }
0x310: {  	[tilespmem:$0x1E5C0] =	vst v1  }
0x311: {  	[tilespmem:$0x1E5D0] =	vst v1  }
0x312: {  	[tilespmem:$0x1E5E0] =	vst v1  }
0x313: {  	[tilespmem:$0x1E5F0] =	vst v1  }
0x314: {  	v29 =	vld.idx.msk [tilespmem:v0+s14+$0x0], $0xffff;
	_ =	sdelay $0x4  }
0x315: {  	v30 =	vshll.u32 v29, $0x1  }
0x316: {  	v29 =	vand.u32 $0x7F, v29;
	v30 =	vand.u32 $0xFFFFFF00, v30  }
0x317: {  	v29 =	vor.u32 v29, v30;
	_ =	sdelay $0x4  }
0x318: {  	v30 =	vld.idx.msk [tilespmem:v29+s16+$0x0], $0xffff  }
0x319: {  	v29 =	vor.u32 $0x80, v29;
	_ =	sdelay $0x3  }
0x31a: {  	[tilespmem:$0x1E200] =	vst v30  }
0x31b: {  	v29 =	vld.idx.msk [tilespmem:v29+s16+$0x0], $0xffff;
	_ =	sdelay $0x4  }
0x31c: {  	[tilespmem:$0x1E400] =	vst v29  }
0x31d: {  	v29 =	vld.idx.msk [tilespmem:v2+s14+$0x0], $0xffff;
	_ =	sdelay $0x4  }
0x31e: {  	v30 =	vshll.u32 v29, $0x1  }
0x31f: {  	v29 =	vand.u32 $0x7F, v29;
	v30 =	vand.u32 $0xFFFFFF00, v30  }
0x320: {  	v29 =	vor.u32 v29, v30;
	_ =	sdelay $0x4  }
0x321: {  	v30 =	vld.idx.msk [tilespmem:v29+s16+$0x0], $0xffff  }
0x322: {  	v29 =	vor.u32 $0x80, v29;
	_ =	sdelay $0x3  }
0x323: {  	[tilespmem:$0x1E210] =	vst v30  }
0x324: {  	v29 =	vld.idx.msk [tilespmem:v29+s16+$0x0], $0xffff;
	_ =	sdelay $0x4  }
0x325: {  	[tilespmem:$0x1E410] =	vst v29  }
0x326: {  	v29 =	vld.idx.msk [tilespmem:v3+s14+$0x0], $0xffff;
	_ =	sdelay $0x4  }
0x327: {  	v30 =	vshll.u32 v29, $0x1  }
0x328: {  	v29 =	vand.u32 $0x7F, v29;
	v30 =	vand.u32 $0xFFFFFF00, v30  }
0x329: {  	v29 =	vor.u32 v29, v30;
	_ =	sdelay $0x4  }
0x32a: {  	v30 =	vld.idx.msk [tilespmem:v29+s16+$0x0], $0xffff  }
0x32b: {  	v29 =	vor.u32 $0x80, v29;
	_ =	sdelay $0x3  }
0x32c: {  	[tilespmem:$0x1E220] =	vst v30  }
0x32d: {  	v29 =	vld.idx.msk [tilespmem:v29+s16+$0x0], $0xffff;
	_ =	sdelay $0x4  }
0x32e: {  	[tilespmem:$0x1E420] =	vst v29  }
0x32f: {  	v29 =	vld.idx.msk [tilespmem:v4+s14+$0x0], $0xffff;
	_ =	sdelay $0x4  }
0x330: {  	v30 =	vshll.u32 v29, $0x1  }
0x331: {  	v29 =	vand.u32 $0x7F, v29;
	v30 =	vand.u32 $0xFFFFFF00, v30  }
0x332: {  	v29 =	vor.u32 v29, v30;
	_ =	sdelay $0x4  }
0x333: {  	v30 =	vld.idx.msk [tilespmem:v29+s16+$0x0], $0xffff  }
0x334: {  	v29 =	vor.u32 $0x80, v29;
	_ =	sdelay $0x3  }
0x335: {  	[tilespmem:$0x1E230] =	vst v30  }
0x336: {  	v29 =	vld.idx.msk [tilespmem:v29+s16+$0x0], $0xffff;
	_ =	sdelay $0x4  }
0x337: {  	[tilespmem:$0x1E430] =	vst v29  }
0x338: {  	v29 =	vld.idx.msk [tilespmem:v5+s14+$0x0], $0xffff;
	_ =	sdelay $0x4  }
0x339: {  	v30 =	vshll.u32 v29, $0x1  }
0x33a: {  	v29 =	vand.u32 $0x7F, v29;
	v30 =	vand.u32 $0xFFFFFF00, v30  }
0x33b: {  	v29 =	vor.u32 v29, v30;
	_ =	sdelay $0x4  }
0x33c: {  	v30 =	vld.idx.msk [tilespmem:v29+s16+$0x0], $0xffff  }
0x33d: {  	v29 =	vor.u32 $0x80, v29;
	_ =	sdelay $0x3  }
0x33e: {  	[tilespmem:$0x1E240] =	vst v30  }
0x33f: {  	v29 =	vld.idx.msk [tilespmem:v29+s16+$0x0], $0xffff;
	_ =	sdelay $0x4  }
0x340: {  	[tilespmem:$0x1E440] =	vst v29  }
0x341: {  	v29 =	vld.idx.msk [tilespmem:v6+s14+$0x0], $0xffff;
	_ =	sdelay $0x4  }
0x342: {  	v30 =	vshll.u32 v29, $0x1  }
0x343: {  	v29 =	vand.u32 $0x7F, v29;
	v30 =	vand.u32 $0xFFFFFF00, v30  }
0x344: {  	v29 =	vor.u32 v29, v30;
	_ =	sdelay $0x4  }
0x345: {  	v30 =	vld.idx.msk [tilespmem:v29+s16+$0x0], $0xffff  }
0x346: {  	v29 =	vor.u32 $0x80, v29;
	_ =	sdelay $0x3  }
0x347: {  	[tilespmem:$0x1E250] =	vst v30  }
0x348: {  	v29 =	vld.idx.msk [tilespmem:v29+s16+$0x0], $0xffff;
	_ =	sdelay $0x4  }
0x349: {  	[tilespmem:$0x1E450] =	vst v29  }
0x34a: {  	v29 =	vld.idx.msk [tilespmem:v7+s14+$0x0], $0xffff;
	_ =	sdelay $0x4  }
0x34b: {  	v30 =	vshll.u32 v29, $0x1  }
0x34c: {  	v29 =	vand.u32 $0x7F, v29;
	v30 =	vand.u32 $0xFFFFFF00, v30  }
0x34d: {  	v29 =	vor.u32 v29, v30;
	_ =	sdelay $0x4  }
0x34e: {  	v30 =	vld.idx.msk [tilespmem:v29+s16+$0x0], $0xffff  }
0x34f: {  	v29 =	vor.u32 $0x80, v29;
	_ =	sdelay $0x3  }
0x350: {  	[tilespmem:$0x1E260] =	vst v30  }
0x351: {  	v29 =	vld.idx.msk [tilespmem:v29+s16+$0x0], $0xffff;
	_ =	sdelay $0x4  }
0x352: {  	[tilespmem:$0x1E460] =	vst v29  }
0x353: {  	v29 =	vld.idx.msk [tilespmem:v8+s14+$0x0], $0xffff;
	_ =	sdelay $0x4  }
0x354: {  	v30 =	vshll.u32 v29, $0x1  }
0x355: {  	v29 =	vand.u32 $0x7F, v29;
	v30 =	vand.u32 $0xFFFFFF00, v30  }
0x356: {  	v29 =	vor.u32 v29, v30;
	_ =	sdelay $0x4  }
0x357: {  	v30 =	vld.idx.msk [tilespmem:v29+s16+$0x0], $0xffff  }
0x358: {  	v29 =	vor.u32 $0x80, v29;
	_ =	sdelay $0x3  }
0x359: {  	[tilespmem:$0x1E270] =	vst v30  }
0x35a: {  	v29 =	vld.idx.msk [tilespmem:v29+s16+$0x0], $0xffff;
	_ =	sdelay $0x4  }
0x35b: {  	[tilespmem:$0x1E470] =	vst v29  }
0x35c: {  	v29 =	vld.idx.msk [tilespmem:v9+s14+$0x0], $0xffff;
	_ =	sdelay $0x4  }
0x35d: {  	v30 =	vshll.u32 v29, $0x1  }
0x35e: {  	v29 =	vand.u32 $0x7F, v29;
	v30 =	vand.u32 $0xFFFFFF00, v30  }
0x35f: {  	v29 =	vor.u32 v29, v30;
	_ =	sdelay $0x4  }
0x360: {  	v30 =	vld.idx.msk [tilespmem:v29+s16+$0x0], $0xffff  }
0x361: {  	v29 =	vor.u32 $0x80, v29;
	_ =	sdelay $0x3  }
0x362: {  	[tilespmem:$0x1E280] =	vst v30  }
0x363: {  	v29 =	vld.idx.msk [tilespmem:v29+s16+$0x0], $0xffff;
	_ =	sdelay $0x4  }
0x364: {  	[tilespmem:$0x1E480] =	vst v29  }
0x365: {  	v29 =	vld.idx.msk [tilespmem:v10+s14+$0x0], $0xffff;
	_ =	sdelay $0x4  }
0x366: {  	v30 =	vshll.u32 v29, $0x1  }
0x367: {  	v29 =	vand.u32 $0x7F, v29;
	v30 =	vand.u32 $0xFFFFFF00, v30  }
0x368: {  	v29 =	vor.u32 v29, v30;
	_ =	sdelay $0x4  }
0x369: {  	v30 =	vld.idx.msk [tilespmem:v29+s16+$0x0], $0xffff  }
0x36a: {  	v29 =	vor.u32 $0x80, v29;
	_ =	sdelay $0x3  }
0x36b: {  	[tilespmem:$0x1E290] =	vst v30  }
0x36c: {  	v29 =	vld.idx.msk [tilespmem:v29+s16+$0x0], $0xffff;
	_ =	sdelay $0x4  }
0x36d: {  	[tilespmem:$0x1E490] =	vst v29  }
0x36e: {  	v29 =	vld.idx.msk [tilespmem:v11+s14+$0x0], $0xffff;
	_ =	sdelay $0x4  }
0x36f: {  	v30 =	vshll.u32 v29, $0x1  }
0x370: {  	v29 =	vand.u32 $0x7F, v29;
	v30 =	vand.u32 $0xFFFFFF00, v30  }
0x371: {  	v29 =	vor.u32 v29, v30;
	_ =	sdelay $0x4  }
0x372: {  	v30 =	vld.idx.msk [tilespmem:v29+s16+$0x0], $0xffff  }
0x373: {  	v29 =	vor.u32 $0x80, v29;
	_ =	sdelay $0x3  }
0x374: {  	[tilespmem:$0x1E2A0] =	vst v30  }
0x375: {  	v29 =	vld.idx.msk [tilespmem:v29+s16+$0x0], $0xffff;
	_ =	sdelay $0x4  }
0x376: {  	[tilespmem:$0x1E4A0] =	vst v29  }
0x377: {  	v29 =	vld.idx.msk [tilespmem:v12+s14+$0x0], $0xffff;
	_ =	sdelay $0x4  }
0x378: {  	v30 =	vshll.u32 v29, $0x1  }
0x379: {  	v29 =	vand.u32 $0x7F, v29;
	v30 =	vand.u32 $0xFFFFFF00, v30  }
0x37a: {  	v29 =	vor.u32 v29, v30;
	_ =	sdelay $0x4  }
0x37b: {  	v30 =	vld.idx.msk [tilespmem:v29+s16+$0x0], $0xffff  }
0x37c: {  	v29 =	vor.u32 $0x80, v29;
	_ =	sdelay $0x3  }
0x37d: {  	[tilespmem:$0x1E2B0] =	vst v30  }
0x37e: {  	v29 =	vld.idx.msk [tilespmem:v29+s16+$0x0], $0xffff;
	_ =	sdelay $0x4  }
0x37f: {  	[tilespmem:$0x1E4B0] =	vst v29  }
0x380: {  	v29 =	vld.idx.msk [tilespmem:v13+s14+$0x0], $0xffff;
	_ =	sdelay $0x4  }
0x381: {  	v30 =	vshll.u32 v29, $0x1  }
0x382: {  	v29 =	vand.u32 $0x7F, v29;
	v30 =	vand.u32 $0xFFFFFF00, v30  }
0x383: {  	v29 =	vor.u32 v29, v30;
	_ =	sdelay $0x4  }
0x384: {  	v30 =	vld.idx.msk [tilespmem:v29+s16+$0x0], $0xffff  }
0x385: {  	v29 =	vor.u32 $0x80, v29;
	_ =	sdelay $0x3  }
0x386: {  	[tilespmem:$0x1E2C0] =	vst v30  }
0x387: {  	v29 =	vld.idx.msk [tilespmem:v29+s16+$0x0], $0xffff;
	_ =	sdelay $0x4  }
0x388: {  	[tilespmem:$0x1E4C0] =	vst v29  }
0x389: {  	v29 =	vld.idx.msk [tilespmem:v14+s14+$0x0], $0xffff;
	_ =	sdelay $0x4  }
0x38a: {  	v30 =	vshll.u32 v29, $0x1  }
0x38b: {  	v29 =	vand.u32 $0x7F, v29;
	v30 =	vand.u32 $0xFFFFFF00, v30  }
0x38c: {  	v29 =	vor.u32 v29, v30;
	_ =	sdelay $0x4  }
0x38d: {  	v30 =	vld.idx.msk [tilespmem:v29+s16+$0x0], $0xffff  }
0x38e: {  	v29 =	vor.u32 $0x80, v29;
	_ =	sdelay $0x3  }
0x38f: {  	[tilespmem:$0x1E2D0] =	vst v30  }
0x390: {  	v29 =	vld.idx.msk [tilespmem:v29+s16+$0x0], $0xffff;
	_ =	sdelay $0x4  }
0x391: {  	[tilespmem:$0x1E4D0] =	vst v29  }
0x392: {  	v29 =	vld.idx.msk [tilespmem:v15+s14+$0x0], $0xffff;
	_ =	sdelay $0x4  }
0x393: {  	v30 =	vshll.u32 v29, $0x1  }
0x394: {  	v29 =	vand.u32 $0x7F, v29;
	v30 =	vand.u32 $0xFFFFFF00, v30  }
0x395: {  	v29 =	vor.u32 v29, v30;
	_ =	sdelay $0x4  }
0x396: {  	v30 =	vld.idx.msk [tilespmem:v29+s16+$0x0], $0xffff  }
0x397: {  	v29 =	vor.u32 $0x80, v29;
	_ =	sdelay $0x3  }
0x398: {  	[tilespmem:$0x1E2E0] =	vst v30  }
0x399: {  	v29 =	vld.idx.msk [tilespmem:v29+s16+$0x0], $0xffff;
	_ =	sdelay $0x4  }
0x39a: {  	[tilespmem:$0x1E4E0] =	vst v29  }
0x39b: {  	v29 =	vld.idx.msk [tilespmem:v16+s14+$0x0], $0xffff;
	_ =	sdelay $0x4  }
0x39c: {  	v30 =	vshll.u32 v29, $0x1  }
0x39d: {  	v29 =	vand.u32 $0x7F, v29;
	v30 =	vand.u32 $0xFFFFFF00, v30  }
0x39e: {  	v29 =	vor.u32 v29, v30;
	_ =	sdelay $0x4  }
0x39f: {  	v30 =	vld.idx.msk [tilespmem:v29+s16+$0x0], $0xffff  }
0x3a0: {  	v29 =	vor.u32 $0x80, v29;
	_ =	sdelay $0x3  }
0x3a1: {  	[tilespmem:$0x1E2F0] =	vst v30  }
0x3a2: {  	v29 =	vld.idx.msk [tilespmem:v29+s16+$0x0], $0xffff;
	_ =	sdelay $0x4  }
0x3a3: {  	[tilespmem:$0x1E4F0] =	vst v29  }
0x3a4: {  	v29 =	vld.idx.msk [tilespmem:v17+s14+$0x0], $0xffff;
	_ =	sdelay $0x4  }
0x3a5: {  	v30 =	vshll.u32 v29, $0x1  }
0x3a6: {  	v29 =	vand.u32 $0x7F, v29;
	v30 =	vand.u32 $0xFFFFFF00, v30  }
0x3a7: {  	v29 =	vor.u32 v29, v30;
	_ =	sdelay $0x4  }
0x3a8: {  	v30 =	vld.idx.msk [tilespmem:v29+s16+$0x0], $0xffff  }
0x3a9: {  	v29 =	vor.u32 $0x80, v29;
	_ =	sdelay $0x3  }
0x3aa: {  	[tilespmem:$0x1E300] =	vst v30  }
0x3ab: {  	v29 =	vld.idx.msk [tilespmem:v29+s16+$0x0], $0xffff;
	_ =	sdelay $0x4  }
0x3ac: {  	[tilespmem:$0x1E500] =	vst v29  }
0x3ad: {  	v29 =	vld.idx.msk [tilespmem:v18+s14+$0x0], $0xffff;
	_ =	sdelay $0x4  }
0x3ae: {  	v30 =	vshll.u32 v29, $0x1  }
0x3af: {  	v29 =	vand.u32 $0x7F, v29;
	v30 =	vand.u32 $0xFFFFFF00, v30  }
0x3b0: {  	v29 =	vor.u32 v29, v30;
	_ =	sdelay $0x4  }
0x3b1: {  	v30 =	vld.idx.msk [tilespmem:v29+s16+$0x0], $0xffff  }
0x3b2: {  	v29 =	vor.u32 $0x80, v29;
	_ =	sdelay $0x3  }
0x3b3: {  	[tilespmem:$0x1E310] =	vst v30  }
0x3b4: {  	v29 =	vld.idx.msk [tilespmem:v29+s16+$0x0], $0xffff;
	_ =	sdelay $0x4  }
0x3b5: {  	[tilespmem:$0x1E510] =	vst v29  }
0x3b6: {  	v29 =	vld.idx.msk [tilespmem:v19+s14+$0x0], $0xffff;
	_ =	sdelay $0x4  }
0x3b7: {  	v30 =	vshll.u32 v29, $0x1  }
0x3b8: {  	v29 =	vand.u32 $0x7F, v29;
	v30 =	vand.u32 $0xFFFFFF00, v30  }
0x3b9: {  	v29 =	vor.u32 v29, v30;
	_ =	sdelay $0x4  }
0x3ba: {  	v30 =	vld.idx.msk [tilespmem:v29+s16+$0x0], $0xffff  }
0x3bb: {  	v29 =	vor.u32 $0x80, v29;
	_ =	sdelay $0x3  }
0x3bc: {  	[tilespmem:$0x1E320] =	vst v30  }
0x3bd: {  	v29 =	vld.idx.msk [tilespmem:v29+s16+$0x0], $0xffff;
	_ =	sdelay $0x4  }
0x3be: {  	[tilespmem:$0x1E520] =	vst v29  }
0x3bf: {  	v29 =	vld.idx.msk [tilespmem:v20+s14+$0x0], $0xffff;
	_ =	sdelay $0x4  }
0x3c0: {  	v30 =	vshll.u32 v29, $0x1  }
0x3c1: {  	v29 =	vand.u32 $0x7F, v29;
	v30 =	vand.u32 $0xFFFFFF00, v30  }
0x3c2: {  	v29 =	vor.u32 v29, v30;
	_ =	sdelay $0x4  }
0x3c3: {  	v30 =	vld.idx.msk [tilespmem:v29+s16+$0x0], $0xffff  }
0x3c4: {  	v29 =	vor.u32 $0x80, v29;
	_ =	sdelay $0x3  }
0x3c5: {  	[tilespmem:$0x1E330] =	vst v30  }
0x3c6: {  	v29 =	vld.idx.msk [tilespmem:v29+s16+$0x0], $0xffff;
	_ =	sdelay $0x4  }
0x3c7: {  	[tilespmem:$0x1E530] =	vst v29  }
0x3c8: {  	v29 =	vld.idx.msk [tilespmem:v21+s14+$0x0], $0xffff;
	_ =	sdelay $0x4  }
0x3c9: {  	v30 =	vshll.u32 v29, $0x1  }
0x3ca: {  	v29 =	vand.u32 $0x7F, v29;
	v30 =	vand.u32 $0xFFFFFF00, v30  }
0x3cb: {  	v29 =	vor.u32 v29, v30;
	_ =	sdelay $0x4  }
0x3cc: {  	v30 =	vld.idx.msk [tilespmem:v29+s16+$0x0], $0xffff  }
0x3cd: {  	v29 =	vor.u32 $0x80, v29;
	_ =	sdelay $0x3  }
0x3ce: {  	[tilespmem:$0x1E340] =	vst v30  }
0x3cf: {  	v29 =	vld.idx.msk [tilespmem:v29+s16+$0x0], $0xffff;
	_ =	sdelay $0x4  }
0x3d0: {  	[tilespmem:$0x1E540] =	vst v29  }
0x3d1: {  	v29 =	vld.idx.msk [tilespmem:v22+s14+$0x0], $0xffff;
	_ =	sdelay $0x4  }
0x3d2: {  	v30 =	vshll.u32 v29, $0x1  }
0x3d3: {  	v29 =	vand.u32 $0x7F, v29;
	v30 =	vand.u32 $0xFFFFFF00, v30  }
0x3d4: {  	v29 =	vor.u32 v29, v30;
	_ =	sdelay $0x4  }
0x3d5: {  	v30 =	vld.idx.msk [tilespmem:v29+s16+$0x0], $0xffff  }
0x3d6: {  	v29 =	vor.u32 $0x80, v29;
	_ =	sdelay $0x3  }
0x3d7: {  	[tilespmem:$0x1E350] =	vst v30  }
0x3d8: {  	v29 =	vld.idx.msk [tilespmem:v29+s16+$0x0], $0xffff;
	_ =	sdelay $0x4  }
0x3d9: {  	[tilespmem:$0x1E550] =	vst v29  }
0x3da: {  	v29 =	vld.idx.msk [tilespmem:v23+s14+$0x0], $0xffff;
	_ =	sdelay $0x4  }
0x3db: {  	v30 =	vshll.u32 v29, $0x1  }
0x3dc: {  	v29 =	vand.u32 $0x7F, v29;
	v30 =	vand.u32 $0xFFFFFF00, v30  }
0x3dd: {  	v29 =	vor.u32 v29, v30;
	_ =	sdelay $0x4  }
0x3de: {  	v30 =	vld.idx.msk [tilespmem:v29+s16+$0x0], $0xffff  }
0x3df: {  	v29 =	vor.u32 $0x80, v29;
	_ =	sdelay $0x3  }
0x3e0: {  	[tilespmem:$0x1E360] =	vst v30  }
0x3e1: {  	v29 =	vld.idx.msk [tilespmem:v29+s16+$0x0], $0xffff;
	_ =	sdelay $0x4  }
0x3e2: {  	[tilespmem:$0x1E560] =	vst v29  }
0x3e3: {  	v29 =	vld.idx.msk [tilespmem:v24+s14+$0x0], $0xffff;
	_ =	sdelay $0x4  }
0x3e4: {  	v30 =	vshll.u32 v29, $0x1  }
0x3e5: {  	v29 =	vand.u32 $0x7F, v29;
	v30 =	vand.u32 $0xFFFFFF00, v30  }
0x3e6: {  	v29 =	vor.u32 v29, v30;
	_ =	sdelay $0x4  }
0x3e7: {  	v30 =	vld.idx.msk [tilespmem:v29+s16+$0x0], $0xffff  }
0x3e8: {  	v29 =	vor.u32 $0x80, v29;
	_ =	sdelay $0x3  }
0x3e9: {  	[tilespmem:$0x1E370] =	vst v30  }
0x3ea: {  	v29 =	vld.idx.msk [tilespmem:v29+s16+$0x0], $0xffff;
	_ =	sdelay $0x4  }
0x3eb: {  	[tilespmem:$0x1E570] =	vst v29  }
0x3ec: {  	v29 =	vld.idx.msk [tilespmem:v25+s14+$0x0], $0xffff;
	_ =	sdelay $0x4  }
0x3ed: {  	v30 =	vshll.u32 v29, $0x1  }
0x3ee: {  	v29 =	vand.u32 $0x7F, v29;
	v30 =	vand.u32 $0xFFFFFF00, v30  }
0x3ef: {  	v29 =	vor.u32 v29, v30;
	_ =	sdelay $0x4  }
0x3f0: {  	v30 =	vld.idx.msk [tilespmem:v29+s16+$0x0], $0xffff  }
0x3f1: {  	v29 =	vor.u32 $0x80, v29;
	_ =	sdelay $0x3  }
0x3f2: {  	[tilespmem:$0x1E380] =	vst v30  }
0x3f3: {  	v29 =	vld.idx.msk [tilespmem:v29+s16+$0x0], $0xffff;
	_ =	sdelay $0x4  }
0x3f4: {  	[tilespmem:$0x1E580] =	vst v29  }
0x3f5: {  	v29 =	vld.idx.msk [tilespmem:v26+s14+$0x0], $0xffff;
	_ =	sdelay $0x4  }
0x3f6: {  	v30 =	vshll.u32 v29, $0x1  }
0x3f7: {  	v29 =	vand.u32 $0x7F, v29;
	v30 =	vand.u32 $0xFFFFFF00, v30  }
0x3f8: {  	v29 =	vor.u32 v29, v30;
	_ =	sdelay $0x4  }
0x3f9: {  	v30 =	vld.idx.msk [tilespmem:v29+s16+$0x0], $0xffff  }
0x3fa: {  	v29 =	vor.u32 $0x80, v29;
	_ =	sdelay $0x3  }
0x3fb: {  	[tilespmem:$0x1E390] =	vst v30  }
0x3fc: {  	v29 =	vld.idx.msk [tilespmem:v29+s16+$0x0], $0xffff;
	_ =	sdelay $0x4  }
0x3fd: {  	[tilespmem:$0x1E590] =	vst v29  }
0x3fe: {  	v29 =	vld.idx.msk [tilespmem:v27+s14+$0x0], $0xffff;
	_ =	sdelay $0x4  }
0x3ff: {  	v30 =	vshll.u32 v29, $0x1  }
0x400: {  	v29 =	vand.u32 $0x7F, v29;
	v30 =	vand.u32 $0xFFFFFF00, v30  }
0x401: {  	v29 =	vor.u32 v29, v30;
	_ =	sdelay $0x4  }
0x402: {  	v30 =	vld.idx.msk [tilespmem:v29+s16+$0x0], $0xffff  }
0x403: {  	v29 =	vor.u32 $0x80, v29;
	_ =	sdelay $0x3  }
0x404: {  	[tilespmem:$0x1E3A0] =	vst v30  }
0x405: {  	v29 =	vld.idx.msk [tilespmem:v29+s16+$0x0], $0xffff;
	_ =	sdelay $0x4  }
0x406: {  	[tilespmem:$0x1E5A0] =	vst v29  }
0x407: {  	v29 =	vld.idx.msk [tilespmem:v28+s14+$0x0], $0xffff;
	_ =	sdelay $0x4  }
0x408: {  	v30 =	vshll.u32 v29, $0x1  }
0x409: {  	v29 =	vand.u32 $0x7F, v29;
	v30 =	vand.u32 $0xFFFFFF00, v30  }
0x40a: {  	v29 =	vor.u32 v29, v30;
	_ =	sdelay $0x4  }
0x40b: {  	v30 =	vld.idx.msk [tilespmem:v29+s16+$0x0], $0xffff  }
0x40c: {  	v29 =	vor.u32 $0x80, v29;
	_ =	sdelay $0x3  }
0x40d: {  	[tilespmem:$0x1E3B0] =	vst v30  }
0x40e: {  	v29 =	vld.idx.msk [tilespmem:v29+s16+$0x0], $0xffff;
	_ =	sdelay $0x4  }
.Ltmp5:
0x40f: {  	[tilespmem:$0x1E5B0] =	vst v29;
	(pc) =	sbr.rel .LBB2_5-.Ltmp5, $4  }
0x410: {  	[hbm4b:s9+s2] =	stream.linear.scatter [tilespmem:s17], [sflag:$0x1], $0x400, $0x38;
	[tilespmem:$0x1E600] =	vst v63  }
0x411: {  	_ =	swait.ge [sflag:s11], $0x400  }
0x412: {  	[sflag:s11] =	ssyncset.done $0x0  }
0x413: {  	[sflag:s11] =	ssyncadd.s32 $0xFFFFFC00  }
.LBB2_6:
0x414: {  	_ =	sfence.sel $0x180000  }
0x415: {  	[bflag:$0x0] =	sbarrier.arrive $0xFFFF  }
0x416: {  	p0 =	sne.s32 s0, $0x0;
	_ =	strace $0x9000004A  }
0x417: {  	s0 =	sadd.s32 @!p0 $0x100000, s1;
	[bflag:$0x2] =	sbarrier.arrive $0xFFFF  }
0x418: {  	[sflag:s0] =	ssyncadd.tile.s32 @!p0 $0x1;
	_ =	shalt  }
.Lfunc_end2:
_tile_overlayer_lowered:
.L_overlay_start_2:
0x419: {  	(tag) =	ssettag $0x2  }
0x41a: {  	s0 =	rddreg [dreg:$0x0];
	s2 =	stileid.u32  }
0x41b: {  	s1 =	rddreg [dreg:$0x1];
	p0 =	sne.s32 s2, $0x0  }
0x41c: {  	s3 =	rddreg [dreg:$0x2];
	[bflag:$0x3] =	sbarrier.arrive $0xFFFF;
	s2 =	simm.s32 @!p0 $0x1C01  }
0x41d: {  	[timem:s3], [sflag:s2] =	dma.local @!p0 [hbm:s0], s1  }
0x41e: {  	s0 =	simm.s32 @!p0 $0x1  }
0x41f: {  	_ =	swait.ge @!p0 [sflag:s0], s1  }
0x420: {  	s1 =	ssub.s32 @!p0 $0x0, s1;
	[sflag:s0] =	ssyncset.done @!p0 $0x0  }
0x421: {  	[sflag:s0] =	ssyncadd.s32 @!p0 s1  }
0x422: {  	[bflag:$0x3] =	sbarrier.arrive $0xFFFF  }
0x423: {  	_ =	shalt  }

// kernel: kernel.9.cloned.1.call-start
scs
__scs_entry_jumppad:
0x0: {  	(pc) =	sbr.rel $0x88, $3  }
0x1: {  	(tag) =	ssettag $0x0;
	lr =	simm.s32 $0x1  }
0x2: {  	[smem:$0x3F9C] =	sst lr;
	_ =	strace $0xD0000000  }
0x3: {  	_ = 	snop  }
0x4: {  	_ = 	snop  }
0x5: {  	_ = 	snop  }
0x6: {  	_ = 	snop  }
0x7: {  	_ = 	snop  }
__scs_overlays_trampoline_lowered:
0x8: {  	[smem:$0x3FAB] =	sst s0  }
0x9: {  	[smem:$0x3FAC] =	sst s1  }
0xa: {  	[smem:$0x3FAD] =	sst s2  }
0xb: {  	[smem:$0x3FAE] =	sst s3  }
0xc: {  	[smem:$0x3FAF] =	sst s4  }
0xd: {  	[smem:$0x3FB0] =	sst s5  }
0xe: {  	[smem:$0x3FB1] =	sst s6  }
0xf: {  	[smem:$0x3FB2] =	sst s7  }
0x10: {  	[smem:$0x3FB3] =	sst s8  }
0x11: {  	[smem:$0x3FB4] =	sst s9;
	s0 =	simm.s32 @!p0 $0x0  }
0x12: {  	s1 =	sld [smem:$0x3F9A];
	s0 =	simm.s32 @p0 $0x1  }
0x13: {  	[smem:$0x3FB5] =	sst s0;
	s0 =	simm.s32 @!p1 $0x0  }
0x14: {  	s2 =	sld [smem:$0x3F99];
	s0 =	simm.s32 @p1 $0x1  }
0x15: {  	[smem:$0x3FB6] =	sst s0;
	s0 =	simm.s32 @!p2 $0x0  }
0x16: {  	s3 =	sld [smem:$0x3FDB];
	s0 =	simm.s32 @p2 $0x1  }
0x17: {  	s4 =	simm.s32 $0x1BF5;
	[smem:$0x3FB8] =	sst s0  }
0x18: {  	s0 =	sld [smem:$0x3F9B];
	_ =	swait.ge [sflag:s4], $0x0  }
0x19: {  	s7 =	sld [smem:$0x3F9C]  }
0x1a: {  	s8 =	sadd.s32 $0xFFFFE003, lr  }
0x1b: {  	s9 =	sadd.s32 $0xFFFFFEF7, lr;
	s5 =	simm.s32 $0xFFFFFFFF;
	p2 =	slt.u32 s8, $0xFFFFF086  }
0x1c: {  	p1 =	slt.u32 s9, $0xF7A;
	s5 =	simm.s32 @!p2 $0x0  }
0x1d: {  	s5 =	simm.s32 @p1 $0x1;
	p0 =	seq.s32 s7, s2  }
0x1e: {  	s7 =	smul.u32 @!p0 $0xF7A, s2;
	p2 =	seq.s32 @!p0 s5, $0x0  }
0x1f: {  	s9 =	smul.u32 $0xF7A, s1;
	s8 =	simm.s32 @!p0 $0x1BF5;
	p2 =	por !p2, p0  }
0x20: {  	[sflag:s8] =	ssyncset.s32 @!p0 $0xFFFFF086;
	s6 =	sadd.s32 @!p0 s3, s7;
	s7 =	simm.s32 @!p0 $0x108  }
0x21: {  	s3 =	sadd.s32 s3, s9;
	s6 =	sadd.s32 @!p0 $0x88, s6;
	s7 =	simm.s32 @p2 $0x1082  }
0x22: {  	[simem:s7], [sflag:s8] =	dma.local @!p0 [hbm:s6], $0xF7A  }
0x23: {  	s9 =	sor.u32 $0xD0000000, s2;
	s6 =	simm.s32 $0x108;
	_ =	swait.ge @!p0 [sflag:s8], $0x0  }
0x24: {  	s3 =	sadd.s32 $0x88, s3;
	s6 =	simm.s32 @!p1 $0x1082;
	[sflag:s4] =	ssyncset.s32 $0xFFFFF086  }
0x25: {  	[simem:s6], [sflag:s4] =	dma.local [hbm:s3], $0xF7A  }
0x26: {  	[smem:$0x3F9C] =	sst s1;
	(tag) =	ssettag s2;
	_ =	strace s9  }
0x27: {  	s1 =	sld [smem:$0x3FAC]  }
0x28: {  	s2 =	sld [smem:$0x3FAD]  }
0x29: {  	s4 =	sld [smem:$0x3FAF]  }
0x2a: {  	p0 =	seq.s32 s5, $0x0;
	s5 =	sld [smem:$0x3FB0]  }
0x2b: {  	s6 =	sld [smem:$0x3FB1]  }
0x2c: {  	s7 =	sld [smem:$0x3FB2]  }
0x2d: {  	s3 =	simm.s32 $0x108;
	s8 =	sld [smem:$0x3FB3]  }
0x2e: {  	s3 =	simm.s32 @!p0 $0x1082;
	s9 =	sld [smem:$0x3FB4]  }
0x2f: {  	lr =	sadd.s32 s0, s3;
	s0 =	sld [smem:$0x3FAB]  }
0x30: {  	s3 =	sld [smem:$0x3FAE]  }
0x31: {  	[smem:$0x3FB7] =	sst s10  }
0x32: {  	s10 =	sld [smem:$0x3FB5];
	_ =	sdelay $0x3  }
0x33: {  	p0 =	seq.s32 s10, $0x1;
	s10 =	sld [smem:$0x3FB7];
	_ =	sdelay $0x3  }
0x34: {  	[smem:$0x3FB7] =	sst s10  }
0x35: {  	s10 =	sld [smem:$0x3FB6];
	_ =	sdelay $0x3  }
0x36: {  	p1 =	seq.s32 s10, $0x1;
	s10 =	sld [smem:$0x3FB7];
	_ =	sdelay $0x3  }
0x37: {  	[smem:$0x3FB7] =	sst s10  }
0x38: {  	s10 =	sld [smem:$0x3FB8]  }
0x39: {  	_ = 	snop;
	(pc) =	sbr.ind lr, $3  }
0x3a: {  	_ = 	snop  }
0x3b: {  	_ = 	snop  }
0x3c: {  	p2 =	seq.s32 s10, $0x1;
	s10 =	sld [smem:$0x3FB7]  }
0x3d: {  	_ =	shalt  }
0x3e: {  	_ =	shalt  }
0x3f: {  	_ =	shalt  }
0x40: {  	_ =	shalt  }
0x41: {  	_ =	shalt  }
0x42: {  	_ =	shalt  }
0x43: {  	_ =	shalt  }
0x44: {  	_ =	shalt  }
0x45: {  	_ =	shalt  }
0x46: {  	_ =	shalt  }
0x47: {  	_ =	shalt  }
0x48: {  	_ =	shalt  }
0x49: {  	_ =	shalt  }
0x4a: {  	_ =	shalt  }
0x4b: {  	_ =	shalt  }
0x4c: {  	_ =	shalt  }
0x4d: {  	_ =	shalt  }
0x4e: {  	_ =	shalt  }
0x4f: {  	_ =	shalt  }
0x50: {  	_ =	shalt  }
0x51: {  	_ =	shalt  }
0x52: {  	_ =	shalt  }
0x53: {  	_ =	shalt  }
0x54: {  	_ =	shalt  }
0x55: {  	_ =	shalt  }
0x56: {  	_ =	shalt  }
0x57: {  	_ =	shalt  }
0x58: {  	_ =	shalt  }
0x59: {  	_ =	shalt  }
0x5a: {  	_ =	shalt  }
0x5b: {  	_ =	shalt  }
0x5c: {  	_ =	shalt  }
0x5d: {  	_ =	shalt  }
0x5e: {  	_ =	shalt  }
0x5f: {  	_ =	shalt  }
0x60: {  	_ =	shalt  }
0x61: {  	_ =	shalt  }
0x62: {  	_ =	shalt  }
0x63: {  	_ =	shalt  }
0x64: {  	_ =	shalt  }
0x65: {  	_ =	shalt  }
0x66: {  	_ =	shalt  }
0x67: {  	_ =	shalt  }
0x68: {  	_ =	shalt  }
0x69: {  	_ =	shalt  }
0x6a: {  	_ =	shalt  }
0x6b: {  	_ =	shalt  }
0x6c: {  	_ =	shalt  }
0x6d: {  	_ =	shalt  }
0x6e: {  	_ =	shalt  }
0x6f: {  	_ =	shalt  }
0x70: {  	_ =	shalt  }
0x71: {  	_ =	shalt  }
0x72: {  	_ =	shalt  }
0x73: {  	_ =	shalt  }
0x74: {  	_ =	shalt  }
0x75: {  	_ =	shalt  }
0x76: {  	_ =	shalt  }
0x77: {  	_ =	shalt  }
0x78: {  	_ =	shalt  }
0x79: {  	_ =	shalt  }
0x7a: {  	_ =	shalt  }
0x7b: {  	_ =	shalt  }
0x7c: {  	_ =	shalt  }
0x7d: {  	_ =	shalt  }
0x7e: {  	_ =	shalt  }
0x7f: {  	_ =	shalt  }
0x80: {  	_ =	shalt  }
0x81: {  	_ =	shalt  }
0x82: {  	_ =	shalt  }
0x83: {  	_ =	shalt  }
0x84: {  	_ =	shalt  }
0x85: {  	_ =	shalt  }
0x86: {  	_ =	shalt  }
0x87: {  	_ =	shalt  }
.Lfunc_end0:
.L_simem_size_0:
called_computation_lowered:
.L_overlay_start_0:
0x88: {  	s2 =	sld [smem:$0x3FD9]  }
0x89: {  	s3 =	sld [smem:$0x3FFE];
	_ =	sdelay $0x1  }
0x8a: {  	s1 =	srdreg.scid  }
0x8b: {  	s0 =	sand.u32 $0x1, s1  }
0x8c: {  	s14 =	sshll.u32 s0, $0xA;
	s2 =	sadd.s32 s3, s2  }
0x8d: {  	s2 =	sadd.s32 s2, s14  }
0x8e: {  	[smem:$0x3FC3] =	sst s2  }
0x8f: {  	_ = 	snop  }
0x90: {  	s2 =	sld [smem:$0x3FD0];
	_ =	sdelay $0x2  }
0x91: {  	s15 =	simm.s32 $0xA;
	s4 =	simm.s32 $0x10  }
0x92: {  	[smem:s4], [sflag:s15] =	dma.local [hbm:s2], $0x1  }
0x93: {  	_ =	swait.eq [sflag:s15], $0x1  }
0x94: {  	[sflag:s15] =	ssyncset.done $0x0  }
0x95: {  	[sflag:s15] =	ssyncadd.s32 $0xFFFFFFFF  }
0x96: {  	s16 =	sld [smem:$0x10];
	(tm) =	ssettm $0x1  }
0x97: {  	s17 =	sld [smem:$0x3FFB];
	_ =	sdelay $0x3  }
0x98: {  	_ =	strace s17  }
0x99: {  	s3 =	sld [smem:$0x3FFC];
	_ =	sdelay $0x3  }
0x9a: {  	_ =	strace s3  }
0x9b: {  	s3 =	sld [smem:$0x3FFD];
	_ =	sdelay $0x3  }
0x9c: {  	_ =	strace s3  }
0x9d: {  	_ =	strace $0x8FFFFFFF  }
0x9e: {  	s18 =	sld [smem:$0x3FDB];
	_ =	sdelay $0x1  }
0x9f: {  	s19 =	simm.s32 $_scs_section_size  }
0xa0: {  	s5 =	simm.s32 $_size__tile_overlayer_lowered;
	s6 =	simm.s32 $_tile_overlayer_lowered  }
0xa1: {  	s22 =	simm.s32 $0x1BFF;
	s21 =	sshll.u32 s6, $0x1;
	s3 =	sadd.s32 s19, s18  }
0xa2: {  	s7 =	simm.s32 $0x0;
	s20 =	sshll.u32 s5, $0x1;
	s5 =	sadd.s32 s21, s3  }
0xa3: {  	[timem:s7], [sflag:s22] =	dma.local [hbm:s5], s20  }
0xa4: {  	_ =	swait.ge [sflag:s22], s20  }
0xa5: {  	s4 =	ssub.s32 $0x0, s20;
	[sflag:s22] =	ssyncset.done $0x0  }
0xa6: {  	[sflag:s22] =	ssyncadd.s32 s4;
	_ =	sdelay $0x1  }
0xa7: {  	s23 =	simm.s32 $0x1B8B  }
0xa8: {  	_ =	swait.ge [sflag:s23], $0x1  }
0xa9: {  	[sflag:s23] =	ssyncset.done $0x0  }
0xaa: {  	s25 =	simm.s32 $0x1B8E;
	s24 =	sld [smem:$0x3FFE];
	[sflag:s23] =	ssyncadd.s32 $0xFFFFFFFF  }
0xab: {  	s26 =	simm.s32 $execute0_lowered;
	[smem:$0x3FD2] =	sst s25  }
0xac: {  	s5 =	sshll.u32 s26, $0x1;
	_ =	strace $0x80000046;
	[dreg:$0x1] =	wrdreg $0xFFFFFFFF  }
0xad: {  	s28 =	simm.s32 $_size_execute0_lowered;
	s3 =	sadd.s32 s3, s5;
	[dreg:$0x0] =	wrdreg $0x0  }
0xae: {  	s5 =	sshll.u32 s28, $0x1;
	[dreg:$0x2] =	wrdreg s3  }
0xaf: {  	[dreg:$0x3] =	wrdreg s5  }
0xb0: {  	[dreg:$0x4] =	wrdreg $0xC0  }
0xb1: {  	_ =	task [dreg:s7], $0x5FFFF  }
0xb2: {  	[dreg:$0x1] =	wrdreg $0xFFFFFFFF  }
0xb3: {  	[dreg:$0x0] =	wrdreg $0x60  }
0xb4: {  	[dreg:$0x2] =	wrdreg s16  }
0xb5: {  	[dreg:$0x3] =	wrdreg s24  }
0xb6: {  	[dreg:$0x4] =	wrdreg $0x9  }
0xb7: {  	_ =	task.clear_ibuf [dreg:s7], $0x5FFFF;
	_ =	strace $0x90000046  }
0xb8: {  	s29 =	simm.s32 $0x9;
	_ =	strace $0x80000048  }
0xb9: {  	_ =	swait.ge [sflag:s29], $0x1  }
0xba: {  	[sflag:s29] =	ssyncadd.s32 $0xFFFFFFFF  }
0xbb: {  	_ =	strace $0x90000048  }
0xbc: {  	_ =	sfence  }
0xbd: {  	s30 =	sld [smem:$0x0];
	_ =	sdelay $0x2  }
0xbe: {  	s31 =	sshll.u32 s1, $0xD;
	s1 =	sshrl.u32 s1, $0x2  }
0xbf: {  	s3 =	sand.u32 $0x4000, s31;
	s1 =	sadd.s32 s1, s30  }
0xc0: {  	s0 =	sor.u32 s3, s0;
	s1 =	sshll.u32 s1, $0x11  }
0xc1: {  	s0 =	sor.u32 s1, s0  }
0xc2: {  	s0 =	sadd.s32 $0x8F2B, s0  }
0xc3: {  	[sflag:s0] =	ssyncadd.remote.s32 $0x1  }
0xc4: {  	_ =	sfence.sel $0xFFFF  }
0xc5: {  	[dreg:$0x0] =	wrdreg $0xFFFFFFFF;
	(pc) =	sbr.abs _section_cstart, $3  }
0xc6: {  	[dreg:$0x1] =	wrdreg $0xFFFFFFFF  }
0xc7: {  	_ =	task.clear_ibuf [dreg:s7], $0x2FFFF;
	_ =	strace $0x9FFFFFFF  }
0xc8: {  	(tm) =	ssettm $0x7FFFFFFF  }
0xc9: {  	_ =	shalt  }
tec
execute0_lowered:
.L_overlay_start_1:
0x0: {  	(tag) =	ssettag $0x1  }
0x1: {  	s3 =	rddreg [dreg:$0x0]  }
0x2: {  	s4 =	rddreg [dreg:$0x1]  }
0x3: {  	s0 =	rddreg [dreg:$0x2];
	s2 =	simm.s32 $0x0;
	s1 =	stileid.u32  }
0x4: {  	s5 =	srdreg.scid;
	s11 =	simm.s32 $0x18800;
	s12 =	simm.s32 $0x18C00  }
0x5: {  	s13 =	simm.s32 $0x19000;
	s6 =	sshrl.u32 s1, $0x2;
	s5 =	sand.u32 $0x1, s5  }
0x6: {  	s7 =	sshll.u32 s1, $0x1;
	[smem:$0x7FF] =	sst s2;
	s8 =	smul.u32 $0x1880, s6  }
0x7: {  	s7 =	sor.u32 s5, s7;
	_ =	strace $0x80000047;
	s6 =	sshll.u32 s6, $0xA  }
0x8: {  	s5 =	ssub.s32 $0x2, s5;
	s9 =	sshll.u32 s7, $0x7;
	s7 =	sshll.u32 s7, $0x5  }
0x9: {  	s30 =	sshrl.u32 s5, $0x1;
	s10 =	sadd.s32 s8, s4;
	s9 =	sand.u32 $0x380, s9  }
0xa: {  	s7 =	sadd.s32 s7, s4;
	s31 =	ssub.s32 s5, s30;
	s3 =	sadd.s32 s3, s8  }
0xb: {  	s6 =	sor.u32 s6, s9;
	s7 =	sadd.s32 $0x2EE00, s7;
	s8 =	smax.u32 s31, $0x1  }
0xc: {  	s9 =	simm.s32 $0x1;
	s6 =	sadd.s32 s6, s4;
	s4 =	sadd.s32 $0x28C00, s10  }
0xd: {  	v0 =	vimm.f32 $0.0e+00;
	s10 =	simm.s32 $0xC400;
	s5 =	sadd.s32 $0x49C000, s6;
	s6 =	sadd.s32 $0x49D000, s6  }
.LBB2_1:
0xe: {  	[tilespmem:s2], [sflag:$0x1] =	stream.linear.gather [hbm4b:s3+s2], $0xC400, $0x38;
	[tilespmem:$0x19100] =	vst v63  }
0xf: {  	_ =	swait.ge [sflag:s9], $0xC400  }
0x10: {  	[sflag:s9] =	ssyncset.done $0x0  }
0x11: {  	[sflag:s9] =	ssyncadd.s32 $0xFFFF3C00  }
0x12: {  	[tilespmem:s10], [sflag:$0x1] =	stream.linear.gather [hbm4b:s4+s2], $0xC400, $0x38;
	[tilespmem:$0x19100] =	vst v63  }
0x13: {  	_ =	swait.ge [sflag:s9], $0xC400  }
0x14: {  	[sflag:s9] =	ssyncset.done $0x0  }
0x15: {  	[sflag:s9] =	ssyncadd.s32 $0xFFFF3C00  }
0x16: {  	[tilespmem:s11], [sflag:$0x1] =	stream.linear.gather [hbm4b:s5+s2], $0x400, $0x38;
	[tilespmem:$0x19100] =	vst v63  }
0x17: {  	_ =	swait.ge [sflag:s9], $0x400  }
0x18: {  	[sflag:s9] =	ssyncset.done $0x0  }
0x19: {  	[sflag:s9] =	ssyncadd.s32 $0xFFFFFC00  }
0x1a: {  	[tilespmem:s12], [sflag:$0x1] =	stream.linear.gather [hbm4b:s6+s2], $0x400, $0x38;
	[tilespmem:$0x19100] =	vst v63  }
0x1b: {  	_ =	swait.ge [sflag:s9], $0x400  }
0x1c: {  	[sflag:s9] =	ssyncset.done $0x0  }
0x1d: {  	[sflag:s9] =	ssyncadd.s32 $0xFFFFFC00  }
0x1e: {  	v1 =	vld [tilespmem:$0x18800]  }
0x1f: {  	v2 =	vld [tilespmem:$0x18880]  }
0x20: {  	v3 =	vld [tilespmem:$0x18900]  }
0x21: {  	v4 =	vld [tilespmem:$0x18980]  }
0x22: {  	v5 =	vld [tilespmem:$0x18C00]  }
0x23: {  	v6 =	vld [tilespmem:$0x18C80]  }
0x24: {  	v7 =	vld [tilespmem:$0x18D00]  }
0x25: {  	v8 =	vld [tilespmem:$0x18D80]  }
0x26: {  	v9 =	vld.idx.msk [tilespmem:v1+s2+$0x0], $0xffff  }
0x27: {  	v10 =	vld.idx.msk [tilespmem:v2+s2+$0x0], $0xffff  }
0x28: {  	v1 =	vld.idx.msk [tilespmem:v1+s10+$0x0], $0xffff  }
0x29: {  	v2 =	vld.idx.msk [tilespmem:v2+s10+$0x0], $0xffff  }
0x2a: {  	v11 =	vld.idx.msk [tilespmem:v3+s2+$0x0], $0xffff  }
0x2b: {  	v3 =	vld.idx.msk [tilespmem:v3+s10+$0x0], $0xffff  }
0x2c: {  	v12 =	vld.idx.msk [tilespmem:v4+s2+$0x0], $0xffff  }
0x2d: {  	v4 =	vld.idx.msk [tilespmem:v4+s10+$0x0], $0xffff;
	v9 =	vmul.f32 v9, v5;
	v10 =	vmul.f32 v10, v6  }
0x2e: {  	v1 =	vmul.f32 v1, v5;
	v2 =	vmul.f32 v2, v6  }
0x2f: {  	v18 =	vmul.f32 v11, v7  }
0x30: {  	v17 =	vadd.f32 v10, v9;
	v1 =	vadd.f32 v2, v1;
	v2 =	vmul.f32 v3, v7  }
0x31: {  	v19 =	vmul.f32 v12, v8  }
0x32: {  	v20 =	vld [tilespmem:$0x18810];
	v3 =	vadd.f32 v18, v17;
	v1 =	vadd.f32 v2, v1;
	v2 =	vmul.f32 v4, v8  }
0x33: {  	v21 =	vld [tilespmem:$0x18890]  }
0x34: {  	v22 =	vld [tilespmem:$0x18990];
	v3 =	vadd.f32 v19, v3;
	v1 =	vadd.f32 v2, v1  }
0x35: {  	v23 =	vld [tilespmem:$0x18C90]  }
0x36: {  	v2 =	vld [tilespmem:$0x18910];
	v1 =	vsub.f32 v3, v1  }
0x37: {  	v24 =	vld [tilespmem:$0x18D10]  }
0x38: {  	v3 =	vld [tilespmem:$0x18C10];
	v1 =	vxor.u32 $0x80000000, v1  }
0x39: {  	[tilespmem:$0x19000] =	vst v1;
	v1 =	vld [tilespmem:$0x18D90]  }
0x3a: {  	v25 =	vld.idx.msk [tilespmem:v20+s2+$0x0], $0xffff  }
0x3b: {  	v26 =	vld.idx.msk [tilespmem:v21+s2+$0x0], $0xffff  }
0x3c: {  	v4 =	vld.idx.msk [tilespmem:v20+s10+$0x0], $0xffff  }
0x3d: {  	v6 =	vld.idx.msk [tilespmem:v21+s10+$0x0], $0xffff  }
0x3e: {  	v27 =	vld.idx.msk [tilespmem:v2+s2+$0x0], $0xffff  }
0x3f: {  	v2 =	vld.idx.msk [tilespmem:v2+s10+$0x0], $0xffff  }
0x40: {  	v28 =	vld.idx.msk [tilespmem:v22+s2+$0x0], $0xffff  }
0x41: {  	v5 =	vld.idx.msk [tilespmem:v22+s10+$0x0], $0xffff;
	v9 =	vmul.f32 v25, v3;
	v10 =	vmul.f32 v26, v23  }
0x42: {  	v3 =	vmul.f32 v4, v3;
	v29 =	vmul.f32 v6, v23  }
0x43: {  	v30 =	vadd.f32 v10, v9  }
0x44: {  	v31 =	vmul.f32 v27, v24;
	v3 =	vadd.f32 v29, v3;
	v2 =	vmul.f32 v2, v24  }
0x45: {  	v33 =	vmul.f32 v28, v1  }
0x46: {  	v1 =	vmul.f32 v5, v1;
	v32 =	vadd.f32 v31, v30;
	v2 =	vadd.f32 v2, v3;
	v3 =	vld [tilespmem:$0x18820]  }
0x47: {  	v34 =	vld [tilespmem:$0x188A0]  }
0x48: {  	v35 =	vld [tilespmem:$0x189A0];
	v4 =	vadd.f32 v33, v32;
	v1 =	vadd.f32 v1, v2  }
0x49: {  	v36 =	vld [tilespmem:$0x18C20]  }
0x4a: {  	v2 =	vld [tilespmem:$0x18920];
	v1 =	vsub.f32 v4, v1  }
0x4b: {  	v37 =	vld [tilespmem:$0x18CA0]  }
0x4c: {  	v38 =	vld [tilespmem:$0x18D20];
	v1 =	vxor.u32 $0x80000000, v1  }
0x4d: {  	[tilespmem:$0x19010] =	vst v1;
	v1 =	vld [tilespmem:$0x18DA0]  }
0x4e: {  	v39 =	vld.idx.msk [tilespmem:v3+s2+$0x0], $0xffff  }
0x4f: {  	v40 =	vld.idx.msk [tilespmem:v34+s2+$0x0], $0xffff  }
0x50: {  	v3 =	vld.idx.msk [tilespmem:v3+s10+$0x0], $0xffff  }
0x51: {  	v5 =	vld.idx.msk [tilespmem:v34+s10+$0x0], $0xffff  }
0x52: {  	v41 =	vld.idx.msk [tilespmem:v2+s2+$0x0], $0xffff  }
0x53: {  	v2 =	vld.idx.msk [tilespmem:v2+s10+$0x0], $0xffff  }
0x54: {  	v42 =	vld.idx.msk [tilespmem:v35+s2+$0x0], $0xffff  }
0x55: {  	v6 =	vld.idx.msk [tilespmem:v35+s10+$0x0], $0xffff;
	v9 =	vmul.f32 v39, v36;
	v10 =	vmul.f32 v40, v37  }
0x56: {  	v3 =	vmul.f32 v3, v36;
	v43 =	vmul.f32 v5, v37  }
0x57: {  	v44 =	vadd.f32 v10, v9  }
0x58: {  	v45 =	vmul.f32 v41, v38;
	v3 =	vadd.f32 v43, v3;
	v2 =	vmul.f32 v2, v38  }
0x59: {  	v47 =	vmul.f32 v42, v1  }
0x5a: {  	v1 =	vmul.f32 v6, v1;
	v46 =	vadd.f32 v45, v44;
	v2 =	vadd.f32 v2, v3;
	v3 =	vld [tilespmem:$0x18830]  }
0x5b: {  	v48 =	vld [tilespmem:$0x188B0]  }
0x5c: {  	v49 =	vld [tilespmem:$0x189B0];
	v4 =	vadd.f32 v47, v46;
	v1 =	vadd.f32 v1, v2  }
0x5d: {  	v50 =	vld [tilespmem:$0x18C30]  }
0x5e: {  	v2 =	vld [tilespmem:$0x18930];
	v1 =	vsub.f32 v4, v1  }
0x5f: {  	v51 =	vld [tilespmem:$0x18CB0]  }
0x60: {  	v52 =	vld [tilespmem:$0x18D30];
	v1 =	vxor.u32 $0x80000000, v1  }
0x61: {  	[tilespmem:$0x19020] =	vst v1;
	v1 =	vld [tilespmem:$0x18DB0]  }
0x62: {  	v53 =	vld.idx.msk [tilespmem:v3+s2+$0x0], $0xffff  }
0x63: {  	v54 =	vld.idx.msk [tilespmem:v48+s2+$0x0], $0xffff  }
0x64: {  	v3 =	vld.idx.msk [tilespmem:v3+s10+$0x0], $0xffff  }
0x65: {  	v6 =	vld.idx.msk [tilespmem:v48+s10+$0x0], $0xffff  }
0x66: {  	v55 =	vld.idx.msk [tilespmem:v2+s2+$0x0], $0xffff  }
0x67: {  	v2 =	vld.idx.msk [tilespmem:v2+s10+$0x0], $0xffff  }
0x68: {  	v56 =	vld.idx.msk [tilespmem:v49+s2+$0x0], $0xffff  }
0x69: {  	v5 =	vld.idx.msk [tilespmem:v49+s10+$0x0], $0xffff;
	v9 =	vmul.f32 v53, v50;
	v10 =	vmul.f32 v54, v51  }
0x6a: {  	v3 =	vmul.f32 v3, v50;
	v57 =	vmul.f32 v6, v51  }
0x6b: {  	v58 =	vadd.f32 v10, v9  }
0x6c: {  	v59 =	vmul.f32 v55, v52;
	v3 =	vadd.f32 v57, v3;
	v2 =	vmul.f32 v2, v52  }
0x6d: {  	v61 =	vmul.f32 v56, v1  }
0x6e: {  	v1 =	vmul.f32 v5, v1;
	v60 =	vadd.f32 v59, v58;
	v2 =	vadd.f32 v2, v3;
	v3 =	vld [tilespmem:$0x18840]  }
0x6f: {  	v62 =	vld [tilespmem:$0x188C0]  }
0x70: {  	v63 =	vld [tilespmem:$0x189C0];
	v4 =	vadd.f32 v61, v60;
	v1 =	vadd.f32 v1, v2  }
0x71: {  	v16 =	vld [tilespmem:$0x18C40]  }
0x72: {  	v2 =	vld [tilespmem:$0x18940];
	v1 =	vsub.f32 v4, v1  }
0x73: {  	v17 =	vld [tilespmem:$0x18CC0]  }
0x74: {  	v18 =	vld [tilespmem:$0x18D40];
	v1 =	vxor.u32 $0x80000000, v1  }
0x75: {  	[tilespmem:$0x19030] =	vst v1;
	v1 =	vld [tilespmem:$0x18DC0]  }
0x76: {  	v19 =	vld.idx.msk [tilespmem:v3+s2+$0x0], $0xffff  }
0x77: {  	v20 =	vld.idx.msk [tilespmem:v62+s2+$0x0], $0xffff  }
0x78: {  	v3 =	vld.idx.msk [tilespmem:v3+s10+$0x0], $0xffff  }
0x79: {  	v5 =	vld.idx.msk [tilespmem:v62+s10+$0x0], $0xffff  }
0x7a: {  	v21 =	vld.idx.msk [tilespmem:v2+s2+$0x0], $0xffff  }
0x7b: {  	v2 =	vld.idx.msk [tilespmem:v2+s10+$0x0], $0xffff  }
0x7c: {  	v22 =	vld.idx.msk [tilespmem:v63+s2+$0x0], $0xffff  }
0x7d: {  	v6 =	vld.idx.msk [tilespmem:v63+s10+$0x0], $0xffff;
	v9 =	vmul.f32 v19, v16;
	v10 =	vmul.f32 v20, v17  }
0x7e: {  	v3 =	vmul.f32 v3, v16;
	v23 =	vmul.f32 v5, v17  }
0x7f: {  	v24 =	vadd.f32 v10, v9  }
0x80: {  	v25 =	vmul.f32 v21, v18;
	v3 =	vadd.f32 v23, v3;
	v2 =	vmul.f32 v2, v18  }
0x81: {  	v27 =	vmul.f32 v22, v1  }
0x82: {  	v1 =	vmul.f32 v6, v1;
	v26 =	vadd.f32 v25, v24;
	v2 =	vadd.f32 v2, v3;
	v3 =	vld [tilespmem:$0x18850]  }
0x83: {  	v28 =	vld [tilespmem:$0x188D0]  }
0x84: {  	v29 =	vld [tilespmem:$0x189D0];
	v4 =	vadd.f32 v27, v26;
	v1 =	vadd.f32 v1, v2  }
0x85: {  	v30 =	vld [tilespmem:$0x18C50]  }
0x86: {  	v2 =	vld [tilespmem:$0x18950];
	v1 =	vsub.f32 v4, v1  }
0x87: {  	v31 =	vld [tilespmem:$0x18CD0]  }
0x88: {  	v32 =	vld [tilespmem:$0x18D50];
	v1 =	vxor.u32 $0x80000000, v1  }
0x89: {  	[tilespmem:$0x19040] =	vst v1;
	v1 =	vld [tilespmem:$0x18DD0]  }
0x8a: {  	v33 =	vld.idx.msk [tilespmem:v3+s2+$0x0], $0xffff  }
0x8b: {  	v34 =	vld.idx.msk [tilespmem:v28+s2+$0x0], $0xffff  }
0x8c: {  	v3 =	vld.idx.msk [tilespmem:v3+s10+$0x0], $0xffff  }
0x8d: {  	v6 =	vld.idx.msk [tilespmem:v28+s10+$0x0], $0xffff  }
0x8e: {  	v35 =	vld.idx.msk [tilespmem:v2+s2+$0x0], $0xffff  }
0x8f: {  	v2 =	vld.idx.msk [tilespmem:v2+s10+$0x0], $0xffff  }
0x90: {  	v36 =	vld.idx.msk [tilespmem:v29+s2+$0x0], $0xffff  }
0x91: {  	v5 =	vld.idx.msk [tilespmem:v29+s10+$0x0], $0xffff;
	v9 =	vmul.f32 v33, v30;
	v10 =	vmul.f32 v34, v31  }
0x92: {  	v3 =	vmul.f32 v3, v30;
	v37 =	vmul.f32 v6, v31  }
0x93: {  	v38 =	vadd.f32 v10, v9  }
0x94: {  	v39 =	vmul.f32 v35, v32;
	v3 =	vadd.f32 v37, v3;
	v2 =	vmul.f32 v2, v32  }
0x95: {  	v41 =	vmul.f32 v36, v1  }
0x96: {  	v1 =	vmul.f32 v5, v1;
	v40 =	vadd.f32 v39, v38;
	v2 =	vadd.f32 v2, v3;
	v3 =	vld [tilespmem:$0x18860]  }
0x97: {  	v42 =	vld [tilespmem:$0x188E0]  }
0x98: {  	v43 =	vld [tilespmem:$0x189E0];
	v4 =	vadd.f32 v41, v40;
	v1 =	vadd.f32 v1, v2  }
0x99: {  	v44 =	vld [tilespmem:$0x18C60]  }
0x9a: {  	v2 =	vld [tilespmem:$0x18960];
	v1 =	vsub.f32 v4, v1  }
0x9b: {  	v45 =	vld [tilespmem:$0x18CE0]  }
0x9c: {  	v46 =	vld [tilespmem:$0x18D60];
	v1 =	vxor.u32 $0x80000000, v1  }
0x9d: {  	[tilespmem:$0x19050] =	vst v1;
	v1 =	vld [tilespmem:$0x18DE0]  }
0x9e: {  	v47 =	vld.idx.msk [tilespmem:v3+s2+$0x0], $0xffff  }
0x9f: {  	v48 =	vld.idx.msk [tilespmem:v42+s2+$0x0], $0xffff  }
0xa0: {  	v3 =	vld.idx.msk [tilespmem:v3+s10+$0x0], $0xffff  }
0xa1: {  	v5 =	vld.idx.msk [tilespmem:v42+s10+$0x0], $0xffff  }
0xa2: {  	v49 =	vld.idx.msk [tilespmem:v2+s2+$0x0], $0xffff  }
0xa3: {  	v2 =	vld.idx.msk [tilespmem:v2+s10+$0x0], $0xffff  }
0xa4: {  	v50 =	vld.idx.msk [tilespmem:v43+s2+$0x0], $0xffff  }
0xa5: {  	v6 =	vld.idx.msk [tilespmem:v43+s10+$0x0], $0xffff;
	v9 =	vmul.f32 v47, v44;
	v10 =	vmul.f32 v48, v45  }
0xa6: {  	v3 =	vmul.f32 v3, v44;
	v51 =	vmul.f32 v5, v45  }
0xa7: {  	v52 =	vadd.f32 v10, v9  }
0xa8: {  	v53 =	vmul.f32 v49, v46;
	v3 =	vadd.f32 v51, v3;
	v2 =	vmul.f32 v2, v46  }
0xa9: {  	v55 =	vmul.f32 v50, v1  }
0xaa: {  	v1 =	vmul.f32 v6, v1;
	v54 =	vadd.f32 v53, v52;
	v2 =	vadd.f32 v2, v3;
	v3 =	vld [tilespmem:$0x18870]  }
0xab: {  	v56 =	vld [tilespmem:$0x188F0]  }
0xac: {  	v57 =	vld [tilespmem:$0x189F0];
	v4 =	vadd.f32 v55, v54;
	v1 =	vadd.f32 v1, v2  }
0xad: {  	v58 =	vld [tilespmem:$0x18C70]  }
0xae: {  	v2 =	vld [tilespmem:$0x18970];
	v1 =	vsub.f32 v4, v1  }
0xaf: {  	v59 =	vld [tilespmem:$0x18CF0]  }
0xb0: {  	v60 =	vld [tilespmem:$0x18D70];
	v1 =	vxor.u32 $0x80000000, v1  }
0xb1: {  	[tilespmem:$0x19060] =	vst v1;
	v1 =	vld [tilespmem:$0x18DF0]  }
0xb2: {  	v61 =	vld.idx.msk [tilespmem:v3+s2+$0x0], $0xffff  }
0xb3: {  	v62 =	vld.idx.msk [tilespmem:v56+s2+$0x0], $0xffff  }
0xb4: {  	v3 =	vld.idx.msk [tilespmem:v3+s10+$0x0], $0xffff  }
0xb5: {  	v6 =	vld.idx.msk [tilespmem:v56+s10+$0x0], $0xffff  }
0xb6: {  	v63 =	vld.idx.msk [tilespmem:v2+s2+$0x0], $0xffff  }
0xb7: {  	v2 =	vld.idx.msk [tilespmem:v2+s10+$0x0], $0xffff  }
0xb8: {  	v16 =	vld.idx.msk [tilespmem:v57+s2+$0x0], $0xffff  }
0xb9: {  	v5 =	vld.idx.msk [tilespmem:v57+s10+$0x0], $0xffff;
	v9 =	vmul.f32 v61, v58;
	v10 =	vmul.f32 v62, v59  }
0xba: {  	v3 =	vmul.f32 v3, v58;
	v17 =	vmul.f32 v6, v59  }
0xbb: {  	v18 =	vadd.f32 v10, v9  }
0xbc: {  	v19 =	vmul.f32 v63, v60;
	v3 =	vadd.f32 v17, v3;
	v2 =	vmul.f32 v2, v60  }
0xbd: {  	v21 =	vmul.f32 v16, v1  }
0xbe: {  	v1 =	vmul.f32 v5, v1;
	v20 =	vadd.f32 v19, v18;
	v2 =	vadd.f32 v2, v3;
	v3 =	vld [tilespmem:$0x18A00]  }
0xbf: {  	v22 =	vld [tilespmem:$0x18A80]  }
0xc0: {  	v23 =	vld [tilespmem:$0x18B80];
	v4 =	vadd.f32 v21, v20;
	v1 =	vadd.f32 v1, v2  }
0xc1: {  	v24 =	vld [tilespmem:$0x18E00]  }
0xc2: {  	v2 =	vld [tilespmem:$0x18B00];
	v1 =	vsub.f32 v4, v1  }
0xc3: {  	v25 =	vld [tilespmem:$0x18E80]  }
0xc4: {  	v26 =	vld [tilespmem:$0x18F00];
	v1 =	vxor.u32 $0x80000000, v1  }
0xc5: {  	[tilespmem:$0x19070] =	vst v1;
	v1 =	vld [tilespmem:$0x18F80]  }
0xc6: {  	v27 =	vld.idx.msk [tilespmem:v3+s2+$0x0], $0xffff  }
0xc7: {  	v28 =	vld.idx.msk [tilespmem:v22+s2+$0x0], $0xffff  }
0xc8: {  	v3 =	vld.idx.msk [tilespmem:v3+s10+$0x0], $0xffff  }
0xc9: {  	v5 =	vld.idx.msk [tilespmem:v22+s10+$0x0], $0xffff  }
0xca: {  	v29 =	vld.idx.msk [tilespmem:v2+s2+$0x0], $0xffff  }
0xcb: {  	v2 =	vld.idx.msk [tilespmem:v2+s10+$0x0], $0xffff  }
0xcc: {  	v30 =	vld.idx.msk [tilespmem:v23+s2+$0x0], $0xffff  }
0xcd: {  	v6 =	vld.idx.msk [tilespmem:v23+s10+$0x0], $0xffff;
	v9 =	vmul.f32 v27, v24;
	v10 =	vmul.f32 v28, v25  }
0xce: {  	v3 =	vmul.f32 v3, v24;
	v31 =	vmul.f32 v5, v25  }
0xcf: {  	v32 =	vadd.f32 v10, v9  }
0xd0: {  	v33 =	vmul.f32 v29, v26;
	v3 =	vadd.f32 v31, v3;
	v2 =	vmul.f32 v2, v26  }
0xd1: {  	v35 =	vmul.f32 v30, v1  }
0xd2: {  	v1 =	vmul.f32 v6, v1;
	v34 =	vadd.f32 v33, v32;
	v2 =	vadd.f32 v2, v3;
	v3 =	vld [tilespmem:$0x18A10]  }
0xd3: {  	v36 =	vld [tilespmem:$0x18A90]  }
0xd4: {  	v37 =	vld [tilespmem:$0x18B90];
	v4 =	vadd.f32 v35, v34;
	v1 =	vadd.f32 v1, v2  }
0xd5: {  	v38 =	vld [tilespmem:$0x18E10]  }
0xd6: {  	v2 =	vld [tilespmem:$0x18B10];
	v1 =	vsub.f32 v4, v1  }
0xd7: {  	v39 =	vld [tilespmem:$0x18E90]  }
0xd8: {  	v40 =	vld [tilespmem:$0x18F10];
	v1 =	vxor.u32 $0x80000000, v1  }
0xd9: {  	[tilespmem:$0x19080] =	vst v1;
	v1 =	vld [tilespmem:$0x18F90]  }
0xda: {  	v41 =	vld.idx.msk [tilespmem:v3+s2+$0x0], $0xffff  }
0xdb: {  	v42 =	vld.idx.msk [tilespmem:v36+s2+$0x0], $0xffff  }
0xdc: {  	v3 =	vld.idx.msk [tilespmem:v3+s10+$0x0], $0xffff  }
0xdd: {  	v6 =	vld.idx.msk [tilespmem:v36+s10+$0x0], $0xffff  }
0xde: {  	v43 =	vld.idx.msk [tilespmem:v2+s2+$0x0], $0xffff  }
0xdf: {  	v2 =	vld.idx.msk [tilespmem:v2+s10+$0x0], $0xffff  }
0xe0: {  	v44 =	vld.idx.msk [tilespmem:v37+s2+$0x0], $0xffff  }
0xe1: {  	v5 =	vld.idx.msk [tilespmem:v37+s10+$0x0], $0xffff;
	v9 =	vmul.f32 v41, v38;
	v10 =	vmul.f32 v42, v39  }
0xe2: {  	v3 =	vmul.f32 v3, v38;
	v45 =	vmul.f32 v6, v39  }
0xe3: {  	v46 =	vadd.f32 v10, v9  }
0xe4: {  	v47 =	vmul.f32 v43, v40;
	v3 =	vadd.f32 v45, v3;
	v2 =	vmul.f32 v2, v40  }
0xe5: {  	v49 =	vmul.f32 v44, v1  }
0xe6: {  	v1 =	vmul.f32 v5, v1;
	v48 =	vadd.f32 v47, v46;
	v2 =	vadd.f32 v2, v3;
	v3 =	vld [tilespmem:$0x18A20]  }
0xe7: {  	v50 =	vld [tilespmem:$0x18AA0]  }
0xe8: {  	v51 =	vld [tilespmem:$0x18BA0];
	v4 =	vadd.f32 v49, v48;
	v1 =	vadd.f32 v1, v2  }
0xe9: {  	v52 =	vld [tilespmem:$0x18E20]  }
0xea: {  	v2 =	vld [tilespmem:$0x18B20];
	v1 =	vsub.f32 v4, v1  }
0xeb: {  	v53 =	vld [tilespmem:$0x18EA0]  }
0xec: {  	v54 =	vld [tilespmem:$0x18F20];
	v1 =	vxor.u32 $0x80000000, v1  }
0xed: {  	[tilespmem:$0x19090] =	vst v1;
	v1 =	vld [tilespmem:$0x18FA0]  }
0xee: {  	v55 =	vld.idx.msk [tilespmem:v3+s2+$0x0], $0xffff  }
0xef: {  	v56 =	vld.idx.msk [tilespmem:v50+s2+$0x0], $0xffff  }
0xf0: {  	v3 =	vld.idx.msk [tilespmem:v3+s10+$0x0], $0xffff  }
0xf1: {  	v5 =	vld.idx.msk [tilespmem:v50+s10+$0x0], $0xffff  }
0xf2: {  	v57 =	vld.idx.msk [tilespmem:v2+s2+$0x0], $0xffff  }
0xf3: {  	v2 =	vld.idx.msk [tilespmem:v2+s10+$0x0], $0xffff  }
0xf4: {  	v58 =	vld.idx.msk [tilespmem:v51+s2+$0x0], $0xffff  }
0xf5: {  	v6 =	vld.idx.msk [tilespmem:v51+s10+$0x0], $0xffff;
	v9 =	vmul.f32 v55, v52;
	v10 =	vmul.f32 v56, v53  }
0xf6: {  	v3 =	vmul.f32 v3, v52;
	v59 =	vmul.f32 v5, v53  }
0xf7: {  	v60 =	vadd.f32 v10, v9  }
0xf8: {  	v61 =	vmul.f32 v57, v54;
	v3 =	vadd.f32 v59, v3;
	v2 =	vmul.f32 v2, v54  }
0xf9: {  	v63 =	vmul.f32 v58, v1  }
0xfa: {  	v1 =	vmul.f32 v6, v1;
	v62 =	vadd.f32 v61, v60;
	v2 =	vadd.f32 v2, v3;
	_ =	sdelay $0x1  }
0xfb: {  	[tilespmem:$0x190B0] =	vst v0;
	v3 =	vadd.f32 v63, v62;
	v1 =	vadd.f32 v1, v2  }
0xfc: {  	[tilespmem:$0x190C0] =	vst v0  }
0xfd: {  	[tilespmem:$0x190D0] =	vst v0;
	v1 =	vsub.f32 v3, v1  }
0xfe: {  	[tilespmem:$0x190E0] =	vst v0  }
0xff: {  	p0 =	sne.s32 s8, $0x1;
	[tilespmem:$0x190F0] =	vst v0;
	v1 =	vxor.u32 $0x80000000, v1  }
.Ltmp0:
0x100: {  	[tilespmem:$0x190A0] =	vst v1;
	(pc) =	sbr.rel @p0 .LBB2_1-.Ltmp0, $4  }
0x101: {  	[hbm4b:s7+s2] =	stream.linear.scatter [tilespmem:s13], [sflag:$0x1], $0x100, $0x38;
	[tilespmem:$0x19100] =	vst v63  }
0x102: {  	_ =	swait.ge [sflag:s9], $0x100  }
0x103: {  	[sflag:s9] =	ssyncset.done $0x0  }
0x104: {  	s8 =	sadd.s32 $0xFFFFFFFF, s8;
	[sflag:s9] =	ssyncadd.s32 $0xFFFFFF00  }
0x105: {  	_ =	sfence.sel $0x180000  }
0x106: {  	[bflag:$0x0] =	sbarrier.arrive $0xFFFF  }
0x107: {  	p0 =	sne.s32 s1, $0x0;
	_ =	strace $0x90000047  }
0x108: {  	s0 =	sadd.s32 @!p0 $0x100000, s0;
	[bflag:$0x2] =	sbarrier.arrive $0xFFFF  }
0x109: {  	[sflag:s0] =	ssyncadd.tile.s32 @!p0 $0x1;
	_ =	shalt  }
.Lfunc_end2:
_tile_overlayer_lowered:
.L_overlay_start_2:
0x10a: {  	(tag) =	ssettag $0x2  }
0x10b: {  	s0 =	rddreg [dreg:$0x0];
	s2 =	stileid.u32  }
0x10c: {  	s1 =	rddreg [dreg:$0x1];
	p0 =	sne.s32 s2, $0x0  }
0x10d: {  	s3 =	rddreg [dreg:$0x2];
	[bflag:$0x3] =	sbarrier.arrive $0xFFFF;
	s2 =	simm.s32 @!p0 $0x1C01  }
0x10e: {  	[timem:s3], [sflag:s2] =	dma.local @!p0 [hbm:s0], s1  }
0x10f: {  	s0 =	simm.s32 @!p0 $0x1  }
0x110: {  	_ =	swait.ge @!p0 [sflag:s0], s1  }
0x111: {  	s1 =	ssub.s32 @!p0 $0x0, s1;
	[sflag:s0] =	ssyncset.done @!p0 $0x0  }
0x112: {  	[sflag:s0] =	ssyncadd.s32 @!p0 s1  }
0x113: {  	[bflag:$0x3] =	sbarrier.arrive $0xFFFF  }
0x114: {  	_ =	shalt  }

</sc_bundles>
